<compile_context>
chip_gen: v7x
topology: tpu7x:2x2x1
jax: 0.10.2.dev20260603
libtpu: 0.0.44.dev20260713+nightly
codegen_flags: <defaults>
</compile_context>

<pallas_src>
import functools

import jax
import jax.numpy as jnp
from jax import lax
from jax.experimental import pallas as pl
from jax.experimental.pallas import tpu as pltpu
from jax.experimental.pallas import tpu_sc as plsc

N_NODES = 10000
N_EDGES = 160000
D_FEAT = 256
D_OUT = 256

NC = 2
NS = 16
H = D_FEAT // 2
CHUNK = 64
NCHUNK = 160
NBUF = 4
NSTAGE = 5
EP = NS * NCHUNK * CHUNK
ACC_ROWS = 10240
RPT = ACC_ROWS // NS


def _sc_segment_sum(gidx, didx, feat2):
    mesh = plsc.VectorSubcoreMesh(core_axis_name="c", subcore_axis_name="s")

    @functools.partial(
        pl.kernel,
        out_type=jax.ShapeDtypeStruct((NC, ACC_ROWS, H), jnp.float32),
        mesh=mesh,
        scratch_types=[
            pltpu.VMEM((2 * (NCHUNK // NSTAGE), CHUNK), jnp.int32),
            pltpu.VMEM((2 * (NCHUNK // NSTAGE), CHUNK), jnp.int32),
            pltpu.VMEM((NBUF, CHUNK, H), jnp.float32),
            pltpu.VMEM_SHARED((ACC_ROWS, H), jnp.float32),
        ] + [pltpu.SemaphoreType.DMA] * (NBUF + 1),
    )
    def k(gidx_hbm, didx_hbm, feat2_hbm, out_hbm,
          gidx_v, didx_v, rows_v, acc, *sems):
        c = lax.axis_index("c")
        s = lax.axis_index("s")
        HALF = NCHUNK // NSTAGE
        sem_idx = sems[NBUF]

        def stage_copies(hh, sl):
            return (
                pltpu.make_async_copy(
                    gidx_hbm.at[c, s, pl.ds(hh * HALF, HALF)],
                    gidx_v.at[pl.ds(sl * HALF, HALF)], sem_idx),
                pltpu.make_async_copy(
                    didx_hbm.at[s, pl.ds(hh * HALF, HALF)],
                    didx_v.at[pl.ds(sl * HALF, HALF)], sem_idx),
            )

        for cp in stage_copies(0, 0):
            cp.start()

        @plsc.parallel_loop(0, CHUNK, 1)
        def _(r):
            for kk in range(H // 16):
                rows_v[0, r, pl.ds(kk * 16, 16)] = jnp.zeros(
                    (16,), jnp.float32)

        for z in range(RPT // CHUNK):
            pltpu.sync_copy(rows_v.at[0],
                            acc.at[pl.ds(s * RPT + z * CHUNK, CHUNK)])
        plsc.subcore_barrier()

        def gather(j, b, sl):
            return pltpu.make_async_copy(
                feat2_hbm.at[gidx_v.at[sl * HALF + j]], rows_v.at[b], sems[b])

        for cp in stage_copies(0, 0):
            cp.wait()
        for hh in range(NSTAGE):
            sl = hh % 2
            if hh + 1 < NSTAGE:
                for cp in stage_copies(hh + 1, 1 - sl):
                    cp.start()
            for b in range(NBUF):
                gather(b, b, sl).start()

            def body(i, _):
                for b in range(NBUF):
                    j = NBUF * i + b
                    gather(j, b, sl).wait()
                    pltpu.sync_copy(rows_v.at[b],
                                    acc.at[didx_v.at[sl * HALF + j]],
                                    add=True)
                    jn = j + NBUF

                    @pl.when(jn < HALF)
                    def _():
                        gather(jn, b, sl).start()
                return 0

            lax.fori_loop(0, HALF // NBUF, body, 0)
            if hh + 1 < NSTAGE:
                for cp in stage_copies(hh + 1, 1 - sl):
                    cp.wait()
        plsc.subcore_barrier()
        pltpu.sync_copy(acc.at[pl.ds(s * RPT, RPT)],
                        out_hbm.at[c, pl.ds(s * RPT, RPT)])

    return k(gidx, didx, feat2)


def _matmul_kernel(h_ref, w_ref, b_ref, out_ref):
    h0 = h_ref[0]
    h1 = h_ref[1]
    acc = jnp.dot(h0, w_ref[:H, :], preferred_element_type=jnp.float32)
    acc += jnp.dot(h1, w_ref[H:, :], preferred_element_type=jnp.float32)
    out_ref[...] = acc + b_ref[...]


def _tc_linear(h2, W, b):
    R = 2000
    return pl.pallas_call(
        _matmul_kernel,
        grid=(N_NODES // R,),
        in_specs=[
            pl.BlockSpec((NC, R, H), lambda i: (0, i, 0)),
            pl.BlockSpec((D_FEAT, D_OUT), lambda i: (0, 0)),
            pl.BlockSpec((1, D_OUT), lambda i: (0, 0)),
        ],
        out_specs=pl.BlockSpec((R, D_OUT), lambda i: (i, 0)),
        out_shape=jax.ShapeDtypeStruct((N_NODES, D_OUT), jnp.float32),
    )(h2, W, b.reshape(1, D_OUT))


def kernel(feat, edge_index, W, b):
    src = edge_index[0].astype(jnp.int32)
    dst = edge_index[1].astype(jnp.int32)
    src_p = jnp.zeros((EP,), jnp.int32).at[:N_EDGES].set(src)
    dst_p = jnp.full((EP,), N_NODES, jnp.int32).at[:N_EDGES].set(dst)
    gidx = (2 * src_p)[None, :] + jnp.arange(NC, dtype=jnp.int32)[:, None]
    gidx = gidx.reshape(NC, NS, NCHUNK, CHUNK)
    didx = dst_p.reshape(NS, NCHUNK, CHUNK)
    feat2 = feat.reshape(2 * N_NODES, H)

    h2 = _sc_segment_sum(gidx, didx, feat2)
    return _tc_linear(h2, W, b)

# --- scband reference (transcript-rebuilt; emitter-appended) ---
"""Pipeline reference for scband-gnn-8435315769870 (READ-ONLY COPY).

The authoritative reference and input builder live on the scoring server;
editing this copy changes nothing except your own understanding.
"""

import jax, jax.numpy as jnp
import numpy as np

N_NODES = 10000
N_EDGES = 160000
D_FEAT = 256
D_OUT = 256


def setup_inputs(seed: int = 0) -> dict:
    key = jax.random.key(seed)
    k1, k2, k3, k4 = jax.random.split(key, 4)
    feat = jax.random.normal(k1, (N_NODES, D_FEAT), dtype=jnp.float32)
    edge_index = jax.random.randint(k2, (2, N_EDGES), 0, N_NODES, dtype=jnp.int64)
    # Linear layer parameters (nn.Linear(in_feat, out_feat)) for the single GNNLayer
    W = jax.random.normal(k3, (D_FEAT, D_OUT), dtype=jnp.float32) * (1.0 / np.sqrt(D_FEAT))
    b = jax.random.normal(k4, (D_OUT,), dtype=jnp.float32) * 0.01
    return {"feat": feat, "edge_index": edge_index, "W": W, "b": b}


def reference(feat, edge_index, W, b):
    # One GNNLayer: DGL send_and_recv with fn.copy_u (message = source feature)
    # and fn.sum (reduce = scatter-add onto destination nodes), followed by the
    # layer's Linear transform.
    src = edge_index[0]
    dst = edge_index[1]
    msg = jnp.take(feat, src, axis=0)                      # gather: copy_u
    h = jax.ops.segment_sum(msg, dst, num_segments=feat.shape[0])  # reduce: sum
    out = h @ W + b                                        # nn.Linear
    return out

if __name__ == "__main__":
    import jax
    _d = setup_inputs()
    print(jax.jit(kernel)(*tuple(_d.values())))

</pallas_src>

<mosaic_0001>
#map = affine_map<(d0, d1) -> (0, 0, 0, 0)>
#map1 = affine_map<(d0, d1) -> (0, 0, 0)>
#map2 = affine_map<(d0, d1) -> (0, 0)>
module attributes {stable_mosaic.version = 14 : i64} {
  func.func @k(%arg0: i32, %arg1: i32, %arg2: memref<2x16x160x64xi32, #tpu.memory_space<hbm>>, %arg3: memref<16x160x64xi32, #tpu.memory_space<hbm>>, %arg4: memref<20000x128xf32, #tpu.memory_space<hbm>>, %arg5: memref<2x10240x128xf32, #tpu.memory_space<hbm>>, %arg6: memref<64x64xi32, #tpu.memory_space<vmem>>, %arg7: memref<64x64xi32, #tpu.memory_space<vmem>>, %arg8: memref<4x64x128xf32, #tpu.memory_space<vmem>>, %arg9: memref<10240x128xf32, #tpu.memory_space<vmem_shared>>, %arg10: memref<!tpu.dma_semaphore, #tpu.memory_space<semaphore_mem>>, %arg11: memref<!tpu.dma_semaphore, #tpu.memory_space<semaphore_mem>>, %arg12: memref<!tpu.dma_semaphore, #tpu.memory_space<semaphore_mem>>, %arg13: memref<!tpu.dma_semaphore, #tpu.memory_space<semaphore_mem>>, %arg14: memref<!tpu.dma_semaphore, #tpu.memory_space<semaphore_mem>>) attributes {dimension_semantics = [#tpu.dimension_semantics<core_parallel>, #tpu.dimension_semantics<subcore_parallel>], iteration_bounds = array<i64: 2, 16>, scalar_prefetch = 0 : i64, scratch_operands = 9 : i64, tpu.core_type = #tpu.core_type<sc_vector_subcore>, window_params = [{transform_indices = #map}, {transform_indices = #map1}, {transform_indices = #map2}, {transform_indices = #map1}]} {
    %dma_start3A = arith.constant 0 : i32
    %dma_start3A_0 = arith.constant 0 : i32
    %dma_start3A_1 = tpu.memref_slice %arg6[%dma_start3A, %dma_start3A_0] : memref<64x64xi32, #tpu.memory_space<vmem>> -> memref<32x64xi32, #tpu.memory_space<vmem>>
    %dma_start3A_2 = arith.constant 0 : i32
    %dma_start3A_3 = arith.constant 0 : i32
    %dma_start3A_4 = tpu.memref_slice %arg2[%arg0, %arg1, %dma_start3A_2, %dma_start3A_3] : memref<2x16x160x64xi32, #tpu.memory_space<hbm>> -> memref<1x1x32x64xi32, #tpu.memory_space<hbm>>
    %dma_start3A_5 = tpu.memref_squeeze %dma_start3A_4 : memref<1x1x32x64xi32, #tpu.memory_space<hbm>> -> memref<32x64xi32, #tpu.memory_space<hbm>>
    %dma_start3A_6 = arith.constant 0 : i32
    %dma_start3A_7 = arith.constant 0 : i32
    %dma_start3A_8 = tpu.memref_slice %arg6[%dma_start3A_6, %dma_start3A_7] : memref<64x64xi32, #tpu.memory_space<vmem>> -> memref<32x64xi32, #tpu.memory_space<vmem>>
    %dma_start3A_9 = arith.constant 0 : i32
    %dma_start3A_10 = arith.constant 0 : i32
    %dma_start3A_11 = tpu.memref_slice %arg2[%arg0, %arg1, %dma_start3A_9, %dma_start3A_10] : memref<2x16x160x64xi32, #tpu.memory_space<hbm>> -> memref<1x1x32x64xi32, #tpu.memory_space<hbm>>
    %dma_start3A_12 = tpu.memref_squeeze %dma_start3A_11 : memref<1x1x32x64xi32, #tpu.memory_space<hbm>> -> memref<32x64xi32, #tpu.memory_space<hbm>>
    tpu.enqueue_dma source(%dma_start3A_12 : memref<32x64xi32, #tpu.memory_space<hbm>>) target(%dma_start3A_8 : memref<32x64xi32, #tpu.memory_space<vmem>>) target_semaphore(%arg14 : memref<!tpu.dma_semaphore, #tpu.memory_space<semaphore_mem>>)
    %dma_start3A_13 = arith.constant 0 : i32
    %dma_start3A_14 = arith.constant 0 : i32
    %dma_start3A_15 = tpu.memref_slice %arg7[%dma_start3A_13, %dma_start3A_14] : memref<64x64xi32, #tpu.memory_space<vmem>> -> memref<32x64xi32, #tpu.memory_space<vmem>>
    %dma_start3A_16 = arith.constant 0 : i32
    %dma_start3A_17 = arith.constant 0 : i32
    %dma_start3A_18 = tpu.memref_slice %arg3[%arg1, %dma_start3A_16, %dma_start3A_17] : memref<16x160x64xi32, #tpu.memory_space<hbm>> -> memref<1x32x64xi32, #tpu.memory_space<hbm>>
    %dma_start3A_19 = tpu.memref_squeeze %dma_start3A_18 : memref<1x32x64xi32, #tpu.memory_space<hbm>> -> memref<32x64xi32, #tpu.memory_space<hbm>>
    %dma_start3A_20 = arith.constant 0 : i32
    %dma_start3A_21 = arith.constant 0 : i32
    %dma_start3A_22 = tpu.memref_slice %arg7[%dma_start3A_20, %dma_start3A_21] : memref<64x64xi32, #tpu.memory_space<vmem>> -> memref<32x64xi32, #tpu.memory_space<vmem>>
    %dma_start3A_23 = arith.constant 0 : i32
    %dma_start3A_24 = arith.constant 0 : i32
    %dma_start3A_25 = tpu.memref_slice %arg3[%arg1, %dma_start3A_23, %dma_start3A_24] : memref<16x160x64xi32, #tpu.memory_space<hbm>> -> memref<1x32x64xi32, #tpu.memory_space<hbm>>
    %dma_start3A_26 = tpu.memref_squeeze %dma_start3A_25 : memref<1x32x64xi32, #tpu.memory_space<hbm>> -> memref<32x64xi32, #tpu.memory_space<hbm>>
    tpu.enqueue_dma source(%dma_start3A_26 : memref<32x64xi32, #tpu.memory_space<hbm>>) target(%dma_start3A_22 : memref<32x64xi32, #tpu.memory_space<vmem>>) target_semaphore(%arg14 : memref<!tpu.dma_semaphore, #tpu.memory_space<semaphore_mem>>)
    %parallel_loop3A = arith.constant 0 : i32
    %parallel_loop3A_27 = arith.constant 64 : i32
    %parallel_loop3A_28 = arith.constant 1 : i32
    scf.for %parallel_loop3A_606 = %parallel_loop3A to %parallel_loop3A_27 step %parallel_loop3A_28  : i32 {
      %parallel_loop3A_607 = arith.constant 0.000000e+00 : f32
      %parallel_loop3A_608 = vector.broadcast %parallel_loop3A_607 : f32 to vector<16xf32>
      %parallel_loop3A_609 = arith.constant 0 : i32
      %parallel_loop3A_610 = arith.index_cast %parallel_loop3A_609 : i32 to index
      %parallel_loop3A_611 = arith.index_cast %parallel_loop3A_606 : i32 to index
      %parallel_loop3A_612 = arith.constant 0 : index
      %parallel_loop3A_613 = tpu.vector_load %arg8[%parallel_loop3A_610, %parallel_loop3A_611, %parallel_loop3A_612] {strides = array<i32>} : memref<4x64x128xf32, #tpu.memory_space<vmem>>, vector<1x1x16xf32>,
      %parallel_loop3A_614 = vector.shape_cast %parallel_loop3A_613 : vector<1x1x16xf32> to vector<16xf32>
      %parallel_loop3A_615 = vector.shape_cast %parallel_loop3A_608 : vector<16xf32> to vector<1x1x16xf32>
      tpu.vector_store %arg8[%parallel_loop3A_610, %parallel_loop3A_611, %parallel_loop3A_612], %parallel_loop3A_615 {strides = array<i32>} : memref<4x64x128xf32, #tpu.memory_space<vmem>>, vector<1x1x16xf32>,
      %parallel_loop3A_616 = arith.constant 0.000000e+00 : f32
      %parallel_loop3A_617 = vector.broadcast %parallel_loop3A_616 : f32 to vector<16xf32>
      %parallel_loop3A_618 = arith.constant 0 : i32
      %parallel_loop3A_619 = arith.index_cast %parallel_loop3A_618 : i32 to index
      %parallel_loop3A_620 = arith.index_cast %parallel_loop3A_606 : i32 to index
      %parallel_loop3A_621 = arith.constant 16 : index
      %parallel_loop3A_622 = tpu.vector_load %arg8[%parallel_loop3A_619, %parallel_loop3A_620, %parallel_loop3A_621] {strides = array<i32>} : memref<4x64x128xf32, #tpu.memory_space<vmem>>, vector<1x1x16xf32>,
      %parallel_loop3A_623 = vector.shape_cast %parallel_loop3A_622 : vector<1x1x16xf32> to vector<16xf32>
      %parallel_loop3A_624 = vector.shape_cast %parallel_loop3A_617 : vector<16xf32> to vector<1x1x16xf32>
      tpu.vector_store %arg8[%parallel_loop3A_619, %parallel_loop3A_620, %parallel_loop3A_621], %parallel_loop3A_624 {strides = array<i32>} : memref<4x64x128xf32, #tpu.memory_space<vmem>>, vector<1x1x16xf32>,
      %parallel_loop3A_625 = arith.constant 0.000000e+00 : f32
      %parallel_loop3A_626 = vector.broadcast %parallel_loop3A_625 : f32 to vector<16xf32>
      %parallel_loop3A_627 = arith.constant 0 : i32
      %parallel_loop3A_628 = arith.index_cast %parallel_loop3A_627 : i32 to index
      %parallel_loop3A_629 = arith.index_cast %parallel_loop3A_606 : i32 to index
      %parallel_loop3A_630 = arith.constant 32 : index
      %parallel_loop3A_631 = tpu.vector_load %arg8[%parallel_loop3A_628, %parallel_loop3A_629, %parallel_loop3A_630] {strides = array<i32>} : memref<4x64x128xf32, #tpu.memory_space<vmem>>, vector<1x1x16xf32>,
      %parallel_loop3A_632 = vector.shape_cast %parallel_loop3A_631 : vector<1x1x16xf32> to vector<16xf32>
      %parallel_loop3A_633 = vector.shape_cast %parallel_loop3A_626 : vector<16xf32> to vector<1x1x16xf32>
      tpu.vector_store %arg8[%parallel_loop3A_628, %parallel_loop3A_629, %parallel_loop3A_630], %parallel_loop3A_633 {strides = array<i32>} : memref<4x64x128xf32, #tpu.memory_space<vmem>>, vector<1x1x16xf32>,
      %parallel_loop3A_634 = arith.constant 0.000000e+00 : f32
      %parallel_loop3A_635 = vector.broadcast %parallel_loop3A_634 : f32 to vector<16xf32>
      %parallel_loop3A_636 = arith.constant 0 : i32
      %parallel_loop3A_637 = arith.index_cast %parallel_loop3A_636 : i32 to index
      %parallel_loop3A_638 = arith.index_cast %parallel_loop3A_606 : i32 to index
      %parallel_loop3A_639 = arith.constant 48 : index
      %parallel_loop3A_640 = tpu.vector_load %arg8[%parallel_loop3A_637, %parallel_loop3A_638, %parallel_loop3A_639] {strides = array<i32>} : memref<4x64x128xf32, #tpu.memory_space<vmem>>, vector<1x1x16xf32>,
      %parallel_loop3A_641 = vector.shape_cast %parallel_loop3A_640 : vector<1x1x16xf32> to vector<16xf32>
      %parallel_loop3A_642 = vector.shape_cast %parallel_loop3A_635 : vector<16xf32> to vector<1x1x16xf32>
      tpu.vector_store %arg8[%parallel_loop3A_637, %parallel_loop3A_638, %parallel_loop3A_639], %parallel_loop3A_642 {strides = array<i32>} : memref<4x64x128xf32, #tpu.memory_space<vmem>>, vector<1x1x16xf32>,
      %parallel_loop3A_643 = arith.constant 0.000000e+00 : f32
      %parallel_loop3A_644 = vector.broadcast %parallel_loop3A_643 : f32 to vector<16xf32>
      %parallel_loop3A_645 = arith.constant 0 : i32
      %parallel_loop3A_646 = arith.index_cast %parallel_loop3A_645 : i32 to index
      %parallel_loop3A_647 = arith.index_cast %parallel_loop3A_606 : i32 to index
      %parallel_loop3A_648 = arith.constant 64 : index
      %parallel_loop3A_649 = tpu.vector_load %arg8[%parallel_loop3A_646, %parallel_loop3A_647, %parallel_loop3A_648] {strides = array<i32>} : memref<4x64x128xf32, #tpu.memory_space<vmem>>, vector<1x1x16xf32>,
      %parallel_loop3A_650 = vector.shape_cast %parallel_loop3A_649 : vector<1x1x16xf32> to vector<16xf32>
      %parallel_loop3A_651 = vector.shape_cast %parallel_loop3A_644 : vector<16xf32> to vector<1x1x16xf32>
      tpu.vector_store %arg8[%parallel_loop3A_646, %parallel_loop3A_647, %parallel_loop3A_648], %parallel_loop3A_651 {strides = array<i32>} : memref<4x64x128xf32, #tpu.memory_space<vmem>>, vector<1x1x16xf32>,
      %parallel_loop3A_652 = arith.constant 0.000000e+00 : f32
      %parallel_loop3A_653 = vector.broadcast %parallel_loop3A_652 : f32 to vector<16xf32>
      %parallel_loop3A_654 = arith.constant 0 : i32
      %parallel_loop3A_655 = arith.index_cast %parallel_loop3A_654 : i32 to index
      %parallel_loop3A_656 = arith.index_cast %parallel_loop3A_606 : i32 to index
      %parallel_loop3A_657 = arith.constant 80 : index
      %parallel_loop3A_658 = tpu.vector_load %arg8[%parallel_loop3A_655, %parallel_loop3A_656, %parallel_loop3A_657] {strides = array<i32>} : memref<4x64x128xf32, #tpu.memory_space<vmem>>, vector<1x1x16xf32>,
      %parallel_loop3A_659 = vector.shape_cast %parallel_loop3A_658 : vector<1x1x16xf32> to vector<16xf32>
      %parallel_loop3A_660 = vector.shape_cast %parallel_loop3A_653 : vector<16xf32> to vector<1x1x16xf32>
      tpu.vector_store %arg8[%parallel_loop3A_655, %parallel_loop3A_656, %parallel_loop3A_657], %parallel_loop3A_660 {strides = array<i32>} : memref<4x64x128xf32, #tpu.memory_space<vmem>>, vector<1x1x16xf32>,
      %parallel_loop3A_661 = arith.constant 0.000000e+00 : f32
      %parallel_loop3A_662 = vector.broadcast %parallel_loop3A_661 : f32 to vector<16xf32>
      %parallel_loop3A_663 = arith.constant 0 : i32
      %parallel_loop3A_664 = arith.index_cast %parallel_loop3A_663 : i32 to index
      %parallel_loop3A_665 = arith.index_cast %parallel_loop3A_606 : i32 to index
      %parallel_loop3A_666 = arith.constant 96 : index
      %parallel_loop3A_667 = tpu.vector_load %arg8[%parallel_loop3A_664, %parallel_loop3A_665, %parallel_loop3A_666] {strides = array<i32>} : memref<4x64x128xf32, #tpu.memory_space<vmem>>, vector<1x1x16xf32>,
      %parallel_loop3A_668 = vector.shape_cast %parallel_loop3A_667 : vector<1x1x16xf32> to vector<16xf32>
      %parallel_loop3A_669 = vector.shape_cast %parallel_loop3A_662 : vector<16xf32> to vector<1x1x16xf32>
      tpu.vector_store %arg8[%parallel_loop3A_664, %parallel_loop3A_665, %parallel_loop3A_666], %parallel_loop3A_669 {strides = array<i32>} : memref<4x64x128xf32, #tpu.memory_space<vmem>>, vector<1x1x16xf32>,
      %parallel_loop3A_670 = arith.constant 0.000000e+00 : f32
      %parallel_loop3A_671 = vector.broadcast %parallel_loop3A_670 : f32 to vector<16xf32>
      %parallel_loop3A_672 = arith.constant 0 : i32
      %parallel_loop3A_673 = arith.index_cast %parallel_loop3A_672 : i32 to index
      %parallel_loop3A_674 = arith.index_cast %parallel_loop3A_606 : i32 to index
      %parallel_loop3A_675 = arith.constant 112 : index
      %parallel_loop3A_676 = tpu.vector_load %arg8[%parallel_loop3A_673, %parallel_loop3A_674, %parallel_loop3A_675] {strides = array<i32>} : memref<4x64x128xf32, #tpu.memory_space<vmem>>, vector<1x1x16xf32>,
      %parallel_loop3A_677 = vector.shape_cast %parallel_loop3A_676 : vector<1x1x16xf32> to vector<16xf32>
      %parallel_loop3A_678 = vector.shape_cast %parallel_loop3A_671 : vector<16xf32> to vector<1x1x16xf32>
      tpu.vector_store %arg8[%parallel_loop3A_673, %parallel_loop3A_674, %parallel_loop3A_675], %parallel_loop3A_678 {strides = array<i32>} : memref<4x64x128xf32, #tpu.memory_space<vmem>>, vector<1x1x16xf32>,
    } {sc.loop_unroll_factor = 1 : i64, sc.parallel_access}
    %mul3A = arith.constant 640 : i32
    %mul3A_29 = arith.muli %arg1, %mul3A : i32
    %add3A = arith.constant 0 : i32
    %add3A_30 = arith.addi %mul3A_29, %add3A : i32
    %run_scoped3A = arith.constant 0 : i32
    "tpu.region"() ({
      %run_scoped3A_606 = tpu.sem_alloc : memref<!tpu.dma_semaphore, #tpu.memory_space<semaphore_mem>>
      %dma_start3A_607 = arith.constant 0 : i32
      %dma_start3A_608 = arith.constant 0 : i32
      %dma_start3A_609 = tpu.memref_slice %arg8[%run_scoped3A, %dma_start3A_607, %dma_start3A_608] : memref<4x64x128xf32, #tpu.memory_space<vmem>> -> memref<1x64x128xf32, #tpu.memory_space<vmem>>
      %dma_start3A_610 = tpu.memref_squeeze %dma_start3A_609 : memref<1x64x128xf32, #tpu.memory_space<vmem>> -> memref<64x128xf32, #tpu.memory_space<vmem>>
      %dma_start3A_611 = arith.constant 0 : i32
      %dma_start3A_612 = tpu.memref_slice %arg9[%add3A_30, %dma_start3A_611] : memref<10240x128xf32, #tpu.memory_space<vmem_shared>> -> memref<64x128xf32, #tpu.memory_space<vmem_shared>>
      %dma_start3A_613 = arith.constant 0 : i32
      %dma_start3A_614 = tpu.memref_slice %arg9[%add3A_30, %dma_start3A_613] : memref<10240x128xf32, #tpu.memory_space<vmem_shared>> -> memref<64x128xf32, #tpu.memory_space<vmem_shared>>
      %dma_start3A_615 = arith.constant 0 : i32
      %dma_start3A_616 = arith.constant 0 : i32
      %dma_start3A_617 = tpu.memref_slice %arg8[%run_scoped3A, %dma_start3A_615, %dma_start3A_616] : memref<4x64x128xf32, #tpu.memory_space<vmem>> -> memref<1x64x128xf32, #tpu.memory_space<vmem>>
      %dma_start3A_618 = tpu.memref_squeeze %dma_start3A_617 : memref<1x64x128xf32, #tpu.memory_space<vmem>> -> memref<64x128xf32, #tpu.memory_space<vmem>>
      tpu.enqueue_dma source(%dma_start3A_618 : memref<64x128xf32, #tpu.memory_space<vmem>>) target(%dma_start3A_614 : memref<64x128xf32, #tpu.memory_space<vmem_shared>>) target_semaphore(%run_scoped3A_606 : memref<!tpu.dma_semaphore, #tpu.memory_space<semaphore_mem>>)
      %dma_wait3A_619 = arith.constant 0 : i32
      %dma_wait3A_620 = arith.constant 0 : i32
      %dma_wait3A_621 = tpu.memref_slice %arg8[%run_scoped3A, %dma_wait3A_619, %dma_wait3A_620] : memref<4x64x128xf32, #tpu.memory_space<vmem>> -> memref<1x64x128xf32, #tpu.memory_space<vmem>>
      %dma_wait3A_622 = tpu.memref_squeeze %dma_wait3A_621 : memref<1x64x128xf32, #tpu.memory_space<vmem>> -> memref<64x128xf32, #tpu.memory_space<vmem>>
      %dma_wait3A_623 = arith.constant 0 : i32
      %dma_wait3A_624 = tpu.memref_slice %arg9[%add3A_30, %dma_wait3A_623] : memref<10240x128xf32, #tpu.memory_space<vmem_shared>> -> memref<64x128xf32, #tpu.memory_space<vmem_shared>>
      %dma_wait3A_625 = arith.constant 0 : i32
      %dma_wait3A_626 = tpu.memref_slice %arg9[%add3A_30, %dma_wait3A_625] : memref<10240x128xf32, #tpu.memory_space<vmem_shared>> -> memref<64x128xf32, #tpu.memory_space<vmem_shared>>
      %dma_wait3A_627 = arith.constant 0 : i32
      %dma_wait3A_628 = arith.constant 0 : i32
      %dma_wait3A_629 = tpu.memref_slice %arg8[%run_scoped3A, %dma_wait3A_627, %dma_wait3A_628] : memref<4x64x128xf32, #tpu.memory_space<vmem>> -> memref<1x64x128xf32, #tpu.memory_space<vmem>>
      %dma_wait3A_630 = tpu.memref_squeeze %dma_wait3A_629 : memref<1x64x128xf32, #tpu.memory_space<vmem>> -> memref<64x128xf32, #tpu.memory_space<vmem>>
      tpu.wait_dma2 semaphore(%run_scoped3A_606 : memref<!tpu.dma_semaphore, #tpu.memory_space<semaphore_mem>>) src(%dma_wait3A_630 : memref<64x128xf32, #tpu.memory_space<vmem>>) dst(%dma_wait3A_626 : memref<64x128xf32, #tpu.memory_space<vmem_shared>>)
      tpu.yield
    }) : () -> ()
    %mul3A_31 = arith.constant 640 : i32
    %mul3A_32 = arith.muli %arg1, %mul3A_31 : i32
    %add3A_33 = arith.constant 64 : i32
    %add3A_34 = arith.addi %mul3A_32, %add3A_33 : i32
    %run_scoped3A_35 = arith.constant 0 : i32
    "tpu.region"() ({
      %run_scoped3A_606 = tpu.sem_alloc : memref<!tpu.dma_semaphore, #tpu.memory_space<semaphore_mem>>
      %dma_start3A_607 = arith.constant 0 : i32
      %dma_start3A_608 = arith.constant 0 : i32
      %dma_start3A_609 = tpu.memref_slice %arg8[%run_scoped3A_35, %dma_start3A_607, %dma_start3A_608] : memref<4x64x128xf32, #tpu.memory_space<vmem>> -> memref<1x64x128xf32, #tpu.memory_space<vmem>>
      %dma_start3A_610 = tpu.memref_squeeze %dma_start3A_609 : memref<1x64x128xf32, #tpu.memory_space<vmem>> -> memref<64x128xf32, #tpu.memory_space<vmem>>
      %dma_start3A_611 = arith.constant 0 : i32
      %dma_start3A_612 = tpu.memref_slice %arg9[%add3A_34, %dma_start3A_611] : memref<10240x128xf32, #tpu.memory_space<vmem_shared>> -> memref<64x128xf32, #tpu.memory_space<vmem_shared>>
      %dma_start3A_613 = arith.constant 0 : i32
      %dma_start3A_614 = tpu.memref_slice %arg9[%add3A_34, %dma_start3A_613] : memref<10240x128xf32, #tpu.memory_space<vmem_shared>> -> memref<64x128xf32, #tpu.memory_space<vmem_shared>>
      %dma_start3A_615 = arith.constant 0 : i32
      %dma_start3A_616 = arith.constant 0 : i32
      %dma_start3A_617 = tpu.memref_slice %arg8[%run_scoped3A_35, %dma_start3A_615, %dma_start3A_616] : memref<4x64x128xf32, #tpu.memory_space<vmem>> -> memref<1x64x128xf32, #tpu.memory_space<vmem>>
      %dma_start3A_618 = tpu.memref_squeeze %dma_start3A_617 : memref<1x64x128xf32, #tpu.memory_space<vmem>> -> memref<64x128xf32, #tpu.memory_space<vmem>>
      tpu.enqueue_dma source(%dma_start3A_618 : memref<64x128xf32, #tpu.memory_space<vmem>>) target(%dma_start3A_614 : memref<64x128xf32, #tpu.memory_space<vmem_shared>>) target_semaphore(%run_scoped3A_606 : memref<!tpu.dma_semaphore, #tpu.memory_space<semaphore_mem>>)
      %dma_wait3A_619 = arith.constant 0 : i32
      %dma_wait3A_620 = arith.constant 0 : i32
      %dma_wait3A_621 = tpu.memref_slice %arg8[%run_scoped3A_35, %dma_wait3A_619, %dma_wait3A_620] : memref<4x64x128xf32, #tpu.memory_space<vmem>> -> memref<1x64x128xf32, #tpu.memory_space<vmem>>
      %dma_wait3A_622 = tpu.memref_squeeze %dma_wait3A_621 : memref<1x64x128xf32, #tpu.memory_space<vmem>> -> memref<64x128xf32, #tpu.memory_space<vmem>>
      %dma_wait3A_623 = arith.constant 0 : i32
      %dma_wait3A_624 = tpu.memref_slice %arg9[%add3A_34, %dma_wait3A_623] : memref<10240x128xf32, #tpu.memory_space<vmem_shared>> -> memref<64x128xf32, #tpu.memory_space<vmem_shared>>
      %dma_wait3A_625 = arith.constant 0 : i32
      %dma_wait3A_626 = tpu.memref_slice %arg9[%add3A_34, %dma_wait3A_625] : memref<10240x128xf32, #tpu.memory_space<vmem_shared>> -> memref<64x128xf32, #tpu.memory_space<vmem_shared>>
      %dma_wait3A_627 = arith.constant 0 : i32
      %dma_wait3A_628 = arith.constant 0 : i32
      %dma_wait3A_629 = tpu.memref_slice %arg8[%run_scoped3A_35, %dma_wait3A_627, %dma_wait3A_628] : memref<4x64x128xf32, #tpu.memory_space<vmem>> -> memref<1x64x128xf32, #tpu.memory_space<vmem>>
      %dma_wait3A_630 = tpu.memref_squeeze %dma_wait3A_629 : memref<1x64x128xf32, #tpu.memory_space<vmem>> -> memref<64x128xf32, #tpu.memory_space<vmem>>
      tpu.wait_dma2 semaphore(%run_scoped3A_606 : memref<!tpu.dma_semaphore, #tpu.memory_space<semaphore_mem>>) src(%dma_wait3A_630 : memref<64x128xf32, #tpu.memory_space<vmem>>) dst(%dma_wait3A_626 : memref<64x128xf32, #tpu.memory_space<vmem_shared>>)
      tpu.yield
    }) : () -> ()
    %mul3A_36 = arith.constant 640 : i32
    %mul3A_37 = arith.muli %arg1, %mul3A_36 : i32
    %add3A_38 = arith.constant 128 : i32
    %add3A_39 = arith.addi %mul3A_37, %add3A_38 : i32
    %run_scoped3A_40 = arith.constant 0 : i32
    "tpu.region"() ({
      %run_scoped3A_606 = tpu.sem_alloc : memref<!tpu.dma_semaphore, #tpu.memory_space<semaphore_mem>>
      %dma_start3A_607 = arith.constant 0 : i32
      %dma_start3A_608 = arith.constant 0 : i32
      %dma_start3A_609 = tpu.memref_slice %arg8[%run_scoped3A_40, %dma_start3A_607, %dma_start3A_608] : memref<4x64x128xf32, #tpu.memory_space<vmem>> -> memref<1x64x128xf32, #tpu.memory_space<vmem>>
      %dma_start3A_610 = tpu.memref_squeeze %dma_start3A_609 : memref<1x64x128xf32, #tpu.memory_space<vmem>> -> memref<64x128xf32, #tpu.memory_space<vmem>>
      %dma_start3A_611 = arith.constant 0 : i32
      %dma_start3A_612 = tpu.memref_slice %arg9[%add3A_39, %dma_start3A_611] : memref<10240x128xf32, #tpu.memory_space<vmem_shared>> -> memref<64x128xf32, #tpu.memory_space<vmem_shared>>
      %dma_start3A_613 = arith.constant 0 : i32
      %dma_start3A_614 = tpu.memref_slice %arg9[%add3A_39, %dma_start3A_613] : memref<10240x128xf32, #tpu.memory_space<vmem_shared>> -> memref<64x128xf32, #tpu.memory_space<vmem_shared>>
      %dma_start3A_615 = arith.constant 0 : i32
      %dma_start3A_616 = arith.constant 0 : i32
      %dma_start3A_617 = tpu.memref_slice %arg8[%run_scoped3A_40, %dma_start3A_615, %dma_start3A_616] : memref<4x64x128xf32, #tpu.memory_space<vmem>> -> memref<1x64x128xf32, #tpu.memory_space<vmem>>
      %dma_start3A_618 = tpu.memref_squeeze %dma_start3A_617 : memref<1x64x128xf32, #tpu.memory_space<vmem>> -> memref<64x128xf32, #tpu.memory_space<vmem>>
      tpu.enqueue_dma source(%dma_start3A_618 : memref<64x128xf32, #tpu.memory_space<vmem>>) target(%dma_start3A_614 : memref<64x128xf32, #tpu.memory_space<vmem_shared>>) target_semaphore(%run_scoped3A_606 : memref<!tpu.dma_semaphore, #tpu.memory_space<semaphore_mem>>)
      %dma_wait3A_619 = arith.constant 0 : i32
      %dma_wait3A_620 = arith.constant 0 : i32
      %dma_wait3A_621 = tpu.memref_slice %arg8[%run_scoped3A_40, %dma_wait3A_619, %dma_wait3A_620] : memref<4x64x128xf32, #tpu.memory_space<vmem>> -> memref<1x64x128xf32, #tpu.memory_space<vmem>>
      %dma_wait3A_622 = tpu.memref_squeeze %dma_wait3A_621 : memref<1x64x128xf32, #tpu.memory_space<vmem>> -> memref<64x128xf32, #tpu.memory_space<vmem>>
      %dma_wait3A_623 = arith.constant 0 : i32
      %dma_wait3A_624 = tpu.memref_slice %arg9[%add3A_39, %dma_wait3A_623] : memref<10240x128xf32, #tpu.memory_space<vmem_shared>> -> memref<64x128xf32, #tpu.memory_space<vmem_shared>>
      %dma_wait3A_625 = arith.constant 0 : i32
      %dma_wait3A_626 = tpu.memref_slice %arg9[%add3A_39, %dma_wait3A_625] : memref<10240x128xf32, #tpu.memory_space<vmem_shared>> -> memref<64x128xf32, #tpu.memory_space<vmem_shared>>
      %dma_wait3A_627 = arith.constant 0 : i32
      %dma_wait3A_628 = arith.constant 0 : i32
      %dma_wait3A_629 = tpu.memref_slice %arg8[%run_scoped3A_40, %dma_wait3A_627, %dma_wait3A_628] : memref<4x64x128xf32, #tpu.memory_space<vmem>> -> memref<1x64x128xf32, #tpu.memory_space<vmem>>
      %dma_wait3A_630 = tpu.memref_squeeze %dma_wait3A_629 : memref<1x64x128xf32, #tpu.memory_space<vmem>> -> memref<64x128xf32, #tpu.memory_space<vmem>>
      tpu.wait_dma2 semaphore(%run_scoped3A_606 : memref<!tpu.dma_semaphore, #tpu.memory_space<semaphore_mem>>) src(%dma_wait3A_630 : memref<64x128xf32, #tpu.memory_space<vmem>>) dst(%dma_wait3A_626 : memref<64x128xf32, #tpu.memory_space<vmem_shared>>)
      tpu.yield
    }) : () -> ()
    %mul3A_41 = arith.constant 640 : i32
    %mul3A_42 = arith.muli %arg1, %mul3A_41 : i32
    %add3A_43 = arith.constant 192 : i32
    %add3A_44 = arith.addi %mul3A_42, %add3A_43 : i32
    %run_scoped3A_45 = arith.constant 0 : i32
    "tpu.region"() ({
      %run_scoped3A_606 = tpu.sem_alloc : memref<!tpu.dma_semaphore, #tpu.memory_space<semaphore_mem>>
      %dma_start3A_607 = arith.constant 0 : i32
      %dma_start3A_608 = arith.constant 0 : i32
      %dma_start3A_609 = tpu.memref_slice %arg8[%run_scoped3A_45, %dma_start3A_607, %dma_start3A_608] : memref<4x64x128xf32, #tpu.memory_space<vmem>> -> memref<1x64x128xf32, #tpu.memory_space<vmem>>
      %dma_start3A_610 = tpu.memref_squeeze %dma_start3A_609 : memref<1x64x128xf32, #tpu.memory_space<vmem>> -> memref<64x128xf32, #tpu.memory_space<vmem>>
      %dma_start3A_611 = arith.constant 0 : i32
      %dma_start3A_612 = tpu.memref_slice %arg9[%add3A_44, %dma_start3A_611] : memref<10240x128xf32, #tpu.memory_space<vmem_shared>> -> memref<64x128xf32, #tpu.memory_space<vmem_shared>>
      %dma_start3A_613 = arith.constant 0 : i32
      %dma_start3A_614 = tpu.memref_slice %arg9[%add3A_44, %dma_start3A_613] : memref<10240x128xf32, #tpu.memory_space<vmem_shared>> -> memref<64x128xf32, #tpu.memory_space<vmem_shared>>
      %dma_start3A_615 = arith.constant 0 : i32
      %dma_start3A_616 = arith.constant 0 : i32
      %dma_start3A_617 = tpu.memref_slice %arg8[%run_scoped3A_45, %dma_start3A_615, %dma_start3A_616] : memref<4x64x128xf32, #tpu.memory_space<vmem>> -> memref<1x64x128xf32, #tpu.memory_space<vmem>>
      %dma_start3A_618 = tpu.memref_squeeze %dma_start3A_617 : memref<1x64x128xf32, #tpu.memory_space<vmem>> -> memref<64x128xf32, #tpu.memory_space<vmem>>
      tpu.enqueue_dma source(%dma_start3A_618 : memref<64x128xf32, #tpu.memory_space<vmem>>) target(%dma_start3A_614 : memref<64x128xf32, #tpu.memory_space<vmem_shared>>) target_semaphore(%run_scoped3A_606 : memref<!tpu.dma_semaphore, #tpu.memory_space<semaphore_mem>>)
      %dma_wait3A_619 = arith.constant 0 : i32
      %dma_wait3A_620 = arith.constant 0 : i32
      %dma_wait3A_621 = tpu.memref_slice %arg8[%run_scoped3A_45, %dma_wait3A_619, %dma_wait3A_620] : memref<4x64x128xf32, #tpu.memory_space<vmem>> -> memref<1x64x128xf32, #tpu.memory_space<vmem>>
      %dma_wait3A_622 = tpu.memref_squeeze %dma_wait3A_621 : memref<1x64x128xf32, #tpu.memory_space<vmem>> -> memref<64x128xf32, #tpu.memory_space<vmem>>
      %dma_wait3A_623 = arith.constant 0 : i32
      %dma_wait3A_624 = tpu.memref_slice %arg9[%add3A_44, %dma_wait3A_623] : memref<10240x128xf32, #tpu.memory_space<vmem_shared>> -> memref<64x128xf32, #tpu.memory_space<vmem_shared>>
      %dma_wait3A_625 = arith.constant 0 : i32
      %dma_wait3A_626 = tpu.memref_slice %arg9[%add3A_44, %dma_wait3A_625] : memref<10240x128xf32, #tpu.memory_space<vmem_shared>> -> memref<64x128xf32, #tpu.memory_space<vmem_shared>>
      %dma_wait3A_627 = arith.constant 0 : i32
      %dma_wait3A_628 = arith.constant 0 : i32
      %dma_wait3A_629 = tpu.memref_slice %arg8[%run_scoped3A_45, %dma_wait3A_627, %dma_wait3A_628] : memref<4x64x128xf32, #tpu.memory_space<vmem>> -> memref<1x64x128xf32, #tpu.memory_space<vmem>>
      %dma_wait3A_630 = tpu.memref_squeeze %dma_wait3A_629 : memref<1x64x128xf32, #tpu.memory_space<vmem>> -> memref<64x128xf32, #tpu.memory_space<vmem>>
      tpu.wait_dma2 semaphore(%run_scoped3A_606 : memref<!tpu.dma_semaphore, #tpu.memory_space<semaphore_mem>>) src(%dma_wait3A_630 : memref<64x128xf32, #tpu.memory_space<vmem>>) dst(%dma_wait3A_626 : memref<64x128xf32, #tpu.memory_space<vmem_shared>>)
      tpu.yield
    }) : () -> ()
    %mul3A_46 = arith.constant 640 : i32
    %mul3A_47 = arith.muli %arg1, %mul3A_46 : i32
    %add3A_48 = arith.constant 256 : i32
    %add3A_49 = arith.addi %mul3A_47, %add3A_48 : i32
    %run_scoped3A_50 = arith.constant 0 : i32
    "tpu.region"() ({
      %run_scoped3A_606 = tpu.sem_alloc : memref<!tpu.dma_semaphore, #tpu.memory_space<semaphore_mem>>
      %dma_start3A_607 = arith.constant 0 : i32
      %dma_start3A_608 = arith.constant 0 : i32
      %dma_start3A_609 = tpu.memref_slice %arg8[%run_scoped3A_50, %dma_start3A_607, %dma_start3A_608] : memref<4x64x128xf32, #tpu.memory_space<vmem>> -> memref<1x64x128xf32, #tpu.memory_space<vmem>>
      %dma_start3A_610 = tpu.memref_squeeze %dma_start3A_609 : memref<1x64x128xf32, #tpu.memory_space<vmem>> -> memref<64x128xf32, #tpu.memory_space<vmem>>
      %dma_start3A_611 = arith.constant 0 : i32
      %dma_start3A_612 = tpu.memref_slice %arg9[%add3A_49, %dma_start3A_611] : memref<10240x128xf32, #tpu.memory_space<vmem_shared>> -> memref<64x128xf32, #tpu.memory_space<vmem_shared>>
      %dma_start3A_613 = arith.constant 0 : i32
      %dma_start3A_614 = tpu.memref_slice %arg9[%add3A_49, %dma_start3A_613] : memref<10240x128xf32, #tpu.memory_space<vmem_shared>> -> memref<64x128xf32, #tpu.memory_space<vmem_shared>>
      %dma_start3A_615 = arith.constant 0 : i32
      %dma_start3A_616 = arith.constant 0 : i32
      %dma_start3A_617 = tpu.memref_slice %arg8[%run_scoped3A_50, %dma_start3A_615, %dma_start3A_616] : memref<4x64x128xf32, #tpu.memory_space<vmem>> -> memref<1x64x128xf32, #tpu.memory_space<vmem>>
      %dma_start3A_618 = tpu.memref_squeeze %dma_start3A_617 : memref<1x64x128xf32, #tpu.memory_space<vmem>> -> memref<64x128xf32, #tpu.memory_space<vmem>>
      tpu.enqueue_dma source(%dma_start3A_618 : memref<64x128xf32, #tpu.memory_space<vmem>>) target(%dma_start3A_614 : memref<64x128xf32, #tpu.memory_space<vmem_shared>>) target_semaphore(%run_scoped3A_606 : memref<!tpu.dma_semaphore, #tpu.memory_space<semaphore_mem>>)
      %dma_wait3A_619 = arith.constant 0 : i32
      %dma_wait3A_620 = arith.constant 0 : i32
      %dma_wait3A_621 = tpu.memref_slice %arg8[%run_scoped3A_50, %dma_wait3A_619, %dma_wait3A_620] : memref<4x64x128xf32, #tpu.memory_space<vmem>> -> memref<1x64x128xf32, #tpu.memory_space<vmem>>
      %dma_wait3A_622 = tpu.memref_squeeze %dma_wait3A_621 : memref<1x64x128xf32, #tpu.memory_space<vmem>> -> memref<64x128xf32, #tpu.memory_space<vmem>>
      %dma_wait3A_623 = arith.constant 0 : i32
      %dma_wait3A_624 = tpu.memref_slice %arg9[%add3A_49, %dma_wait3A_623] : memref<10240x128xf32, #tpu.memory_space<vmem_shared>> -> memref<64x128xf32, #tpu.memory_space<vmem_shared>>
      %dma_wait3A_625 = arith.constant 0 : i32
      %dma_wait3A_626 = tpu.memref_slice %arg9[%add3A_49, %dma_wait3A_625] : memref<10240x128xf32, #tpu.memory_space<vmem_shared>> -> memref<64x128xf32, #tpu.memory_space<vmem_shared>>
      %dma_wait3A_627 = arith.constant 0 : i32
      %dma_wait3A_628 = arith.constant 0 : i32
      %dma_wait3A_629 = tpu.memref_slice %arg8[%run_scoped3A_50, %dma_wait3A_627, %dma_wait3A_628] : memref<4x64x128xf32, #tpu.memory_space<vmem>> -> memref<1x64x128xf32, #tpu.memory_space<vmem>>
      %dma_wait3A_630 = tpu.memref_squeeze %dma_wait3A_629 : memref<1x64x128xf32, #tpu.memory_space<vmem>> -> memref<64x128xf32, #tpu.memory_space<vmem>>
      tpu.wait_dma2 semaphore(%run_scoped3A_606 : memref<!tpu.dma_semaphore, #tpu.memory_space<semaphore_mem>>) src(%dma_wait3A_630 : memref<64x128xf32, #tpu.memory_space<vmem>>) dst(%dma_wait3A_626 : memref<64x128xf32, #tpu.memory_space<vmem_shared>>)
      tpu.yield
    }) : () -> ()
    %mul3A_51 = arith.constant 640 : i32
    %mul3A_52 = arith.muli %arg1, %mul3A_51 : i32
    %add3A_53 = arith.constant 320 : i32
    %add3A_54 = arith.addi %mul3A_52, %add3A_53 : i32
    %run_scoped3A_55 = arith.constant 0 : i32
    "tpu.region"() ({
      %run_scoped3A_606 = tpu.sem_alloc : memref<!tpu.dma_semaphore, #tpu.memory_space<semaphore_mem>>
      %dma_start3A_607 = arith.constant 0 : i32
      %dma_start3A_608 = arith.constant 0 : i32
      %dma_start3A_609 = tpu.memref_slice %arg8[%run_scoped3A_55, %dma_start3A_607, %dma_start3A_608] : memref<4x64x128xf32, #tpu.memory_space<vmem>> -> memref<1x64x128xf32, #tpu.memory_space<vmem>>
      %dma_start3A_610 = tpu.memref_squeeze %dma_start3A_609 : memref<1x64x128xf32, #tpu.memory_space<vmem>> -> memref<64x128xf32, #tpu.memory_space<vmem>>
      %dma_start3A_611 = arith.constant 0 : i32
      %dma_start3A_612 = tpu.memref_slice %arg9[%add3A_54, %dma_start3A_611] : memref<10240x128xf32, #tpu.memory_space<vmem_shared>> -> memref<64x128xf32, #tpu.memory_space<vmem_shared>>
      %dma_start3A_613 = arith.constant 0 : i32
      %dma_start3A_614 = tpu.memref_slice %arg9[%add3A_54, %dma_start3A_613] : memref<10240x128xf32, #tpu.memory_space<vmem_shared>> -> memref<64x128xf32, #tpu.memory_space<vmem_shared>>
      %dma_start3A_615 = arith.constant 0 : i32
      %dma_start3A_616 = arith.constant 0 : i32
      %dma_start3A_617 = tpu.memref_slice %arg8[%run_scoped3A_55, %dma_start3A_615, %dma_start3A_616] : memref<4x64x128xf32, #tpu.memory_space<vmem>> -> memref<1x64x128xf32, #tpu.memory_space<vmem>>
      %dma_start3A_618 = tpu.memref_squeeze %dma_start3A_617 : memref<1x64x128xf32, #tpu.memory_space<vmem>> -> memref<64x128xf32, #tpu.memory_space<vmem>>
      tpu.enqueue_dma source(%dma_start3A_618 : memref<64x128xf32, #tpu.memory_space<vmem>>) target(%dma_start3A_614 : memref<64x128xf32, #tpu.memory_space<vmem_shared>>) target_semaphore(%run_scoped3A_606 : memref<!tpu.dma_semaphore, #tpu.memory_space<semaphore_mem>>)
      %dma_wait3A_619 = arith.constant 0 : i32
      %dma_wait3A_620 = arith.constant 0 : i32
      %dma_wait3A_621 = tpu.memref_slice %arg8[%run_scoped3A_55, %dma_wait3A_619, %dma_wait3A_620] : memref<4x64x128xf32, #tpu.memory_space<vmem>> -> memref<1x64x128xf32, #tpu.memory_space<vmem>>
      %dma_wait3A_622 = tpu.memref_squeeze %dma_wait3A_621 : memref<1x64x128xf32, #tpu.memory_space<vmem>> -> memref<64x128xf32, #tpu.memory_space<vmem>>
      %dma_wait3A_623 = arith.constant 0 : i32
      %dma_wait3A_624 = tpu.memref_slice %arg9[%add3A_54, %dma_wait3A_623] : memref<10240x128xf32, #tpu.memory_space<vmem_shared>> -> memref<64x128xf32, #tpu.memory_space<vmem_shared>>
      %dma_wait3A_625 = arith.constant 0 : i32
      %dma_wait3A_626 = tpu.memref_slice %arg9[%add3A_54, %dma_wait3A_625] : memref<10240x128xf32, #tpu.memory_space<vmem_shared>> -> memref<64x128xf32, #tpu.memory_space<vmem_shared>>
      %dma_wait3A_627 = arith.constant 0 : i32
      %dma_wait3A_628 = arith.constant 0 : i32
      %dma_wait3A_629 = tpu.memref_slice %arg8[%run_scoped3A_55, %dma_wait3A_627, %dma_wait3A_628] : memref<4x64x128xf32, #tpu.memory_space<vmem>> -> memref<1x64x128xf32, #tpu.memory_space<vmem>>
      %dma_wait3A_630 = tpu.memref_squeeze %dma_wait3A_629 : memref<1x64x128xf32, #tpu.memory_space<vmem>> -> memref<64x128xf32, #tpu.memory_space<vmem>>
      tpu.wait_dma2 semaphore(%run_scoped3A_606 : memref<!tpu.dma_semaphore, #tpu.memory_space<semaphore_mem>>) src(%dma_wait3A_630 : memref<64x128xf32, #tpu.memory_space<vmem>>) dst(%dma_wait3A_626 : memref<64x128xf32, #tpu.memory_space<vmem_shared>>)
      tpu.yield
    }) : () -> ()
    %mul3A_56 = arith.constant 640 : i32
    %mul3A_57 = arith.muli %arg1, %mul3A_56 : i32
    %add3A_58 = arith.constant 384 : i32
    %add3A_59 = arith.addi %mul3A_57, %add3A_58 : i32
    %run_scoped3A_60 = arith.constant 0 : i32
    "tpu.region"() ({
      %run_scoped3A_606 = tpu.sem_alloc : memref<!tpu.dma_semaphore, #tpu.memory_space<semaphore_mem>>
      %dma_start3A_607 = arith.constant 0 : i32
      %dma_start3A_608 = arith.constant 0 : i32
      %dma_start3A_609 = tpu.memref_slice %arg8[%run_scoped3A_60, %dma_start3A_607, %dma_start3A_608] : memref<4x64x128xf32, #tpu.memory_space<vmem>> -> memref<1x64x128xf32, #tpu.memory_space<vmem>>
      %dma_start3A_610 = tpu.memref_squeeze %dma_start3A_609 : memref<1x64x128xf32, #tpu.memory_space<vmem>> -> memref<64x128xf32, #tpu.memory_space<vmem>>
      %dma_start3A_611 = arith.constant 0 : i32
      %dma_start3A_612 = tpu.memref_slice %arg9[%add3A_59, %dma_start3A_611] : memref<10240x128xf32, #tpu.memory_space<vmem_shared>> -> memref<64x128xf32, #tpu.memory_space<vmem_shared>>
      %dma_start3A_613 = arith.constant 0 : i32
      %dma_start3A_614 = tpu.memref_slice %arg9[%add3A_59, %dma_start3A_613] : memref<10240x128xf32, #tpu.memory_space<vmem_shared>> -> memref<64x128xf32, #tpu.memory_space<vmem_shared>>
      %dma_start3A_615 = arith.constant 0 : i32
      %dma_start3A_616 = arith.constant 0 : i32
      %dma_start3A_617 = tpu.memref_slice %arg8[%run_scoped3A_60, %dma_start3A_615, %dma_start3A_616] : memref<4x64x128xf32, #tpu.memory_space<vmem>> -> memref<1x64x128xf32, #tpu.memory_space<vmem>>
      %dma_start3A_618 = tpu.memref_squeeze %dma_start3A_617 : memref<1x64x128xf32, #tpu.memory_space<vmem>> -> memref<64x128xf32, #tpu.memory_space<vmem>>
      tpu.enqueue_dma source(%dma_start3A_618 : memref<64x128xf32, #tpu.memory_space<vmem>>) target(%dma_start3A_614 : memref<64x128xf32, #tpu.memory_space<vmem_shared>>) target_semaphore(%run_scoped3A_606 : memref<!tpu.dma_semaphore, #tpu.memory_space<semaphore_mem>>)
      %dma_wait3A_619 = arith.constant 0 : i32
      %dma_wait3A_620 = arith.constant 0 : i32
      %dma_wait3A_621 = tpu.memref_slice %arg8[%run_scoped3A_60, %dma_wait3A_619, %dma_wait3A_620] : memref<4x64x128xf32, #tpu.memory_space<vmem>> -> memref<1x64x128xf32, #tpu.memory_space<vmem>>
      %dma_wait3A_622 = tpu.memref_squeeze %dma_wait3A_621 : memref<1x64x128xf32, #tpu.memory_space<vmem>> -> memref<64x128xf32, #tpu.memory_space<vmem>>
      %dma_wait3A_623 = arith.constant 0 : i32
      %dma_wait3A_624 = tpu.memref_slice %arg9[%add3A_59, %dma_wait3A_623] : memref<10240x128xf32, #tpu.memory_space<vmem_shared>> -> memref<64x128xf32, #tpu.memory_space<vmem_shared>>
      %dma_wait3A_625 = arith.constant 0 : i32
      %dma_wait3A_626 = tpu.memref_slice %arg9[%add3A_59, %dma_wait3A_625] : memref<10240x128xf32, #tpu.memory_space<vmem_shared>> -> memref<64x128xf32, #tpu.memory_space<vmem_shared>>
      %dma_wait3A_627 = arith.constant 0 : i32
      %dma_wait3A_628 = arith.constant 0 : i32
      %dma_wait3A_629 = tpu.memref_slice %arg8[%run_scoped3A_60, %dma_wait3A_627, %dma_wait3A_628] : memref<4x64x128xf32, #tpu.memory_space<vmem>> -> memref<1x64x128xf32, #tpu.memory_space<vmem>>
      %dma_wait3A_630 = tpu.memref_squeeze %dma_wait3A_629 : memref<1x64x128xf32, #tpu.memory_space<vmem>> -> memref<64x128xf32, #tpu.memory_space<vmem>>
      tpu.wait_dma2 semaphore(%run_scoped3A_606 : memref<!tpu.dma_semaphore, #tpu.memory_space<semaphore_mem>>) src(%dma_wait3A_630 : memref<64x128xf32, #tpu.memory_space<vmem>>) dst(%dma_wait3A_626 : memref<64x128xf32, #tpu.memory_space<vmem_shared>>)
      tpu.yield
    }) : () -> ()
    %mul3A_61 = arith.constant 640 : i32
    %mul3A_62 = arith.muli %arg1, %mul3A_61 : i32
    %add3A_63 = arith.constant 448 : i32
    %add3A_64 = arith.addi %mul3A_62, %add3A_63 : i32
    %run_scoped3A_65 = arith.constant 0 : i32
    "tpu.region"() ({
      %run_scoped3A_606 = tpu.sem_alloc : memref<!tpu.dma_semaphore, #tpu.memory_space<semaphore_mem>>
      %dma_start3A_607 = arith.constant 0 : i32
      %dma_start3A_608 = arith.constant 0 : i32
      %dma_start3A_609 = tpu.memref_slice %arg8[%run_scoped3A_65, %dma_start3A_607, %dma_start3A_608] : memref<4x64x128xf32, #tpu.memory_space<vmem>> -> memref<1x64x128xf32, #tpu.memory_space<vmem>>
      %dma_start3A_610 = tpu.memref_squeeze %dma_start3A_609 : memref<1x64x128xf32, #tpu.memory_space<vmem>> -> memref<64x128xf32, #tpu.memory_space<vmem>>
      %dma_start3A_611 = arith.constant 0 : i32
      %dma_start3A_612 = tpu.memref_slice %arg9[%add3A_64, %dma_start3A_611] : memref<10240x128xf32, #tpu.memory_space<vmem_shared>> -> memref<64x128xf32, #tpu.memory_space<vmem_shared>>
      %dma_start3A_613 = arith.constant 0 : i32
      %dma_start3A_614 = tpu.memref_slice %arg9[%add3A_64, %dma_start3A_613] : memref<10240x128xf32, #tpu.memory_space<vmem_shared>> -> memref<64x128xf32, #tpu.memory_space<vmem_shared>>
      %dma_start3A_615 = arith.constant 0 : i32
      %dma_start3A_616 = arith.constant 0 : i32
      %dma_start3A_617 = tpu.memref_slice %arg8[%run_scoped3A_65, %dma_start3A_615, %dma_start3A_616] : memref<4x64x128xf32, #tpu.memory_space<vmem>> -> memref<1x64x128xf32, #tpu.memory_space<vmem>>
      %dma_start3A_618 = tpu.memref_squeeze %dma_start3A_617 : memref<1x64x128xf32, #tpu.memory_space<vmem>> -> memref<64x128xf32, #tpu.memory_space<vmem>>
      tpu.enqueue_dma source(%dma_start3A_618 : memref<64x128xf32, #tpu.memory_space<vmem>>) target(%dma_start3A_614 : memref<64x128xf32, #tpu.memory_space<vmem_shared>>) target_semaphore(%run_scoped3A_606 : memref<!tpu.dma_semaphore, #tpu.memory_space<semaphore_mem>>)
      %dma_wait3A_619 = arith.constant 0 : i32
      %dma_wait3A_620 = arith.constant 0 : i32
      %dma_wait3A_621 = tpu.memref_slice %arg8[%run_scoped3A_65, %dma_wait3A_619, %dma_wait3A_620] : memref<4x64x128xf32, #tpu.memory_space<vmem>> -> memref<1x64x128xf32, #tpu.memory_space<vmem>>
      %dma_wait3A_622 = tpu.memref_squeeze %dma_wait3A_621 : memref<1x64x128xf32, #tpu.memory_space<vmem>> -> memref<64x128xf32, #tpu.memory_space<vmem>>
      %dma_wait3A_623 = arith.constant 0 : i32
      %dma_wait3A_624 = tpu.memref_slice %arg9[%add3A_64, %dma_wait3A_623] : memref<10240x128xf32, #tpu.memory_space<vmem_shared>> -> memref<64x128xf32, #tpu.memory_space<vmem_shared>>
      %dma_wait3A_625 = arith.constant 0 : i32
      %dma_wait3A_626 = tpu.memref_slice %arg9[%add3A_64, %dma_wait3A_625] : memref<10240x128xf32, #tpu.memory_space<vmem_shared>> -> memref<64x128xf32, #tpu.memory_space<vmem_shared>>
      %dma_wait3A_627 = arith.constant 0 : i32
      %dma_wait3A_628 = arith.constant 0 : i32
      %dma_wait3A_629 = tpu.memref_slice %arg8[%run_scoped3A_65, %dma_wait3A_627, %dma_wait3A_628] : memref<4x64x128xf32, #tpu.memory_space<vmem>> -> memref<1x64x128xf32, #tpu.memory_space<vmem>>
      %dma_wait3A_630 = tpu.memref_squeeze %dma_wait3A_629 : memref<1x64x128xf32, #tpu.memory_space<vmem>> -> memref<64x128xf32, #tpu.memory_space<vmem>>
      tpu.wait_dma2 semaphore(%run_scoped3A_606 : memref<!tpu.dma_semaphore, #tpu.memory_space<semaphore_mem>>) src(%dma_wait3A_630 : memref<64x128xf32, #tpu.memory_space<vmem>>) dst(%dma_wait3A_626 : memref<64x128xf32, #tpu.memory_space<vmem_shared>>)
      tpu.yield
    }) : () -> ()
    %mul3A_66 = arith.constant 640 : i32
    %mul3A_67 = arith.muli %arg1, %mul3A_66 : i32
    %add3A_68 = arith.constant 512 : i32
    %add3A_69 = arith.addi %mul3A_67, %add3A_68 : i32
    %run_scoped3A_70 = arith.constant 0 : i32
    "tpu.region"() ({
      %run_scoped3A_606 = tpu.sem_alloc : memref<!tpu.dma_semaphore, #tpu.memory_space<semaphore_mem>>
      %dma_start3A_607 = arith.constant 0 : i32
      %dma_start3A_608 = arith.constant 0 : i32
      %dma_start3A_609 = tpu.memref_slice %arg8[%run_scoped3A_70, %dma_start3A_607, %dma_start3A_608] : memref<4x64x128xf32, #tpu.memory_space<vmem>> -> memref<1x64x128xf32, #tpu.memory_space<vmem>>
      %dma_start3A_610 = tpu.memref_squeeze %dma_start3A_609 : memref<1x64x128xf32, #tpu.memory_space<vmem>> -> memref<64x128xf32, #tpu.memory_space<vmem>>
      %dma_start3A_611 = arith.constant 0 : i32
      %dma_start3A_612 = tpu.memref_slice %arg9[%add3A_69, %dma_start3A_611] : memref<10240x128xf32, #tpu.memory_space<vmem_shared>> -> memref<64x128xf32, #tpu.memory_space<vmem_shared>>
      %dma_start3A_613 = arith.constant 0 : i32
      %dma_start3A_614 = tpu.memref_slice %arg9[%add3A_69, %dma_start3A_613] : memref<10240x128xf32, #tpu.memory_space<vmem_shared>> -> memref<64x128xf32, #tpu.memory_space<vmem_shared>>
      %dma_start3A_615 = arith.constant 0 : i32
      %dma_start3A_616 = arith.constant 0 : i32
      %dma_start3A_617 = tpu.memref_slice %arg8[%run_scoped3A_70, %dma_start3A_615, %dma_start3A_616] : memref<4x64x128xf32, #tpu.memory_space<vmem>> -> memref<1x64x128xf32, #tpu.memory_space<vmem>>
      %dma_start3A_618 = tpu.memref_squeeze %dma_start3A_617 : memref<1x64x128xf32, #tpu.memory_space<vmem>> -> memref<64x128xf32, #tpu.memory_space<vmem>>
      tpu.enqueue_dma source(%dma_start3A_618 : memref<64x128xf32, #tpu.memory_space<vmem>>) target(%dma_start3A_614 : memref<64x128xf32, #tpu.memory_space<vmem_shared>>) target_semaphore(%run_scoped3A_606 : memref<!tpu.dma_semaphore, #tpu.memory_space<semaphore_mem>>)
      %dma_wait3A_619 = arith.constant 0 : i32
      %dma_wait3A_620 = arith.constant 0 : i32
      %dma_wait3A_621 = tpu.memref_slice %arg8[%run_scoped3A_70, %dma_wait3A_619, %dma_wait3A_620] : memref<4x64x128xf32, #tpu.memory_space<vmem>> -> memref<1x64x128xf32, #tpu.memory_space<vmem>>
      %dma_wait3A_622 = tpu.memref_squeeze %dma_wait3A_621 : memref<1x64x128xf32, #tpu.memory_space<vmem>> -> memref<64x128xf32, #tpu.memory_space<vmem>>
      %dma_wait3A_623 = arith.constant 0 : i32
      %dma_wait3A_624 = tpu.memref_slice %arg9[%add3A_69, %dma_wait3A_623] : memref<10240x128xf32, #tpu.memory_space<vmem_shared>> -> memref<64x128xf32, #tpu.memory_space<vmem_shared>>
      %dma_wait3A_625 = arith.constant 0 : i32
      %dma_wait3A_626 = tpu.memref_slice %arg9[%add3A_69, %dma_wait3A_625] : memref<10240x128xf32, #tpu.memory_space<vmem_shared>> -> memref<64x128xf32, #tpu.memory_space<vmem_shared>>
      %dma_wait3A_627 = arith.constant 0 : i32
      %dma_wait3A_628 = arith.constant 0 : i32
      %dma_wait3A_629 = tpu.memref_slice %arg8[%run_scoped3A_70, %dma_wait3A_627, %dma_wait3A_628] : memref<4x64x128xf32, #tpu.memory_space<vmem>> -> memref<1x64x128xf32, #tpu.memory_space<vmem>>
      %dma_wait3A_630 = tpu.memref_squeeze %dma_wait3A_629 : memref<1x64x128xf32, #tpu.memory_space<vmem>> -> memref<64x128xf32, #tpu.memory_space<vmem>>
      tpu.wait_dma2 semaphore(%run_scoped3A_606 : memref<!tpu.dma_semaphore, #tpu.memory_space<semaphore_mem>>) src(%dma_wait3A_630 : memref<64x128xf32, #tpu.memory_space<vmem>>) dst(%dma_wait3A_626 : memref<64x128xf32, #tpu.memory_space<vmem_shared>>)
      tpu.yield
    }) : () -> ()
    %mul3A_71 = arith.constant 640 : i32
    %mul3A_72 = arith.muli %arg1, %mul3A_71 : i32
    %add3A_73 = arith.constant 576 : i32
    %add3A_74 = arith.addi %mul3A_72, %add3A_73 : i32
    %run_scoped3A_75 = arith.constant 0 : i32
    "tpu.region"() ({
      %run_scoped3A_606 = tpu.sem_alloc : memref<!tpu.dma_semaphore, #tpu.memory_space<semaphore_mem>>
      %dma_start3A_607 = arith.constant 0 : i32
      %dma_start3A_608 = arith.constant 0 : i32
      %dma_start3A_609 = tpu.memref_slice %arg8[%run_scoped3A_75, %dma_start3A_607, %dma_start3A_608] : memref<4x64x128xf32, #tpu.memory_space<vmem>> -> memref<1x64x128xf32, #tpu.memory_space<vmem>>
      %dma_start3A_610 = tpu.memref_squeeze %dma_start3A_609 : memref<1x64x128xf32, #tpu.memory_space<vmem>> -> memref<64x128xf32, #tpu.memory_space<vmem>>
      %dma_start3A_611 = arith.constant 0 : i32
      %dma_start3A_612 = tpu.memref_slice %arg9[%add3A_74, %dma_start3A_611] : memref<10240x128xf32, #tpu.memory_space<vmem_shared>> -> memref<64x128xf32, #tpu.memory_space<vmem_shared>>
      %dma_start3A_613 = arith.constant 0 : i32
      %dma_start3A_614 = tpu.memref_slice %arg9[%add3A_74, %dma_start3A_613] : memref<10240x128xf32, #tpu.memory_space<vmem_shared>> -> memref<64x128xf32, #tpu.memory_space<vmem_shared>>
      %dma_start3A_615 = arith.constant 0 : i32
      %dma_start3A_616 = arith.constant 0 : i32
      %dma_start3A_617 = tpu.memref_slice %arg8[%run_scoped3A_75, %dma_start3A_615, %dma_start3A_616] : memref<4x64x128xf32, #tpu.memory_space<vmem>> -> memref<1x64x128xf32, #tpu.memory_space<vmem>>
      %dma_start3A_618 = tpu.memref_squeeze %dma_start3A_617 : memref<1x64x128xf32, #tpu.memory_space<vmem>> -> memref<64x128xf32, #tpu.memory_space<vmem>>
      tpu.enqueue_dma source(%dma_start3A_618 : memref<64x128xf32, #tpu.memory_space<vmem>>) target(%dma_start3A_614 : memref<64x128xf32, #tpu.memory_space<vmem_shared>>) target_semaphore(%run_scoped3A_606 : memref<!tpu.dma_semaphore, #tpu.memory_space<semaphore_mem>>)
      %dma_wait3A_619 = arith.constant 0 : i32
      %dma_wait3A_620 = arith.constant 0 : i32
      %dma_wait3A_621 = tpu.memref_slice %arg8[%run_scoped3A_75, %dma_wait3A_619, %dma_wait3A_620] : memref<4x64x128xf32, #tpu.memory_space<vmem>> -> memref<1x64x128xf32, #tpu.memory_space<vmem>>
      %dma_wait3A_622 = tpu.memref_squeeze %dma_wait3A_621 : memref<1x64x128xf32, #tpu.memory_space<vmem>> -> memref<64x128xf32, #tpu.memory_space<vmem>>
      %dma_wait3A_623 = arith.constant 0 : i32
      %dma_wait3A_624 = tpu.memref_slice %arg9[%add3A_74, %dma_wait3A_623] : memref<10240x128xf32, #tpu.memory_space<vmem_shared>> -> memref<64x128xf32, #tpu.memory_space<vmem_shared>>
      %dma_wait3A_625 = arith.constant 0 : i32
      %dma_wait3A_626 = tpu.memref_slice %arg9[%add3A_74, %dma_wait3A_625] : memref<10240x128xf32, #tpu.memory_space<vmem_shared>> -> memref<64x128xf32, #tpu.memory_space<vmem_shared>>
      %dma_wait3A_627 = arith.constant 0 : i32
      %dma_wait3A_628 = arith.constant 0 : i32
      %dma_wait3A_629 = tpu.memref_slice %arg8[%run_scoped3A_75, %dma_wait3A_627, %dma_wait3A_628] : memref<4x64x128xf32, #tpu.memory_space<vmem>> -> memref<1x64x128xf32, #tpu.memory_space<vmem>>
      %dma_wait3A_630 = tpu.memref_squeeze %dma_wait3A_629 : memref<1x64x128xf32, #tpu.memory_space<vmem>> -> memref<64x128xf32, #tpu.memory_space<vmem>>
      tpu.wait_dma2 semaphore(%run_scoped3A_606 : memref<!tpu.dma_semaphore, #tpu.memory_space<semaphore_mem>>) src(%dma_wait3A_630 : memref<64x128xf32, #tpu.memory_space<vmem>>) dst(%dma_wait3A_626 : memref<64x128xf32, #tpu.memory_space<vmem_shared>>)
      tpu.yield
    }) : () -> ()
    %barrier3A = arith.constant 0 : index
    tpu.barrier barrier_id(%barrier3A)
    %dma_wait3A = arith.constant 0 : i32
    %dma_wait3A_76 = arith.constant 0 : i32
    %dma_wait3A_77 = tpu.memref_slice %arg6[%dma_wait3A, %dma_wait3A_76] : memref<64x64xi32, #tpu.memory_space<vmem>> -> memref<32x64xi32, #tpu.memory_space<vmem>>
    %dma_wait3A_78 = arith.constant 0 : i32
    %dma_wait3A_79 = arith.constant 0 : i32
    %dma_wait3A_80 = tpu.memref_slice %arg2[%arg0, %arg1, %dma_wait3A_78, %dma_wait3A_79] : memref<2x16x160x64xi32, #tpu.memory_space<hbm>> -> memref<1x1x32x64xi32, #tpu.memory_space<hbm>>
    %dma_wait3A_81 = tpu.memref_squeeze %dma_wait3A_80 : memref<1x1x32x64xi32, #tpu.memory_space<hbm>> -> memref<32x64xi32, #tpu.memory_space<hbm>>
    %dma_wait3A_82 = arith.constant 0 : i32
    %dma_wait3A_83 = arith.constant 0 : i32
    %dma_wait3A_84 = tpu.memref_slice %arg6[%dma_wait3A_82, %dma_wait3A_83] : memref<64x64xi32, #tpu.memory_space<vmem>> -> memref<32x64xi32, #tpu.memory_space<vmem>>
    %dma_wait3A_85 = arith.constant 0 : i32
    %dma_wait3A_86 = arith.constant 0 : i32
    %dma_wait3A_87 = tpu.memref_slice %arg2[%arg0, %arg1, %dma_wait3A_85, %dma_wait3A_86] : memref<2x16x160x64xi32, #tpu.memory_space<hbm>> -> memref<1x1x32x64xi32, #tpu.memory_space<hbm>>
    %dma_wait3A_88 = tpu.memref_squeeze %dma_wait3A_87 : memref<1x1x32x64xi32, #tpu.memory_space<hbm>> -> memref<32x64xi32, #tpu.memory_space<hbm>>
    tpu.wait_dma2 semaphore(%arg14 : memref<!tpu.dma_semaphore, #tpu.memory_space<semaphore_mem>>) src(%dma_wait3A_88 : memref<32x64xi32, #tpu.memory_space<hbm>>) dst(%dma_wait3A_84 : memref<32x64xi32, #tpu.memory_space<vmem>>)
    %dma_wait3A_89 = arith.constant 0 : i32
    %dma_wait3A_90 = arith.constant 0 : i32
    %dma_wait3A_91 = tpu.memref_slice %arg7[%dma_wait3A_89, %dma_wait3A_90] : memref<64x64xi32, #tpu.memory_space<vmem>> -> memref<32x64xi32, #tpu.memory_space<vmem>>
    %dma_wait3A_92 = arith.constant 0 : i32
    %dma_wait3A_93 = arith.constant 0 : i32
    %dma_wait3A_94 = tpu.memref_slice %arg3[%arg1, %dma_wait3A_92, %dma_wait3A_93] : memref<16x160x64xi32, #tpu.memory_space<hbm>> -> memref<1x32x64xi32, #tpu.memory_space<hbm>>
    %dma_wait3A_95 = tpu.memref_squeeze %dma_wait3A_94 : memref<1x32x64xi32, #tpu.memory_space<hbm>> -> memref<32x64xi32, #tpu.memory_space<hbm>>
    %dma_wait3A_96 = arith.constant 0 : i32
    %dma_wait3A_97 = arith.constant 0 : i32
    %dma_wait3A_98 = tpu.memref_slice %arg7[%dma_wait3A_96, %dma_wait3A_97] : memref<64x64xi32, #tpu.memory_space<vmem>> -> memref<32x64xi32, #tpu.memory_space<vmem>>
    %dma_wait3A_99 = arith.constant 0 : i32
    %dma_wait3A_100 = arith.constant 0 : i32
    %dma_wait3A_101 = tpu.memref_slice %arg3[%arg1, %dma_wait3A_99, %dma_wait3A_100] : memref<16x160x64xi32, #tpu.memory_space<hbm>> -> memref<1x32x64xi32, #tpu.memory_space<hbm>>
    %dma_wait3A_102 = tpu.memref_squeeze %dma_wait3A_101 : memref<1x32x64xi32, #tpu.memory_space<hbm>> -> memref<32x64xi32, #tpu.memory_space<hbm>>
    tpu.wait_dma2 semaphore(%arg14 : memref<!tpu.dma_semaphore, #tpu.memory_space<semaphore_mem>>) src(%dma_wait3A_102 : memref<32x64xi32, #tpu.memory_space<hbm>>) dst(%dma_wait3A_98 : memref<32x64xi32, #tpu.memory_space<vmem>>)
    %dma_start3A_103 = arith.constant 32 : i32
    %dma_start3A_104 = arith.constant 0 : i32
    %dma_start3A_105 = tpu.memref_slice %arg6[%dma_start3A_103, %dma_start3A_104] : memref<64x64xi32, #tpu.memory_space<vmem>> -> memref<32x64xi32, #tpu.memory_space<vmem>>
    %dma_start3A_106 = arith.constant 32 : i32
    %dma_start3A_107 = arith.constant 0 : i32
    %dma_start3A_108 = tpu.memref_slice %arg2[%arg0, %arg1, %dma_start3A_106, %dma_start3A_107] : memref<2x16x160x64xi32, #tpu.memory_space<hbm>> -> memref<1x1x32x64xi32, #tpu.memory_space<hbm>>
    %dma_start3A_109 = tpu.memref_squeeze %dma_start3A_108 : memref<1x1x32x64xi32, #tpu.memory_space<hbm>> -> memref<32x64xi32, #tpu.memory_space<hbm>>
    %dma_start3A_110 = arith.constant 32 : i32
    %dma_start3A_111 = arith.constant 0 : i32
    %dma_start3A_112 = tpu.memref_slice %arg6[%dma_start3A_110, %dma_start3A_111] : memref<64x64xi32, #tpu.memory_space<vmem>> -> memref<32x64xi32, #tpu.memory_space<vmem>>
    %dma_start3A_113 = arith.constant 32 : i32
    %dma_start3A_114 = arith.constant 0 : i32
    %dma_start3A_115 = tpu.memref_slice %arg2[%arg0, %arg1, %dma_start3A_113, %dma_start3A_114] : memref<2x16x160x64xi32, #tpu.memory_space<hbm>> -> memref<1x1x32x64xi32, #tpu.memory_space<hbm>>
    %dma_start3A_116 = tpu.memref_squeeze %dma_start3A_115 : memref<1x1x32x64xi32, #tpu.memory_space<hbm>> -> memref<32x64xi32, #tpu.memory_space<hbm>>
    tpu.enqueue_dma source(%dma_start3A_116 : memref<32x64xi32, #tpu.memory_space<hbm>>) target(%dma_start3A_112 : memref<32x64xi32, #tpu.memory_space<vmem>>) target_semaphore(%arg14 : memref<!tpu.dma_semaphore, #tpu.memory_space<semaphore_mem>>)
    %dma_start3A_117 = arith.constant 32 : i32
    %dma_start3A_118 = arith.constant 0 : i32
    %dma_start3A_119 = tpu.memref_slice %arg7[%dma_start3A_117, %dma_start3A_118] : memref<64x64xi32, #tpu.memory_space<vmem>> -> memref<32x64xi32, #tpu.memory_space<vmem>>
    %dma_start3A_120 = arith.constant 32 : i32
    %dma_start3A_121 = arith.constant 0 : i32
    %dma_start3A_122 = tpu.memref_slice %arg3[%arg1, %dma_start3A_120, %dma_start3A_121] : memref<16x160x64xi32, #tpu.memory_space<hbm>> -> memref<1x32x64xi32, #tpu.memory_space<hbm>>
    %dma_start3A_123 = tpu.memref_squeeze %dma_start3A_122 : memref<1x32x64xi32, #tpu.memory_space<hbm>> -> memref<32x64xi32, #tpu.memory_space<hbm>>
    %dma_start3A_124 = arith.constant 32 : i32
    %dma_start3A_125 = arith.constant 0 : i32
    %dma_start3A_126 = tpu.memref_slice %arg7[%dma_start3A_124, %dma_start3A_125] : memref<64x64xi32, #tpu.memory_space<vmem>> -> memref<32x64xi32, #tpu.memory_space<vmem>>
    %dma_start3A_127 = arith.constant 32 : i32
    %dma_start3A_128 = arith.constant 0 : i32
    %dma_start3A_129 = tpu.memref_slice %arg3[%arg1, %dma_start3A_127, %dma_start3A_128] : memref<16x160x64xi32, #tpu.memory_space<hbm>> -> memref<1x32x64xi32, #tpu.memory_space<hbm>>
    %dma_start3A_130 = tpu.memref_squeeze %dma_start3A_129 : memref<1x32x64xi32, #tpu.memory_space<hbm>> -> memref<32x64xi32, #tpu.memory_space<hbm>>
    tpu.enqueue_dma source(%dma_start3A_130 : memref<32x64xi32, #tpu.memory_space<hbm>>) target(%dma_start3A_126 : memref<32x64xi32, #tpu.memory_space<vmem>>) target_semaphore(%arg14 : memref<!tpu.dma_semaphore, #tpu.memory_space<semaphore_mem>>)
    %dma_start3A_131 = arith.constant 0 : i32
    %dma_start3A_132 = arith.constant 0 : i32
    %dma_start3A_133 = arith.constant 0 : i32
    %dma_start3A_134 = arith.constant 0 : i32
    %dma_start3A_135 = tpu.memref_slice %arg8[%dma_start3A_132, %dma_start3A_133, %dma_start3A_134] : memref<4x64x128xf32, #tpu.memory_space<vmem>> -> memref<1x64x128xf32, #tpu.memory_space<vmem>>
    %dma_start3A_136 = tpu.memref_squeeze %dma_start3A_135 : memref<1x64x128xf32, #tpu.memory_space<vmem>> -> memref<64x128xf32, #tpu.memory_space<vmem>>
    %dma_start3A_137 = arith.constant 0 : i32
    %dma_start3A_138 = tpu.memref_slice %arg6[%dma_start3A_131, %dma_start3A_137] : memref<64x64xi32, #tpu.memory_space<vmem>> -> memref<1x64xi32, #tpu.memory_space<vmem>>
    %dma_start3A_139 = tpu.memref_squeeze %dma_start3A_138 : memref<1x64xi32, #tpu.memory_space<vmem>> -> memref<64xi32, #tpu.memory_space<vmem>>
    %dma_start3A_140 = arith.constant 0 : i32
    %dma_start3A_141 = arith.constant 0 : i32
    %dma_start3A_142 = tpu.memref_slice %arg4[%dma_start3A_140, %dma_start3A_141] : memref<20000x128xf32, #tpu.memory_space<hbm>> -> memref<20000x128xf32, #tpu.memory_space<hbm>>
    tpu.enqueue_indirect_dma source(%dma_start3A_142 : memref<20000x128xf32, #tpu.memory_space<hbm>>) target(%dma_start3A_136 : memref<64x128xf32, #tpu.memory_space<vmem>>) offsets(%dma_start3A_139 : memref<64xi32, #tpu.memory_space<vmem>>) semaphore(%arg10 : memref<!tpu.dma_semaphore, #tpu.memory_space<semaphore_mem>>)
    %dma_start3A_143 = arith.constant 1 : i32
    %dma_start3A_144 = arith.constant 1 : i32
    %dma_start3A_145 = arith.constant 0 : i32
    %dma_start3A_146 = arith.constant 0 : i32
    %dma_start3A_147 = tpu.memref_slice %arg8[%dma_start3A_144, %dma_start3A_145, %dma_start3A_146] : memref<4x64x128xf32, #tpu.memory_space<vmem>> -> memref<1x64x128xf32, #tpu.memory_space<vmem>>
    %dma_start3A_148 = tpu.memref_squeeze %dma_start3A_147 : memref<1x64x128xf32, #tpu.memory_space<vmem>> -> memref<64x128xf32, #tpu.memory_space<vmem>>
    %dma_start3A_149 = arith.constant 0 : i32
    %dma_start3A_150 = tpu.memref_slice %arg6[%dma_start3A_143, %dma_start3A_149] : memref<64x64xi32, #tpu.memory_space<vmem>> -> memref<1x64xi32, #tpu.memory_space<vmem>>
    %dma_start3A_151 = tpu.memref_squeeze %dma_start3A_150 : memref<1x64xi32, #tpu.memory_space<vmem>> -> memref<64xi32, #tpu.memory_space<vmem>>
    %dma_start3A_152 = arith.constant 0 : i32
    %dma_start3A_153 = arith.constant 0 : i32
    %dma_start3A_154 = tpu.memref_slice %arg4[%dma_start3A_152, %dma_start3A_153] : memref<20000x128xf32, #tpu.memory_space<hbm>> -> memref<20000x128xf32, #tpu.memory_space<hbm>>
    tpu.enqueue_indirect_dma source(%dma_start3A_154 : memref<20000x128xf32, #tpu.memory_space<hbm>>) target(%dma_start3A_148 : memref<64x128xf32, #tpu.memory_space<vmem>>) offsets(%dma_start3A_151 : memref<64xi32, #tpu.memory_space<vmem>>) semaphore(%arg11 : memref<!tpu.dma_semaphore, #tpu.memory_space<semaphore_mem>>)
    %dma_start3A_155 = arith.constant 2 : i32
    %dma_start3A_156 = arith.constant 2 : i32
    %dma_start3A_157 = arith.constant 0 : i32
    %dma_start3A_158 = arith.constant 0 : i32
    %dma_start3A_159 = tpu.memref_slice %arg8[%dma_start3A_156, %dma_start3A_157, %dma_start3A_158] : memref<4x64x128xf32, #tpu.memory_space<vmem>> -> memref<1x64x128xf32, #tpu.memory_space<vmem>>
    %dma_start3A_160 = tpu.memref_squeeze %dma_start3A_159 : memref<1x64x128xf32, #tpu.memory_space<vmem>> -> memref<64x128xf32, #tpu.memory_space<vmem>>
    %dma_start3A_161 = arith.constant 0 : i32
    %dma_start3A_162 = tpu.memref_slice %arg6[%dma_start3A_155, %dma_start3A_161] : memref<64x64xi32, #tpu.memory_space<vmem>> -> memref<1x64xi32, #tpu.memory_space<vmem>>
    %dma_start3A_163 = tpu.memref_squeeze %dma_start3A_162 : memref<1x64xi32, #tpu.memory_space<vmem>> -> memref<64xi32, #tpu.memory_space<vmem>>
    %dma_start3A_164 = arith.constant 0 : i32
    %dma_start3A_165 = arith.constant 0 : i32
    %dma_start3A_166 = tpu.memref_slice %arg4[%dma_start3A_164, %dma_start3A_165] : memref<20000x128xf32, #tpu.memory_space<hbm>> -> memref<20000x128xf32, #tpu.memory_space<hbm>>
    tpu.enqueue_indirect_dma source(%dma_start3A_166 : memref<20000x128xf32, #tpu.memory_space<hbm>>) target(%dma_start3A_160 : memref<64x128xf32, #tpu.memory_space<vmem>>) offsets(%dma_start3A_163 : memref<64xi32, #tpu.memory_space<vmem>>) semaphore(%arg12 : memref<!tpu.dma_semaphore, #tpu.memory_space<semaphore_mem>>)
    %dma_start3A_167 = arith.constant 3 : i32
    %dma_start3A_168 = arith.constant 3 : i32
    %dma_start3A_169 = arith.constant 0 : i32
    %dma_start3A_170 = arith.constant 0 : i32
    %dma_start3A_171 = tpu.memref_slice %arg8[%dma_start3A_168, %dma_start3A_169, %dma_start3A_170] : memref<4x64x128xf32, #tpu.memory_space<vmem>> -> memref<1x64x128xf32, #tpu.memory_space<vmem>>
    %dma_start3A_172 = tpu.memref_squeeze %dma_start3A_171 : memref<1x64x128xf32, #tpu.memory_space<vmem>> -> memref<64x128xf32, #tpu.memory_space<vmem>>
    %dma_start3A_173 = arith.constant 0 : i32
    %dma_start3A_174 = tpu.memref_slice %arg6[%dma_start3A_167, %dma_start3A_173] : memref<64x64xi32, #tpu.memory_space<vmem>> -> memref<1x64xi32, #tpu.memory_space<vmem>>
    %dma_start3A_175 = tpu.memref_squeeze %dma_start3A_174 : memref<1x64xi32, #tpu.memory_space<vmem>> -> memref<64xi32, #tpu.memory_space<vmem>>
    %dma_start3A_176 = arith.constant 0 : i32
    %dma_start3A_177 = arith.constant 0 : i32
    %dma_start3A_178 = tpu.memref_slice %arg4[%dma_start3A_176, %dma_start3A_177] : memref<20000x128xf32, #tpu.memory_space<hbm>> -> memref<20000x128xf32, #tpu.memory_space<hbm>>
    tpu.enqueue_indirect_dma source(%dma_start3A_178 : memref<20000x128xf32, #tpu.memory_space<hbm>>) target(%dma_start3A_172 : memref<64x128xf32, #tpu.memory_space<vmem>>) offsets(%dma_start3A_175 : memref<64xi32, #tpu.memory_space<vmem>>) semaphore(%arg13 : memref<!tpu.dma_semaphore, #tpu.memory_space<semaphore_mem>>)
    %scan3A = arith.constant 0 : i32
    %scan3A_179 = arith.constant 0 : i32
    %scan3A_180 = arith.constant 8 : i32
    %scan3A_181 = arith.addi %scan3A_179, %scan3A_180 : i32
    %scan3A_182 = arith.constant 1 : i32
    %scan3A_183 = scf.for %scan3A_606 = %scan3A_179 to %scan3A_181 step %scan3A_182 iter_args(%scan3A_607 = %scan3A) -> (i32)  : i32 {
      %mul3A_608 = arith.constant 4 : i32
      %mul3A_609 = arith.muli %mul3A_608, %scan3A_606 : i32
      %add3A_610 = arith.constant 0 : i32
      %add3A_611 = arith.addi %mul3A_609, %add3A_610 : i32
      %add3A_612 = arith.constant 0 : i32
      %add3A_613 = arith.addi %add3A_612, %add3A_611 : i32
      %dma_wait3A_614 = arith.constant 0 : i32
      %dma_wait3A_615 = arith.constant 0 : i32
      %dma_wait3A_616 = arith.constant 0 : i32
      %dma_wait3A_617 = tpu.memref_slice %arg8[%dma_wait3A_614, %dma_wait3A_615, %dma_wait3A_616] : memref<4x64x128xf32, #tpu.memory_space<vmem>> -> memref<1x64x128xf32, #tpu.memory_space<vmem>>
      %dma_wait3A_618 = tpu.memref_squeeze %dma_wait3A_617 : memref<1x64x128xf32, #tpu.memory_space<vmem>> -> memref<64x128xf32, #tpu.memory_space<vmem>>
      %dma_wait3A_619 = arith.constant 0 : i32
      %dma_wait3A_620 = tpu.memref_slice %arg6[%add3A_613, %dma_wait3A_619] : memref<64x64xi32, #tpu.memory_space<vmem>> -> memref<1x64xi32, #tpu.memory_space<vmem>>
      %dma_wait3A_621 = tpu.memref_squeeze %dma_wait3A_620 : memref<1x64xi32, #tpu.memory_space<vmem>> -> memref<64xi32, #tpu.memory_space<vmem>>
      %dma_wait3A_622 = arith.constant 0 : i32
      %dma_wait3A_623 = arith.constant 0 : i32
      %dma_wait3A_624 = tpu.memref_slice %arg4[%dma_wait3A_622, %dma_wait3A_623] : memref<20000x128xf32, #tpu.memory_space<hbm>> -> memref<20000x128xf32, #tpu.memory_space<hbm>>
      tpu.wait_indirect_dma semaphore(%arg10 : memref<!tpu.dma_semaphore, #tpu.memory_space<semaphore_mem>>) src(%dma_wait3A_624 : memref<20000x128xf32, #tpu.memory_space<hbm>>) dst(%dma_wait3A_618 : memref<64x128xf32, #tpu.memory_space<vmem>>)
      %add3A_625 = arith.constant 0 : i32
      %add3A_626 = arith.addi %add3A_625, %add3A_611 : i32
      %run_scoped3A_627 = arith.constant 0 : i32
      "tpu.region"() ({
        %run_scoped3A_714 = tpu.sem_alloc : memref<!tpu.dma_semaphore, #tpu.memory_space<semaphore_mem>>
        %dma_start3A_715 = arith.constant 0 : i32
        %dma_start3A_716 = arith.constant 0 : i32
        %dma_start3A_717 = tpu.memref_slice %arg8[%run_scoped3A_627, %dma_start3A_715, %dma_start3A_716] : memref<4x64x128xf32, #tpu.memory_space<vmem>> -> memref<1x64x128xf32, #tpu.memory_space<vmem>>
        %dma_start3A_718 = tpu.memref_squeeze %dma_start3A_717 : memref<1x64x128xf32, #tpu.memory_space<vmem>> -> memref<64x128xf32, #tpu.memory_space<vmem>>
        %dma_start3A_719 = arith.constant 0 : i32
        %dma_start3A_720 = tpu.memref_slice %arg7[%add3A_626, %dma_start3A_719] : memref<64x64xi32, #tpu.memory_space<vmem>> -> memref<1x64xi32, #tpu.memory_space<vmem>>
        %dma_start3A_721 = tpu.memref_squeeze %dma_start3A_720 : memref<1x64xi32, #tpu.memory_space<vmem>> -> memref<64xi32, #tpu.memory_space<vmem>>
        %dma_start3A_722 = arith.constant 0 : i32
        %dma_start3A_723 = arith.constant 0 : i32
        %dma_start3A_724 = tpu.memref_slice %arg9[%dma_start3A_722, %dma_start3A_723] : memref<10240x128xf32, #tpu.memory_space<vmem_shared>> -> memref<10240x128xf32, #tpu.memory_space<vmem_shared>>
        tpu.enqueue_indirect_dma source(%dma_start3A_718 : memref<64x128xf32, #tpu.memory_space<vmem>>) target(%dma_start3A_724 : memref<10240x128xf32, #tpu.memory_space<vmem_shared>>) offsets(%dma_start3A_721 : memref<64xi32, #tpu.memory_space<vmem>>) semaphore(%run_scoped3A_714 : memref<!tpu.dma_semaphore, #tpu.memory_space<semaphore_mem>>) {add = true}
        %dma_wait3A_725 = arith.constant 0 : i32
        %dma_wait3A_726 = arith.constant 0 : i32
        %dma_wait3A_727 = tpu.memref_slice %arg8[%run_scoped3A_627, %dma_wait3A_725, %dma_wait3A_726] : memref<4x64x128xf32, #tpu.memory_space<vmem>> -> memref<1x64x128xf32, #tpu.memory_space<vmem>>
        %dma_wait3A_728 = tpu.memref_squeeze %dma_wait3A_727 : memref<1x64x128xf32, #tpu.memory_space<vmem>> -> memref<64x128xf32, #tpu.memory_space<vmem>>
        %dma_wait3A_729 = arith.constant 0 : i32
        %dma_wait3A_730 = tpu.memref_slice %arg7[%add3A_626, %dma_wait3A_729] : memref<64x64xi32, #tpu.memory_space<vmem>> -> memref<1x64xi32, #tpu.memory_space<vmem>>
        %dma_wait3A_731 = tpu.memref_squeeze %dma_wait3A_730 : memref<1x64xi32, #tpu.memory_space<vmem>> -> memref<64xi32, #tpu.memory_space<vmem>>
        %dma_wait3A_732 = arith.constant 0 : i32
        %dma_wait3A_733 = arith.constant 0 : i32
        %dma_wait3A_734 = tpu.memref_slice %arg9[%dma_wait3A_732, %dma_wait3A_733] : memref<10240x128xf32, #tpu.memory_space<vmem_shared>> -> memref<10240x128xf32, #tpu.memory_space<vmem_shared>>
        tpu.wait_indirect_dma semaphore(%run_scoped3A_714 : memref<!tpu.dma_semaphore, #tpu.memory_space<semaphore_mem>>) src(%dma_wait3A_728 : memref<64x128xf32, #tpu.memory_space<vmem>>) dst(%dma_wait3A_734 : memref<10240x128xf32, #tpu.memory_space<vmem_shared>>)
        tpu.yield
      }) : () -> ()
      %add3A_628 = arith.constant 4 : i32
      %add3A_629 = arith.addi %add3A_611, %add3A_628 : i32
      %lt3A = arith.constant 32 : i32
      %lt3A_630 = arith.cmpi slt, %add3A_629, %lt3A : i32
      %convert_element_type3A = arith.extui %lt3A_630 : i1 to i32
      %cond3A = arith.constant 0 : i32
      %cond3A_631 = arith.cmpi ne, %convert_element_type3A, %cond3A : i32
      scf.if %cond3A_631 {
        %add3A_714 = arith.constant 0 : i32
        %add3A_715 = arith.addi %add3A_714, %add3A_629 : i32
        %dma_start3A_716 = arith.constant 0 : i32
        %dma_start3A_717 = arith.constant 0 : i32
        %dma_start3A_718 = arith.constant 0 : i32
        %dma_start3A_719 = tpu.memref_slice %arg8[%dma_start3A_716, %dma_start3A_717, %dma_start3A_718] : memref<4x64x128xf32, #tpu.memory_space<vmem>> -> memref<1x64x128xf32, #tpu.memory_space<vmem>>
        %dma_start3A_720 = tpu.memref_squeeze %dma_start3A_719 : memref<1x64x128xf32, #tpu.memory_space<vmem>> -> memref<64x128xf32, #tpu.memory_space<vmem>>
        %dma_start3A_721 = arith.constant 0 : i32
        %dma_start3A_722 = tpu.memref_slice %arg6[%add3A_715, %dma_start3A_721] : memref<64x64xi32, #tpu.memory_space<vmem>> -> memref<1x64xi32, #tpu.memory_space<vmem>>
        %dma_start3A_723 = tpu.memref_squeeze %dma_start3A_722 : memref<1x64xi32, #tpu.memory_space<vmem>> -> memref<64xi32, #tpu.memory_space<vmem>>
        %dma_start3A_724 = arith.constant 0 : i32
        %dma_start3A_725 = arith.constant 0 : i32
        %dma_start3A_726 = tpu.memref_slice %arg4[%dma_start3A_724, %dma_start3A_725] : memref<20000x128xf32, #tpu.memory_space<hbm>> -> memref<20000x128xf32, #tpu.memory_space<hbm>>
        tpu.enqueue_indirect_dma source(%dma_start3A_726 : memref<20000x128xf32, #tpu.memory_space<hbm>>) target(%dma_start3A_720 : memref<64x128xf32, #tpu.memory_space<vmem>>) offsets(%dma_start3A_723 : memref<64xi32, #tpu.memory_space<vmem>>) semaphore(%arg10 : memref<!tpu.dma_semaphore, #tpu.memory_space<semaphore_mem>>)
      } else {
      }
      %mul3A_632 = arith.constant 4 : i32
      %mul3A_633 = arith.muli %mul3A_632, %scan3A_606 : i32
      %add3A_634 = arith.constant 1 : i32
      %add3A_635 = arith.addi %mul3A_633, %add3A_634 : i32
      %add3A_636 = arith.constant 0 : i32
      %add3A_637 = arith.addi %add3A_636, %add3A_635 : i32
      %dma_wait3A_638 = arith.constant 1 : i32
      %dma_wait3A_639 = arith.constant 0 : i32
      %dma_wait3A_640 = arith.constant 0 : i32
      %dma_wait3A_641 = tpu.memref_slice %arg8[%dma_wait3A_638, %dma_wait3A_639, %dma_wait3A_640] : memref<4x64x128xf32, #tpu.memory_space<vmem>> -> memref<1x64x128xf32, #tpu.memory_space<vmem>>
      %dma_wait3A_642 = tpu.memref_squeeze %dma_wait3A_641 : memref<1x64x128xf32, #tpu.memory_space<vmem>> -> memref<64x128xf32, #tpu.memory_space<vmem>>
      %dma_wait3A_643 = arith.constant 0 : i32
      %dma_wait3A_644 = tpu.memref_slice %arg6[%add3A_637, %dma_wait3A_643] : memref<64x64xi32, #tpu.memory_space<vmem>> -> memref<1x64xi32, #tpu.memory_space<vmem>>
      %dma_wait3A_645 = tpu.memref_squeeze %dma_wait3A_644 : memref<1x64xi32, #tpu.memory_space<vmem>> -> memref<64xi32, #tpu.memory_space<vmem>>
      %dma_wait3A_646 = arith.constant 0 : i32
      %dma_wait3A_647 = arith.constant 0 : i32
      %dma_wait3A_648 = tpu.memref_slice %arg4[%dma_wait3A_646, %dma_wait3A_647] : memref<20000x128xf32, #tpu.memory_space<hbm>> -> memref<20000x128xf32, #tpu.memory_space<hbm>>
      tpu.wait_indirect_dma semaphore(%arg11 : memref<!tpu.dma_semaphore, #tpu.memory_space<semaphore_mem>>) src(%dma_wait3A_648 : memref<20000x128xf32, #tpu.memory_space<hbm>>) dst(%dma_wait3A_642 : memref<64x128xf32, #tpu.memory_space<vmem>>)
      %add3A_649 = arith.constant 0 : i32
      %add3A_650 = arith.addi %add3A_649, %add3A_635 : i32
      %run_scoped3A_651 = arith.constant 1 : i32
      "tpu.region"() ({
        %run_scoped3A_714 = tpu.sem_alloc : memref<!tpu.dma_semaphore, #tpu.memory_space<semaphore_mem>>
        %dma_start3A_715 = arith.constant 0 : i32
        %dma_start3A_716 = arith.constant 0 : i32
        %dma_start3A_717 = tpu.memref_slice %arg8[%run_scoped3A_651, %dma_start3A_715, %dma_start3A_716] : memref<4x64x128xf32, #tpu.memory_space<vmem>> -> memref<1x64x128xf32, #tpu.memory_space<vmem>>
        %dma_start3A_718 = tpu.memref_squeeze %dma_start3A_717 : memref<1x64x128xf32, #tpu.memory_space<vmem>> -> memref<64x128xf32, #tpu.memory_space<vmem>>
        %dma_start3A_719 = arith.constant 0 : i32
        %dma_start3A_720 = tpu.memref_slice %arg7[%add3A_650, %dma_start3A_719] : memref<64x64xi32, #tpu.memory_space<vmem>> -> memref<1x64xi32, #tpu.memory_space<vmem>>
        %dma_start3A_721 = tpu.memref_squeeze %dma_start3A_720 : memref<1x64xi32, #tpu.memory_space<vmem>> -> memref<64xi32, #tpu.memory_space<vmem>>
        %dma_start3A_722 = arith.constant 0 : i32
        %dma_start3A_723 = arith.constant 0 : i32
        %dma_start3A_724 = tpu.memref_slice %arg9[%dma_start3A_722, %dma_start3A_723] : memref<10240x128xf32, #tpu.memory_space<vmem_shared>> -> memref<10240x128xf32, #tpu.memory_space<vmem_shared>>
        tpu.enqueue_indirect_dma source(%dma_start3A_718 : memref<64x128xf32, #tpu.memory_space<vmem>>) target(%dma_start3A_724 : memref<10240x128xf32, #tpu.memory_space<vmem_shared>>) offsets(%dma_start3A_721 : memref<64xi32, #tpu.memory_space<vmem>>) semaphore(%run_scoped3A_714 : memref<!tpu.dma_semaphore, #tpu.memory_space<semaphore_mem>>) {add = true}
        %dma_wait3A_725 = arith.constant 0 : i32
        %dma_wait3A_726 = arith.constant 0 : i32
        %dma_wait3A_727 = tpu.memref_slice %arg8[%run_scoped3A_651, %dma_wait3A_725, %dma_wait3A_726] : memref<4x64x128xf32, #tpu.memory_space<vmem>> -> memref<1x64x128xf32, #tpu.memory_space<vmem>>
        %dma_wait3A_728 = tpu.memref_squeeze %dma_wait3A_727 : memref<1x64x128xf32, #tpu.memory_space<vmem>> -> memref<64x128xf32, #tpu.memory_space<vmem>>
        %dma_wait3A_729 = arith.constant 0 : i32
        %dma_wait3A_730 = tpu.memref_slice %arg7[%add3A_650, %dma_wait3A_729] : memref<64x64xi32, #tpu.memory_space<vmem>> -> memref<1x64xi32, #tpu.memory_space<vmem>>
        %dma_wait3A_731 = tpu.memref_squeeze %dma_wait3A_730 : memref<1x64xi32, #tpu.memory_space<vmem>> -> memref<64xi32, #tpu.memory_space<vmem>>
        %dma_wait3A_732 = arith.constant 0 : i32
        %dma_wait3A_733 = arith.constant 0 : i32
        %dma_wait3A_734 = tpu.memref_slice %arg9[%dma_wait3A_732, %dma_wait3A_733] : memref<10240x128xf32, #tpu.memory_space<vmem_shared>> -> memref<10240x128xf32, #tpu.memory_space<vmem_shared>>
        tpu.wait_indirect_dma semaphore(%run_scoped3A_714 : memref<!tpu.dma_semaphore, #tpu.memory_space<semaphore_mem>>) src(%dma_wait3A_728 : memref<64x128xf32, #tpu.memory_space<vmem>>) dst(%dma_wait3A_734 : memref<10240x128xf32, #tpu.memory_space<vmem_shared>>)
        tpu.yield
      }) : () -> ()
      %add3A_652 = arith.constant 4 : i32
      %add3A_653 = arith.addi %add3A_635, %add3A_652 : i32
      %lt3A_654 = arith.constant 32 : i32
      %lt3A_655 = arith.cmpi slt, %add3A_653, %lt3A_654 : i32
      %convert_element_type3A_656 = arith.extui %lt3A_655 : i1 to i32
      %cond3A_657 = arith.constant 0 : i32
      %cond3A_658 = arith.cmpi ne, %convert_element_type3A_656, %cond3A_657 : i32
      scf.if %cond3A_658 {
        %add3A_714 = arith.constant 0 : i32
        %add3A_715 = arith.addi %add3A_714, %add3A_653 : i32
        %dma_start3A_716 = arith.constant 1 : i32
        %dma_start3A_717 = arith.constant 0 : i32
        %dma_start3A_718 = arith.constant 0 : i32
        %dma_start3A_719 = tpu.memref_slice %arg8[%dma_start3A_716, %dma_start3A_717, %dma_start3A_718] : memref<4x64x128xf32, #tpu.memory_space<vmem>> -> memref<1x64x128xf32, #tpu.memory_space<vmem>>
        %dma_start3A_720 = tpu.memref_squeeze %dma_start3A_719 : memref<1x64x128xf32, #tpu.memory_space<vmem>> -> memref<64x128xf32, #tpu.memory_space<vmem>>
        %dma_start3A_721 = arith.constant 0 : i32
        %dma_start3A_722 = tpu.memref_slice %arg6[%add3A_715, %dma_start3A_721] : memref<64x64xi32, #tpu.memory_space<vmem>> -> memref<1x64xi32, #tpu.memory_space<vmem>>
        %dma_start3A_723 = tpu.memref_squeeze %dma_start3A_722 : memref<1x64xi32, #tpu.memory_space<vmem>> -> memref<64xi32, #tpu.memory_space<vmem>>
        %dma_start3A_724 = arith.constant 0 : i32
        %dma_start3A_725 = arith.constant 0 : i32
        %dma_start3A_726 = tpu.memref_slice %arg4[%dma_start3A_724, %dma_start3A_725] : memref<20000x128xf32, #tpu.memory_space<hbm>> -> memref<20000x128xf32, #tpu.memory_space<hbm>>
        tpu.enqueue_indirect_dma source(%dma_start3A_726 : memref<20000x128xf32, #tpu.memory_space<hbm>>) target(%dma_start3A_720 : memref<64x128xf32, #tpu.memory_space<vmem>>) offsets(%dma_start3A_723 : memref<64xi32, #tpu.memory_space<vmem>>) semaphore(%arg11 : memref<!tpu.dma_semaphore, #tpu.memory_space<semaphore_mem>>)
      } else {
      }
      %mul3A_659 = arith.constant 4 : i32
      %mul3A_660 = arith.muli %mul3A_659, %scan3A_606 : i32
      %add3A_661 = arith.constant 2 : i32
      %add3A_662 = arith.addi %mul3A_660, %add3A_661 : i32
      %add3A_663 = arith.constant 0 : i32
      %add3A_664 = arith.addi %add3A_663, %add3A_662 : i32
      %dma_wait3A_665 = arith.constant 2 : i32
      %dma_wait3A_666 = arith.constant 0 : i32
      %dma_wait3A_667 = arith.constant 0 : i32
      %dma_wait3A_668 = tpu.memref_slice %arg8[%dma_wait3A_665, %dma_wait3A_666, %dma_wait3A_667] : memref<4x64x128xf32, #tpu.memory_space<vmem>> -> memref<1x64x128xf32, #tpu.memory_space<vmem>>
      %dma_wait3A_669 = tpu.memref_squeeze %dma_wait3A_668 : memref<1x64x128xf32, #tpu.memory_space<vmem>> -> memref<64x128xf32, #tpu.memory_space<vmem>>
      %dma_wait3A_670 = arith.constant 0 : i32
      %dma_wait3A_671 = tpu.memref_slice %arg6[%add3A_664, %dma_wait3A_670] : memref<64x64xi32, #tpu.memory_space<vmem>> -> memref<1x64xi32, #tpu.memory_space<vmem>>
      %dma_wait3A_672 = tpu.memref_squeeze %dma_wait3A_671 : memref<1x64xi32, #tpu.memory_space<vmem>> -> memref<64xi32, #tpu.memory_space<vmem>>
      %dma_wait3A_673 = arith.constant 0 : i32
      %dma_wait3A_674 = arith.constant 0 : i32
      %dma_wait3A_675 = tpu.memref_slice %arg4[%dma_wait3A_673, %dma_wait3A_674] : memref<20000x128xf32, #tpu.memory_space<hbm>> -> memref<20000x128xf32, #tpu.memory_space<hbm>>
      tpu.wait_indirect_dma semaphore(%arg12 : memref<!tpu.dma_semaphore, #tpu.memory_space<semaphore_mem>>) src(%dma_wait3A_675 : memref<20000x128xf32, #tpu.memory_space<hbm>>) dst(%dma_wait3A_669 : memref<64x128xf32, #tpu.memory_space<vmem>>)
      %add3A_676 = arith.constant 0 : i32
      %add3A_677 = arith.addi %add3A_676, %add3A_662 : i32
      %run_scoped3A_678 = arith.constant 2 : i32
      "tpu.region"() ({
        %run_scoped3A_714 = tpu.sem_alloc : memref<!tpu.dma_semaphore, #tpu.memory_space<semaphore_mem>>
        %dma_start3A_715 = arith.constant 0 : i32
        %dma_start3A_716 = arith.constant 0 : i32
        %dma_start3A_717 = tpu.memref_slice %arg8[%run_scoped3A_678, %dma_start3A_715, %dma_start3A_716] : memref<4x64x128xf32, #tpu.memory_space<vmem>> -> memref<1x64x128xf32, #tpu.memory_space<vmem>>
        %dma_start3A_718 = tpu.memref_squeeze %dma_start3A_717 : memref<1x64x128xf32, #tpu.memory_space<vmem>> -> memref<64x128xf32, #tpu.memory_space<vmem>>
        %dma_start3A_719 = arith.constant 0 : i32
        %dma_start3A_720 = tpu.memref_slice %arg7[%add3A_677, %dma_start3A_719] : memref<64x64xi32, #tpu.memory_space<vmem>> -> memref<1x64xi32, #tpu.memory_space<vmem>>
        %dma_start3A_721 = tpu.memref_squeeze %dma_start3A_720 : memref<1x64xi32, #tpu.memory_space<vmem>> -> memref<64xi32, #tpu.memory_space<vmem>>
        %dma_start3A_722 = arith.constant 0 : i32
        %dma_start3A_723 = arith.constant 0 : i32
        %dma_start3A_724 = tpu.memref_slice %arg9[%dma_start3A_722, %dma_start3A_723] : memref<10240x128xf32, #tpu.memory_space<vmem_shared>> -> memref<10240x128xf32, #tpu.memory_space<vmem_shared>>
        tpu.enqueue_indirect_dma source(%dma_start3A_718 : memref<64x128xf32, #tpu.memory_space<vmem>>) target(%dma_start3A_724 : memref<10240x128xf32, #tpu.memory_space<vmem_shared>>) offsets(%dma_start3A_721 : memref<64xi32, #tpu.memory_space<vmem>>) semaphore(%run_scoped3A_714 : memref<!tpu.dma_semaphore, #tpu.memory_space<semaphore_mem>>) {add = true}
        %dma_wait3A_725 = arith.constant 0 : i32
        %dma_wait3A_726 = arith.constant 0 : i32
        %dma_wait3A_727 = tpu.memref_slice %arg8[%run_scoped3A_678, %dma_wait3A_725, %dma_wait3A_726] : memref<4x64x128xf32, #tpu.memory_space<vmem>> -> memref<1x64x128xf32, #tpu.memory_space<vmem>>
        %dma_wait3A_728 = tpu.memref_squeeze %dma_wait3A_727 : memref<1x64x128xf32, #tpu.memory_space<vmem>> -> memref<64x128xf32, #tpu.memory_space<vmem>>
        %dma_wait3A_729 = arith.constant 0 : i32
        %dma_wait3A_730 = tpu.memref_slice %arg7[%add3A_677, %dma_wait3A_729] : memref<64x64xi32, #tpu.memory_space<vmem>> -> memref<1x64xi32, #tpu.memory_space<vmem>>
        %dma_wait3A_731 = tpu.memref_squeeze %dma_wait3A_730 : memref<1x64xi32, #tpu.memory_space<vmem>> -> memref<64xi32, #tpu.memory_space<vmem>>
        %dma_wait3A_732 = arith.constant 0 : i32
        %dma_wait3A_733 = arith.constant 0 : i32
        %dma_wait3A_734 = tpu.memref_slice %arg9[%dma_wait3A_732, %dma_wait3A_733] : memref<10240x128xf32, #tpu.memory_space<vmem_shared>> -> memref<10240x128xf32, #tpu.memory_space<vmem_shared>>
        tpu.wait_indirect_dma semaphore(%run_scoped3A_714 : memref<!tpu.dma_semaphore, #tpu.memory_space<semaphore_mem>>) src(%dma_wait3A_728 : memref<64x128xf32, #tpu.memory_space<vmem>>) dst(%dma_wait3A_734 : memref<10240x128xf32, #tpu.memory_space<vmem_shared>>)
        tpu.yield
      }) : () -> ()
      %add3A_679 = arith.constant 4 : i32
      %add3A_680 = arith.addi %add3A_662, %add3A_679 : i32
      %lt3A_681 = arith.constant 32 : i32
      %lt3A_682 = arith.cmpi slt, %add3A_680, %lt3A_681 : i32
      %convert_element_type3A_683 = arith.extui %lt3A_682 : i1 to i32
      %cond3A_684 = arith.constant 0 : i32
      %cond3A_685 = arith.cmpi ne, %convert_element_type3A_683, %cond3A_684 : i32
      scf.if %cond3A_685 {
        %add3A_714 = arith.constant 0 : i32
        %add3A_715 = arith.addi %add3A_714, %add3A_680 : i32
        %dma_start3A_716 = arith.constant 2 : i32
        %dma_start3A_717 = arith.constant 0 : i32
        %dma_start3A_718 = arith.constant 0 : i32
        %dma_start3A_719 = tpu.memref_slice %arg8[%dma_start3A_716, %dma_start3A_717, %dma_start3A_718] : memref<4x64x128xf32, #tpu.memory_space<vmem>> -> memref<1x64x128xf32, #tpu.memory_space<vmem>>
        %dma_start3A_720 = tpu.memref_squeeze %dma_start3A_719 : memref<1x64x128xf32, #tpu.memory_space<vmem>> -> memref<64x128xf32, #tpu.memory_space<vmem>>
        %dma_start3A_721 = arith.constant 0 : i32
        %dma_start3A_722 = tpu.memref_slice %arg6[%add3A_715, %dma_start3A_721] : memref<64x64xi32, #tpu.memory_space<vmem>> -> memref<1x64xi32, #tpu.memory_space<vmem>>
        %dma_start3A_723 = tpu.memref_squeeze %dma_start3A_722 : memref<1x64xi32, #tpu.memory_space<vmem>> -> memref<64xi32, #tpu.memory_space<vmem>>
        %dma_start3A_724 = arith.constant 0 : i32
        %dma_start3A_725 = arith.constant 0 : i32
        %dma_start3A_726 = tpu.memref_slice %arg4[%dma_start3A_724, %dma_start3A_725] : memref<20000x128xf32, #tpu.memory_space<hbm>> -> memref<20000x128xf32, #tpu.memory_space<hbm>>
        tpu.enqueue_indirect_dma source(%dma_start3A_726 : memref<20000x128xf32, #tpu.memory_space<hbm>>) target(%dma_start3A_720 : memref<64x128xf32, #tpu.memory_space<vmem>>) offsets(%dma_start3A_723 : memref<64xi32, #tpu.memory_space<vmem>>) semaphore(%arg12 : memref<!tpu.dma_semaphore, #tpu.memory_space<semaphore_mem>>)
      } else {
      }
      %mul3A_686 = arith.constant 4 : i32
      %mul3A_687 = arith.muli %mul3A_686, %scan3A_606 : i32
      %add3A_688 = arith.constant 3 : i32
      %add3A_689 = arith.addi %mul3A_687, %add3A_688 : i32
      %add3A_690 = arith.constant 0 : i32
      %add3A_691 = arith.addi %add3A_690, %add3A_689 : i32
      %dma_wait3A_692 = arith.constant 3 : i32
      %dma_wait3A_693 = arith.constant 0 : i32
      %dma_wait3A_694 = arith.constant 0 : i32
      %dma_wait3A_695 = tpu.memref_slice %arg8[%dma_wait3A_692, %dma_wait3A_693, %dma_wait3A_694] : memref<4x64x128xf32, #tpu.memory_space<vmem>> -> memref<1x64x128xf32, #tpu.memory_space<vmem>>
      %dma_wait3A_696 = tpu.memref_squeeze %dma_wait3A_695 : memref<1x64x128xf32, #tpu.memory_space<vmem>> -> memref<64x128xf32, #tpu.memory_space<vmem>>
      %dma_wait3A_697 = arith.constant 0 : i32
      %dma_wait3A_698 = tpu.memref_slice %arg6[%add3A_691, %dma_wait3A_697] : memref<64x64xi32, #tpu.memory_space<vmem>> -> memref<1x64xi32, #tpu.memory_space<vmem>>
      %dma_wait3A_699 = tpu.memref_squeeze %dma_wait3A_698 : memref<1x64xi32, #tpu.memory_space<vmem>> -> memref<64xi32, #tpu.memory_space<vmem>>
      %dma_wait3A_700 = arith.constant 0 : i32
      %dma_wait3A_701 = arith.constant 0 : i32
      %dma_wait3A_702 = tpu.memref_slice %arg4[%dma_wait3A_700, %dma_wait3A_701] : memref<20000x128xf32, #tpu.memory_space<hbm>> -> memref<20000x128xf32, #tpu.memory_space<hbm>>
      tpu.wait_indirect_dma semaphore(%arg13 : memref<!tpu.dma_semaphore, #tpu.memory_space<semaphore_mem>>) src(%dma_wait3A_702 : memref<20000x128xf32, #tpu.memory_space<hbm>>) dst(%dma_wait3A_696 : memref<64x128xf32, #tpu.memory_space<vmem>>)
      %add3A_703 = arith.constant 0 : i32
      %add3A_704 = arith.addi %add3A_703, %add3A_689 : i32
      %run_scoped3A_705 = arith.constant 3 : i32
      "tpu.region"() ({
        %run_scoped3A_714 = tpu.sem_alloc : memref<!tpu.dma_semaphore, #tpu.memory_space<semaphore_mem>>
        %dma_start3A_715 = arith.constant 0 : i32
        %dma_start3A_716 = arith.constant 0 : i32
        %dma_start3A_717 = tpu.memref_slice %arg8[%run_scoped3A_705, %dma_start3A_715, %dma_start3A_716] : memref<4x64x128xf32, #tpu.memory_space<vmem>> -> memref<1x64x128xf32, #tpu.memory_space<vmem>>
        %dma_start3A_718 = tpu.memref_squeeze %dma_start3A_717 : memref<1x64x128xf32, #tpu.memory_space<vmem>> -> memref<64x128xf32, #tpu.memory_space<vmem>>
        %dma_start3A_719 = arith.constant 0 : i32
        %dma_start3A_720 = tpu.memref_slice %arg7[%add3A_704, %dma_start3A_719] : memref<64x64xi32, #tpu.memory_space<vmem>> -> memref<1x64xi32, #tpu.memory_space<vmem>>
        %dma_start3A_721 = tpu.memref_squeeze %dma_start3A_720 : memref<1x64xi32, #tpu.memory_space<vmem>> -> memref<64xi32, #tpu.memory_space<vmem>>
        %dma_start3A_722 = arith.constant 0 : i32
        %dma_start3A_723 = arith.constant 0 : i32
        %dma_start3A_724 = tpu.memref_slice %arg9[%dma_start3A_722, %dma_start3A_723] : memref<10240x128xf32, #tpu.memory_space<vmem_shared>> -> memref<10240x128xf32, #tpu.memory_space<vmem_shared>>
        tpu.enqueue_indirect_dma source(%dma_start3A_718 : memref<64x128xf32, #tpu.memory_space<vmem>>) target(%dma_start3A_724 : memref<10240x128xf32, #tpu.memory_space<vmem_shared>>) offsets(%dma_start3A_721 : memref<64xi32, #tpu.memory_space<vmem>>) semaphore(%run_scoped3A_714 : memref<!tpu.dma_semaphore, #tpu.memory_space<semaphore_mem>>) {add = true}
        %dma_wait3A_725 = arith.constant 0 : i32
        %dma_wait3A_726 = arith.constant 0 : i32
        %dma_wait3A_727 = tpu.memref_slice %arg8[%run_scoped3A_705, %dma_wait3A_725, %dma_wait3A_726] : memref<4x64x128xf32, #tpu.memory_space<vmem>> -> memref<1x64x128xf32, #tpu.memory_space<vmem>>
        %dma_wait3A_728 = tpu.memref_squeeze %dma_wait3A_727 : memref<1x64x128xf32, #tpu.memory_space<vmem>> -> memref<64x128xf32, #tpu.memory_space<vmem>>
        %dma_wait3A_729 = arith.constant 0 : i32
        %dma_wait3A_730 = tpu.memref_slice %arg7[%add3A_704, %dma_wait3A_729] : memref<64x64xi32, #tpu.memory_space<vmem>> -> memref<1x64xi32, #tpu.memory_space<vmem>>
        %dma_wait3A_731 = tpu.memref_squeeze %dma_wait3A_730 : memref<1x64xi32, #tpu.memory_space<vmem>> -> memref<64xi32, #tpu.memory_space<vmem>>
        %dma_wait3A_732 = arith.constant 0 : i32
        %dma_wait3A_733 = arith.constant 0 : i32
        %dma_wait3A_734 = tpu.memref_slice %arg9[%dma_wait3A_732, %dma_wait3A_733] : memref<10240x128xf32, #tpu.memory_space<vmem_shared>> -> memref<10240x128xf32, #tpu.memory_space<vmem_shared>>
        tpu.wait_indirect_dma semaphore(%run_scoped3A_714 : memref<!tpu.dma_semaphore, #tpu.memory_space<semaphore_mem>>) src(%dma_wait3A_728 : memref<64x128xf32, #tpu.memory_space<vmem>>) dst(%dma_wait3A_734 : memref<10240x128xf32, #tpu.memory_space<vmem_shared>>)
        tpu.yield
      }) : () -> ()
      %add3A_706 = arith.constant 4 : i32
      %add3A_707 = arith.addi %add3A_689, %add3A_706 : i32
      %lt3A_708 = arith.constant 32 : i32
      %lt3A_709 = arith.cmpi slt, %add3A_707, %lt3A_708 : i32
      %convert_element_type3A_710 = arith.extui %lt3A_709 : i1 to i32
      %cond3A_711 = arith.constant 0 : i32
      %cond3A_712 = arith.cmpi ne, %convert_element_type3A_710, %cond3A_711 : i32
      scf.if %cond3A_712 {
        %add3A_714 = arith.constant 0 : i32
        %add3A_715 = arith.addi %add3A_714, %add3A_707 : i32
        %dma_start3A_716 = arith.constant 3 : i32
        %dma_start3A_717 = arith.constant 0 : i32
        %dma_start3A_718 = arith.constant 0 : i32
        %dma_start3A_719 = tpu.memref_slice %arg8[%dma_start3A_716, %dma_start3A_717, %dma_start3A_718] : memref<4x64x128xf32, #tpu.memory_space<vmem>> -> memref<1x64x128xf32, #tpu.memory_space<vmem>>
        %dma_start3A_720 = tpu.memref_squeeze %dma_start3A_719 : memref<1x64x128xf32, #tpu.memory_space<vmem>> -> memref<64x128xf32, #tpu.memory_space<vmem>>
        %dma_start3A_721 = arith.constant 0 : i32
        %dma_start3A_722 = tpu.memref_slice %arg6[%add3A_715, %dma_start3A_721] : memref<64x64xi32, #tpu.memory_space<vmem>> -> memref<1x64xi32, #tpu.memory_space<vmem>>
        %dma_start3A_723 = tpu.memref_squeeze %dma_start3A_722 : memref<1x64xi32, #tpu.memory_space<vmem>> -> memref<64xi32, #tpu.memory_space<vmem>>
        %dma_start3A_724 = arith.constant 0 : i32
        %dma_start3A_725 = arith.constant 0 : i32
        %dma_start3A_726 = tpu.memref_slice %arg4[%dma_start3A_724, %dma_start3A_725] : memref<20000x128xf32, #tpu.memory_space<hbm>> -> memref<20000x128xf32, #tpu.memory_space<hbm>>
        tpu.enqueue_indirect_dma source(%dma_start3A_726 : memref<20000x128xf32, #tpu.memory_space<hbm>>) target(%dma_start3A_720 : memref<64x128xf32, #tpu.memory_space<vmem>>) offsets(%dma_start3A_723 : memref<64xi32, #tpu.memory_space<vmem>>) semaphore(%arg13 : memref<!tpu.dma_semaphore, #tpu.memory_space<semaphore_mem>>)
      } else {
      }
      %scan3A_713 = arith.constant 0 : i32
      scf.yield %scan3A_713 : i32
    }
    %scan3A_184 = arith.constant 8 : i32
    %dma_wait3A_185 = arith.constant 32 : i32
    %dma_wait3A_186 = arith.constant 0 : i32
    %dma_wait3A_187 = tpu.memref_slice %arg6[%dma_wait3A_185, %dma_wait3A_186] : memref<64x64xi32, #tpu.memory_space<vmem>> -> memref<32x64xi32, #tpu.memory_space<vmem>>
    %dma_wait3A_188 = arith.constant 32 : i32
    %dma_wait3A_189 = arith.constant 0 : i32
    %dma_wait3A_190 = tpu.memref_slice %arg2[%arg0, %arg1, %dma_wait3A_188, %dma_wait3A_189] : memref<2x16x160x64xi32, #tpu.memory_space<hbm>> -> memref<1x1x32x64xi32, #tpu.memory_space<hbm>>
    %dma_wait3A_191 = tpu.memref_squeeze %dma_wait3A_190 : memref<1x1x32x64xi32, #tpu.memory_space<hbm>> -> memref<32x64xi32, #tpu.memory_space<hbm>>
    %dma_wait3A_192 = arith.constant 32 : i32
    %dma_wait3A_193 = arith.constant 0 : i32
    %dma_wait3A_194 = tpu.memref_slice %arg6[%dma_wait3A_192, %dma_wait3A_193] : memref<64x64xi32, #tpu.memory_space<vmem>> -> memref<32x64xi32, #tpu.memory_space<vmem>>
    %dma_wait3A_195 = arith.constant 32 : i32
    %dma_wait3A_196 = arith.constant 0 : i32
    %dma_wait3A_197 = tpu.memref_slice %arg2[%arg0, %arg1, %dma_wait3A_195, %dma_wait3A_196] : memref<2x16x160x64xi32, #tpu.memory_space<hbm>> -> memref<1x1x32x64xi32, #tpu.memory_space<hbm>>
    %dma_wait3A_198 = tpu.memref_squeeze %dma_wait3A_197 : memref<1x1x32x64xi32, #tpu.memory_space<hbm>> -> memref<32x64xi32, #tpu.memory_space<hbm>>
    tpu.wait_dma2 semaphore(%arg14 : memref<!tpu.dma_semaphore, #tpu.memory_space<semaphore_mem>>) src(%dma_wait3A_198 : memref<32x64xi32, #tpu.memory_space<hbm>>) dst(%dma_wait3A_194 : memref<32x64xi32, #tpu.memory_space<vmem>>)
    %dma_wait3A_199 = arith.constant 32 : i32
    %dma_wait3A_200 = arith.constant 0 : i32
    %dma_wait3A_201 = tpu.memref_slice %arg7[%dma_wait3A_199, %dma_wait3A_200] : memref<64x64xi32, #tpu.memory_space<vmem>> -> memref<32x64xi32, #tpu.memory_space<vmem>>
    %dma_wait3A_202 = arith.constant 32 : i32
    %dma_wait3A_203 = arith.constant 0 : i32
    %dma_wait3A_204 = tpu.memref_slice %arg3[%arg1, %dma_wait3A_202, %dma_wait3A_203] : memref<16x160x64xi32, #tpu.memory_space<hbm>> -> memref<1x32x64xi32, #tpu.memory_space<hbm>>
    %dma_wait3A_205 = tpu.memref_squeeze %dma_wait3A_204 : memref<1x32x64xi32, #tpu.memory_space<hbm>> -> memref<32x64xi32, #tpu.memory_space<hbm>>
    %dma_wait3A_206 = arith.constant 32 : i32
    %dma_wait3A_207 = arith.constant 0 : i32
    %dma_wait3A_208 = tpu.memref_slice %arg7[%dma_wait3A_206, %dma_wait3A_207] : memref<64x64xi32, #tpu.memory_space<vmem>> -> memref<32x64xi32, #tpu.memory_space<vmem>>
    %dma_wait3A_209 = arith.constant 32 : i32
    %dma_wait3A_210 = arith.constant 0 : i32
    %dma_wait3A_211 = tpu.memref_slice %arg3[%arg1, %dma_wait3A_209, %dma_wait3A_210] : memref<16x160x64xi32, #tpu.memory_space<hbm>> -> memref<1x32x64xi32, #tpu.memory_space<hbm>>
    %dma_wait3A_212 = tpu.memref_squeeze %dma_wait3A_211 : memref<1x32x64xi32, #tpu.memory_space<hbm>> -> memref<32x64xi32, #tpu.memory_space<hbm>>
    tpu.wait_dma2 semaphore(%arg14 : memref<!tpu.dma_semaphore, #tpu.memory_space<semaphore_mem>>) src(%dma_wait3A_212 : memref<32x64xi32, #tpu.memory_space<hbm>>) dst(%dma_wait3A_208 : memref<32x64xi32, #tpu.memory_space<vmem>>)
    %dma_start3A_213 = arith.constant 0 : i32
    %dma_start3A_214 = arith.constant 0 : i32
    %dma_start3A_215 = tpu.memref_slice %arg6[%dma_start3A_213, %dma_start3A_214] : memref<64x64xi32, #tpu.memory_space<vmem>> -> memref<32x64xi32, #tpu.memory_space<vmem>>
    %dma_start3A_216 = arith.constant 64 : i32
    %dma_start3A_217 = arith.constant 0 : i32
    %dma_start3A_218 = tpu.memref_slice %arg2[%arg0, %arg1, %dma_start3A_216, %dma_start3A_217] : memref<2x16x160x64xi32, #tpu.memory_space<hbm>> -> memref<1x1x32x64xi32, #tpu.memory_space<hbm>>
    %dma_start3A_219 = tpu.memref_squeeze %dma_start3A_218 : memref<1x1x32x64xi32, #tpu.memory_space<hbm>> -> memref<32x64xi32, #tpu.memory_space<hbm>>
    %dma_start3A_220 = arith.constant 0 : i32
    %dma_start3A_221 = arith.constant 0 : i32
    %dma_start3A_222 = tpu.memref_slice %arg6[%dma_start3A_220, %dma_start3A_221] : memref<64x64xi32, #tpu.memory_space<vmem>> -> memref<32x64xi32, #tpu.memory_space<vmem>>
    %dma_start3A_223 = arith.constant 64 : i32
    %dma_start3A_224 = arith.constant 0 : i32
    %dma_start3A_225 = tpu.memref_slice %arg2[%arg0, %arg1, %dma_start3A_223, %dma_start3A_224] : memref<2x16x160x64xi32, #tpu.memory_space<hbm>> -> memref<1x1x32x64xi32, #tpu.memory_space<hbm>>
    %dma_start3A_226 = tpu.memref_squeeze %dma_start3A_225 : memref<1x1x32x64xi32, #tpu.memory_space<hbm>> -> memref<32x64xi32, #tpu.memory_space<hbm>>
    tpu.enqueue_dma source(%dma_start3A_226 : memref<32x64xi32, #tpu.memory_space<hbm>>) target(%dma_start3A_222 : memref<32x64xi32, #tpu.memory_space<vmem>>) target_semaphore(%arg14 : memref<!tpu.dma_semaphore, #tpu.memory_space<semaphore_mem>>)
    %dma_start3A_227 = arith.constant 0 : i32
    %dma_start3A_228 = arith.constant 0 : i32
    %dma_start3A_229 = tpu.memref_slice %arg7[%dma_start3A_227, %dma_start3A_228] : memref<64x64xi32, #tpu.memory_space<vmem>> -> memref<32x64xi32, #tpu.memory_space<vmem>>
    %dma_start3A_230 = arith.constant 64 : i32
    %dma_start3A_231 = arith.constant 0 : i32
    %dma_start3A_232 = tpu.memref_slice %arg3[%arg1, %dma_start3A_230, %dma_start3A_231] : memref<16x160x64xi32, #tpu.memory_space<hbm>> -> memref<1x32x64xi32, #tpu.memory_space<hbm>>
    %dma_start3A_233 = tpu.memref_squeeze %dma_start3A_232 : memref<1x32x64xi32, #tpu.memory_space<hbm>> -> memref<32x64xi32, #tpu.memory_space<hbm>>
    %dma_start3A_234 = arith.constant 0 : i32
    %dma_start3A_235 = arith.constant 0 : i32
    %dma_start3A_236 = tpu.memref_slice %arg7[%dma_start3A_234, %dma_start3A_235] : memref<64x64xi32, #tpu.memory_space<vmem>> -> memref<32x64xi32, #tpu.memory_space<vmem>>
    %dma_start3A_237 = arith.constant 64 : i32
    %dma_start3A_238 = arith.constant 0 : i32
    %dma_start3A_239 = tpu.memref_slice %arg3[%arg1, %dma_start3A_237, %dma_start3A_238] : memref<16x160x64xi32, #tpu.memory_space<hbm>> -> memref<1x32x64xi32, #tpu.memory_space<hbm>>
    %dma_start3A_240 = tpu.memref_squeeze %dma_start3A_239 : memref<1x32x64xi32, #tpu.memory_space<hbm>> -> memref<32x64xi32, #tpu.memory_space<hbm>>
    tpu.enqueue_dma source(%dma_start3A_240 : memref<32x64xi32, #tpu.memory_space<hbm>>) target(%dma_start3A_236 : memref<32x64xi32, #tpu.memory_space<vmem>>) target_semaphore(%arg14 : memref<!tpu.dma_semaphore, #tpu.memory_space<semaphore_mem>>)
    %dma_start3A_241 = arith.constant 32 : i32
    %dma_start3A_242 = arith.constant 0 : i32
    %dma_start3A_243 = arith.constant 0 : i32
    %dma_start3A_244 = arith.constant 0 : i32
    %dma_start3A_245 = tpu.memref_slice %arg8[%dma_start3A_242, %dma_start3A_243, %dma_start3A_244] : memref<4x64x128xf32, #tpu.memory_space<vmem>> -> memref<1x64x128xf32, #tpu.memory_space<vmem>>
    %dma_start3A_246 = tpu.memref_squeeze %dma_start3A_245 : memref<1x64x128xf32, #tpu.memory_space<vmem>> -> memref<64x128xf32, #tpu.memory_space<vmem>>
    %dma_start3A_247 = arith.constant 0 : i32
    %dma_start3A_248 = tpu.memref_slice %arg6[%dma_start3A_241, %dma_start3A_247] : memref<64x64xi32, #tpu.memory_space<vmem>> -> memref<1x64xi32, #tpu.memory_space<vmem>>
    %dma_start3A_249 = tpu.memref_squeeze %dma_start3A_248 : memref<1x64xi32, #tpu.memory_space<vmem>> -> memref<64xi32, #tpu.memory_space<vmem>>
    %dma_start3A_250 = arith.constant 0 : i32
    %dma_start3A_251 = arith.constant 0 : i32
    %dma_start3A_252 = tpu.memref_slice %arg4[%dma_start3A_250, %dma_start3A_251] : memref<20000x128xf32, #tpu.memory_space<hbm>> -> memref<20000x128xf32, #tpu.memory_space<hbm>>
    tpu.enqueue_indirect_dma source(%dma_start3A_252 : memref<20000x128xf32, #tpu.memory_space<hbm>>) target(%dma_start3A_246 : memref<64x128xf32, #tpu.memory_space<vmem>>) offsets(%dma_start3A_249 : memref<64xi32, #tpu.memory_space<vmem>>) semaphore(%arg10 : memref<!tpu.dma_semaphore, #tpu.memory_space<semaphore_mem>>)
    %dma_start3A_253 = arith.constant 33 : i32
    %dma_start3A_254 = arith.constant 1 : i32
    %dma_start3A_255 = arith.constant 0 : i32
    %dma_start3A_256 = arith.constant 0 : i32
    %dma_start3A_257 = tpu.memref_slice %arg8[%dma_start3A_254, %dma_start3A_255, %dma_start3A_256] : memref<4x64x128xf32, #tpu.memory_space<vmem>> -> memref<1x64x128xf32, #tpu.memory_space<vmem>>
    %dma_start3A_258 = tpu.memref_squeeze %dma_start3A_257 : memref<1x64x128xf32, #tpu.memory_space<vmem>> -> memref<64x128xf32, #tpu.memory_space<vmem>>
    %dma_start3A_259 = arith.constant 0 : i32
    %dma_start3A_260 = tpu.memref_slice %arg6[%dma_start3A_253, %dma_start3A_259] : memref<64x64xi32, #tpu.memory_space<vmem>> -> memref<1x64xi32, #tpu.memory_space<vmem>>
    %dma_start3A_261 = tpu.memref_squeeze %dma_start3A_260 : memref<1x64xi32, #tpu.memory_space<vmem>> -> memref<64xi32, #tpu.memory_space<vmem>>
    %dma_start3A_262 = arith.constant 0 : i32
    %dma_start3A_263 = arith.constant 0 : i32
    %dma_start3A_264 = tpu.memref_slice %arg4[%dma_start3A_262, %dma_start3A_263] : memref<20000x128xf32, #tpu.memory_space<hbm>> -> memref<20000x128xf32, #tpu.memory_space<hbm>>
    tpu.enqueue_indirect_dma source(%dma_start3A_264 : memref<20000x128xf32, #tpu.memory_space<hbm>>) target(%dma_start3A_258 : memref<64x128xf32, #tpu.memory_space<vmem>>) offsets(%dma_start3A_261 : memref<64xi32, #tpu.memory_space<vmem>>) semaphore(%arg11 : memref<!tpu.dma_semaphore, #tpu.memory_space<semaphore_mem>>)
    %dma_start3A_265 = arith.constant 34 : i32
    %dma_start3A_266 = arith.constant 2 : i32
    %dma_start3A_267 = arith.constant 0 : i32
    %dma_start3A_268 = arith.constant 0 : i32
    %dma_start3A_269 = tpu.memref_slice %arg8[%dma_start3A_266, %dma_start3A_267, %dma_start3A_268] : memref<4x64x128xf32, #tpu.memory_space<vmem>> -> memref<1x64x128xf32, #tpu.memory_space<vmem>>
    %dma_start3A_270 = tpu.memref_squeeze %dma_start3A_269 : memref<1x64x128xf32, #tpu.memory_space<vmem>> -> memref<64x128xf32, #tpu.memory_space<vmem>>
    %dma_start3A_271 = arith.constant 0 : i32
    %dma_start3A_272 = tpu.memref_slice %arg6[%dma_start3A_265, %dma_start3A_271] : memref<64x64xi32, #tpu.memory_space<vmem>> -> memref<1x64xi32, #tpu.memory_space<vmem>>
    %dma_start3A_273 = tpu.memref_squeeze %dma_start3A_272 : memref<1x64xi32, #tpu.memory_space<vmem>> -> memref<64xi32, #tpu.memory_space<vmem>>
    %dma_start3A_274 = arith.constant 0 : i32
    %dma_start3A_275 = arith.constant 0 : i32
    %dma_start3A_276 = tpu.memref_slice %arg4[%dma_start3A_274, %dma_start3A_275] : memref<20000x128xf32, #tpu.memory_space<hbm>> -> memref<20000x128xf32, #tpu.memory_space<hbm>>
    tpu.enqueue_indirect_dma source(%dma_start3A_276 : memref<20000x128xf32, #tpu.memory_space<hbm>>) target(%dma_start3A_270 : memref<64x128xf32, #tpu.memory_space<vmem>>) offsets(%dma_start3A_273 : memref<64xi32, #tpu.memory_space<vmem>>) semaphore(%arg12 : memref<!tpu.dma_semaphore, #tpu.memory_space<semaphore_mem>>)
    %dma_start3A_277 = arith.constant 35 : i32
    %dma_start3A_278 = arith.constant 3 : i32
    %dma_start3A_279 = arith.constant 0 : i32
    %dma_start3A_280 = arith.constant 0 : i32
    %dma_start3A_281 = tpu.memref_slice %arg8[%dma_start3A_278, %dma_start3A_279, %dma_start3A_280] : memref<4x64x128xf32, #tpu.memory_space<vmem>> -> memref<1x64x128xf32, #tpu.memory_space<vmem>>
    %dma_start3A_282 = tpu.memref_squeeze %dma_start3A_281 : memref<1x64x128xf32, #tpu.memory_space<vmem>> -> memref<64x128xf32, #tpu.memory_space<vmem>>
    %dma_start3A_283 = arith.constant 0 : i32
    %dma_start3A_284 = tpu.memref_slice %arg6[%dma_start3A_277, %dma_start3A_283] : memref<64x64xi32, #tpu.memory_space<vmem>> -> memref<1x64xi32, #tpu.memory_space<vmem>>
    %dma_start3A_285 = tpu.memref_squeeze %dma_start3A_284 : memref<1x64xi32, #tpu.memory_space<vmem>> -> memref<64xi32, #tpu.memory_space<vmem>>
    %dma_start3A_286 = arith.constant 0 : i32
    %dma_start3A_287 = arith.constant 0 : i32
    %dma_start3A_288 = tpu.memref_slice %arg4[%dma_start3A_286, %dma_start3A_287] : memref<20000x128xf32, #tpu.memory_space<hbm>> -> memref<20000x128xf32, #tpu.memory_space<hbm>>
    tpu.enqueue_indirect_dma source(%dma_start3A_288 : memref<20000x128xf32, #tpu.memory_space<hbm>>) target(%dma_start3A_282 : memref<64x128xf32, #tpu.memory_space<vmem>>) offsets(%dma_start3A_285 : memref<64xi32, #tpu.memory_space<vmem>>) semaphore(%arg13 : memref<!tpu.dma_semaphore, #tpu.memory_space<semaphore_mem>>)
    %scan3A_289 = arith.constant 0 : i32
    %scan3A_290 = arith.constant 0 : i32
    %scan3A_291 = arith.constant 8 : i32
    %scan3A_292 = arith.addi %scan3A_290, %scan3A_291 : i32
    %scan3A_293 = arith.constant 1 : i32
    %scan3A_294 = scf.for %scan3A_606 = %scan3A_290 to %scan3A_292 step %scan3A_293 iter_args(%scan3A_607 = %scan3A_289) -> (i32)  : i32 {
      %mul3A_608 = arith.constant 4 : i32
      %mul3A_609 = arith.muli %mul3A_608, %scan3A_606 : i32
      %add3A_610 = arith.constant 0 : i32
      %add3A_611 = arith.addi %mul3A_609, %add3A_610 : i32
      %add3A_612 = arith.constant 32 : i32
      %add3A_613 = arith.addi %add3A_612, %add3A_611 : i32
      %dma_wait3A_614 = arith.constant 0 : i32
      %dma_wait3A_615 = arith.constant 0 : i32
      %dma_wait3A_616 = arith.constant 0 : i32
      %dma_wait3A_617 = tpu.memref_slice %arg8[%dma_wait3A_614, %dma_wait3A_615, %dma_wait3A_616] : memref<4x64x128xf32, #tpu.memory_space<vmem>> -> memref<1x64x128xf32, #tpu.memory_space<vmem>>
      %dma_wait3A_618 = tpu.memref_squeeze %dma_wait3A_617 : memref<1x64x128xf32, #tpu.memory_space<vmem>> -> memref<64x128xf32, #tpu.memory_space<vmem>>
      %dma_wait3A_619 = arith.constant 0 : i32
      %dma_wait3A_620 = tpu.memref_slice %arg6[%add3A_613, %dma_wait3A_619] : memref<64x64xi32, #tpu.memory_space<vmem>> -> memref<1x64xi32, #tpu.memory_space<vmem>>
      %dma_wait3A_621 = tpu.memref_squeeze %dma_wait3A_620 : memref<1x64xi32, #tpu.memory_space<vmem>> -> memref<64xi32, #tpu.memory_space<vmem>>
      %dma_wait3A_622 = arith.constant 0 : i32
      %dma_wait3A_623 = arith.constant 0 : i32
      %dma_wait3A_624 = tpu.memref_slice %arg4[%dma_wait3A_622, %dma_wait3A_623] : memref<20000x128xf32, #tpu.memory_space<hbm>> -> memref<20000x128xf32, #tpu.memory_space<hbm>>
      tpu.wait_indirect_dma semaphore(%arg10 : memref<!tpu.dma_semaphore, #tpu.memory_space<semaphore_mem>>) src(%dma_wait3A_624 : memref<20000x128xf32, #tpu.memory_space<hbm>>) dst(%dma_wait3A_618 : memref<64x128xf32, #tpu.memory_space<vmem>>)
      %add3A_625 = arith.constant 32 : i32
      %add3A_626 = arith.addi %add3A_625, %add3A_611 : i32
      %run_scoped3A_627 = arith.constant 0 : i32
      "tpu.region"() ({
        %run_scoped3A_714 = tpu.sem_alloc : memref<!tpu.dma_semaphore, #tpu.memory_space<semaphore_mem>>
        %dma_start3A_715 = arith.constant 0 : i32
        %dma_start3A_716 = arith.constant 0 : i32
        %dma_start3A_717 = tpu.memref_slice %arg8[%run_scoped3A_627, %dma_start3A_715, %dma_start3A_716] : memref<4x64x128xf32, #tpu.memory_space<vmem>> -> memref<1x64x128xf32, #tpu.memory_space<vmem>>
        %dma_start3A_718 = tpu.memref_squeeze %dma_start3A_717 : memref<1x64x128xf32, #tpu.memory_space<vmem>> -> memref<64x128xf32, #tpu.memory_space<vmem>>
        %dma_start3A_719 = arith.constant 0 : i32
        %dma_start3A_720 = tpu.memref_slice %arg7[%add3A_626, %dma_start3A_719] : memref<64x64xi32, #tpu.memory_space<vmem>> -> memref<1x64xi32, #tpu.memory_space<vmem>>
        %dma_start3A_721 = tpu.memref_squeeze %dma_start3A_720 : memref<1x64xi32, #tpu.memory_space<vmem>> -> memref<64xi32, #tpu.memory_space<vmem>>
        %dma_start3A_722 = arith.constant 0 : i32
        %dma_start3A_723 = arith.constant 0 : i32
        %dma_start3A_724 = tpu.memref_slice %arg9[%dma_start3A_722, %dma_start3A_723] : memref<10240x128xf32, #tpu.memory_space<vmem_shared>> -> memref<10240x128xf32, #tpu.memory_space<vmem_shared>>
        tpu.enqueue_indirect_dma source(%dma_start3A_718 : memref<64x128xf32, #tpu.memory_space<vmem>>) target(%dma_start3A_724 : memref<10240x128xf32, #tpu.memory_space<vmem_shared>>) offsets(%dma_start3A_721 : memref<64xi32, #tpu.memory_space<vmem>>) semaphore(%run_scoped3A_714 : memref<!tpu.dma_semaphore, #tpu.memory_space<semaphore_mem>>) {add = true}
        %dma_wait3A_725 = arith.constant 0 : i32
        %dma_wait3A_726 = arith.constant 0 : i32
        %dma_wait3A_727 = tpu.memref_slice %arg8[%run_scoped3A_627, %dma_wait3A_725, %dma_wait3A_726] : memref<4x64x128xf32, #tpu.memory_space<vmem>> -> memref<1x64x128xf32, #tpu.memory_space<vmem>>
        %dma_wait3A_728 = tpu.memref_squeeze %dma_wait3A_727 : memref<1x64x128xf32, #tpu.memory_space<vmem>> -> memref<64x128xf32, #tpu.memory_space<vmem>>
        %dma_wait3A_729 = arith.constant 0 : i32
        %dma_wait3A_730 = tpu.memref_slice %arg7[%add3A_626, %dma_wait3A_729] : memref<64x64xi32, #tpu.memory_space<vmem>> -> memref<1x64xi32, #tpu.memory_space<vmem>>
        %dma_wait3A_731 = tpu.memref_squeeze %dma_wait3A_730 : memref<1x64xi32, #tpu.memory_space<vmem>> -> memref<64xi32, #tpu.memory_space<vmem>>
        %dma_wait3A_732 = arith.constant 0 : i32
        %dma_wait3A_733 = arith.constant 0 : i32
        %dma_wait3A_734 = tpu.memref_slice %arg9[%dma_wait3A_732, %dma_wait3A_733] : memref<10240x128xf32, #tpu.memory_space<vmem_shared>> -> memref<10240x128xf32, #tpu.memory_space<vmem_shared>>
        tpu.wait_indirect_dma semaphore(%run_scoped3A_714 : memref<!tpu.dma_semaphore, #tpu.memory_space<semaphore_mem>>) src(%dma_wait3A_728 : memref<64x128xf32, #tpu.memory_space<vmem>>) dst(%dma_wait3A_734 : memref<10240x128xf32, #tpu.memory_space<vmem_shared>>)
        tpu.yield
      }) : () -> ()
      %add3A_628 = arith.constant 4 : i32
      %add3A_629 = arith.addi %add3A_611, %add3A_628 : i32
      %lt3A = arith.constant 32 : i32
      %lt3A_630 = arith.cmpi slt, %add3A_629, %lt3A : i32
      %convert_element_type3A = arith.extui %lt3A_630 : i1 to i32
      %cond3A = arith.constant 0 : i32
      %cond3A_631 = arith.cmpi ne, %convert_element_type3A, %cond3A : i32
      scf.if %cond3A_631 {
        %add3A_714 = arith.constant 32 : i32
        %add3A_715 = arith.addi %add3A_714, %add3A_629 : i32
        %dma_start3A_716 = arith.constant 0 : i32
        %dma_start3A_717 = arith.constant 0 : i32
        %dma_start3A_718 = arith.constant 0 : i32
        %dma_start3A_719 = tpu.memref_slice %arg8[%dma_start3A_716, %dma_start3A_717, %dma_start3A_718] : memref<4x64x128xf32, #tpu.memory_space<vmem>> -> memref<1x64x128xf32, #tpu.memory_space<vmem>>
        %dma_start3A_720 = tpu.memref_squeeze %dma_start3A_719 : memref<1x64x128xf32, #tpu.memory_space<vmem>> -> memref<64x128xf32, #tpu.memory_space<vmem>>
        %dma_start3A_721 = arith.constant 0 : i32
        %dma_start3A_722 = tpu.memref_slice %arg6[%add3A_715, %dma_start3A_721] : memref<64x64xi32, #tpu.memory_space<vmem>> -> memref<1x64xi32, #tpu.memory_space<vmem>>
        %dma_start3A_723 = tpu.memref_squeeze %dma_start3A_722 : memref<1x64xi32, #tpu.memory_space<vmem>> -> memref<64xi32, #tpu.memory_space<vmem>>
        %dma_start3A_724 = arith.constant 0 : i32
        %dma_start3A_725 = arith.constant 0 : i32
        %dma_start3A_726 = tpu.memref_slice %arg4[%dma_start3A_724, %dma_start3A_725] : memref<20000x128xf32, #tpu.memory_space<hbm>> -> memref<20000x128xf32, #tpu.memory_space<hbm>>
        tpu.enqueue_indirect_dma source(%dma_start3A_726 : memref<20000x128xf32, #tpu.memory_space<hbm>>) target(%dma_start3A_720 : memref<64x128xf32, #tpu.memory_space<vmem>>) offsets(%dma_start3A_723 : memref<64xi32, #tpu.memory_space<vmem>>) semaphore(%arg10 : memref<!tpu.dma_semaphore, #tpu.memory_space<semaphore_mem>>)
      } else {
      }
      %mul3A_632 = arith.constant 4 : i32
      %mul3A_633 = arith.muli %mul3A_632, %scan3A_606 : i32
      %add3A_634 = arith.constant 1 : i32
      %add3A_635 = arith.addi %mul3A_633, %add3A_634 : i32
      %add3A_636 = arith.constant 32 : i32
      %add3A_637 = arith.addi %add3A_636, %add3A_635 : i32
      %dma_wait3A_638 = arith.constant 1 : i32
      %dma_wait3A_639 = arith.constant 0 : i32
      %dma_wait3A_640 = arith.constant 0 : i32
      %dma_wait3A_641 = tpu.memref_slice %arg8[%dma_wait3A_638, %dma_wait3A_639, %dma_wait3A_640] : memref<4x64x128xf32, #tpu.memory_space<vmem>> -> memref<1x64x128xf32, #tpu.memory_space<vmem>>
      %dma_wait3A_642 = tpu.memref_squeeze %dma_wait3A_641 : memref<1x64x128xf32, #tpu.memory_space<vmem>> -> memref<64x128xf32, #tpu.memory_space<vmem>>
      %dma_wait3A_643 = arith.constant 0 : i32
      %dma_wait3A_644 = tpu.memref_slice %arg6[%add3A_637, %dma_wait3A_643] : memref<64x64xi32, #tpu.memory_space<vmem>> -> memref<1x64xi32, #tpu.memory_space<vmem>>
      %dma_wait3A_645 = tpu.memref_squeeze %dma_wait3A_644 : memref<1x64xi32, #tpu.memory_space<vmem>> -> memref<64xi32, #tpu.memory_space<vmem>>
      %dma_wait3A_646 = arith.constant 0 : i32
      %dma_wait3A_647 = arith.constant 0 : i32
      %dma_wait3A_648 = tpu.memref_slice %arg4[%dma_wait3A_646, %dma_wait3A_647] : memref<20000x128xf32, #tpu.memory_space<hbm>> -> memref<20000x128xf32, #tpu.memory_space<hbm>>
      tpu.wait_indirect_dma semaphore(%arg11 : memref<!tpu.dma_semaphore, #tpu.memory_space<semaphore_mem>>) src(%dma_wait3A_648 : memref<20000x128xf32, #tpu.memory_space<hbm>>) dst(%dma_wait3A_642 : memref<64x128xf32, #tpu.memory_space<vmem>>)
      %add3A_649 = arith.constant 32 : i32
      %add3A_650 = arith.addi %add3A_649, %add3A_635 : i32
      %run_scoped3A_651 = arith.constant 1 : i32
      "tpu.region"() ({
        %run_scoped3A_714 = tpu.sem_alloc : memref<!tpu.dma_semaphore, #tpu.memory_space<semaphore_mem>>
        %dma_start3A_715 = arith.constant 0 : i32
        %dma_start3A_716 = arith.constant 0 : i32
        %dma_start3A_717 = tpu.memref_slice %arg8[%run_scoped3A_651, %dma_start3A_715, %dma_start3A_716] : memref<4x64x128xf32, #tpu.memory_space<vmem>> -> memref<1x64x128xf32, #tpu.memory_space<vmem>>
        %dma_start3A_718 = tpu.memref_squeeze %dma_start3A_717 : memref<1x64x128xf32, #tpu.memory_space<vmem>> -> memref<64x128xf32, #tpu.memory_space<vmem>>
        %dma_start3A_719 = arith.constant 0 : i32
        %dma_start3A_720 = tpu.memref_slice %arg7[%add3A_650, %dma_start3A_719] : memref<64x64xi32, #tpu.memory_space<vmem>> -> memref<1x64xi32, #tpu.memory_space<vmem>>
        %dma_start3A_721 = tpu.memref_squeeze %dma_start3A_720 : memref<1x64xi32, #tpu.memory_space<vmem>> -> memref<64xi32, #tpu.memory_space<vmem>>
        %dma_start3A_722 = arith.constant 0 : i32
        %dma_start3A_723 = arith.constant 0 : i32
        %dma_start3A_724 = tpu.memref_slice %arg9[%dma_start3A_722, %dma_start3A_723] : memref<10240x128xf32, #tpu.memory_space<vmem_shared>> -> memref<10240x128xf32, #tpu.memory_space<vmem_shared>>
        tpu.enqueue_indirect_dma source(%dma_start3A_718 : memref<64x128xf32, #tpu.memory_space<vmem>>) target(%dma_start3A_724 : memref<10240x128xf32, #tpu.memory_space<vmem_shared>>) offsets(%dma_start3A_721 : memref<64xi32, #tpu.memory_space<vmem>>) semaphore(%run_scoped3A_714 : memref<!tpu.dma_semaphore, #tpu.memory_space<semaphore_mem>>) {add = true}
        %dma_wait3A_725 = arith.constant 0 : i32
        %dma_wait3A_726 = arith.constant 0 : i32
        %dma_wait3A_727 = tpu.memref_slice %arg8[%run_scoped3A_651, %dma_wait3A_725, %dma_wait3A_726] : memref<4x64x128xf32, #tpu.memory_space<vmem>> -> memref<1x64x128xf32, #tpu.memory_space<vmem>>
        %dma_wait3A_728 = tpu.memref_squeeze %dma_wait3A_727 : memref<1x64x128xf32, #tpu.memory_space<vmem>> -> memref<64x128xf32, #tpu.memory_space<vmem>>
        %dma_wait3A_729 = arith.constant 0 : i32
        %dma_wait3A_730 = tpu.memref_slice %arg7[%add3A_650, %dma_wait3A_729] : memref<64x64xi32, #tpu.memory_space<vmem>> -> memref<1x64xi32, #tpu.memory_space<vmem>>
        %dma_wait3A_731 = tpu.memref_squeeze %dma_wait3A_730 : memref<1x64xi32, #tpu.memory_space<vmem>> -> memref<64xi32, #tpu.memory_space<vmem>>
        %dma_wait3A_732 = arith.constant 0 : i32
        %dma_wait3A_733 = arith.constant 0 : i32
        %dma_wait3A_734 = tpu.memref_slice %arg9[%dma_wait3A_732, %dma_wait3A_733] : memref<10240x128xf32, #tpu.memory_space<vmem_shared>> -> memref<10240x128xf32, #tpu.memory_space<vmem_shared>>
        tpu.wait_indirect_dma semaphore(%run_scoped3A_714 : memref<!tpu.dma_semaphore, #tpu.memory_space<semaphore_mem>>) src(%dma_wait3A_728 : memref<64x128xf32, #tpu.memory_space<vmem>>) dst(%dma_wait3A_734 : memref<10240x128xf32, #tpu.memory_space<vmem_shared>>)
        tpu.yield
      }) : () -> ()
      %add3A_652 = arith.constant 4 : i32
      %add3A_653 = arith.addi %add3A_635, %add3A_652 : i32
      %lt3A_654 = arith.constant 32 : i32
      %lt3A_655 = arith.cmpi slt, %add3A_653, %lt3A_654 : i32
      %convert_element_type3A_656 = arith.extui %lt3A_655 : i1 to i32
      %cond3A_657 = arith.constant 0 : i32
      %cond3A_658 = arith.cmpi ne, %convert_element_type3A_656, %cond3A_657 : i32
      scf.if %cond3A_658 {
        %add3A_714 = arith.constant 32 : i32
        %add3A_715 = arith.addi %add3A_714, %add3A_653 : i32
        %dma_start3A_716 = arith.constant 1 : i32
        %dma_start3A_717 = arith.constant 0 : i32
        %dma_start3A_718 = arith.constant 0 : i32
        %dma_start3A_719 = tpu.memref_slice %arg8[%dma_start3A_716, %dma_start3A_717, %dma_start3A_718] : memref<4x64x128xf32, #tpu.memory_space<vmem>> -> memref<1x64x128xf32, #tpu.memory_space<vmem>>
        %dma_start3A_720 = tpu.memref_squeeze %dma_start3A_719 : memref<1x64x128xf32, #tpu.memory_space<vmem>> -> memref<64x128xf32, #tpu.memory_space<vmem>>
        %dma_start3A_721 = arith.constant 0 : i32
        %dma_start3A_722 = tpu.memref_slice %arg6[%add3A_715, %dma_start3A_721] : memref<64x64xi32, #tpu.memory_space<vmem>> -> memref<1x64xi32, #tpu.memory_space<vmem>>
        %dma_start3A_723 = tpu.memref_squeeze %dma_start3A_722 : memref<1x64xi32, #tpu.memory_space<vmem>> -> memref<64xi32, #tpu.memory_space<vmem>>
        %dma_start3A_724 = arith.constant 0 : i32
        %dma_start3A_725 = arith.constant 0 : i32
        %dma_start3A_726 = tpu.memref_slice %arg4[%dma_start3A_724, %dma_start3A_725] : memref<20000x128xf32, #tpu.memory_space<hbm>> -> memref<20000x128xf32, #tpu.memory_space<hbm>>
        tpu.enqueue_indirect_dma source(%dma_start3A_726 : memref<20000x128xf32, #tpu.memory_space<hbm>>) target(%dma_start3A_720 : memref<64x128xf32, #tpu.memory_space<vmem>>) offsets(%dma_start3A_723 : memref<64xi32, #tpu.memory_space<vmem>>) semaphore(%arg11 : memref<!tpu.dma_semaphore, #tpu.memory_space<semaphore_mem>>)
      } else {
      }
      %mul3A_659 = arith.constant 4 : i32
      %mul3A_660 = arith.muli %mul3A_659, %scan3A_606 : i32
      %add3A_661 = arith.constant 2 : i32
      %add3A_662 = arith.addi %mul3A_660, %add3A_661 : i32
      %add3A_663 = arith.constant 32 : i32
      %add3A_664 = arith.addi %add3A_663, %add3A_662 : i32
      %dma_wait3A_665 = arith.constant 2 : i32
      %dma_wait3A_666 = arith.constant 0 : i32
      %dma_wait3A_667 = arith.constant 0 : i32
      %dma_wait3A_668 = tpu.memref_slice %arg8[%dma_wait3A_665, %dma_wait3A_666, %dma_wait3A_667] : memref<4x64x128xf32, #tpu.memory_space<vmem>> -> memref<1x64x128xf32, #tpu.memory_space<vmem>>
      %dma_wait3A_669 = tpu.memref_squeeze %dma_wait3A_668 : memref<1x64x128xf32, #tpu.memory_space<vmem>> -> memref<64x128xf32, #tpu.memory_space<vmem>>
      %dma_wait3A_670 = arith.constant 0 : i32
      %dma_wait3A_671 = tpu.memref_slice %arg6[%add3A_664, %dma_wait3A_670] : memref<64x64xi32, #tpu.memory_space<vmem>> -> memref<1x64xi32, #tpu.memory_space<vmem>>
      %dma_wait3A_672 = tpu.memref_squeeze %dma_wait3A_671 : memref<1x64xi32, #tpu.memory_space<vmem>> -> memref<64xi32, #tpu.memory_space<vmem>>
      %dma_wait3A_673 = arith.constant 0 : i32
      %dma_wait3A_674 = arith.constant 0 : i32
      %dma_wait3A_675 = tpu.memref_slice %arg4[%dma_wait3A_673, %dma_wait3A_674] : memref<20000x128xf32, #tpu.memory_space<hbm>> -> memref<20000x128xf32, #tpu.memory_space<hbm>>
      tpu.wait_indirect_dma semaphore(%arg12 : memref<!tpu.dma_semaphore, #tpu.memory_space<semaphore_mem>>) src(%dma_wait3A_675 : memref<20000x128xf32, #tpu.memory_space<hbm>>) dst(%dma_wait3A_669 : memref<64x128xf32, #tpu.memory_space<vmem>>)
      %add3A_676 = arith.constant 32 : i32
      %add3A_677 = arith.addi %add3A_676, %add3A_662 : i32
      %run_scoped3A_678 = arith.constant 2 : i32
      "tpu.region"() ({
        %run_scoped3A_714 = tpu.sem_alloc : memref<!tpu.dma_semaphore, #tpu.memory_space<semaphore_mem>>
        %dma_start3A_715 = arith.constant 0 : i32
        %dma_start3A_716 = arith.constant 0 : i32
        %dma_start3A_717 = tpu.memref_slice %arg8[%run_scoped3A_678, %dma_start3A_715, %dma_start3A_716] : memref<4x64x128xf32, #tpu.memory_space<vmem>> -> memref<1x64x128xf32, #tpu.memory_space<vmem>>
        %dma_start3A_718 = tpu.memref_squeeze %dma_start3A_717 : memref<1x64x128xf32, #tpu.memory_space<vmem>> -> memref<64x128xf32, #tpu.memory_space<vmem>>
        %dma_start3A_719 = arith.constant 0 : i32
        %dma_start3A_720 = tpu.memref_slice %arg7[%add3A_677, %dma_start3A_719] : memref<64x64xi32, #tpu.memory_space<vmem>> -> memref<1x64xi32, #tpu.memory_space<vmem>>
        %dma_start3A_721 = tpu.memref_squeeze %dma_start3A_720 : memref<1x64xi32, #tpu.memory_space<vmem>> -> memref<64xi32, #tpu.memory_space<vmem>>
        %dma_start3A_722 = arith.constant 0 : i32
        %dma_start3A_723 = arith.constant 0 : i32
        %dma_start3A_724 = tpu.memref_slice %arg9[%dma_start3A_722, %dma_start3A_723] : memref<10240x128xf32, #tpu.memory_space<vmem_shared>> -> memref<10240x128xf32, #tpu.memory_space<vmem_shared>>
        tpu.enqueue_indirect_dma source(%dma_start3A_718 : memref<64x128xf32, #tpu.memory_space<vmem>>) target(%dma_start3A_724 : memref<10240x128xf32, #tpu.memory_space<vmem_shared>>) offsets(%dma_start3A_721 : memref<64xi32, #tpu.memory_space<vmem>>) semaphore(%run_scoped3A_714 : memref<!tpu.dma_semaphore, #tpu.memory_space<semaphore_mem>>) {add = true}
        %dma_wait3A_725 = arith.constant 0 : i32
        %dma_wait3A_726 = arith.constant 0 : i32
        %dma_wait3A_727 = tpu.memref_slice %arg8[%run_scoped3A_678, %dma_wait3A_725, %dma_wait3A_726] : memref<4x64x128xf32, #tpu.memory_space<vmem>> -> memref<1x64x128xf32, #tpu.memory_space<vmem>>
        %dma_wait3A_728 = tpu.memref_squeeze %dma_wait3A_727 : memref<1x64x128xf32, #tpu.memory_space<vmem>> -> memref<64x128xf32, #tpu.memory_space<vmem>>
        %dma_wait3A_729 = arith.constant 0 : i32
        %dma_wait3A_730 = tpu.memref_slice %arg7[%add3A_677, %dma_wait3A_729] : memref<64x64xi32, #tpu.memory_space<vmem>> -> memref<1x64xi32, #tpu.memory_space<vmem>>
        %dma_wait3A_731 = tpu.memref_squeeze %dma_wait3A_730 : memref<1x64xi32, #tpu.memory_space<vmem>> -> memref<64xi32, #tpu.memory_space<vmem>>
        %dma_wait3A_732 = arith.constant 0 : i32
        %dma_wait3A_733 = arith.constant 0 : i32
        %dma_wait3A_734 = tpu.memref_slice %arg9[%dma_wait3A_732, %dma_wait3A_733] : memref<10240x128xf32, #tpu.memory_space<vmem_shared>> -> memref<10240x128xf32, #tpu.memory_space<vmem_shared>>
        tpu.wait_indirect_dma semaphore(%run_scoped3A_714 : memref<!tpu.dma_semaphore, #tpu.memory_space<semaphore_mem>>) src(%dma_wait3A_728 : memref<64x128xf32, #tpu.memory_space<vmem>>) dst(%dma_wait3A_734 : memref<10240x128xf32, #tpu.memory_space<vmem_shared>>)
        tpu.yield
      }) : () -> ()
      %add3A_679 = arith.constant 4 : i32
      %add3A_680 = arith.addi %add3A_662, %add3A_679 : i32
      %lt3A_681 = arith.constant 32 : i32
      %lt3A_682 = arith.cmpi slt, %add3A_680, %lt3A_681 : i32
      %convert_element_type3A_683 = arith.extui %lt3A_682 : i1 to i32
      %cond3A_684 = arith.constant 0 : i32
      %cond3A_685 = arith.cmpi ne, %convert_element_type3A_683, %cond3A_684 : i32
      scf.if %cond3A_685 {
        %add3A_714 = arith.constant 32 : i32
        %add3A_715 = arith.addi %add3A_714, %add3A_680 : i32
        %dma_start3A_716 = arith.constant 2 : i32
        %dma_start3A_717 = arith.constant 0 : i32
        %dma_start3A_718 = arith.constant 0 : i32
        %dma_start3A_719 = tpu.memref_slice %arg8[%dma_start3A_716, %dma_start3A_717, %dma_start3A_718] : memref<4x64x128xf32, #tpu.memory_space<vmem>> -> memref<1x64x128xf32, #tpu.memory_space<vmem>>
        %dma_start3A_720 = tpu.memref_squeeze %dma_start3A_719 : memref<1x64x128xf32, #tpu.memory_space<vmem>> -> memref<64x128xf32, #tpu.memory_space<vmem>>
        %dma_start3A_721 = arith.constant 0 : i32
        %dma_start3A_722 = tpu.memref_slice %arg6[%add3A_715, %dma_start3A_721] : memref<64x64xi32, #tpu.memory_space<vmem>> -> memref<1x64xi32, #tpu.memory_space<vmem>>
        %dma_start3A_723 = tpu.memref_squeeze %dma_start3A_722 : memref<1x64xi32, #tpu.memory_space<vmem>> -> memref<64xi32, #tpu.memory_space<vmem>>
        %dma_start3A_724 = arith.constant 0 : i32
        %dma_start3A_725 = arith.constant 0 : i32
        %dma_start3A_726 = tpu.memref_slice %arg4[%dma_start3A_724, %dma_start3A_725] : memref<20000x128xf32, #tpu.memory_space<hbm>> -> memref<20000x128xf32, #tpu.memory_space<hbm>>
        tpu.enqueue_indirect_dma source(%dma_start3A_726 : memref<20000x128xf32, #tpu.memory_space<hbm>>) target(%dma_start3A_720 : memref<64x128xf32, #tpu.memory_space<vmem>>) offsets(%dma_start3A_723 : memref<64xi32, #tpu.memory_space<vmem>>) semaphore(%arg12 : memref<!tpu.dma_semaphore, #tpu.memory_space<semaphore_mem>>)
      } else {
      }
      %mul3A_686 = arith.constant 4 : i32
      %mul3A_687 = arith.muli %mul3A_686, %scan3A_606 : i32
      %add3A_688 = arith.constant 3 : i32
      %add3A_689 = arith.addi %mul3A_687, %add3A_688 : i32
      %add3A_690 = arith.constant 32 : i32
      %add3A_691 = arith.addi %add3A_690, %add3A_689 : i32
      %dma_wait3A_692 = arith.constant 3 : i32
      %dma_wait3A_693 = arith.constant 0 : i32
      %dma_wait3A_694 = arith.constant 0 : i32
      %dma_wait3A_695 = tpu.memref_slice %arg8[%dma_wait3A_692, %dma_wait3A_693, %dma_wait3A_694] : memref<4x64x128xf32, #tpu.memory_space<vmem>> -> memref<1x64x128xf32, #tpu.memory_space<vmem>>
      %dma_wait3A_696 = tpu.memref_squeeze %dma_wait3A_695 : memref<1x64x128xf32, #tpu.memory_space<vmem>> -> memref<64x128xf32, #tpu.memory_space<vmem>>
      %dma_wait3A_697 = arith.constant 0 : i32
      %dma_wait3A_698 = tpu.memref_slice %arg6[%add3A_691, %dma_wait3A_697] : memref<64x64xi32, #tpu.memory_space<vmem>> -> memref<1x64xi32, #tpu.memory_space<vmem>>
      %dma_wait3A_699 = tpu.memref_squeeze %dma_wait3A_698 : memref<1x64xi32, #tpu.memory_space<vmem>> -> memref<64xi32, #tpu.memory_space<vmem>>
      %dma_wait3A_700 = arith.constant 0 : i32
      %dma_wait3A_701 = arith.constant 0 : i32
      %dma_wait3A_702 = tpu.memref_slice %arg4[%dma_wait3A_700, %dma_wait3A_701] : memref<20000x128xf32, #tpu.memory_space<hbm>> -> memref<20000x128xf32, #tpu.memory_space<hbm>>
      tpu.wait_indirect_dma semaphore(%arg13 : memref<!tpu.dma_semaphore, #tpu.memory_space<semaphore_mem>>) src(%dma_wait3A_702 : memref<20000x128xf32, #tpu.memory_space<hbm>>) dst(%dma_wait3A_696 : memref<64x128xf32, #tpu.memory_space<vmem>>)
      %add3A_703 = arith.constant 32 : i32
      %add3A_704 = arith.addi %add3A_703, %add3A_689 : i32
      %run_scoped3A_705 = arith.constant 3 : i32
      "tpu.region"() ({
        %run_scoped3A_714 = tpu.sem_alloc : memref<!tpu.dma_semaphore, #tpu.memory_space<semaphore_mem>>
        %dma_start3A_715 = arith.constant 0 : i32
        %dma_start3A_716 = arith.constant 0 : i32
        %dma_start3A_717 = tpu.memref_slice %arg8[%run_scoped3A_705, %dma_start3A_715, %dma_start3A_716] : memref<4x64x128xf32, #tpu.memory_space<vmem>> -> memref<1x64x128xf32, #tpu.memory_space<vmem>>
        %dma_start3A_718 = tpu.memref_squeeze %dma_start3A_717 : memref<1x64x128xf32, #tpu.memory_space<vmem>> -> memref<64x128xf32, #tpu.memory_space<vmem>>
        %dma_start3A_719 = arith.constant 0 : i32
        %dma_start3A_720 = tpu.memref_slice %arg7[%add3A_704, %dma_start3A_719] : memref<64x64xi32, #tpu.memory_space<vmem>> -> memref<1x64xi32, #tpu.memory_space<vmem>>
        %dma_start3A_721 = tpu.memref_squeeze %dma_start3A_720 : memref<1x64xi32, #tpu.memory_space<vmem>> -> memref<64xi32, #tpu.memory_space<vmem>>
        %dma_start3A_722 = arith.constant 0 : i32
        %dma_start3A_723 = arith.constant 0 : i32
        %dma_start3A_724 = tpu.memref_slice %arg9[%dma_start3A_722, %dma_start3A_723] : memref<10240x128xf32, #tpu.memory_space<vmem_shared>> -> memref<10240x128xf32, #tpu.memory_space<vmem_shared>>
        tpu.enqueue_indirect_dma source(%dma_start3A_718 : memref<64x128xf32, #tpu.memory_space<vmem>>) target(%dma_start3A_724 : memref<10240x128xf32, #tpu.memory_space<vmem_shared>>) offsets(%dma_start3A_721 : memref<64xi32, #tpu.memory_space<vmem>>) semaphore(%run_scoped3A_714 : memref<!tpu.dma_semaphore, #tpu.memory_space<semaphore_mem>>) {add = true}
        %dma_wait3A_725 = arith.constant 0 : i32
        %dma_wait3A_726 = arith.constant 0 : i32
        %dma_wait3A_727 = tpu.memref_slice %arg8[%run_scoped3A_705, %dma_wait3A_725, %dma_wait3A_726] : memref<4x64x128xf32, #tpu.memory_space<vmem>> -> memref<1x64x128xf32, #tpu.memory_space<vmem>>
        %dma_wait3A_728 = tpu.memref_squeeze %dma_wait3A_727 : memref<1x64x128xf32, #tpu.memory_space<vmem>> -> memref<64x128xf32, #tpu.memory_space<vmem>>
        %dma_wait3A_729 = arith.constant 0 : i32
        %dma_wait3A_730 = tpu.memref_slice %arg7[%add3A_704, %dma_wait3A_729] : memref<64x64xi32, #tpu.memory_space<vmem>> -> memref<1x64xi32, #tpu.memory_space<vmem>>
        %dma_wait3A_731 = tpu.memref_squeeze %dma_wait3A_730 : memref<1x64xi32, #tpu.memory_space<vmem>> -> memref<64xi32, #tpu.memory_space<vmem>>
        %dma_wait3A_732 = arith.constant 0 : i32
        %dma_wait3A_733 = arith.constant 0 : i32
        %dma_wait3A_734 = tpu.memref_slice %arg9[%dma_wait3A_732, %dma_wait3A_733] : memref<10240x128xf32, #tpu.memory_space<vmem_shared>> -> memref<10240x128xf32, #tpu.memory_space<vmem_shared>>
        tpu.wait_indirect_dma semaphore(%run_scoped3A_714 : memref<!tpu.dma_semaphore, #tpu.memory_space<semaphore_mem>>) src(%dma_wait3A_728 : memref<64x128xf32, #tpu.memory_space<vmem>>) dst(%dma_wait3A_734 : memref<10240x128xf32, #tpu.memory_space<vmem_shared>>)
        tpu.yield
      }) : () -> ()
      %add3A_706 = arith.constant 4 : i32
      %add3A_707 = arith.addi %add3A_689, %add3A_706 : i32
      %lt3A_708 = arith.constant 32 : i32
      %lt3A_709 = arith.cmpi slt, %add3A_707, %lt3A_708 : i32
      %convert_element_type3A_710 = arith.extui %lt3A_709 : i1 to i32
      %cond3A_711 = arith.constant 0 : i32
      %cond3A_712 = arith.cmpi ne, %convert_element_type3A_710, %cond3A_711 : i32
      scf.if %cond3A_712 {
        %add3A_714 = arith.constant 32 : i32
        %add3A_715 = arith.addi %add3A_714, %add3A_707 : i32
        %dma_start3A_716 = arith.constant 3 : i32
        %dma_start3A_717 = arith.constant 0 : i32
        %dma_start3A_718 = arith.constant 0 : i32
        %dma_start3A_719 = tpu.memref_slice %arg8[%dma_start3A_716, %dma_start3A_717, %dma_start3A_718] : memref<4x64x128xf32, #tpu.memory_space<vmem>> -> memref<1x64x128xf32, #tpu.memory_space<vmem>>
        %dma_start3A_720 = tpu.memref_squeeze %dma_start3A_719 : memref<1x64x128xf32, #tpu.memory_space<vmem>> -> memref<64x128xf32, #tpu.memory_space<vmem>>
        %dma_start3A_721 = arith.constant 0 : i32
        %dma_start3A_722 = tpu.memref_slice %arg6[%add3A_715, %dma_start3A_721] : memref<64x64xi32, #tpu.memory_space<vmem>> -> memref<1x64xi32, #tpu.memory_space<vmem>>
        %dma_start3A_723 = tpu.memref_squeeze %dma_start3A_722 : memref<1x64xi32, #tpu.memory_space<vmem>> -> memref<64xi32, #tpu.memory_space<vmem>>
        %dma_start3A_724 = arith.constant 0 : i32
        %dma_start3A_725 = arith.constant 0 : i32
        %dma_start3A_726 = tpu.memref_slice %arg4[%dma_start3A_724, %dma_start3A_725] : memref<20000x128xf32, #tpu.memory_space<hbm>> -> memref<20000x128xf32, #tpu.memory_space<hbm>>
        tpu.enqueue_indirect_dma source(%dma_start3A_726 : memref<20000x128xf32, #tpu.memory_space<hbm>>) target(%dma_start3A_720 : memref<64x128xf32, #tpu.memory_space<vmem>>) offsets(%dma_start3A_723 : memref<64xi32, #tpu.memory_space<vmem>>) semaphore(%arg13 : memref<!tpu.dma_semaphore, #tpu.memory_space<semaphore_mem>>)
      } else {
      }
      %scan3A_713 = arith.constant 0 : i32
      scf.yield %scan3A_713 : i32
    }
    %scan3A_295 = arith.constant 8 : i32
    %dma_wait3A_296 = arith.constant 0 : i32
    %dma_wait3A_297 = arith.constant 0 : i32
    %dma_wait3A_298 = tpu.memref_slice %arg6[%dma_wait3A_296, %dma_wait3A_297] : memref<64x64xi32, #tpu.memory_space<vmem>> -> memref<32x64xi32, #tpu.memory_space<vmem>>
    %dma_wait3A_299 = arith.constant 64 : i32
    %dma_wait3A_300 = arith.constant 0 : i32
    %dma_wait3A_301 = tpu.memref_slice %arg2[%arg0, %arg1, %dma_wait3A_299, %dma_wait3A_300] : memref<2x16x160x64xi32, #tpu.memory_space<hbm>> -> memref<1x1x32x64xi32, #tpu.memory_space<hbm>>
    %dma_wait3A_302 = tpu.memref_squeeze %dma_wait3A_301 : memref<1x1x32x64xi32, #tpu.memory_space<hbm>> -> memref<32x64xi32, #tpu.memory_space<hbm>>
    %dma_wait3A_303 = arith.constant 0 : i32
    %dma_wait3A_304 = arith.constant 0 : i32
    %dma_wait3A_305 = tpu.memref_slice %arg6[%dma_wait3A_303, %dma_wait3A_304] : memref<64x64xi32, #tpu.memory_space<vmem>> -> memref<32x64xi32, #tpu.memory_space<vmem>>
    %dma_wait3A_306 = arith.constant 64 : i32
    %dma_wait3A_307 = arith.constant 0 : i32
    %dma_wait3A_308 = tpu.memref_slice %arg2[%arg0, %arg1, %dma_wait3A_306, %dma_wait3A_307] : memref<2x16x160x64xi32, #tpu.memory_space<hbm>> -> memref<1x1x32x64xi32, #tpu.memory_space<hbm>>
    %dma_wait3A_309 = tpu.memref_squeeze %dma_wait3A_308 : memref<1x1x32x64xi32, #tpu.memory_space<hbm>> -> memref<32x64xi32, #tpu.memory_space<hbm>>
    tpu.wait_dma2 semaphore(%arg14 : memref<!tpu.dma_semaphore, #tpu.memory_space<semaphore_mem>>) src(%dma_wait3A_309 : memref<32x64xi32, #tpu.memory_space<hbm>>) dst(%dma_wait3A_305 : memref<32x64xi32, #tpu.memory_space<vmem>>)
    %dma_wait3A_310 = arith.constant 0 : i32
    %dma_wait3A_311 = arith.constant 0 : i32
    %dma_wait3A_312 = tpu.memref_slice %arg7[%dma_wait3A_310, %dma_wait3A_311] : memref<64x64xi32, #tpu.memory_space<vmem>> -> memref<32x64xi32, #tpu.memory_space<vmem>>
    %dma_wait3A_313 = arith.constant 64 : i32
    %dma_wait3A_314 = arith.constant 0 : i32
    %dma_wait3A_315 = tpu.memref_slice %arg3[%arg1, %dma_wait3A_313, %dma_wait3A_314] : memref<16x160x64xi32, #tpu.memory_space<hbm>> -> memref<1x32x64xi32, #tpu.memory_space<hbm>>
    %dma_wait3A_316 = tpu.memref_squeeze %dma_wait3A_315 : memref<1x32x64xi32, #tpu.memory_space<hbm>> -> memref<32x64xi32, #tpu.memory_space<hbm>>
    %dma_wait3A_317 = arith.constant 0 : i32
    %dma_wait3A_318 = arith.constant 0 : i32
    %dma_wait3A_319 = tpu.memref_slice %arg7[%dma_wait3A_317, %dma_wait3A_318] : memref<64x64xi32, #tpu.memory_space<vmem>> -> memref<32x64xi32, #tpu.memory_space<vmem>>
    %dma_wait3A_320 = arith.constant 64 : i32
    %dma_wait3A_321 = arith.constant 0 : i32
    %dma_wait3A_322 = tpu.memref_slice %arg3[%arg1, %dma_wait3A_320, %dma_wait3A_321] : memref<16x160x64xi32, #tpu.memory_space<hbm>> -> memref<1x32x64xi32, #tpu.memory_space<hbm>>
    %dma_wait3A_323 = tpu.memref_squeeze %dma_wait3A_322 : memref<1x32x64xi32, #tpu.memory_space<hbm>> -> memref<32x64xi32, #tpu.memory_space<hbm>>
    tpu.wait_dma2 semaphore(%arg14 : memref<!tpu.dma_semaphore, #tpu.memory_space<semaphore_mem>>) src(%dma_wait3A_323 : memref<32x64xi32, #tpu.memory_space<hbm>>) dst(%dma_wait3A_319 : memref<32x64xi32, #tpu.memory_space<vmem>>)
    %dma_start3A_324 = arith.constant 32 : i32
    %dma_start3A_325 = arith.constant 0 : i32
    %dma_start3A_326 = tpu.memref_slice %arg6[%dma_start3A_324, %dma_start3A_325] : memref<64x64xi32, #tpu.memory_space<vmem>> -> memref<32x64xi32, #tpu.memory_space<vmem>>
    %dma_start3A_327 = arith.constant 96 : i32
    %dma_start3A_328 = arith.constant 0 : i32
    %dma_start3A_329 = tpu.memref_slice %arg2[%arg0, %arg1, %dma_start3A_327, %dma_start3A_328] : memref<2x16x160x64xi32, #tpu.memory_space<hbm>> -> memref<1x1x32x64xi32, #tpu.memory_space<hbm>>
    %dma_start3A_330 = tpu.memref_squeeze %dma_start3A_329 : memref<1x1x32x64xi32, #tpu.memory_space<hbm>> -> memref<32x64xi32, #tpu.memory_space<hbm>>
    %dma_start3A_331 = arith.constant 32 : i32
    %dma_start3A_332 = arith.constant 0 : i32
    %dma_start3A_333 = tpu.memref_slice %arg6[%dma_start3A_331, %dma_start3A_332] : memref<64x64xi32, #tpu.memory_space<vmem>> -> memref<32x64xi32, #tpu.memory_space<vmem>>
    %dma_start3A_334 = arith.constant 96 : i32
    %dma_start3A_335 = arith.constant 0 : i32
    %dma_start3A_336 = tpu.memref_slice %arg2[%arg0, %arg1, %dma_start3A_334, %dma_start3A_335] : memref<2x16x160x64xi32, #tpu.memory_space<hbm>> -> memref<1x1x32x64xi32, #tpu.memory_space<hbm>>
    %dma_start3A_337 = tpu.memref_squeeze %dma_start3A_336 : memref<1x1x32x64xi32, #tpu.memory_space<hbm>> -> memref<32x64xi32, #tpu.memory_space<hbm>>
    tpu.enqueue_dma source(%dma_start3A_337 : memref<32x64xi32, #tpu.memory_space<hbm>>) target(%dma_start3A_333 : memref<32x64xi32, #tpu.memory_space<vmem>>) target_semaphore(%arg14 : memref<!tpu.dma_semaphore, #tpu.memory_space<semaphore_mem>>)
    %dma_start3A_338 = arith.constant 32 : i32
    %dma_start3A_339 = arith.constant 0 : i32
    %dma_start3A_340 = tpu.memref_slice %arg7[%dma_start3A_338, %dma_start3A_339] : memref<64x64xi32, #tpu.memory_space<vmem>> -> memref<32x64xi32, #tpu.memory_space<vmem>>
    %dma_start3A_341 = arith.constant 96 : i32
    %dma_start3A_342 = arith.constant 0 : i32
    %dma_start3A_343 = tpu.memref_slice %arg3[%arg1, %dma_start3A_341, %dma_start3A_342] : memref<16x160x64xi32, #tpu.memory_space<hbm>> -> memref<1x32x64xi32, #tpu.memory_space<hbm>>
    %dma_start3A_344 = tpu.memref_squeeze %dma_start3A_343 : memref<1x32x64xi32, #tpu.memory_space<hbm>> -> memref<32x64xi32, #tpu.memory_space<hbm>>
    %dma_start3A_345 = arith.constant 32 : i32
    %dma_start3A_346 = arith.constant 0 : i32
    %dma_start3A_347 = tpu.memref_slice %arg7[%dma_start3A_345, %dma_start3A_346] : memref<64x64xi32, #tpu.memory_space<vmem>> -> memref<32x64xi32, #tpu.memory_space<vmem>>
    %dma_start3A_348 = arith.constant 96 : i32
    %dma_start3A_349 = arith.constant 0 : i32
    %dma_start3A_350 = tpu.memref_slice %arg3[%arg1, %dma_start3A_348, %dma_start3A_349] : memref<16x160x64xi32, #tpu.memory_space<hbm>> -> memref<1x32x64xi32, #tpu.memory_space<hbm>>
    %dma_start3A_351 = tpu.memref_squeeze %dma_start3A_350 : memref<1x32x64xi32, #tpu.memory_space<hbm>> -> memref<32x64xi32, #tpu.memory_space<hbm>>
    tpu.enqueue_dma source(%dma_start3A_351 : memref<32x64xi32, #tpu.memory_space<hbm>>) target(%dma_start3A_347 : memref<32x64xi32, #tpu.memory_space<vmem>>) target_semaphore(%arg14 : memref<!tpu.dma_semaphore, #tpu.memory_space<semaphore_mem>>)
    %dma_start3A_352 = arith.constant 0 : i32
    %dma_start3A_353 = arith.constant 0 : i32
    %dma_start3A_354 = arith.constant 0 : i32
    %dma_start3A_355 = arith.constant 0 : i32
    %dma_start3A_356 = tpu.memref_slice %arg8[%dma_start3A_353, %dma_start3A_354, %dma_start3A_355] : memref<4x64x128xf32, #tpu.memory_space<vmem>> -> memref<1x64x128xf32, #tpu.memory_space<vmem>>
    %dma_start3A_357 = tpu.memref_squeeze %dma_start3A_356 : memref<1x64x128xf32, #tpu.memory_space<vmem>> -> memref<64x128xf32, #tpu.memory_space<vmem>>
    %dma_start3A_358 = arith.constant 0 : i32
    %dma_start3A_359 = tpu.memref_slice %arg6[%dma_start3A_352, %dma_start3A_358] : memref<64x64xi32, #tpu.memory_space<vmem>> -> memref<1x64xi32, #tpu.memory_space<vmem>>
    %dma_start3A_360 = tpu.memref_squeeze %dma_start3A_359 : memref<1x64xi32, #tpu.memory_space<vmem>> -> memref<64xi32, #tpu.memory_space<vmem>>
    %dma_start3A_361 = arith.constant 0 : i32
    %dma_start3A_362 = arith.constant 0 : i32
    %dma_start3A_363 = tpu.memref_slice %arg4[%dma_start3A_361, %dma_start3A_362] : memref<20000x128xf32, #tpu.memory_space<hbm>> -> memref<20000x128xf32, #tpu.memory_space<hbm>>
    tpu.enqueue_indirect_dma source(%dma_start3A_363 : memref<20000x128xf32, #tpu.memory_space<hbm>>) target(%dma_start3A_357 : memref<64x128xf32, #tpu.memory_space<vmem>>) offsets(%dma_start3A_360 : memref<64xi32, #tpu.memory_space<vmem>>) semaphore(%arg10 : memref<!tpu.dma_semaphore, #tpu.memory_space<semaphore_mem>>)
    %dma_start3A_364 = arith.constant 1 : i32
    %dma_start3A_365 = arith.constant 1 : i32
    %dma_start3A_366 = arith.constant 0 : i32
    %dma_start3A_367 = arith.constant 0 : i32
    %dma_start3A_368 = tpu.memref_slice %arg8[%dma_start3A_365, %dma_start3A_366, %dma_start3A_367] : memref<4x64x128xf32, #tpu.memory_space<vmem>> -> memref<1x64x128xf32, #tpu.memory_space<vmem>>
    %dma_start3A_369 = tpu.memref_squeeze %dma_start3A_368 : memref<1x64x128xf32, #tpu.memory_space<vmem>> -> memref<64x128xf32, #tpu.memory_space<vmem>>
    %dma_start3A_370 = arith.constant 0 : i32
    %dma_start3A_371 = tpu.memref_slice %arg6[%dma_start3A_364, %dma_start3A_370] : memref<64x64xi32, #tpu.memory_space<vmem>> -> memref<1x64xi32, #tpu.memory_space<vmem>>
    %dma_start3A_372 = tpu.memref_squeeze %dma_start3A_371 : memref<1x64xi32, #tpu.memory_space<vmem>> -> memref<64xi32, #tpu.memory_space<vmem>>
    %dma_start3A_373 = arith.constant 0 : i32
    %dma_start3A_374 = arith.constant 0 : i32
    %dma_start3A_375 = tpu.memref_slice %arg4[%dma_start3A_373, %dma_start3A_374] : memref<20000x128xf32, #tpu.memory_space<hbm>> -> memref<20000x128xf32, #tpu.memory_space<hbm>>
    tpu.enqueue_indirect_dma source(%dma_start3A_375 : memref<20000x128xf32, #tpu.memory_space<hbm>>) target(%dma_start3A_369 : memref<64x128xf32, #tpu.memory_space<vmem>>) offsets(%dma_start3A_372 : memref<64xi32, #tpu.memory_space<vmem>>) semaphore(%arg11 : memref<!tpu.dma_semaphore, #tpu.memory_space<semaphore_mem>>)
    %dma_start3A_376 = arith.constant 2 : i32
    %dma_start3A_377 = arith.constant 2 : i32
    %dma_start3A_378 = arith.constant 0 : i32
    %dma_start3A_379 = arith.constant 0 : i32
    %dma_start3A_380 = tpu.memref_slice %arg8[%dma_start3A_377, %dma_start3A_378, %dma_start3A_379] : memref<4x64x128xf32, #tpu.memory_space<vmem>> -> memref<1x64x128xf32, #tpu.memory_space<vmem>>
    %dma_start3A_381 = tpu.memref_squeeze %dma_start3A_380 : memref<1x64x128xf32, #tpu.memory_space<vmem>> -> memref<64x128xf32, #tpu.memory_space<vmem>>
    %dma_start3A_382 = arith.constant 0 : i32
    %dma_start3A_383 = tpu.memref_slice %arg6[%dma_start3A_376, %dma_start3A_382] : memref<64x64xi32, #tpu.memory_space<vmem>> -> memref<1x64xi32, #tpu.memory_space<vmem>>
    %dma_start3A_384 = tpu.memref_squeeze %dma_start3A_383 : memref<1x64xi32, #tpu.memory_space<vmem>> -> memref<64xi32, #tpu.memory_space<vmem>>
    %dma_start3A_385 = arith.constant 0 : i32
    %dma_start3A_386 = arith.constant 0 : i32
    %dma_start3A_387 = tpu.memref_slice %arg4[%dma_start3A_385, %dma_start3A_386] : memref<20000x128xf32, #tpu.memory_space<hbm>> -> memref<20000x128xf32, #tpu.memory_space<hbm>>
    tpu.enqueue_indirect_dma source(%dma_start3A_387 : memref<20000x128xf32, #tpu.memory_space<hbm>>) target(%dma_start3A_381 : memref<64x128xf32, #tpu.memory_space<vmem>>) offsets(%dma_start3A_384 : memref<64xi32, #tpu.memory_space<vmem>>) semaphore(%arg12 : memref<!tpu.dma_semaphore, #tpu.memory_space<semaphore_mem>>)
    %dma_start3A_388 = arith.constant 3 : i32
    %dma_start3A_389 = arith.constant 3 : i32
    %dma_start3A_390 = arith.constant 0 : i32
    %dma_start3A_391 = arith.constant 0 : i32
    %dma_start3A_392 = tpu.memref_slice %arg8[%dma_start3A_389, %dma_start3A_390, %dma_start3A_391] : memref<4x64x128xf32, #tpu.memory_space<vmem>> -> memref<1x64x128xf32, #tpu.memory_space<vmem>>
    %dma_start3A_393 = tpu.memref_squeeze %dma_start3A_392 : memref<1x64x128xf32, #tpu.memory_space<vmem>> -> memref<64x128xf32, #tpu.memory_space<vmem>>
    %dma_start3A_394 = arith.constant 0 : i32
    %dma_start3A_395 = tpu.memref_slice %arg6[%dma_start3A_388, %dma_start3A_394] : memref<64x64xi32, #tpu.memory_space<vmem>> -> memref<1x64xi32, #tpu.memory_space<vmem>>
    %dma_start3A_396 = tpu.memref_squeeze %dma_start3A_395 : memref<1x64xi32, #tpu.memory_space<vmem>> -> memref<64xi32, #tpu.memory_space<vmem>>
    %dma_start3A_397 = arith.constant 0 : i32
    %dma_start3A_398 = arith.constant 0 : i32
    %dma_start3A_399 = tpu.memref_slice %arg4[%dma_start3A_397, %dma_start3A_398] : memref<20000x128xf32, #tpu.memory_space<hbm>> -> memref<20000x128xf32, #tpu.memory_space<hbm>>
    tpu.enqueue_indirect_dma source(%dma_start3A_399 : memref<20000x128xf32, #tpu.memory_space<hbm>>) target(%dma_start3A_393 : memref<64x128xf32, #tpu.memory_space<vmem>>) offsets(%dma_start3A_396 : memref<64xi32, #tpu.memory_space<vmem>>) semaphore(%arg13 : memref<!tpu.dma_semaphore, #tpu.memory_space<semaphore_mem>>)
    %scan3A_400 = arith.constant 0 : i32
    %scan3A_401 = arith.constant 0 : i32
    %scan3A_402 = arith.constant 8 : i32
    %scan3A_403 = arith.addi %scan3A_401, %scan3A_402 : i32
    %scan3A_404 = arith.constant 1 : i32
    %scan3A_405 = scf.for %scan3A_606 = %scan3A_401 to %scan3A_403 step %scan3A_404 iter_args(%scan3A_607 = %scan3A_400) -> (i32)  : i32 {
      %mul3A_608 = arith.constant 4 : i32
      %mul3A_609 = arith.muli %mul3A_608, %scan3A_606 : i32
      %add3A_610 = arith.constant 0 : i32
      %add3A_611 = arith.addi %mul3A_609, %add3A_610 : i32
      %add3A_612 = arith.constant 0 : i32
      %add3A_613 = arith.addi %add3A_612, %add3A_611 : i32
      %dma_wait3A_614 = arith.constant 0 : i32
      %dma_wait3A_615 = arith.constant 0 : i32
      %dma_wait3A_616 = arith.constant 0 : i32
      %dma_wait3A_617 = tpu.memref_slice %arg8[%dma_wait3A_614, %dma_wait3A_615, %dma_wait3A_616] : memref<4x64x128xf32, #tpu.memory_space<vmem>> -> memref<1x64x128xf32, #tpu.memory_space<vmem>>
      %dma_wait3A_618 = tpu.memref_squeeze %dma_wait3A_617 : memref<1x64x128xf32, #tpu.memory_space<vmem>> -> memref<64x128xf32, #tpu.memory_space<vmem>>
      %dma_wait3A_619 = arith.constant 0 : i32
      %dma_wait3A_620 = tpu.memref_slice %arg6[%add3A_613, %dma_wait3A_619] : memref<64x64xi32, #tpu.memory_space<vmem>> -> memref<1x64xi32, #tpu.memory_space<vmem>>
      %dma_wait3A_621 = tpu.memref_squeeze %dma_wait3A_620 : memref<1x64xi32, #tpu.memory_space<vmem>> -> memref<64xi32, #tpu.memory_space<vmem>>
      %dma_wait3A_622 = arith.constant 0 : i32
      %dma_wait3A_623 = arith.constant 0 : i32
      %dma_wait3A_624 = tpu.memref_slice %arg4[%dma_wait3A_622, %dma_wait3A_623] : memref<20000x128xf32, #tpu.memory_space<hbm>> -> memref<20000x128xf32, #tpu.memory_space<hbm>>
      tpu.wait_indirect_dma semaphore(%arg10 : memref<!tpu.dma_semaphore, #tpu.memory_space<semaphore_mem>>) src(%dma_wait3A_624 : memref<20000x128xf32, #tpu.memory_space<hbm>>) dst(%dma_wait3A_618 : memref<64x128xf32, #tpu.memory_space<vmem>>)
      %add3A_625 = arith.constant 0 : i32
      %add3A_626 = arith.addi %add3A_625, %add3A_611 : i32
      %run_scoped3A_627 = arith.constant 0 : i32
      "tpu.region"() ({
        %run_scoped3A_714 = tpu.sem_alloc : memref<!tpu.dma_semaphore, #tpu.memory_space<semaphore_mem>>
        %dma_start3A_715 = arith.constant 0 : i32
        %dma_start3A_716 = arith.constant 0 : i32
        %dma_start3A_717 = tpu.memref_slice %arg8[%run_scoped3A_627, %dma_start3A_715, %dma_start3A_716] : memref<4x64x128xf32, #tpu.memory_space<vmem>> -> memref<1x64x128xf32, #tpu.memory_space<vmem>>
        %dma_start3A_718 = tpu.memref_squeeze %dma_start3A_717 : memref<1x64x128xf32, #tpu.memory_space<vmem>> -> memref<64x128xf32, #tpu.memory_space<vmem>>
        %dma_start3A_719 = arith.constant 0 : i32
        %dma_start3A_720 = tpu.memref_slice %arg7[%add3A_626, %dma_start3A_719] : memref<64x64xi32, #tpu.memory_space<vmem>> -> memref<1x64xi32, #tpu.memory_space<vmem>>
        %dma_start3A_721 = tpu.memref_squeeze %dma_start3A_720 : memref<1x64xi32, #tpu.memory_space<vmem>> -> memref<64xi32, #tpu.memory_space<vmem>>
        %dma_start3A_722 = arith.constant 0 : i32
        %dma_start3A_723 = arith.constant 0 : i32
        %dma_start3A_724 = tpu.memref_slice %arg9[%dma_start3A_722, %dma_start3A_723] : memref<10240x128xf32, #tpu.memory_space<vmem_shared>> -> memref<10240x128xf32, #tpu.memory_space<vmem_shared>>
        tpu.enqueue_indirect_dma source(%dma_start3A_718 : memref<64x128xf32, #tpu.memory_space<vmem>>) target(%dma_start3A_724 : memref<10240x128xf32, #tpu.memory_space<vmem_shared>>) offsets(%dma_start3A_721 : memref<64xi32, #tpu.memory_space<vmem>>) semaphore(%run_scoped3A_714 : memref<!tpu.dma_semaphore, #tpu.memory_space<semaphore_mem>>) {add = true}
        %dma_wait3A_725 = arith.constant 0 : i32
        %dma_wait3A_726 = arith.constant 0 : i32
        %dma_wait3A_727 = tpu.memref_slice %arg8[%run_scoped3A_627, %dma_wait3A_725, %dma_wait3A_726] : memref<4x64x128xf32, #tpu.memory_space<vmem>> -> memref<1x64x128xf32, #tpu.memory_space<vmem>>
        %dma_wait3A_728 = tpu.memref_squeeze %dma_wait3A_727 : memref<1x64x128xf32, #tpu.memory_space<vmem>> -> memref<64x128xf32, #tpu.memory_space<vmem>>
        %dma_wait3A_729 = arith.constant 0 : i32
        %dma_wait3A_730 = tpu.memref_slice %arg7[%add3A_626, %dma_wait3A_729] : memref<64x64xi32, #tpu.memory_space<vmem>> -> memref<1x64xi32, #tpu.memory_space<vmem>>
        %dma_wait3A_731 = tpu.memref_squeeze %dma_wait3A_730 : memref<1x64xi32, #tpu.memory_space<vmem>> -> memref<64xi32, #tpu.memory_space<vmem>>
        %dma_wait3A_732 = arith.constant 0 : i32
        %dma_wait3A_733 = arith.constant 0 : i32
        %dma_wait3A_734 = tpu.memref_slice %arg9[%dma_wait3A_732, %dma_wait3A_733] : memref<10240x128xf32, #tpu.memory_space<vmem_shared>> -> memref<10240x128xf32, #tpu.memory_space<vmem_shared>>
        tpu.wait_indirect_dma semaphore(%run_scoped3A_714 : memref<!tpu.dma_semaphore, #tpu.memory_space<semaphore_mem>>) src(%dma_wait3A_728 : memref<64x128xf32, #tpu.memory_space<vmem>>) dst(%dma_wait3A_734 : memref<10240x128xf32, #tpu.memory_space<vmem_shared>>)
        tpu.yield
      }) : () -> ()
      %add3A_628 = arith.constant 4 : i32
      %add3A_629 = arith.addi %add3A_611, %add3A_628 : i32
      %lt3A = arith.constant 32 : i32
      %lt3A_630 = arith.cmpi slt, %add3A_629, %lt3A : i32
      %convert_element_type3A = arith.extui %lt3A_630 : i1 to i32
      %cond3A = arith.constant 0 : i32
      %cond3A_631 = arith.cmpi ne, %convert_element_type3A, %cond3A : i32
      scf.if %cond3A_631 {
        %add3A_714 = arith.constant 0 : i32
        %add3A_715 = arith.addi %add3A_714, %add3A_629 : i32
        %dma_start3A_716 = arith.constant 0 : i32
        %dma_start3A_717 = arith.constant 0 : i32
        %dma_start3A_718 = arith.constant 0 : i32
        %dma_start3A_719 = tpu.memref_slice %arg8[%dma_start3A_716, %dma_start3A_717, %dma_start3A_718] : memref<4x64x128xf32, #tpu.memory_space<vmem>> -> memref<1x64x128xf32, #tpu.memory_space<vmem>>
        %dma_start3A_720 = tpu.memref_squeeze %dma_start3A_719 : memref<1x64x128xf32, #tpu.memory_space<vmem>> -> memref<64x128xf32, #tpu.memory_space<vmem>>
        %dma_start3A_721 = arith.constant 0 : i32
        %dma_start3A_722 = tpu.memref_slice %arg6[%add3A_715, %dma_start3A_721] : memref<64x64xi32, #tpu.memory_space<vmem>> -> memref<1x64xi32, #tpu.memory_space<vmem>>
        %dma_start3A_723 = tpu.memref_squeeze %dma_start3A_722 : memref<1x64xi32, #tpu.memory_space<vmem>> -> memref<64xi32, #tpu.memory_space<vmem>>
        %dma_start3A_724 = arith.constant 0 : i32
        %dma_start3A_725 = arith.constant 0 : i32
        %dma_start3A_726 = tpu.memref_slice %arg4[%dma_start3A_724, %dma_start3A_725] : memref<20000x128xf32, #tpu.memory_space<hbm>> -> memref<20000x128xf32, #tpu.memory_space<hbm>>
        tpu.enqueue_indirect_dma source(%dma_start3A_726 : memref<20000x128xf32, #tpu.memory_space<hbm>>) target(%dma_start3A_720 : memref<64x128xf32, #tpu.memory_space<vmem>>) offsets(%dma_start3A_723 : memref<64xi32, #tpu.memory_space<vmem>>) semaphore(%arg10 : memref<!tpu.dma_semaphore, #tpu.memory_space<semaphore_mem>>)
      } else {
      }
      %mul3A_632 = arith.constant 4 : i32
      %mul3A_633 = arith.muli %mul3A_632, %scan3A_606 : i32
      %add3A_634 = arith.constant 1 : i32
      %add3A_635 = arith.addi %mul3A_633, %add3A_634 : i32
      %add3A_636 = arith.constant 0 : i32
      %add3A_637 = arith.addi %add3A_636, %add3A_635 : i32
      %dma_wait3A_638 = arith.constant 1 : i32
      %dma_wait3A_639 = arith.constant 0 : i32
      %dma_wait3A_640 = arith.constant 0 : i32
      %dma_wait3A_641 = tpu.memref_slice %arg8[%dma_wait3A_638, %dma_wait3A_639, %dma_wait3A_640] : memref<4x64x128xf32, #tpu.memory_space<vmem>> -> memref<1x64x128xf32, #tpu.memory_space<vmem>>
      %dma_wait3A_642 = tpu.memref_squeeze %dma_wait3A_641 : memref<1x64x128xf32, #tpu.memory_space<vmem>> -> memref<64x128xf32, #tpu.memory_space<vmem>>
      %dma_wait3A_643 = arith.constant 0 : i32
      %dma_wait3A_644 = tpu.memref_slice %arg6[%add3A_637, %dma_wait3A_643] : memref<64x64xi32, #tpu.memory_space<vmem>> -> memref<1x64xi32, #tpu.memory_space<vmem>>
      %dma_wait3A_645 = tpu.memref_squeeze %dma_wait3A_644 : memref<1x64xi32, #tpu.memory_space<vmem>> -> memref<64xi32, #tpu.memory_space<vmem>>
      %dma_wait3A_646 = arith.constant 0 : i32
      %dma_wait3A_647 = arith.constant 0 : i32
      %dma_wait3A_648 = tpu.memref_slice %arg4[%dma_wait3A_646, %dma_wait3A_647] : memref<20000x128xf32, #tpu.memory_space<hbm>> -> memref<20000x128xf32, #tpu.memory_space<hbm>>
      tpu.wait_indirect_dma semaphore(%arg11 : memref<!tpu.dma_semaphore, #tpu.memory_space<semaphore_mem>>) src(%dma_wait3A_648 : memref<20000x128xf32, #tpu.memory_space<hbm>>) dst(%dma_wait3A_642 : memref<64x128xf32, #tpu.memory_space<vmem>>)
      %add3A_649 = arith.constant 0 : i32
      %add3A_650 = arith.addi %add3A_649, %add3A_635 : i32
      %run_scoped3A_651 = arith.constant 1 : i32
      "tpu.region"() ({
        %run_scoped3A_714 = tpu.sem_alloc : memref<!tpu.dma_semaphore, #tpu.memory_space<semaphore_mem>>
        %dma_start3A_715 = arith.constant 0 : i32
        %dma_start3A_716 = arith.constant 0 : i32
        %dma_start3A_717 = tpu.memref_slice %arg8[%run_scoped3A_651, %dma_start3A_715, %dma_start3A_716] : memref<4x64x128xf32, #tpu.memory_space<vmem>> -> memref<1x64x128xf32, #tpu.memory_space<vmem>>
        %dma_start3A_718 = tpu.memref_squeeze %dma_start3A_717 : memref<1x64x128xf32, #tpu.memory_space<vmem>> -> memref<64x128xf32, #tpu.memory_space<vmem>>
        %dma_start3A_719 = arith.constant 0 : i32
        %dma_start3A_720 = tpu.memref_slice %arg7[%add3A_650, %dma_start3A_719] : memref<64x64xi32, #tpu.memory_space<vmem>> -> memref<1x64xi32, #tpu.memory_space<vmem>>
        %dma_start3A_721 = tpu.memref_squeeze %dma_start3A_720 : memref<1x64xi32, #tpu.memory_space<vmem>> -> memref<64xi32, #tpu.memory_space<vmem>>
        %dma_start3A_722 = arith.constant 0 : i32
        %dma_start3A_723 = arith.constant 0 : i32
        %dma_start3A_724 = tpu.memref_slice %arg9[%dma_start3A_722, %dma_start3A_723] : memref<10240x128xf32, #tpu.memory_space<vmem_shared>> -> memref<10240x128xf32, #tpu.memory_space<vmem_shared>>
        tpu.enqueue_indirect_dma source(%dma_start3A_718 : memref<64x128xf32, #tpu.memory_space<vmem>>) target(%dma_start3A_724 : memref<10240x128xf32, #tpu.memory_space<vmem_shared>>) offsets(%dma_start3A_721 : memref<64xi32, #tpu.memory_space<vmem>>) semaphore(%run_scoped3A_714 : memref<!tpu.dma_semaphore, #tpu.memory_space<semaphore_mem>>) {add = true}
        %dma_wait3A_725 = arith.constant 0 : i32
        %dma_wait3A_726 = arith.constant 0 : i32
        %dma_wait3A_727 = tpu.memref_slice %arg8[%run_scoped3A_651, %dma_wait3A_725, %dma_wait3A_726] : memref<4x64x128xf32, #tpu.memory_space<vmem>> -> memref<1x64x128xf32, #tpu.memory_space<vmem>>
        %dma_wait3A_728 = tpu.memref_squeeze %dma_wait3A_727 : memref<1x64x128xf32, #tpu.memory_space<vmem>> -> memref<64x128xf32, #tpu.memory_space<vmem>>
        %dma_wait3A_729 = arith.constant 0 : i32
        %dma_wait3A_730 = tpu.memref_slice %arg7[%add3A_650, %dma_wait3A_729] : memref<64x64xi32, #tpu.memory_space<vmem>> -> memref<1x64xi32, #tpu.memory_space<vmem>>
        %dma_wait3A_731 = tpu.memref_squeeze %dma_wait3A_730 : memref<1x64xi32, #tpu.memory_space<vmem>> -> memref<64xi32, #tpu.memory_space<vmem>>
        %dma_wait3A_732 = arith.constant 0 : i32
        %dma_wait3A_733 = arith.constant 0 : i32
        %dma_wait3A_734 = tpu.memref_slice %arg9[%dma_wait3A_732, %dma_wait3A_733] : memref<10240x128xf32, #tpu.memory_space<vmem_shared>> -> memref<10240x128xf32, #tpu.memory_space<vmem_shared>>
        tpu.wait_indirect_dma semaphore(%run_scoped3A_714 : memref<!tpu.dma_semaphore, #tpu.memory_space<semaphore_mem>>) src(%dma_wait3A_728 : memref<64x128xf32, #tpu.memory_space<vmem>>) dst(%dma_wait3A_734 : memref<10240x128xf32, #tpu.memory_space<vmem_shared>>)
        tpu.yield
      }) : () -> ()
      %add3A_652 = arith.constant 4 : i32
      %add3A_653 = arith.addi %add3A_635, %add3A_652 : i32
      %lt3A_654 = arith.constant 32 : i32
      %lt3A_655 = arith.cmpi slt, %add3A_653, %lt3A_654 : i32
      %convert_element_type3A_656 = arith.extui %lt3A_655 : i1 to i32
      %cond3A_657 = arith.constant 0 : i32
      %cond3A_658 = arith.cmpi ne, %convert_element_type3A_656, %cond3A_657 : i32
      scf.if %cond3A_658 {
        %add3A_714 = arith.constant 0 : i32
        %add3A_715 = arith.addi %add3A_714, %add3A_653 : i32
        %dma_start3A_716 = arith.constant 1 : i32
        %dma_start3A_717 = arith.constant 0 : i32
        %dma_start3A_718 = arith.constant 0 : i32
        %dma_start3A_719 = tpu.memref_slice %arg8[%dma_start3A_716, %dma_start3A_717, %dma_start3A_718] : memref<4x64x128xf32, #tpu.memory_space<vmem>> -> memref<1x64x128xf32, #tpu.memory_space<vmem>>
        %dma_start3A_720 = tpu.memref_squeeze %dma_start3A_719 : memref<1x64x128xf32, #tpu.memory_space<vmem>> -> memref<64x128xf32, #tpu.memory_space<vmem>>
        %dma_start3A_721 = arith.constant 0 : i32
        %dma_start3A_722 = tpu.memref_slice %arg6[%add3A_715, %dma_start3A_721] : memref<64x64xi32, #tpu.memory_space<vmem>> -> memref<1x64xi32, #tpu.memory_space<vmem>>
        %dma_start3A_723 = tpu.memref_squeeze %dma_start3A_722 : memref<1x64xi32, #tpu.memory_space<vmem>> -> memref<64xi32, #tpu.memory_space<vmem>>
        %dma_start3A_724 = arith.constant 0 : i32
        %dma_start3A_725 = arith.constant 0 : i32
        %dma_start3A_726 = tpu.memref_slice %arg4[%dma_start3A_724, %dma_start3A_725] : memref<20000x128xf32, #tpu.memory_space<hbm>> -> memref<20000x128xf32, #tpu.memory_space<hbm>>
        tpu.enqueue_indirect_dma source(%dma_start3A_726 : memref<20000x128xf32, #tpu.memory_space<hbm>>) target(%dma_start3A_720 : memref<64x128xf32, #tpu.memory_space<vmem>>) offsets(%dma_start3A_723 : memref<64xi32, #tpu.memory_space<vmem>>) semaphore(%arg11 : memref<!tpu.dma_semaphore, #tpu.memory_space<semaphore_mem>>)
      } else {
      }
      %mul3A_659 = arith.constant 4 : i32
      %mul3A_660 = arith.muli %mul3A_659, %scan3A_606 : i32
      %add3A_661 = arith.constant 2 : i32
      %add3A_662 = arith.addi %mul3A_660, %add3A_661 : i32
      %add3A_663 = arith.constant 0 : i32
      %add3A_664 = arith.addi %add3A_663, %add3A_662 : i32
      %dma_wait3A_665 = arith.constant 2 : i32
      %dma_wait3A_666 = arith.constant 0 : i32
      %dma_wait3A_667 = arith.constant 0 : i32
      %dma_wait3A_668 = tpu.memref_slice %arg8[%dma_wait3A_665, %dma_wait3A_666, %dma_wait3A_667] : memref<4x64x128xf32, #tpu.memory_space<vmem>> -> memref<1x64x128xf32, #tpu.memory_space<vmem>>
      %dma_wait3A_669 = tpu.memref_squeeze %dma_wait3A_668 : memref<1x64x128xf32, #tpu.memory_space<vmem>> -> memref<64x128xf32, #tpu.memory_space<vmem>>
      %dma_wait3A_670 = arith.constant 0 : i32
      %dma_wait3A_671 = tpu.memref_slice %arg6[%add3A_664, %dma_wait3A_670] : memref<64x64xi32, #tpu.memory_space<vmem>> -> memref<1x64xi32, #tpu.memory_space<vmem>>
      %dma_wait3A_672 = tpu.memref_squeeze %dma_wait3A_671 : memref<1x64xi32, #tpu.memory_space<vmem>> -> memref<64xi32, #tpu.memory_space<vmem>>
      %dma_wait3A_673 = arith.constant 0 : i32
      %dma_wait3A_674 = arith.constant 0 : i32
      %dma_wait3A_675 = tpu.memref_slice %arg4[%dma_wait3A_673, %dma_wait3A_674] : memref<20000x128xf32, #tpu.memory_space<hbm>> -> memref<20000x128xf32, #tpu.memory_space<hbm>>
      tpu.wait_indirect_dma semaphore(%arg12 : memref<!tpu.dma_semaphore, #tpu.memory_space<semaphore_mem>>) src(%dma_wait3A_675 : memref<20000x128xf32, #tpu.memory_space<hbm>>) dst(%dma_wait3A_669 : memref<64x128xf32, #tpu.memory_space<vmem>>)
      %add3A_676 = arith.constant 0 : i32
      %add3A_677 = arith.addi %add3A_676, %add3A_662 : i32
      %run_scoped3A_678 = arith.constant 2 : i32
      "tpu.region"() ({
        %run_scoped3A_714 = tpu.sem_alloc : memref<!tpu.dma_semaphore, #tpu.memory_space<semaphore_mem>>
        %dma_start3A_715 = arith.constant 0 : i32
        %dma_start3A_716 = arith.constant 0 : i32
        %dma_start3A_717 = tpu.memref_slice %arg8[%run_scoped3A_678, %dma_start3A_715, %dma_start3A_716] : memref<4x64x128xf32, #tpu.memory_space<vmem>> -> memref<1x64x128xf32, #tpu.memory_space<vmem>>
        %dma_start3A_718 = tpu.memref_squeeze %dma_start3A_717 : memref<1x64x128xf32, #tpu.memory_space<vmem>> -> memref<64x128xf32, #tpu.memory_space<vmem>>
        %dma_start3A_719 = arith.constant 0 : i32
        %dma_start3A_720 = tpu.memref_slice %arg7[%add3A_677, %dma_start3A_719] : memref<64x64xi32, #tpu.memory_space<vmem>> -> memref<1x64xi32, #tpu.memory_space<vmem>>
        %dma_start3A_721 = tpu.memref_squeeze %dma_start3A_720 : memref<1x64xi32, #tpu.memory_space<vmem>> -> memref<64xi32, #tpu.memory_space<vmem>>
        %dma_start3A_722 = arith.constant 0 : i32
        %dma_start3A_723 = arith.constant 0 : i32
        %dma_start3A_724 = tpu.memref_slice %arg9[%dma_start3A_722, %dma_start3A_723] : memref<10240x128xf32, #tpu.memory_space<vmem_shared>> -> memref<10240x128xf32, #tpu.memory_space<vmem_shared>>
        tpu.enqueue_indirect_dma source(%dma_start3A_718 : memref<64x128xf32, #tpu.memory_space<vmem>>) target(%dma_start3A_724 : memref<10240x128xf32, #tpu.memory_space<vmem_shared>>) offsets(%dma_start3A_721 : memref<64xi32, #tpu.memory_space<vmem>>) semaphore(%run_scoped3A_714 : memref<!tpu.dma_semaphore, #tpu.memory_space<semaphore_mem>>) {add = true}
        %dma_wait3A_725 = arith.constant 0 : i32
        %dma_wait3A_726 = arith.constant 0 : i32
        %dma_wait3A_727 = tpu.memref_slice %arg8[%run_scoped3A_678, %dma_wait3A_725, %dma_wait3A_726] : memref<4x64x128xf32, #tpu.memory_space<vmem>> -> memref<1x64x128xf32, #tpu.memory_space<vmem>>
        %dma_wait3A_728 = tpu.memref_squeeze %dma_wait3A_727 : memref<1x64x128xf32, #tpu.memory_space<vmem>> -> memref<64x128xf32, #tpu.memory_space<vmem>>
        %dma_wait3A_729 = arith.constant 0 : i32
        %dma_wait3A_730 = tpu.memref_slice %arg7[%add3A_677, %dma_wait3A_729] : memref<64x64xi32, #tpu.memory_space<vmem>> -> memref<1x64xi32, #tpu.memory_space<vmem>>
        %dma_wait3A_731 = tpu.memref_squeeze %dma_wait3A_730 : memref<1x64xi32, #tpu.memory_space<vmem>> -> memref<64xi32, #tpu.memory_space<vmem>>
        %dma_wait3A_732 = arith.constant 0 : i32
        %dma_wait3A_733 = arith.constant 0 : i32
        %dma_wait3A_734 = tpu.memref_slice %arg9[%dma_wait3A_732, %dma_wait3A_733] : memref<10240x128xf32, #tpu.memory_space<vmem_shared>> -> memref<10240x128xf32, #tpu.memory_space<vmem_shared>>
        tpu.wait_indirect_dma semaphore(%run_scoped3A_714 : memref<!tpu.dma_semaphore, #tpu.memory_space<semaphore_mem>>) src(%dma_wait3A_728 : memref<64x128xf32, #tpu.memory_space<vmem>>) dst(%dma_wait3A_734 : memref<10240x128xf32, #tpu.memory_space<vmem_shared>>)
        tpu.yield
      }) : () -> ()
      %add3A_679 = arith.constant 4 : i32
      %add3A_680 = arith.addi %add3A_662, %add3A_679 : i32
      %lt3A_681 = arith.constant 32 : i32
      %lt3A_682 = arith.cmpi slt, %add3A_680, %lt3A_681 : i32
      %convert_element_type3A_683 = arith.extui %lt3A_682 : i1 to i32
      %cond3A_684 = arith.constant 0 : i32
      %cond3A_685 = arith.cmpi ne, %convert_element_type3A_683, %cond3A_684 : i32
      scf.if %cond3A_685 {
        %add3A_714 = arith.constant 0 : i32
        %add3A_715 = arith.addi %add3A_714, %add3A_680 : i32
        %dma_start3A_716 = arith.constant 2 : i32
        %dma_start3A_717 = arith.constant 0 : i32
        %dma_start3A_718 = arith.constant 0 : i32
        %dma_start3A_719 = tpu.memref_slice %arg8[%dma_start3A_716, %dma_start3A_717, %dma_start3A_718] : memref<4x64x128xf32, #tpu.memory_space<vmem>> -> memref<1x64x128xf32, #tpu.memory_space<vmem>>
        %dma_start3A_720 = tpu.memref_squeeze %dma_start3A_719 : memref<1x64x128xf32, #tpu.memory_space<vmem>> -> memref<64x128xf32, #tpu.memory_space<vmem>>
        %dma_start3A_721 = arith.constant 0 : i32
        %dma_start3A_722 = tpu.memref_slice %arg6[%add3A_715, %dma_start3A_721] : memref<64x64xi32, #tpu.memory_space<vmem>> -> memref<1x64xi32, #tpu.memory_space<vmem>>
        %dma_start3A_723 = tpu.memref_squeeze %dma_start3A_722 : memref<1x64xi32, #tpu.memory_space<vmem>> -> memref<64xi32, #tpu.memory_space<vmem>>
        %dma_start3A_724 = arith.constant 0 : i32
        %dma_start3A_725 = arith.constant 0 : i32
        %dma_start3A_726 = tpu.memref_slice %arg4[%dma_start3A_724, %dma_start3A_725] : memref<20000x128xf32, #tpu.memory_space<hbm>> -> memref<20000x128xf32, #tpu.memory_space<hbm>>
        tpu.enqueue_indirect_dma source(%dma_start3A_726 : memref<20000x128xf32, #tpu.memory_space<hbm>>) target(%dma_start3A_720 : memref<64x128xf32, #tpu.memory_space<vmem>>) offsets(%dma_start3A_723 : memref<64xi32, #tpu.memory_space<vmem>>) semaphore(%arg12 : memref<!tpu.dma_semaphore, #tpu.memory_space<semaphore_mem>>)
      } else {
      }
      %mul3A_686 = arith.constant 4 : i32
      %mul3A_687 = arith.muli %mul3A_686, %scan3A_606 : i32
      %add3A_688 = arith.constant 3 : i32
      %add3A_689 = arith.addi %mul3A_687, %add3A_688 : i32
      %add3A_690 = arith.constant 0 : i32
      %add3A_691 = arith.addi %add3A_690, %add3A_689 : i32
      %dma_wait3A_692 = arith.constant 3 : i32
      %dma_wait3A_693 = arith.constant 0 : i32
      %dma_wait3A_694 = arith.constant 0 : i32
      %dma_wait3A_695 = tpu.memref_slice %arg8[%dma_wait3A_692, %dma_wait3A_693, %dma_wait3A_694] : memref<4x64x128xf32, #tpu.memory_space<vmem>> -> memref<1x64x128xf32, #tpu.memory_space<vmem>>
      %dma_wait3A_696 = tpu.memref_squeeze %dma_wait3A_695 : memref<1x64x128xf32, #tpu.memory_space<vmem>> -> memref<64x128xf32, #tpu.memory_space<vmem>>
      %dma_wait3A_697 = arith.constant 0 : i32
      %dma_wait3A_698 = tpu.memref_slice %arg6[%add3A_691, %dma_wait3A_697] : memref<64x64xi32, #tpu.memory_space<vmem>> -> memref<1x64xi32, #tpu.memory_space<vmem>>
      %dma_wait3A_699 = tpu.memref_squeeze %dma_wait3A_698 : memref<1x64xi32, #tpu.memory_space<vmem>> -> memref<64xi32, #tpu.memory_space<vmem>>
      %dma_wait3A_700 = arith.constant 0 : i32
      %dma_wait3A_701 = arith.constant 0 : i32
      %dma_wait3A_702 = tpu.memref_slice %arg4[%dma_wait3A_700, %dma_wait3A_701] : memref<20000x128xf32, #tpu.memory_space<hbm>> -> memref<20000x128xf32, #tpu.memory_space<hbm>>
      tpu.wait_indirect_dma semaphore(%arg13 : memref<!tpu.dma_semaphore, #tpu.memory_space<semaphore_mem>>) src(%dma_wait3A_702 : memref<20000x128xf32, #tpu.memory_space<hbm>>) dst(%dma_wait3A_696 : memref<64x128xf32, #tpu.memory_space<vmem>>)
      %add3A_703 = arith.constant 0 : i32
      %add3A_704 = arith.addi %add3A_703, %add3A_689 : i32
      %run_scoped3A_705 = arith.constant 3 : i32
      "tpu.region"() ({
        %run_scoped3A_714 = tpu.sem_alloc : memref<!tpu.dma_semaphore, #tpu.memory_space<semaphore_mem>>
        %dma_start3A_715 = arith.constant 0 : i32
        %dma_start3A_716 = arith.constant 0 : i32
        %dma_start3A_717 = tpu.memref_slice %arg8[%run_scoped3A_705, %dma_start3A_715, %dma_start3A_716] : memref<4x64x128xf32, #tpu.memory_space<vmem>> -> memref<1x64x128xf32, #tpu.memory_space<vmem>>
        %dma_start3A_718 = tpu.memref_squeeze %dma_start3A_717 : memref<1x64x128xf32, #tpu.memory_space<vmem>> -> memref<64x128xf32, #tpu.memory_space<vmem>>
        %dma_start3A_719 = arith.constant 0 : i32
        %dma_start3A_720 = tpu.memref_slice %arg7[%add3A_704, %dma_start3A_719] : memref<64x64xi32, #tpu.memory_space<vmem>> -> memref<1x64xi32, #tpu.memory_space<vmem>>
        %dma_start3A_721 = tpu.memref_squeeze %dma_start3A_720 : memref<1x64xi32, #tpu.memory_space<vmem>> -> memref<64xi32, #tpu.memory_space<vmem>>
        %dma_start3A_722 = arith.constant 0 : i32
        %dma_start3A_723 = arith.constant 0 : i32
        %dma_start3A_724 = tpu.memref_slice %arg9[%dma_start3A_722, %dma_start3A_723] : memref<10240x128xf32, #tpu.memory_space<vmem_shared>> -> memref<10240x128xf32, #tpu.memory_space<vmem_shared>>
        tpu.enqueue_indirect_dma source(%dma_start3A_718 : memref<64x128xf32, #tpu.memory_space<vmem>>) target(%dma_start3A_724 : memref<10240x128xf32, #tpu.memory_space<vmem_shared>>) offsets(%dma_start3A_721 : memref<64xi32, #tpu.memory_space<vmem>>) semaphore(%run_scoped3A_714 : memref<!tpu.dma_semaphore, #tpu.memory_space<semaphore_mem>>) {add = true}
        %dma_wait3A_725 = arith.constant 0 : i32
        %dma_wait3A_726 = arith.constant 0 : i32
        %dma_wait3A_727 = tpu.memref_slice %arg8[%run_scoped3A_705, %dma_wait3A_725, %dma_wait3A_726] : memref<4x64x128xf32, #tpu.memory_space<vmem>> -> memref<1x64x128xf32, #tpu.memory_space<vmem>>
        %dma_wait3A_728 = tpu.memref_squeeze %dma_wait3A_727 : memref<1x64x128xf32, #tpu.memory_space<vmem>> -> memref<64x128xf32, #tpu.memory_space<vmem>>
        %dma_wait3A_729 = arith.constant 0 : i32
        %dma_wait3A_730 = tpu.memref_slice %arg7[%add3A_704, %dma_wait3A_729] : memref<64x64xi32, #tpu.memory_space<vmem>> -> memref<1x64xi32, #tpu.memory_space<vmem>>
        %dma_wait3A_731 = tpu.memref_squeeze %dma_wait3A_730 : memref<1x64xi32, #tpu.memory_space<vmem>> -> memref<64xi32, #tpu.memory_space<vmem>>
        %dma_wait3A_732 = arith.constant 0 : i32
        %dma_wait3A_733 = arith.constant 0 : i32
        %dma_wait3A_734 = tpu.memref_slice %arg9[%dma_wait3A_732, %dma_wait3A_733] : memref<10240x128xf32, #tpu.memory_space<vmem_shared>> -> memref<10240x128xf32, #tpu.memory_space<vmem_shared>>
        tpu.wait_indirect_dma semaphore(%run_scoped3A_714 : memref<!tpu.dma_semaphore, #tpu.memory_space<semaphore_mem>>) src(%dma_wait3A_728 : memref<64x128xf32, #tpu.memory_space<vmem>>) dst(%dma_wait3A_734 : memref<10240x128xf32, #tpu.memory_space<vmem_shared>>)
        tpu.yield
      }) : () -> ()
      %add3A_706 = arith.constant 4 : i32
      %add3A_707 = arith.addi %add3A_689, %add3A_706 : i32
      %lt3A_708 = arith.constant 32 : i32
      %lt3A_709 = arith.cmpi slt, %add3A_707, %lt3A_708 : i32
      %convert_element_type3A_710 = arith.extui %lt3A_709 : i1 to i32
      %cond3A_711 = arith.constant 0 : i32
      %cond3A_712 = arith.cmpi ne, %convert_element_type3A_710, %cond3A_711 : i32
      scf.if %cond3A_712 {
        %add3A_714 = arith.constant 0 : i32
        %add3A_715 = arith.addi %add3A_714, %add3A_707 : i32
        %dma_start3A_716 = arith.constant 3 : i32
        %dma_start3A_717 = arith.constant 0 : i32
        %dma_start3A_718 = arith.constant 0 : i32
        %dma_start3A_719 = tpu.memref_slice %arg8[%dma_start3A_716, %dma_start3A_717, %dma_start3A_718] : memref<4x64x128xf32, #tpu.memory_space<vmem>> -> memref<1x64x128xf32, #tpu.memory_space<vmem>>
        %dma_start3A_720 = tpu.memref_squeeze %dma_start3A_719 : memref<1x64x128xf32, #tpu.memory_space<vmem>> -> memref<64x128xf32, #tpu.memory_space<vmem>>
        %dma_start3A_721 = arith.constant 0 : i32
        %dma_start3A_722 = tpu.memref_slice %arg6[%add3A_715, %dma_start3A_721] : memref<64x64xi32, #tpu.memory_space<vmem>> -> memref<1x64xi32, #tpu.memory_space<vmem>>
        %dma_start3A_723 = tpu.memref_squeeze %dma_start3A_722 : memref<1x64xi32, #tpu.memory_space<vmem>> -> memref<64xi32, #tpu.memory_space<vmem>>
        %dma_start3A_724 = arith.constant 0 : i32
        %dma_start3A_725 = arith.constant 0 : i32
        %dma_start3A_726 = tpu.memref_slice %arg4[%dma_start3A_724, %dma_start3A_725] : memref<20000x128xf32, #tpu.memory_space<hbm>> -> memref<20000x128xf32, #tpu.memory_space<hbm>>
        tpu.enqueue_indirect_dma source(%dma_start3A_726 : memref<20000x128xf32, #tpu.memory_space<hbm>>) target(%dma_start3A_720 : memref<64x128xf32, #tpu.memory_space<vmem>>) offsets(%dma_start3A_723 : memref<64xi32, #tpu.memory_space<vmem>>) semaphore(%arg13 : memref<!tpu.dma_semaphore, #tpu.memory_space<semaphore_mem>>)
      } else {
      }
      %scan3A_713 = arith.constant 0 : i32
      scf.yield %scan3A_713 : i32
    }
    %scan3A_406 = arith.constant 8 : i32
    %dma_wait3A_407 = arith.constant 32 : i32
    %dma_wait3A_408 = arith.constant 0 : i32
    %dma_wait3A_409 = tpu.memref_slice %arg6[%dma_wait3A_407, %dma_wait3A_408] : memref<64x64xi32, #tpu.memory_space<vmem>> -> memref<32x64xi32, #tpu.memory_space<vmem>>
    %dma_wait3A_410 = arith.constant 96 : i32
    %dma_wait3A_411 = arith.constant 0 : i32
    %dma_wait3A_412 = tpu.memref_slice %arg2[%arg0, %arg1, %dma_wait3A_410, %dma_wait3A_411] : memref<2x16x160x64xi32, #tpu.memory_space<hbm>> -> memref<1x1x32x64xi32, #tpu.memory_space<hbm>>
    %dma_wait3A_413 = tpu.memref_squeeze %dma_wait3A_412 : memref<1x1x32x64xi32, #tpu.memory_space<hbm>> -> memref<32x64xi32, #tpu.memory_space<hbm>>
    %dma_wait3A_414 = arith.constant 32 : i32
    %dma_wait3A_415 = arith.constant 0 : i32
    %dma_wait3A_416 = tpu.memref_slice %arg6[%dma_wait3A_414, %dma_wait3A_415] : memref<64x64xi32, #tpu.memory_space<vmem>> -> memref<32x64xi32, #tpu.memory_space<vmem>>
    %dma_wait3A_417 = arith.constant 96 : i32
    %dma_wait3A_418 = arith.constant 0 : i32
    %dma_wait3A_419 = tpu.memref_slice %arg2[%arg0, %arg1, %dma_wait3A_417, %dma_wait3A_418] : memref<2x16x160x64xi32, #tpu.memory_space<hbm>> -> memref<1x1x32x64xi32, #tpu.memory_space<hbm>>
    %dma_wait3A_420 = tpu.memref_squeeze %dma_wait3A_419 : memref<1x1x32x64xi32, #tpu.memory_space<hbm>> -> memref<32x64xi32, #tpu.memory_space<hbm>>
    tpu.wait_dma2 semaphore(%arg14 : memref<!tpu.dma_semaphore, #tpu.memory_space<semaphore_mem>>) src(%dma_wait3A_420 : memref<32x64xi32, #tpu.memory_space<hbm>>) dst(%dma_wait3A_416 : memref<32x64xi32, #tpu.memory_space<vmem>>)
    %dma_wait3A_421 = arith.constant 32 : i32
    %dma_wait3A_422 = arith.constant 0 : i32
    %dma_wait3A_423 = tpu.memref_slice %arg7[%dma_wait3A_421, %dma_wait3A_422] : memref<64x64xi32, #tpu.memory_space<vmem>> -> memref<32x64xi32, #tpu.memory_space<vmem>>
    %dma_wait3A_424 = arith.constant 96 : i32
    %dma_wait3A_425 = arith.constant 0 : i32
    %dma_wait3A_426 = tpu.memref_slice %arg3[%arg1, %dma_wait3A_424, %dma_wait3A_425] : memref<16x160x64xi32, #tpu.memory_space<hbm>> -> memref<1x32x64xi32, #tpu.memory_space<hbm>>
    %dma_wait3A_427 = tpu.memref_squeeze %dma_wait3A_426 : memref<1x32x64xi32, #tpu.memory_space<hbm>> -> memref<32x64xi32, #tpu.memory_space<hbm>>
    %dma_wait3A_428 = arith.constant 32 : i32
    %dma_wait3A_429 = arith.constant 0 : i32
    %dma_wait3A_430 = tpu.memref_slice %arg7[%dma_wait3A_428, %dma_wait3A_429] : memref<64x64xi32, #tpu.memory_space<vmem>> -> memref<32x64xi32, #tpu.memory_space<vmem>>
    %dma_wait3A_431 = arith.constant 96 : i32
    %dma_wait3A_432 = arith.constant 0 : i32
    %dma_wait3A_433 = tpu.memref_slice %arg3[%arg1, %dma_wait3A_431, %dma_wait3A_432] : memref<16x160x64xi32, #tpu.memory_space<hbm>> -> memref<1x32x64xi32, #tpu.memory_space<hbm>>
    %dma_wait3A_434 = tpu.memref_squeeze %dma_wait3A_433 : memref<1x32x64xi32, #tpu.memory_space<hbm>> -> memref<32x64xi32, #tpu.memory_space<hbm>>
    tpu.wait_dma2 semaphore(%arg14 : memref<!tpu.dma_semaphore, #tpu.memory_space<semaphore_mem>>) src(%dma_wait3A_434 : memref<32x64xi32, #tpu.memory_space<hbm>>) dst(%dma_wait3A_430 : memref<32x64xi32, #tpu.memory_space<vmem>>)
    %dma_start3A_435 = arith.constant 0 : i32
    %dma_start3A_436 = arith.constant 0 : i32
    %dma_start3A_437 = tpu.memref_slice %arg6[%dma_start3A_435, %dma_start3A_436] : memref<64x64xi32, #tpu.memory_space<vmem>> -> memref<32x64xi32, #tpu.memory_space<vmem>>
    %dma_start3A_438 = arith.constant 128 : i32
    %dma_start3A_439 = arith.constant 0 : i32
    %dma_start3A_440 = tpu.memref_slice %arg2[%arg0, %arg1, %dma_start3A_438, %dma_start3A_439] : memref<2x16x160x64xi32, #tpu.memory_space<hbm>> -> memref<1x1x32x64xi32, #tpu.memory_space<hbm>>
    %dma_start3A_441 = tpu.memref_squeeze %dma_start3A_440 : memref<1x1x32x64xi32, #tpu.memory_space<hbm>> -> memref<32x64xi32, #tpu.memory_space<hbm>>
    %dma_start3A_442 = arith.constant 0 : i32
    %dma_start3A_443 = arith.constant 0 : i32
    %dma_start3A_444 = tpu.memref_slice %arg6[%dma_start3A_442, %dma_start3A_443] : memref<64x64xi32, #tpu.memory_space<vmem>> -> memref<32x64xi32, #tpu.memory_space<vmem>>
    %dma_start3A_445 = arith.constant 128 : i32
    %dma_start3A_446 = arith.constant 0 : i32
    %dma_start3A_447 = tpu.memref_slice %arg2[%arg0, %arg1, %dma_start3A_445, %dma_start3A_446] : memref<2x16x160x64xi32, #tpu.memory_space<hbm>> -> memref<1x1x32x64xi32, #tpu.memory_space<hbm>>
    %dma_start3A_448 = tpu.memref_squeeze %dma_start3A_447 : memref<1x1x32x64xi32, #tpu.memory_space<hbm>> -> memref<32x64xi32, #tpu.memory_space<hbm>>
    tpu.enqueue_dma source(%dma_start3A_448 : memref<32x64xi32, #tpu.memory_space<hbm>>) target(%dma_start3A_444 : memref<32x64xi32, #tpu.memory_space<vmem>>) target_semaphore(%arg14 : memref<!tpu.dma_semaphore, #tpu.memory_space<semaphore_mem>>)
    %dma_start3A_449 = arith.constant 0 : i32
    %dma_start3A_450 = arith.constant 0 : i32
    %dma_start3A_451 = tpu.memref_slice %arg7[%dma_start3A_449, %dma_start3A_450] : memref<64x64xi32, #tpu.memory_space<vmem>> -> memref<32x64xi32, #tpu.memory_space<vmem>>
    %dma_start3A_452 = arith.constant 128 : i32
    %dma_start3A_453 = arith.constant 0 : i32
    %dma_start3A_454 = tpu.memref_slice %arg3[%arg1, %dma_start3A_452, %dma_start3A_453] : memref<16x160x64xi32, #tpu.memory_space<hbm>> -> memref<1x32x64xi32, #tpu.memory_space<hbm>>
    %dma_start3A_455 = tpu.memref_squeeze %dma_start3A_454 : memref<1x32x64xi32, #tpu.memory_space<hbm>> -> memref<32x64xi32, #tpu.memory_space<hbm>>
    %dma_start3A_456 = arith.constant 0 : i32
    %dma_start3A_457 = arith.constant 0 : i32
    %dma_start3A_458 = tpu.memref_slice %arg7[%dma_start3A_456, %dma_start3A_457] : memref<64x64xi32, #tpu.memory_space<vmem>> -> memref<32x64xi32, #tpu.memory_space<vmem>>
    %dma_start3A_459 = arith.constant 128 : i32
    %dma_start3A_460 = arith.constant 0 : i32
    %dma_start3A_461 = tpu.memref_slice %arg3[%arg1, %dma_start3A_459, %dma_start3A_460] : memref<16x160x64xi32, #tpu.memory_space<hbm>> -> memref<1x32x64xi32, #tpu.memory_space<hbm>>
    %dma_start3A_462 = tpu.memref_squeeze %dma_start3A_461 : memref<1x32x64xi32, #tpu.memory_space<hbm>> -> memref<32x64xi32, #tpu.memory_space<hbm>>
    tpu.enqueue_dma source(%dma_start3A_462 : memref<32x64xi32, #tpu.memory_space<hbm>>) target(%dma_start3A_458 : memref<32x64xi32, #tpu.memory_space<vmem>>) target_semaphore(%arg14 : memref<!tpu.dma_semaphore, #tpu.memory_space<semaphore_mem>>)
    %dma_start3A_463 = arith.constant 32 : i32
    %dma_start3A_464 = arith.constant 0 : i32
    %dma_start3A_465 = arith.constant 0 : i32
    %dma_start3A_466 = arith.constant 0 : i32
    %dma_start3A_467 = tpu.memref_slice %arg8[%dma_start3A_464, %dma_start3A_465, %dma_start3A_466] : memref<4x64x128xf32, #tpu.memory_space<vmem>> -> memref<1x64x128xf32, #tpu.memory_space<vmem>>
    %dma_start3A_468 = tpu.memref_squeeze %dma_start3A_467 : memref<1x64x128xf32, #tpu.memory_space<vmem>> -> memref<64x128xf32, #tpu.memory_space<vmem>>
    %dma_start3A_469 = arith.constant 0 : i32
    %dma_start3A_470 = tpu.memref_slice %arg6[%dma_start3A_463, %dma_start3A_469] : memref<64x64xi32, #tpu.memory_space<vmem>> -> memref<1x64xi32, #tpu.memory_space<vmem>>
    %dma_start3A_471 = tpu.memref_squeeze %dma_start3A_470 : memref<1x64xi32, #tpu.memory_space<vmem>> -> memref<64xi32, #tpu.memory_space<vmem>>
    %dma_start3A_472 = arith.constant 0 : i32
    %dma_start3A_473 = arith.constant 0 : i32
    %dma_start3A_474 = tpu.memref_slice %arg4[%dma_start3A_472, %dma_start3A_473] : memref<20000x128xf32, #tpu.memory_space<hbm>> -> memref<20000x128xf32, #tpu.memory_space<hbm>>
    tpu.enqueue_indirect_dma source(%dma_start3A_474 : memref<20000x128xf32, #tpu.memory_space<hbm>>) target(%dma_start3A_468 : memref<64x128xf32, #tpu.memory_space<vmem>>) offsets(%dma_start3A_471 : memref<64xi32, #tpu.memory_space<vmem>>) semaphore(%arg10 : memref<!tpu.dma_semaphore, #tpu.memory_space<semaphore_mem>>)
    %dma_start3A_475 = arith.constant 33 : i32
    %dma_start3A_476 = arith.constant 1 : i32
    %dma_start3A_477 = arith.constant 0 : i32
    %dma_start3A_478 = arith.constant 0 : i32
    %dma_start3A_479 = tpu.memref_slice %arg8[%dma_start3A_476, %dma_start3A_477, %dma_start3A_478] : memref<4x64x128xf32, #tpu.memory_space<vmem>> -> memref<1x64x128xf32, #tpu.memory_space<vmem>>
    %dma_start3A_480 = tpu.memref_squeeze %dma_start3A_479 : memref<1x64x128xf32, #tpu.memory_space<vmem>> -> memref<64x128xf32, #tpu.memory_space<vmem>>
    %dma_start3A_481 = arith.constant 0 : i32
    %dma_start3A_482 = tpu.memref_slice %arg6[%dma_start3A_475, %dma_start3A_481] : memref<64x64xi32, #tpu.memory_space<vmem>> -> memref<1x64xi32, #tpu.memory_space<vmem>>
    %dma_start3A_483 = tpu.memref_squeeze %dma_start3A_482 : memref<1x64xi32, #tpu.memory_space<vmem>> -> memref<64xi32, #tpu.memory_space<vmem>>
    %dma_start3A_484 = arith.constant 0 : i32
    %dma_start3A_485 = arith.constant 0 : i32
    %dma_start3A_486 = tpu.memref_slice %arg4[%dma_start3A_484, %dma_start3A_485] : memref<20000x128xf32, #tpu.memory_space<hbm>> -> memref<20000x128xf32, #tpu.memory_space<hbm>>
    tpu.enqueue_indirect_dma source(%dma_start3A_486 : memref<20000x128xf32, #tpu.memory_space<hbm>>) target(%dma_start3A_480 : memref<64x128xf32, #tpu.memory_space<vmem>>) offsets(%dma_start3A_483 : memref<64xi32, #tpu.memory_space<vmem>>) semaphore(%arg11 : memref<!tpu.dma_semaphore, #tpu.memory_space<semaphore_mem>>)
    %dma_start3A_487 = arith.constant 34 : i32
    %dma_start3A_488 = arith.constant 2 : i32
    %dma_start3A_489 = arith.constant 0 : i32
    %dma_start3A_490 = arith.constant 0 : i32
    %dma_start3A_491 = tpu.memref_slice %arg8[%dma_start3A_488, %dma_start3A_489, %dma_start3A_490] : memref<4x64x128xf32, #tpu.memory_space<vmem>> -> memref<1x64x128xf32, #tpu.memory_space<vmem>>
    %dma_start3A_492 = tpu.memref_squeeze %dma_start3A_491 : memref<1x64x128xf32, #tpu.memory_space<vmem>> -> memref<64x128xf32, #tpu.memory_space<vmem>>
    %dma_start3A_493 = arith.constant 0 : i32
    %dma_start3A_494 = tpu.memref_slice %arg6[%dma_start3A_487, %dma_start3A_493] : memref<64x64xi32, #tpu.memory_space<vmem>> -> memref<1x64xi32, #tpu.memory_space<vmem>>
    %dma_start3A_495 = tpu.memref_squeeze %dma_start3A_494 : memref<1x64xi32, #tpu.memory_space<vmem>> -> memref<64xi32, #tpu.memory_space<vmem>>
    %dma_start3A_496 = arith.constant 0 : i32
    %dma_start3A_497 = arith.constant 0 : i32
    %dma_start3A_498 = tpu.memref_slice %arg4[%dma_start3A_496, %dma_start3A_497] : memref<20000x128xf32, #tpu.memory_space<hbm>> -> memref<20000x128xf32, #tpu.memory_space<hbm>>
    tpu.enqueue_indirect_dma source(%dma_start3A_498 : memref<20000x128xf32, #tpu.memory_space<hbm>>) target(%dma_start3A_492 : memref<64x128xf32, #tpu.memory_space<vmem>>) offsets(%dma_start3A_495 : memref<64xi32, #tpu.memory_space<vmem>>) semaphore(%arg12 : memref<!tpu.dma_semaphore, #tpu.memory_space<semaphore_mem>>)
    %dma_start3A_499 = arith.constant 35 : i32
    %dma_start3A_500 = arith.constant 3 : i32
    %dma_start3A_501 = arith.constant 0 : i32
    %dma_start3A_502 = arith.constant 0 : i32
    %dma_start3A_503 = tpu.memref_slice %arg8[%dma_start3A_500, %dma_start3A_501, %dma_start3A_502] : memref<4x64x128xf32, #tpu.memory_space<vmem>> -> memref<1x64x128xf32, #tpu.memory_space<vmem>>
    %dma_start3A_504 = tpu.memref_squeeze %dma_start3A_503 : memref<1x64x128xf32, #tpu.memory_space<vmem>> -> memref<64x128xf32, #tpu.memory_space<vmem>>
    %dma_start3A_505 = arith.constant 0 : i32
    %dma_start3A_506 = tpu.memref_slice %arg6[%dma_start3A_499, %dma_start3A_505] : memref<64x64xi32, #tpu.memory_space<vmem>> -> memref<1x64xi32, #tpu.memory_space<vmem>>
    %dma_start3A_507 = tpu.memref_squeeze %dma_start3A_506 : memref<1x64xi32, #tpu.memory_space<vmem>> -> memref<64xi32, #tpu.memory_space<vmem>>
    %dma_start3A_508 = arith.constant 0 : i32
    %dma_start3A_509 = arith.constant 0 : i32
    %dma_start3A_510 = tpu.memref_slice %arg4[%dma_start3A_508, %dma_start3A_509] : memref<20000x128xf32, #tpu.memory_space<hbm>> -> memref<20000x128xf32, #tpu.memory_space<hbm>>
    tpu.enqueue_indirect_dma source(%dma_start3A_510 : memref<20000x128xf32, #tpu.memory_space<hbm>>) target(%dma_start3A_504 : memref<64x128xf32, #tpu.memory_space<vmem>>) offsets(%dma_start3A_507 : memref<64xi32, #tpu.memory_space<vmem>>) semaphore(%arg13 : memref<!tpu.dma_semaphore, #tpu.memory_space<semaphore_mem>>)
    %scan3A_511 = arith.constant 0 : i32
    %scan3A_512 = arith.constant 0 : i32
    %scan3A_513 = arith.constant 8 : i32
    %scan3A_514 = arith.addi %scan3A_512, %scan3A_513 : i32
    %scan3A_515 = arith.constant 1 : i32
    %scan3A_516 = scf.for %scan3A_606 = %scan3A_512 to %scan3A_514 step %scan3A_515 iter_args(%scan3A_607 = %scan3A_511) -> (i32)  : i32 {
      %mul3A_608 = arith.constant 4 : i32
      %mul3A_609 = arith.muli %mul3A_608, %scan3A_606 : i32
      %add3A_610 = arith.constant 0 : i32
      %add3A_611 = arith.addi %mul3A_609, %add3A_610 : i32
      %add3A_612 = arith.constant 32 : i32
      %add3A_613 = arith.addi %add3A_612, %add3A_611 : i32
      %dma_wait3A_614 = arith.constant 0 : i32
      %dma_wait3A_615 = arith.constant 0 : i32
      %dma_wait3A_616 = arith.constant 0 : i32
      %dma_wait3A_617 = tpu.memref_slice %arg8[%dma_wait3A_614, %dma_wait3A_615, %dma_wait3A_616] : memref<4x64x128xf32, #tpu.memory_space<vmem>> -> memref<1x64x128xf32, #tpu.memory_space<vmem>>
      %dma_wait3A_618 = tpu.memref_squeeze %dma_wait3A_617 : memref<1x64x128xf32, #tpu.memory_space<vmem>> -> memref<64x128xf32, #tpu.memory_space<vmem>>
      %dma_wait3A_619 = arith.constant 0 : i32
      %dma_wait3A_620 = tpu.memref_slice %arg6[%add3A_613, %dma_wait3A_619] : memref<64x64xi32, #tpu.memory_space<vmem>> -> memref<1x64xi32, #tpu.memory_space<vmem>>
      %dma_wait3A_621 = tpu.memref_squeeze %dma_wait3A_620 : memref<1x64xi32, #tpu.memory_space<vmem>> -> memref<64xi32, #tpu.memory_space<vmem>>
      %dma_wait3A_622 = arith.constant 0 : i32
      %dma_wait3A_623 = arith.constant 0 : i32
      %dma_wait3A_624 = tpu.memref_slice %arg4[%dma_wait3A_622, %dma_wait3A_623] : memref<20000x128xf32, #tpu.memory_space<hbm>> -> memref<20000x128xf32, #tpu.memory_space<hbm>>
      tpu.wait_indirect_dma semaphore(%arg10 : memref<!tpu.dma_semaphore, #tpu.memory_space<semaphore_mem>>) src(%dma_wait3A_624 : memref<20000x128xf32, #tpu.memory_space<hbm>>) dst(%dma_wait3A_618 : memref<64x128xf32, #tpu.memory_space<vmem>>)
      %add3A_625 = arith.constant 32 : i32
      %add3A_626 = arith.addi %add3A_625, %add3A_611 : i32
      %run_scoped3A_627 = arith.constant 0 : i32
      "tpu.region"() ({
        %run_scoped3A_714 = tpu.sem_alloc : memref<!tpu.dma_semaphore, #tpu.memory_space<semaphore_mem>>
        %dma_start3A_715 = arith.constant 0 : i32
        %dma_start3A_716 = arith.constant 0 : i32
        %dma_start3A_717 = tpu.memref_slice %arg8[%run_scoped3A_627, %dma_start3A_715, %dma_start3A_716] : memref<4x64x128xf32, #tpu.memory_space<vmem>> -> memref<1x64x128xf32, #tpu.memory_space<vmem>>
        %dma_start3A_718 = tpu.memref_squeeze %dma_start3A_717 : memref<1x64x128xf32, #tpu.memory_space<vmem>> -> memref<64x128xf32, #tpu.memory_space<vmem>>
        %dma_start3A_719 = arith.constant 0 : i32
        %dma_start3A_720 = tpu.memref_slice %arg7[%add3A_626, %dma_start3A_719] : memref<64x64xi32, #tpu.memory_space<vmem>> -> memref<1x64xi32, #tpu.memory_space<vmem>>
        %dma_start3A_721 = tpu.memref_squeeze %dma_start3A_720 : memref<1x64xi32, #tpu.memory_space<vmem>> -> memref<64xi32, #tpu.memory_space<vmem>>
        %dma_start3A_722 = arith.constant 0 : i32
        %dma_start3A_723 = arith.constant 0 : i32
        %dma_start3A_724 = tpu.memref_slice %arg9[%dma_start3A_722, %dma_start3A_723] : memref<10240x128xf32, #tpu.memory_space<vmem_shared>> -> memref<10240x128xf32, #tpu.memory_space<vmem_shared>>
        tpu.enqueue_indirect_dma source(%dma_start3A_718 : memref<64x128xf32, #tpu.memory_space<vmem>>) target(%dma_start3A_724 : memref<10240x128xf32, #tpu.memory_space<vmem_shared>>) offsets(%dma_start3A_721 : memref<64xi32, #tpu.memory_space<vmem>>) semaphore(%run_scoped3A_714 : memref<!tpu.dma_semaphore, #tpu.memory_space<semaphore_mem>>) {add = true}
        %dma_wait3A_725 = arith.constant 0 : i32
        %dma_wait3A_726 = arith.constant 0 : i32
        %dma_wait3A_727 = tpu.memref_slice %arg8[%run_scoped3A_627, %dma_wait3A_725, %dma_wait3A_726] : memref<4x64x128xf32, #tpu.memory_space<vmem>> -> memref<1x64x128xf32, #tpu.memory_space<vmem>>
        %dma_wait3A_728 = tpu.memref_squeeze %dma_wait3A_727 : memref<1x64x128xf32, #tpu.memory_space<vmem>> -> memref<64x128xf32, #tpu.memory_space<vmem>>
        %dma_wait3A_729 = arith.constant 0 : i32
        %dma_wait3A_730 = tpu.memref_slice %arg7[%add3A_626, %dma_wait3A_729] : memref<64x64xi32, #tpu.memory_space<vmem>> -> memref<1x64xi32, #tpu.memory_space<vmem>>
        %dma_wait3A_731 = tpu.memref_squeeze %dma_wait3A_730 : memref<1x64xi32, #tpu.memory_space<vmem>> -> memref<64xi32, #tpu.memory_space<vmem>>
        %dma_wait3A_732 = arith.constant 0 : i32
        %dma_wait3A_733 = arith.constant 0 : i32
        %dma_wait3A_734 = tpu.memref_slice %arg9[%dma_wait3A_732, %dma_wait3A_733] : memref<10240x128xf32, #tpu.memory_space<vmem_shared>> -> memref<10240x128xf32, #tpu.memory_space<vmem_shared>>
        tpu.wait_indirect_dma semaphore(%run_scoped3A_714 : memref<!tpu.dma_semaphore, #tpu.memory_space<semaphore_mem>>) src(%dma_wait3A_728 : memref<64x128xf32, #tpu.memory_space<vmem>>) dst(%dma_wait3A_734 : memref<10240x128xf32, #tpu.memory_space<vmem_shared>>)
        tpu.yield
      }) : () -> ()
      %add3A_628 = arith.constant 4 : i32
      %add3A_629 = arith.addi %add3A_611, %add3A_628 : i32
      %lt3A = arith.constant 32 : i32
      %lt3A_630 = arith.cmpi slt, %add3A_629, %lt3A : i32
      %convert_element_type3A = arith.extui %lt3A_630 : i1 to i32
      %cond3A = arith.constant 0 : i32
      %cond3A_631 = arith.cmpi ne, %convert_element_type3A, %cond3A : i32
      scf.if %cond3A_631 {
        %add3A_714 = arith.constant 32 : i32
        %add3A_715 = arith.addi %add3A_714, %add3A_629 : i32
        %dma_start3A_716 = arith.constant 0 : i32
        %dma_start3A_717 = arith.constant 0 : i32
        %dma_start3A_718 = arith.constant 0 : i32
        %dma_start3A_719 = tpu.memref_slice %arg8[%dma_start3A_716, %dma_start3A_717, %dma_start3A_718] : memref<4x64x128xf32, #tpu.memory_space<vmem>> -> memref<1x64x128xf32, #tpu.memory_space<vmem>>
        %dma_start3A_720 = tpu.memref_squeeze %dma_start3A_719 : memref<1x64x128xf32, #tpu.memory_space<vmem>> -> memref<64x128xf32, #tpu.memory_space<vmem>>
        %dma_start3A_721 = arith.constant 0 : i32
        %dma_start3A_722 = tpu.memref_slice %arg6[%add3A_715, %dma_start3A_721] : memref<64x64xi32, #tpu.memory_space<vmem>> -> memref<1x64xi32, #tpu.memory_space<vmem>>
        %dma_start3A_723 = tpu.memref_squeeze %dma_start3A_722 : memref<1x64xi32, #tpu.memory_space<vmem>> -> memref<64xi32, #tpu.memory_space<vmem>>
        %dma_start3A_724 = arith.constant 0 : i32
        %dma_start3A_725 = arith.constant 0 : i32
        %dma_start3A_726 = tpu.memref_slice %arg4[%dma_start3A_724, %dma_start3A_725] : memref<20000x128xf32, #tpu.memory_space<hbm>> -> memref<20000x128xf32, #tpu.memory_space<hbm>>
        tpu.enqueue_indirect_dma source(%dma_start3A_726 : memref<20000x128xf32, #tpu.memory_space<hbm>>) target(%dma_start3A_720 : memref<64x128xf32, #tpu.memory_space<vmem>>) offsets(%dma_start3A_723 : memref<64xi32, #tpu.memory_space<vmem>>) semaphore(%arg10 : memref<!tpu.dma_semaphore, #tpu.memory_space<semaphore_mem>>)
      } else {
      }
      %mul3A_632 = arith.constant 4 : i32
      %mul3A_633 = arith.muli %mul3A_632, %scan3A_606 : i32
      %add3A_634 = arith.constant 1 : i32
      %add3A_635 = arith.addi %mul3A_633, %add3A_634 : i32
      %add3A_636 = arith.constant 32 : i32
      %add3A_637 = arith.addi %add3A_636, %add3A_635 : i32
      %dma_wait3A_638 = arith.constant 1 : i32
      %dma_wait3A_639 = arith.constant 0 : i32
      %dma_wait3A_640 = arith.constant 0 : i32
      %dma_wait3A_641 = tpu.memref_slice %arg8[%dma_wait3A_638, %dma_wait3A_639, %dma_wait3A_640] : memref<4x64x128xf32, #tpu.memory_space<vmem>> -> memref<1x64x128xf32, #tpu.memory_space<vmem>>
      %dma_wait3A_642 = tpu.memref_squeeze %dma_wait3A_641 : memref<1x64x128xf32, #tpu.memory_space<vmem>> -> memref<64x128xf32, #tpu.memory_space<vmem>>
      %dma_wait3A_643 = arith.constant 0 : i32
      %dma_wait3A_644 = tpu.memref_slice %arg6[%add3A_637, %dma_wait3A_643] : memref<64x64xi32, #tpu.memory_space<vmem>> -> memref<1x64xi32, #tpu.memory_space<vmem>>
      %dma_wait3A_645 = tpu.memref_squeeze %dma_wait3A_644 : memref<1x64xi32, #tpu.memory_space<vmem>> -> memref<64xi32, #tpu.memory_space<vmem>>
      %dma_wait3A_646 = arith.constant 0 : i32
      %dma_wait3A_647 = arith.constant 0 : i32
      %dma_wait3A_648 = tpu.memref_slice %arg4[%dma_wait3A_646, %dma_wait3A_647] : memref<20000x128xf32, #tpu.memory_space<hbm>> -> memref<20000x128xf32, #tpu.memory_space<hbm>>
      tpu.wait_indirect_dma semaphore(%arg11 : memref<!tpu.dma_semaphore, #tpu.memory_space<semaphore_mem>>) src(%dma_wait3A_648 : memref<20000x128xf32, #tpu.memory_space<hbm>>) dst(%dma_wait3A_642 : memref<64x128xf32, #tpu.memory_space<vmem>>)
      %add3A_649 = arith.constant 32 : i32
      %add3A_650 = arith.addi %add3A_649, %add3A_635 : i32
      %run_scoped3A_651 = arith.constant 1 : i32
      "tpu.region"() ({
        %run_scoped3A_714 = tpu.sem_alloc : memref<!tpu.dma_semaphore, #tpu.memory_space<semaphore_mem>>
        %dma_start3A_715 = arith.constant 0 : i32
        %dma_start3A_716 = arith.constant 0 : i32
        %dma_start3A_717 = tpu.memref_slice %arg8[%run_scoped3A_651, %dma_start3A_715, %dma_start3A_716] : memref<4x64x128xf32, #tpu.memory_space<vmem>> -> memref<1x64x128xf32, #tpu.memory_space<vmem>>
        %dma_start3A_718 = tpu.memref_squeeze %dma_start3A_717 : memref<1x64x128xf32, #tpu.memory_space<vmem>> -> memref<64x128xf32, #tpu.memory_space<vmem>>
        %dma_start3A_719 = arith.constant 0 : i32
        %dma_start3A_720 = tpu.memref_slice %arg7[%add3A_650, %dma_start3A_719] : memref<64x64xi32, #tpu.memory_space<vmem>> -> memref<1x64xi32, #tpu.memory_space<vmem>>
        %dma_start3A_721 = tpu.memref_squeeze %dma_start3A_720 : memref<1x64xi32, #tpu.memory_space<vmem>> -> memref<64xi32, #tpu.memory_space<vmem>>
        %dma_start3A_722 = arith.constant 0 : i32
        %dma_start3A_723 = arith.constant 0 : i32
        %dma_start3A_724 = tpu.memref_slice %arg9[%dma_start3A_722, %dma_start3A_723] : memref<10240x128xf32, #tpu.memory_space<vmem_shared>> -> memref<10240x128xf32, #tpu.memory_space<vmem_shared>>
        tpu.enqueue_indirect_dma source(%dma_start3A_718 : memref<64x128xf32, #tpu.memory_space<vmem>>) target(%dma_start3A_724 : memref<10240x128xf32, #tpu.memory_space<vmem_shared>>) offsets(%dma_start3A_721 : memref<64xi32, #tpu.memory_space<vmem>>) semaphore(%run_scoped3A_714 : memref<!tpu.dma_semaphore, #tpu.memory_space<semaphore_mem>>) {add = true}
        %dma_wait3A_725 = arith.constant 0 : i32
        %dma_wait3A_726 = arith.constant 0 : i32
        %dma_wait3A_727 = tpu.memref_slice %arg8[%run_scoped3A_651, %dma_wait3A_725, %dma_wait3A_726] : memref<4x64x128xf32, #tpu.memory_space<vmem>> -> memref<1x64x128xf32, #tpu.memory_space<vmem>>
        %dma_wait3A_728 = tpu.memref_squeeze %dma_wait3A_727 : memref<1x64x128xf32, #tpu.memory_space<vmem>> -> memref<64x128xf32, #tpu.memory_space<vmem>>
        %dma_wait3A_729 = arith.constant 0 : i32
        %dma_wait3A_730 = tpu.memref_slice %arg7[%add3A_650, %dma_wait3A_729] : memref<64x64xi32, #tpu.memory_space<vmem>> -> memref<1x64xi32, #tpu.memory_space<vmem>>
        %dma_wait3A_731 = tpu.memref_squeeze %dma_wait3A_730 : memref<1x64xi32, #tpu.memory_space<vmem>> -> memref<64xi32, #tpu.memory_space<vmem>>
        %dma_wait3A_732 = arith.constant 0 : i32
        %dma_wait3A_733 = arith.constant 0 : i32
        %dma_wait3A_734 = tpu.memref_slice %arg9[%dma_wait3A_732, %dma_wait3A_733] : memref<10240x128xf32, #tpu.memory_space<vmem_shared>> -> memref<10240x128xf32, #tpu.memory_space<vmem_shared>>
        tpu.wait_indirect_dma semaphore(%run_scoped3A_714 : memref<!tpu.dma_semaphore, #tpu.memory_space<semaphore_mem>>) src(%dma_wait3A_728 : memref<64x128xf32, #tpu.memory_space<vmem>>) dst(%dma_wait3A_734 : memref<10240x128xf32, #tpu.memory_space<vmem_shared>>)
        tpu.yield
      }) : () -> ()
      %add3A_652 = arith.constant 4 : i32
      %add3A_653 = arith.addi %add3A_635, %add3A_652 : i32
      %lt3A_654 = arith.constant 32 : i32
      %lt3A_655 = arith.cmpi slt, %add3A_653, %lt3A_654 : i32
      %convert_element_type3A_656 = arith.extui %lt3A_655 : i1 to i32
      %cond3A_657 = arith.constant 0 : i32
      %cond3A_658 = arith.cmpi ne, %convert_element_type3A_656, %cond3A_657 : i32
      scf.if %cond3A_658 {
        %add3A_714 = arith.constant 32 : i32
        %add3A_715 = arith.addi %add3A_714, %add3A_653 : i32
        %dma_start3A_716 = arith.constant 1 : i32
        %dma_start3A_717 = arith.constant 0 : i32
        %dma_start3A_718 = arith.constant 0 : i32
        %dma_start3A_719 = tpu.memref_slice %arg8[%dma_start3A_716, %dma_start3A_717, %dma_start3A_718] : memref<4x64x128xf32, #tpu.memory_space<vmem>> -> memref<1x64x128xf32, #tpu.memory_space<vmem>>
        %dma_start3A_720 = tpu.memref_squeeze %dma_start3A_719 : memref<1x64x128xf32, #tpu.memory_space<vmem>> -> memref<64x128xf32, #tpu.memory_space<vmem>>
        %dma_start3A_721 = arith.constant 0 : i32
        %dma_start3A_722 = tpu.memref_slice %arg6[%add3A_715, %dma_start3A_721] : memref<64x64xi32, #tpu.memory_space<vmem>> -> memref<1x64xi32, #tpu.memory_space<vmem>>
        %dma_start3A_723 = tpu.memref_squeeze %dma_start3A_722 : memref<1x64xi32, #tpu.memory_space<vmem>> -> memref<64xi32, #tpu.memory_space<vmem>>
        %dma_start3A_724 = arith.constant 0 : i32
        %dma_start3A_725 = arith.constant 0 : i32
        %dma_start3A_726 = tpu.memref_slice %arg4[%dma_start3A_724, %dma_start3A_725] : memref<20000x128xf32, #tpu.memory_space<hbm>> -> memref<20000x128xf32, #tpu.memory_space<hbm>>
        tpu.enqueue_indirect_dma source(%dma_start3A_726 : memref<20000x128xf32, #tpu.memory_space<hbm>>) target(%dma_start3A_720 : memref<64x128xf32, #tpu.memory_space<vmem>>) offsets(%dma_start3A_723 : memref<64xi32, #tpu.memory_space<vmem>>) semaphore(%arg11 : memref<!tpu.dma_semaphore, #tpu.memory_space<semaphore_mem>>)
      } else {
      }
      %mul3A_659 = arith.constant 4 : i32
      %mul3A_660 = arith.muli %mul3A_659, %scan3A_606 : i32
      %add3A_661 = arith.constant 2 : i32
      %add3A_662 = arith.addi %mul3A_660, %add3A_661 : i32
      %add3A_663 = arith.constant 32 : i32
      %add3A_664 = arith.addi %add3A_663, %add3A_662 : i32
      %dma_wait3A_665 = arith.constant 2 : i32
      %dma_wait3A_666 = arith.constant 0 : i32
      %dma_wait3A_667 = arith.constant 0 : i32
      %dma_wait3A_668 = tpu.memref_slice %arg8[%dma_wait3A_665, %dma_wait3A_666, %dma_wait3A_667] : memref<4x64x128xf32, #tpu.memory_space<vmem>> -> memref<1x64x128xf32, #tpu.memory_space<vmem>>
      %dma_wait3A_669 = tpu.memref_squeeze %dma_wait3A_668 : memref<1x64x128xf32, #tpu.memory_space<vmem>> -> memref<64x128xf32, #tpu.memory_space<vmem>>
      %dma_wait3A_670 = arith.constant 0 : i32
      %dma_wait3A_671 = tpu.memref_slice %arg6[%add3A_664, %dma_wait3A_670] : memref<64x64xi32, #tpu.memory_space<vmem>> -> memref<1x64xi32, #tpu.memory_space<vmem>>
      %dma_wait3A_672 = tpu.memref_squeeze %dma_wait3A_671 : memref<1x64xi32, #tpu.memory_space<vmem>> -> memref<64xi32, #tpu.memory_space<vmem>>
      %dma_wait3A_673 = arith.constant 0 : i32
      %dma_wait3A_674 = arith.constant 0 : i32
      %dma_wait3A_675 = tpu.memref_slice %arg4[%dma_wait3A_673, %dma_wait3A_674] : memref<20000x128xf32, #tpu.memory_space<hbm>> -> memref<20000x128xf32, #tpu.memory_space<hbm>>
      tpu.wait_indirect_dma semaphore(%arg12 : memref<!tpu.dma_semaphore, #tpu.memory_space<semaphore_mem>>) src(%dma_wait3A_675 : memref<20000x128xf32, #tpu.memory_space<hbm>>) dst(%dma_wait3A_669 : memref<64x128xf32, #tpu.memory_space<vmem>>)
      %add3A_676 = arith.constant 32 : i32
      %add3A_677 = arith.addi %add3A_676, %add3A_662 : i32
      %run_scoped3A_678 = arith.constant 2 : i32
      "tpu.region"() ({
        %run_scoped3A_714 = tpu.sem_alloc : memref<!tpu.dma_semaphore, #tpu.memory_space<semaphore_mem>>
        %dma_start3A_715 = arith.constant 0 : i32
        %dma_start3A_716 = arith.constant 0 : i32
        %dma_start3A_717 = tpu.memref_slice %arg8[%run_scoped3A_678, %dma_start3A_715, %dma_start3A_716] : memref<4x64x128xf32, #tpu.memory_space<vmem>> -> memref<1x64x128xf32, #tpu.memory_space<vmem>>
        %dma_start3A_718 = tpu.memref_squeeze %dma_start3A_717 : memref<1x64x128xf32, #tpu.memory_space<vmem>> -> memref<64x128xf32, #tpu.memory_space<vmem>>
        %dma_start3A_719 = arith.constant 0 : i32
        %dma_start3A_720 = tpu.memref_slice %arg7[%add3A_677, %dma_start3A_719] : memref<64x64xi32, #tpu.memory_space<vmem>> -> memref<1x64xi32, #tpu.memory_space<vmem>>
        %dma_start3A_721 = tpu.memref_squeeze %dma_start3A_720 : memref<1x64xi32, #tpu.memory_space<vmem>> -> memref<64xi32, #tpu.memory_space<vmem>>
        %dma_start3A_722 = arith.constant 0 : i32
        %dma_start3A_723 = arith.constant 0 : i32
        %dma_start3A_724 = tpu.memref_slice %arg9[%dma_start3A_722, %dma_start3A_723] : memref<10240x128xf32, #tpu.memory_space<vmem_shared>> -> memref<10240x128xf32, #tpu.memory_space<vmem_shared>>
        tpu.enqueue_indirect_dma source(%dma_start3A_718 : memref<64x128xf32, #tpu.memory_space<vmem>>) target(%dma_start3A_724 : memref<10240x128xf32, #tpu.memory_space<vmem_shared>>) offsets(%dma_start3A_721 : memref<64xi32, #tpu.memory_space<vmem>>) semaphore(%run_scoped3A_714 : memref<!tpu.dma_semaphore, #tpu.memory_space<semaphore_mem>>) {add = true}
        %dma_wait3A_725 = arith.constant 0 : i32
        %dma_wait3A_726 = arith.constant 0 : i32
        %dma_wait3A_727 = tpu.memref_slice %arg8[%run_scoped3A_678, %dma_wait3A_725, %dma_wait3A_726] : memref<4x64x128xf32, #tpu.memory_space<vmem>> -> memref<1x64x128xf32, #tpu.memory_space<vmem>>
        %dma_wait3A_728 = tpu.memref_squeeze %dma_wait3A_727 : memref<1x64x128xf32, #tpu.memory_space<vmem>> -> memref<64x128xf32, #tpu.memory_space<vmem>>
        %dma_wait3A_729 = arith.constant 0 : i32
        %dma_wait3A_730 = tpu.memref_slice %arg7[%add3A_677, %dma_wait3A_729] : memref<64x64xi32, #tpu.memory_space<vmem>> -> memref<1x64xi32, #tpu.memory_space<vmem>>
        %dma_wait3A_731 = tpu.memref_squeeze %dma_wait3A_730 : memref<1x64xi32, #tpu.memory_space<vmem>> -> memref<64xi32, #tpu.memory_space<vmem>>
        %dma_wait3A_732 = arith.constant 0 : i32
        %dma_wait3A_733 = arith.constant 0 : i32
        %dma_wait3A_734 = tpu.memref_slice %arg9[%dma_wait3A_732, %dma_wait3A_733] : memref<10240x128xf32, #tpu.memory_space<vmem_shared>> -> memref<10240x128xf32, #tpu.memory_space<vmem_shared>>
        tpu.wait_indirect_dma semaphore(%run_scoped3A_714 : memref<!tpu.dma_semaphore, #tpu.memory_space<semaphore_mem>>) src(%dma_wait3A_728 : memref<64x128xf32, #tpu.memory_space<vmem>>) dst(%dma_wait3A_734 : memref<10240x128xf32, #tpu.memory_space<vmem_shared>>)
        tpu.yield
      }) : () -> ()
      %add3A_679 = arith.constant 4 : i32
      %add3A_680 = arith.addi %add3A_662, %add3A_679 : i32
      %lt3A_681 = arith.constant 32 : i32
      %lt3A_682 = arith.cmpi slt, %add3A_680, %lt3A_681 : i32
      %convert_element_type3A_683 = arith.extui %lt3A_682 : i1 to i32
      %cond3A_684 = arith.constant 0 : i32
      %cond3A_685 = arith.cmpi ne, %convert_element_type3A_683, %cond3A_684 : i32
      scf.if %cond3A_685 {
        %add3A_714 = arith.constant 32 : i32
        %add3A_715 = arith.addi %add3A_714, %add3A_680 : i32
        %dma_start3A_716 = arith.constant 2 : i32
        %dma_start3A_717 = arith.constant 0 : i32
        %dma_start3A_718 = arith.constant 0 : i32
        %dma_start3A_719 = tpu.memref_slice %arg8[%dma_start3A_716, %dma_start3A_717, %dma_start3A_718] : memref<4x64x128xf32, #tpu.memory_space<vmem>> -> memref<1x64x128xf32, #tpu.memory_space<vmem>>
        %dma_start3A_720 = tpu.memref_squeeze %dma_start3A_719 : memref<1x64x128xf32, #tpu.memory_space<vmem>> -> memref<64x128xf32, #tpu.memory_space<vmem>>
        %dma_start3A_721 = arith.constant 0 : i32
        %dma_start3A_722 = tpu.memref_slice %arg6[%add3A_715, %dma_start3A_721] : memref<64x64xi32, #tpu.memory_space<vmem>> -> memref<1x64xi32, #tpu.memory_space<vmem>>
        %dma_start3A_723 = tpu.memref_squeeze %dma_start3A_722 : memref<1x64xi32, #tpu.memory_space<vmem>> -> memref<64xi32, #tpu.memory_space<vmem>>
        %dma_start3A_724 = arith.constant 0 : i32
        %dma_start3A_725 = arith.constant 0 : i32
        %dma_start3A_726 = tpu.memref_slice %arg4[%dma_start3A_724, %dma_start3A_725] : memref<20000x128xf32, #tpu.memory_space<hbm>> -> memref<20000x128xf32, #tpu.memory_space<hbm>>
        tpu.enqueue_indirect_dma source(%dma_start3A_726 : memref<20000x128xf32, #tpu.memory_space<hbm>>) target(%dma_start3A_720 : memref<64x128xf32, #tpu.memory_space<vmem>>) offsets(%dma_start3A_723 : memref<64xi32, #tpu.memory_space<vmem>>) semaphore(%arg12 : memref<!tpu.dma_semaphore, #tpu.memory_space<semaphore_mem>>)
      } else {
      }
      %mul3A_686 = arith.constant 4 : i32
      %mul3A_687 = arith.muli %mul3A_686, %scan3A_606 : i32
      %add3A_688 = arith.constant 3 : i32
      %add3A_689 = arith.addi %mul3A_687, %add3A_688 : i32
      %add3A_690 = arith.constant 32 : i32
      %add3A_691 = arith.addi %add3A_690, %add3A_689 : i32
      %dma_wait3A_692 = arith.constant 3 : i32
      %dma_wait3A_693 = arith.constant 0 : i32
      %dma_wait3A_694 = arith.constant 0 : i32
      %dma_wait3A_695 = tpu.memref_slice %arg8[%dma_wait3A_692, %dma_wait3A_693, %dma_wait3A_694] : memref<4x64x128xf32, #tpu.memory_space<vmem>> -> memref<1x64x128xf32, #tpu.memory_space<vmem>>
      %dma_wait3A_696 = tpu.memref_squeeze %dma_wait3A_695 : memref<1x64x128xf32, #tpu.memory_space<vmem>> -> memref<64x128xf32, #tpu.memory_space<vmem>>
      %dma_wait3A_697 = arith.constant 0 : i32
      %dma_wait3A_698 = tpu.memref_slice %arg6[%add3A_691, %dma_wait3A_697] : memref<64x64xi32, #tpu.memory_space<vmem>> -> memref<1x64xi32, #tpu.memory_space<vmem>>
      %dma_wait3A_699 = tpu.memref_squeeze %dma_wait3A_698 : memref<1x64xi32, #tpu.memory_space<vmem>> -> memref<64xi32, #tpu.memory_space<vmem>>
      %dma_wait3A_700 = arith.constant 0 : i32
      %dma_wait3A_701 = arith.constant 0 : i32
      %dma_wait3A_702 = tpu.memref_slice %arg4[%dma_wait3A_700, %dma_wait3A_701] : memref<20000x128xf32, #tpu.memory_space<hbm>> -> memref<20000x128xf32, #tpu.memory_space<hbm>>
      tpu.wait_indirect_dma semaphore(%arg13 : memref<!tpu.dma_semaphore, #tpu.memory_space<semaphore_mem>>) src(%dma_wait3A_702 : memref<20000x128xf32, #tpu.memory_space<hbm>>) dst(%dma_wait3A_696 : memref<64x128xf32, #tpu.memory_space<vmem>>)
      %add3A_703 = arith.constant 32 : i32
      %add3A_704 = arith.addi %add3A_703, %add3A_689 : i32
      %run_scoped3A_705 = arith.constant 3 : i32
      "tpu.region"() ({
        %run_scoped3A_714 = tpu.sem_alloc : memref<!tpu.dma_semaphore, #tpu.memory_space<semaphore_mem>>
        %dma_start3A_715 = arith.constant 0 : i32
        %dma_start3A_716 = arith.constant 0 : i32
        %dma_start3A_717 = tpu.memref_slice %arg8[%run_scoped3A_705, %dma_start3A_715, %dma_start3A_716] : memref<4x64x128xf32, #tpu.memory_space<vmem>> -> memref<1x64x128xf32, #tpu.memory_space<vmem>>
        %dma_start3A_718 = tpu.memref_squeeze %dma_start3A_717 : memref<1x64x128xf32, #tpu.memory_space<vmem>> -> memref<64x128xf32, #tpu.memory_space<vmem>>
        %dma_start3A_719 = arith.constant 0 : i32
        %dma_start3A_720 = tpu.memref_slice %arg7[%add3A_704, %dma_start3A_719] : memref<64x64xi32, #tpu.memory_space<vmem>> -> memref<1x64xi32, #tpu.memory_space<vmem>>
        %dma_start3A_721 = tpu.memref_squeeze %dma_start3A_720 : memref<1x64xi32, #tpu.memory_space<vmem>> -> memref<64xi32, #tpu.memory_space<vmem>>
        %dma_start3A_722 = arith.constant 0 : i32
        %dma_start3A_723 = arith.constant 0 : i32
        %dma_start3A_724 = tpu.memref_slice %arg9[%dma_start3A_722, %dma_start3A_723] : memref<10240x128xf32, #tpu.memory_space<vmem_shared>> -> memref<10240x128xf32, #tpu.memory_space<vmem_shared>>
        tpu.enqueue_indirect_dma source(%dma_start3A_718 : memref<64x128xf32, #tpu.memory_space<vmem>>) target(%dma_start3A_724 : memref<10240x128xf32, #tpu.memory_space<vmem_shared>>) offsets(%dma_start3A_721 : memref<64xi32, #tpu.memory_space<vmem>>) semaphore(%run_scoped3A_714 : memref<!tpu.dma_semaphore, #tpu.memory_space<semaphore_mem>>) {add = true}
        %dma_wait3A_725 = arith.constant 0 : i32
        %dma_wait3A_726 = arith.constant 0 : i32
        %dma_wait3A_727 = tpu.memref_slice %arg8[%run_scoped3A_705, %dma_wait3A_725, %dma_wait3A_726] : memref<4x64x128xf32, #tpu.memory_space<vmem>> -> memref<1x64x128xf32, #tpu.memory_space<vmem>>
        %dma_wait3A_728 = tpu.memref_squeeze %dma_wait3A_727 : memref<1x64x128xf32, #tpu.memory_space<vmem>> -> memref<64x128xf32, #tpu.memory_space<vmem>>
        %dma_wait3A_729 = arith.constant 0 : i32
        %dma_wait3A_730 = tpu.memref_slice %arg7[%add3A_704, %dma_wait3A_729] : memref<64x64xi32, #tpu.memory_space<vmem>> -> memref<1x64xi32, #tpu.memory_space<vmem>>
        %dma_wait3A_731 = tpu.memref_squeeze %dma_wait3A_730 : memref<1x64xi32, #tpu.memory_space<vmem>> -> memref<64xi32, #tpu.memory_space<vmem>>
        %dma_wait3A_732 = arith.constant 0 : i32
        %dma_wait3A_733 = arith.constant 0 : i32
        %dma_wait3A_734 = tpu.memref_slice %arg9[%dma_wait3A_732, %dma_wait3A_733] : memref<10240x128xf32, #tpu.memory_space<vmem_shared>> -> memref<10240x128xf32, #tpu.memory_space<vmem_shared>>
        tpu.wait_indirect_dma semaphore(%run_scoped3A_714 : memref<!tpu.dma_semaphore, #tpu.memory_space<semaphore_mem>>) src(%dma_wait3A_728 : memref<64x128xf32, #tpu.memory_space<vmem>>) dst(%dma_wait3A_734 : memref<10240x128xf32, #tpu.memory_space<vmem_shared>>)
        tpu.yield
      }) : () -> ()
      %add3A_706 = arith.constant 4 : i32
      %add3A_707 = arith.addi %add3A_689, %add3A_706 : i32
      %lt3A_708 = arith.constant 32 : i32
      %lt3A_709 = arith.cmpi slt, %add3A_707, %lt3A_708 : i32
      %convert_element_type3A_710 = arith.extui %lt3A_709 : i1 to i32
      %cond3A_711 = arith.constant 0 : i32
      %cond3A_712 = arith.cmpi ne, %convert_element_type3A_710, %cond3A_711 : i32
      scf.if %cond3A_712 {
        %add3A_714 = arith.constant 32 : i32
        %add3A_715 = arith.addi %add3A_714, %add3A_707 : i32
        %dma_start3A_716 = arith.constant 3 : i32
        %dma_start3A_717 = arith.constant 0 : i32
        %dma_start3A_718 = arith.constant 0 : i32
        %dma_start3A_719 = tpu.memref_slice %arg8[%dma_start3A_716, %dma_start3A_717, %dma_start3A_718] : memref<4x64x128xf32, #tpu.memory_space<vmem>> -> memref<1x64x128xf32, #tpu.memory_space<vmem>>
        %dma_start3A_720 = tpu.memref_squeeze %dma_start3A_719 : memref<1x64x128xf32, #tpu.memory_space<vmem>> -> memref<64x128xf32, #tpu.memory_space<vmem>>
        %dma_start3A_721 = arith.constant 0 : i32
        %dma_start3A_722 = tpu.memref_slice %arg6[%add3A_715, %dma_start3A_721] : memref<64x64xi32, #tpu.memory_space<vmem>> -> memref<1x64xi32, #tpu.memory_space<vmem>>
        %dma_start3A_723 = tpu.memref_squeeze %dma_start3A_722 : memref<1x64xi32, #tpu.memory_space<vmem>> -> memref<64xi32, #tpu.memory_space<vmem>>
        %dma_start3A_724 = arith.constant 0 : i32
        %dma_start3A_725 = arith.constant 0 : i32
        %dma_start3A_726 = tpu.memref_slice %arg4[%dma_start3A_724, %dma_start3A_725] : memref<20000x128xf32, #tpu.memory_space<hbm>> -> memref<20000x128xf32, #tpu.memory_space<hbm>>
        tpu.enqueue_indirect_dma source(%dma_start3A_726 : memref<20000x128xf32, #tpu.memory_space<hbm>>) target(%dma_start3A_720 : memref<64x128xf32, #tpu.memory_space<vmem>>) offsets(%dma_start3A_723 : memref<64xi32, #tpu.memory_space<vmem>>) semaphore(%arg13 : memref<!tpu.dma_semaphore, #tpu.memory_space<semaphore_mem>>)
      } else {
      }
      %scan3A_713 = arith.constant 0 : i32
      scf.yield %scan3A_713 : i32
    }
    %scan3A_517 = arith.constant 8 : i32
    %dma_wait3A_518 = arith.constant 0 : i32
    %dma_wait3A_519 = arith.constant 0 : i32
    %dma_wait3A_520 = tpu.memref_slice %arg6[%dma_wait3A_518, %dma_wait3A_519] : memref<64x64xi32, #tpu.memory_space<vmem>> -> memref<32x64xi32, #tpu.memory_space<vmem>>
    %dma_wait3A_521 = arith.constant 128 : i32
    %dma_wait3A_522 = arith.constant 0 : i32
    %dma_wait3A_523 = tpu.memref_slice %arg2[%arg0, %arg1, %dma_wait3A_521, %dma_wait3A_522] : memref<2x16x160x64xi32, #tpu.memory_space<hbm>> -> memref<1x1x32x64xi32, #tpu.memory_space<hbm>>
    %dma_wait3A_524 = tpu.memref_squeeze %dma_wait3A_523 : memref<1x1x32x64xi32, #tpu.memory_space<hbm>> -> memref<32x64xi32, #tpu.memory_space<hbm>>
    %dma_wait3A_525 = arith.constant 0 : i32
    %dma_wait3A_526 = arith.constant 0 : i32
    %dma_wait3A_527 = tpu.memref_slice %arg6[%dma_wait3A_525, %dma_wait3A_526] : memref<64x64xi32, #tpu.memory_space<vmem>> -> memref<32x64xi32, #tpu.memory_space<vmem>>
    %dma_wait3A_528 = arith.constant 128 : i32
    %dma_wait3A_529 = arith.constant 0 : i32
    %dma_wait3A_530 = tpu.memref_slice %arg2[%arg0, %arg1, %dma_wait3A_528, %dma_wait3A_529] : memref<2x16x160x64xi32, #tpu.memory_space<hbm>> -> memref<1x1x32x64xi32, #tpu.memory_space<hbm>>
    %dma_wait3A_531 = tpu.memref_squeeze %dma_wait3A_530 : memref<1x1x32x64xi32, #tpu.memory_space<hbm>> -> memref<32x64xi32, #tpu.memory_space<hbm>>
    tpu.wait_dma2 semaphore(%arg14 : memref<!tpu.dma_semaphore, #tpu.memory_space<semaphore_mem>>) src(%dma_wait3A_531 : memref<32x64xi32, #tpu.memory_space<hbm>>) dst(%dma_wait3A_527 : memref<32x64xi32, #tpu.memory_space<vmem>>)
    %dma_wait3A_532 = arith.constant 0 : i32
    %dma_wait3A_533 = arith.constant 0 : i32
    %dma_wait3A_534 = tpu.memref_slice %arg7[%dma_wait3A_532, %dma_wait3A_533] : memref<64x64xi32, #tpu.memory_space<vmem>> -> memref<32x64xi32, #tpu.memory_space<vmem>>
    %dma_wait3A_535 = arith.constant 128 : i32
    %dma_wait3A_536 = arith.constant 0 : i32
    %dma_wait3A_537 = tpu.memref_slice %arg3[%arg1, %dma_wait3A_535, %dma_wait3A_536] : memref<16x160x64xi32, #tpu.memory_space<hbm>> -> memref<1x32x64xi32, #tpu.memory_space<hbm>>
    %dma_wait3A_538 = tpu.memref_squeeze %dma_wait3A_537 : memref<1x32x64xi32, #tpu.memory_space<hbm>> -> memref<32x64xi32, #tpu.memory_space<hbm>>
    %dma_wait3A_539 = arith.constant 0 : i32
    %dma_wait3A_540 = arith.constant 0 : i32
    %dma_wait3A_541 = tpu.memref_slice %arg7[%dma_wait3A_539, %dma_wait3A_540] : memref<64x64xi32, #tpu.memory_space<vmem>> -> memref<32x64xi32, #tpu.memory_space<vmem>>
    %dma_wait3A_542 = arith.constant 128 : i32
    %dma_wait3A_543 = arith.constant 0 : i32
    %dma_wait3A_544 = tpu.memref_slice %arg3[%arg1, %dma_wait3A_542, %dma_wait3A_543] : memref<16x160x64xi32, #tpu.memory_space<hbm>> -> memref<1x32x64xi32, #tpu.memory_space<hbm>>
    %dma_wait3A_545 = tpu.memref_squeeze %dma_wait3A_544 : memref<1x32x64xi32, #tpu.memory_space<hbm>> -> memref<32x64xi32, #tpu.memory_space<hbm>>
    tpu.wait_dma2 semaphore(%arg14 : memref<!tpu.dma_semaphore, #tpu.memory_space<semaphore_mem>>) src(%dma_wait3A_545 : memref<32x64xi32, #tpu.memory_space<hbm>>) dst(%dma_wait3A_541 : memref<32x64xi32, #tpu.memory_space<vmem>>)
    %dma_start3A_546 = arith.constant 0 : i32
    %dma_start3A_547 = arith.constant 0 : i32
    %dma_start3A_548 = arith.constant 0 : i32
    %dma_start3A_549 = arith.constant 0 : i32
    %dma_start3A_550 = tpu.memref_slice %arg8[%dma_start3A_547, %dma_start3A_548, %dma_start3A_549] : memref<4x64x128xf32, #tpu.memory_space<vmem>> -> memref<1x64x128xf32, #tpu.memory_space<vmem>>
    %dma_start3A_551 = tpu.memref_squeeze %dma_start3A_550 : memref<1x64x128xf32, #tpu.memory_space<vmem>> -> memref<64x128xf32, #tpu.memory_space<vmem>>
    %dma_start3A_552 = arith.constant 0 : i32
    %dma_start3A_553 = tpu.memref_slice %arg6[%dma_start3A_546, %dma_start3A_552] : memref<64x64xi32, #tpu.memory_space<vmem>> -> memref<1x64xi32, #tpu.memory_space<vmem>>
    %dma_start3A_554 = tpu.memref_squeeze %dma_start3A_553 : memref<1x64xi32, #tpu.memory_space<vmem>> -> memref<64xi32, #tpu.memory_space<vmem>>
    %dma_start3A_555 = arith.constant 0 : i32
    %dma_start3A_556 = arith.constant 0 : i32
    %dma_start3A_557 = tpu.memref_slice %arg4[%dma_start3A_555, %dma_start3A_556] : memref<20000x128xf32, #tpu.memory_space<hbm>> -> memref<20000x128xf32, #tpu.memory_space<hbm>>
    tpu.enqueue_indirect_dma source(%dma_start3A_557 : memref<20000x128xf32, #tpu.memory_space<hbm>>) target(%dma_start3A_551 : memref<64x128xf32, #tpu.memory_space<vmem>>) offsets(%dma_start3A_554 : memref<64xi32, #tpu.memory_space<vmem>>) semaphore(%arg10 : memref<!tpu.dma_semaphore, #tpu.memory_space<semaphore_mem>>)
    %dma_start3A_558 = arith.constant 1 : i32
    %dma_start3A_559 = arith.constant 1 : i32
    %dma_start3A_560 = arith.constant 0 : i32
    %dma_start3A_561 = arith.constant 0 : i32
    %dma_start3A_562 = tpu.memref_slice %arg8[%dma_start3A_559, %dma_start3A_560, %dma_start3A_561] : memref<4x64x128xf32, #tpu.memory_space<vmem>> -> memref<1x64x128xf32, #tpu.memory_space<vmem>>
    %dma_start3A_563 = tpu.memref_squeeze %dma_start3A_562 : memref<1x64x128xf32, #tpu.memory_space<vmem>> -> memref<64x128xf32, #tpu.memory_space<vmem>>
    %dma_start3A_564 = arith.constant 0 : i32
    %dma_start3A_565 = tpu.memref_slice %arg6[%dma_start3A_558, %dma_start3A_564] : memref<64x64xi32, #tpu.memory_space<vmem>> -> memref<1x64xi32, #tpu.memory_space<vmem>>
    %dma_start3A_566 = tpu.memref_squeeze %dma_start3A_565 : memref<1x64xi32, #tpu.memory_space<vmem>> -> memref<64xi32, #tpu.memory_space<vmem>>
    %dma_start3A_567 = arith.constant 0 : i32
    %dma_start3A_568 = arith.constant 0 : i32
    %dma_start3A_569 = tpu.memref_slice %arg4[%dma_start3A_567, %dma_start3A_568] : memref<20000x128xf32, #tpu.memory_space<hbm>> -> memref<20000x128xf32, #tpu.memory_space<hbm>>
    tpu.enqueue_indirect_dma source(%dma_start3A_569 : memref<20000x128xf32, #tpu.memory_space<hbm>>) target(%dma_start3A_563 : memref<64x128xf32, #tpu.memory_space<vmem>>) offsets(%dma_start3A_566 : memref<64xi32, #tpu.memory_space<vmem>>) semaphore(%arg11 : memref<!tpu.dma_semaphore, #tpu.memory_space<semaphore_mem>>)
    %dma_start3A_570 = arith.constant 2 : i32
    %dma_start3A_571 = arith.constant 2 : i32
    %dma_start3A_572 = arith.constant 0 : i32
    %dma_start3A_573 = arith.constant 0 : i32
    %dma_start3A_574 = tpu.memref_slice %arg8[%dma_start3A_571, %dma_start3A_572, %dma_start3A_573] : memref<4x64x128xf32, #tpu.memory_space<vmem>> -> memref<1x64x128xf32, #tpu.memory_space<vmem>>
    %dma_start3A_575 = tpu.memref_squeeze %dma_start3A_574 : memref<1x64x128xf32, #tpu.memory_space<vmem>> -> memref<64x128xf32, #tpu.memory_space<vmem>>
    %dma_start3A_576 = arith.constant 0 : i32
    %dma_start3A_577 = tpu.memref_slice %arg6[%dma_start3A_570, %dma_start3A_576] : memref<64x64xi32, #tpu.memory_space<vmem>> -> memref<1x64xi32, #tpu.memory_space<vmem>>
    %dma_start3A_578 = tpu.memref_squeeze %dma_start3A_577 : memref<1x64xi32, #tpu.memory_space<vmem>> -> memref<64xi32, #tpu.memory_space<vmem>>
    %dma_start3A_579 = arith.constant 0 : i32
    %dma_start3A_580 = arith.constant 0 : i32
    %dma_start3A_581 = tpu.memref_slice %arg4[%dma_start3A_579, %dma_start3A_580] : memref<20000x128xf32, #tpu.memory_space<hbm>> -> memref<20000x128xf32, #tpu.memory_space<hbm>>
    tpu.enqueue_indirect_dma source(%dma_start3A_581 : memref<20000x128xf32, #tpu.memory_space<hbm>>) target(%dma_start3A_575 : memref<64x128xf32, #tpu.memory_space<vmem>>) offsets(%dma_start3A_578 : memref<64xi32, #tpu.memory_space<vmem>>) semaphore(%arg12 : memref<!tpu.dma_semaphore, #tpu.memory_space<semaphore_mem>>)
    %dma_start3A_582 = arith.constant 3 : i32
    %dma_start3A_583 = arith.constant 3 : i32
    %dma_start3A_584 = arith.constant 0 : i32
    %dma_start3A_585 = arith.constant 0 : i32
    %dma_start3A_586 = tpu.memref_slice %arg8[%dma_start3A_583, %dma_start3A_584, %dma_start3A_585] : memref<4x64x128xf32, #tpu.memory_space<vmem>> -> memref<1x64x128xf32, #tpu.memory_space<vmem>>
    %dma_start3A_587 = tpu.memref_squeeze %dma_start3A_586 : memref<1x64x128xf32, #tpu.memory_space<vmem>> -> memref<64x128xf32, #tpu.memory_space<vmem>>
    %dma_start3A_588 = arith.constant 0 : i32
    %dma_start3A_589 = tpu.memref_slice %arg6[%dma_start3A_582, %dma_start3A_588] : memref<64x64xi32, #tpu.memory_space<vmem>> -> memref<1x64xi32, #tpu.memory_space<vmem>>
    %dma_start3A_590 = tpu.memref_squeeze %dma_start3A_589 : memref<1x64xi32, #tpu.memory_space<vmem>> -> memref<64xi32, #tpu.memory_space<vmem>>
    %dma_start3A_591 = arith.constant 0 : i32
    %dma_start3A_592 = arith.constant 0 : i32
    %dma_start3A_593 = tpu.memref_slice %arg4[%dma_start3A_591, %dma_start3A_592] : memref<20000x128xf32, #tpu.memory_space<hbm>> -> memref<20000x128xf32, #tpu.memory_space<hbm>>
    tpu.enqueue_indirect_dma source(%dma_start3A_593 : memref<20000x128xf32, #tpu.memory_space<hbm>>) target(%dma_start3A_587 : memref<64x128xf32, #tpu.memory_space<vmem>>) offsets(%dma_start3A_590 : memref<64xi32, #tpu.memory_space<vmem>>) semaphore(%arg13 : memref<!tpu.dma_semaphore, #tpu.memory_space<semaphore_mem>>)
    %scan3A_594 = arith.constant 0 : i32
    %scan3A_595 = arith.constant 0 : i32
    %scan3A_596 = arith.constant 8 : i32
    %scan3A_597 = arith.addi %scan3A_595, %scan3A_596 : i32
    %scan3A_598 = arith.constant 1 : i32
    %scan3A_599 = scf.for %scan3A_606 = %scan3A_595 to %scan3A_597 step %scan3A_598 iter_args(%scan3A_607 = %scan3A_594) -> (i32)  : i32 {
      %mul3A_608 = arith.constant 4 : i32
      %mul3A_609 = arith.muli %mul3A_608, %scan3A_606 : i32
      %add3A_610 = arith.constant 0 : i32
      %add3A_611 = arith.addi %mul3A_609, %add3A_610 : i32
      %add3A_612 = arith.constant 0 : i32
      %add3A_613 = arith.addi %add3A_612, %add3A_611 : i32
      %dma_wait3A_614 = arith.constant 0 : i32
      %dma_wait3A_615 = arith.constant 0 : i32
      %dma_wait3A_616 = arith.constant 0 : i32
      %dma_wait3A_617 = tpu.memref_slice %arg8[%dma_wait3A_614, %dma_wait3A_615, %dma_wait3A_616] : memref<4x64x128xf32, #tpu.memory_space<vmem>> -> memref<1x64x128xf32, #tpu.memory_space<vmem>>
      %dma_wait3A_618 = tpu.memref_squeeze %dma_wait3A_617 : memref<1x64x128xf32, #tpu.memory_space<vmem>> -> memref<64x128xf32, #tpu.memory_space<vmem>>
      %dma_wait3A_619 = arith.constant 0 : i32
      %dma_wait3A_620 = tpu.memref_slice %arg6[%add3A_613, %dma_wait3A_619] : memref<64x64xi32, #tpu.memory_space<vmem>> -> memref<1x64xi32, #tpu.memory_space<vmem>>
      %dma_wait3A_621 = tpu.memref_squeeze %dma_wait3A_620 : memref<1x64xi32, #tpu.memory_space<vmem>> -> memref<64xi32, #tpu.memory_space<vmem>>
      %dma_wait3A_622 = arith.constant 0 : i32
      %dma_wait3A_623 = arith.constant 0 : i32
      %dma_wait3A_624 = tpu.memref_slice %arg4[%dma_wait3A_622, %dma_wait3A_623] : memref<20000x128xf32, #tpu.memory_space<hbm>> -> memref<20000x128xf32, #tpu.memory_space<hbm>>
      tpu.wait_indirect_dma semaphore(%arg10 : memref<!tpu.dma_semaphore, #tpu.memory_space<semaphore_mem>>) src(%dma_wait3A_624 : memref<20000x128xf32, #tpu.memory_space<hbm>>) dst(%dma_wait3A_618 : memref<64x128xf32, #tpu.memory_space<vmem>>)
      %add3A_625 = arith.constant 0 : i32
      %add3A_626 = arith.addi %add3A_625, %add3A_611 : i32
      %run_scoped3A_627 = arith.constant 0 : i32
      "tpu.region"() ({
        %run_scoped3A_714 = tpu.sem_alloc : memref<!tpu.dma_semaphore, #tpu.memory_space<semaphore_mem>>
        %dma_start3A_715 = arith.constant 0 : i32
        %dma_start3A_716 = arith.constant 0 : i32
        %dma_start3A_717 = tpu.memref_slice %arg8[%run_scoped3A_627, %dma_start3A_715, %dma_start3A_716] : memref<4x64x128xf32, #tpu.memory_space<vmem>> -> memref<1x64x128xf32, #tpu.memory_space<vmem>>
        %dma_start3A_718 = tpu.memref_squeeze %dma_start3A_717 : memref<1x64x128xf32, #tpu.memory_space<vmem>> -> memref<64x128xf32, #tpu.memory_space<vmem>>
        %dma_start3A_719 = arith.constant 0 : i32
        %dma_start3A_720 = tpu.memref_slice %arg7[%add3A_626, %dma_start3A_719] : memref<64x64xi32, #tpu.memory_space<vmem>> -> memref<1x64xi32, #tpu.memory_space<vmem>>
        %dma_start3A_721 = tpu.memref_squeeze %dma_start3A_720 : memref<1x64xi32, #tpu.memory_space<vmem>> -> memref<64xi32, #tpu.memory_space<vmem>>
        %dma_start3A_722 = arith.constant 0 : i32
        %dma_start3A_723 = arith.constant 0 : i32
        %dma_start3A_724 = tpu.memref_slice %arg9[%dma_start3A_722, %dma_start3A_723] : memref<10240x128xf32, #tpu.memory_space<vmem_shared>> -> memref<10240x128xf32, #tpu.memory_space<vmem_shared>>
        tpu.enqueue_indirect_dma source(%dma_start3A_718 : memref<64x128xf32, #tpu.memory_space<vmem>>) target(%dma_start3A_724 : memref<10240x128xf32, #tpu.memory_space<vmem_shared>>) offsets(%dma_start3A_721 : memref<64xi32, #tpu.memory_space<vmem>>) semaphore(%run_scoped3A_714 : memref<!tpu.dma_semaphore, #tpu.memory_space<semaphore_mem>>) {add = true}
        %dma_wait3A_725 = arith.constant 0 : i32
        %dma_wait3A_726 = arith.constant 0 : i32
        %dma_wait3A_727 = tpu.memref_slice %arg8[%run_scoped3A_627, %dma_wait3A_725, %dma_wait3A_726] : memref<4x64x128xf32, #tpu.memory_space<vmem>> -> memref<1x64x128xf32, #tpu.memory_space<vmem>>
        %dma_wait3A_728 = tpu.memref_squeeze %dma_wait3A_727 : memref<1x64x128xf32, #tpu.memory_space<vmem>> -> memref<64x128xf32, #tpu.memory_space<vmem>>
        %dma_wait3A_729 = arith.constant 0 : i32
        %dma_wait3A_730 = tpu.memref_slice %arg7[%add3A_626, %dma_wait3A_729] : memref<64x64xi32, #tpu.memory_space<vmem>> -> memref<1x64xi32, #tpu.memory_space<vmem>>
        %dma_wait3A_731 = tpu.memref_squeeze %dma_wait3A_730 : memref<1x64xi32, #tpu.memory_space<vmem>> -> memref<64xi32, #tpu.memory_space<vmem>>
        %dma_wait3A_732 = arith.constant 0 : i32
        %dma_wait3A_733 = arith.constant 0 : i32
        %dma_wait3A_734 = tpu.memref_slice %arg9[%dma_wait3A_732, %dma_wait3A_733] : memref<10240x128xf32, #tpu.memory_space<vmem_shared>> -> memref<10240x128xf32, #tpu.memory_space<vmem_shared>>
        tpu.wait_indirect_dma semaphore(%run_scoped3A_714 : memref<!tpu.dma_semaphore, #tpu.memory_space<semaphore_mem>>) src(%dma_wait3A_728 : memref<64x128xf32, #tpu.memory_space<vmem>>) dst(%dma_wait3A_734 : memref<10240x128xf32, #tpu.memory_space<vmem_shared>>)
        tpu.yield
      }) : () -> ()
      %add3A_628 = arith.constant 4 : i32
      %add3A_629 = arith.addi %add3A_611, %add3A_628 : i32
      %lt3A = arith.constant 32 : i32
      %lt3A_630 = arith.cmpi slt, %add3A_629, %lt3A : i32
      %convert_element_type3A = arith.extui %lt3A_630 : i1 to i32
      %cond3A = arith.constant 0 : i32
      %cond3A_631 = arith.cmpi ne, %convert_element_type3A, %cond3A : i32
      scf.if %cond3A_631 {
        %add3A_714 = arith.constant 0 : i32
        %add3A_715 = arith.addi %add3A_714, %add3A_629 : i32
        %dma_start3A_716 = arith.constant 0 : i32
        %dma_start3A_717 = arith.constant 0 : i32
        %dma_start3A_718 = arith.constant 0 : i32
        %dma_start3A_719 = tpu.memref_slice %arg8[%dma_start3A_716, %dma_start3A_717, %dma_start3A_718] : memref<4x64x128xf32, #tpu.memory_space<vmem>> -> memref<1x64x128xf32, #tpu.memory_space<vmem>>
        %dma_start3A_720 = tpu.memref_squeeze %dma_start3A_719 : memref<1x64x128xf32, #tpu.memory_space<vmem>> -> memref<64x128xf32, #tpu.memory_space<vmem>>
        %dma_start3A_721 = arith.constant 0 : i32
        %dma_start3A_722 = tpu.memref_slice %arg6[%add3A_715, %dma_start3A_721] : memref<64x64xi32, #tpu.memory_space<vmem>> -> memref<1x64xi32, #tpu.memory_space<vmem>>
        %dma_start3A_723 = tpu.memref_squeeze %dma_start3A_722 : memref<1x64xi32, #tpu.memory_space<vmem>> -> memref<64xi32, #tpu.memory_space<vmem>>
        %dma_start3A_724 = arith.constant 0 : i32
        %dma_start3A_725 = arith.constant 0 : i32
        %dma_start3A_726 = tpu.memref_slice %arg4[%dma_start3A_724, %dma_start3A_725] : memref<20000x128xf32, #tpu.memory_space<hbm>> -> memref<20000x128xf32, #tpu.memory_space<hbm>>
        tpu.enqueue_indirect_dma source(%dma_start3A_726 : memref<20000x128xf32, #tpu.memory_space<hbm>>) target(%dma_start3A_720 : memref<64x128xf32, #tpu.memory_space<vmem>>) offsets(%dma_start3A_723 : memref<64xi32, #tpu.memory_space<vmem>>) semaphore(%arg10 : memref<!tpu.dma_semaphore, #tpu.memory_space<semaphore_mem>>)
      } else {
      }
      %mul3A_632 = arith.constant 4 : i32
      %mul3A_633 = arith.muli %mul3A_632, %scan3A_606 : i32
      %add3A_634 = arith.constant 1 : i32
      %add3A_635 = arith.addi %mul3A_633, %add3A_634 : i32
      %add3A_636 = arith.constant 0 : i32
      %add3A_637 = arith.addi %add3A_636, %add3A_635 : i32
      %dma_wait3A_638 = arith.constant 1 : i32
      %dma_wait3A_639 = arith.constant 0 : i32
      %dma_wait3A_640 = arith.constant 0 : i32
      %dma_wait3A_641 = tpu.memref_slice %arg8[%dma_wait3A_638, %dma_wait3A_639, %dma_wait3A_640] : memref<4x64x128xf32, #tpu.memory_space<vmem>> -> memref<1x64x128xf32, #tpu.memory_space<vmem>>
      %dma_wait3A_642 = tpu.memref_squeeze %dma_wait3A_641 : memref<1x64x128xf32, #tpu.memory_space<vmem>> -> memref<64x128xf32, #tpu.memory_space<vmem>>
      %dma_wait3A_643 = arith.constant 0 : i32
      %dma_wait3A_644 = tpu.memref_slice %arg6[%add3A_637, %dma_wait3A_643] : memref<64x64xi32, #tpu.memory_space<vmem>> -> memref<1x64xi32, #tpu.memory_space<vmem>>
      %dma_wait3A_645 = tpu.memref_squeeze %dma_wait3A_644 : memref<1x64xi32, #tpu.memory_space<vmem>> -> memref<64xi32, #tpu.memory_space<vmem>>
      %dma_wait3A_646 = arith.constant 0 : i32
      %dma_wait3A_647 = arith.constant 0 : i32
      %dma_wait3A_648 = tpu.memref_slice %arg4[%dma_wait3A_646, %dma_wait3A_647] : memref<20000x128xf32, #tpu.memory_space<hbm>> -> memref<20000x128xf32, #tpu.memory_space<hbm>>
      tpu.wait_indirect_dma semaphore(%arg11 : memref<!tpu.dma_semaphore, #tpu.memory_space<semaphore_mem>>) src(%dma_wait3A_648 : memref<20000x128xf32, #tpu.memory_space<hbm>>) dst(%dma_wait3A_642 : memref<64x128xf32, #tpu.memory_space<vmem>>)
      %add3A_649 = arith.constant 0 : i32
      %add3A_650 = arith.addi %add3A_649, %add3A_635 : i32
      %run_scoped3A_651 = arith.constant 1 : i32
      "tpu.region"() ({
        %run_scoped3A_714 = tpu.sem_alloc : memref<!tpu.dma_semaphore, #tpu.memory_space<semaphore_mem>>
        %dma_start3A_715 = arith.constant 0 : i32
        %dma_start3A_716 = arith.constant 0 : i32
        %dma_start3A_717 = tpu.memref_slice %arg8[%run_scoped3A_651, %dma_start3A_715, %dma_start3A_716] : memref<4x64x128xf32, #tpu.memory_space<vmem>> -> memref<1x64x128xf32, #tpu.memory_space<vmem>>
        %dma_start3A_718 = tpu.memref_squeeze %dma_start3A_717 : memref<1x64x128xf32, #tpu.memory_space<vmem>> -> memref<64x128xf32, #tpu.memory_space<vmem>>
        %dma_start3A_719 = arith.constant 0 : i32
        %dma_start3A_720 = tpu.memref_slice %arg7[%add3A_650, %dma_start3A_719] : memref<64x64xi32, #tpu.memory_space<vmem>> -> memref<1x64xi32, #tpu.memory_space<vmem>>
        %dma_start3A_721 = tpu.memref_squeeze %dma_start3A_720 : memref<1x64xi32, #tpu.memory_space<vmem>> -> memref<64xi32, #tpu.memory_space<vmem>>
        %dma_start3A_722 = arith.constant 0 : i32
        %dma_start3A_723 = arith.constant 0 : i32
        %dma_start3A_724 = tpu.memref_slice %arg9[%dma_start3A_722, %dma_start3A_723] : memref<10240x128xf32, #tpu.memory_space<vmem_shared>> -> memref<10240x128xf32, #tpu.memory_space<vmem_shared>>
        tpu.enqueue_indirect_dma source(%dma_start3A_718 : memref<64x128xf32, #tpu.memory_space<vmem>>) target(%dma_start3A_724 : memref<10240x128xf32, #tpu.memory_space<vmem_shared>>) offsets(%dma_start3A_721 : memref<64xi32, #tpu.memory_space<vmem>>) semaphore(%run_scoped3A_714 : memref<!tpu.dma_semaphore, #tpu.memory_space<semaphore_mem>>) {add = true}
        %dma_wait3A_725 = arith.constant 0 : i32
        %dma_wait3A_726 = arith.constant 0 : i32
        %dma_wait3A_727 = tpu.memref_slice %arg8[%run_scoped3A_651, %dma_wait3A_725, %dma_wait3A_726] : memref<4x64x128xf32, #tpu.memory_space<vmem>> -> memref<1x64x128xf32, #tpu.memory_space<vmem>>
        %dma_wait3A_728 = tpu.memref_squeeze %dma_wait3A_727 : memref<1x64x128xf32, #tpu.memory_space<vmem>> -> memref<64x128xf32, #tpu.memory_space<vmem>>
        %dma_wait3A_729 = arith.constant 0 : i32
        %dma_wait3A_730 = tpu.memref_slice %arg7[%add3A_650, %dma_wait3A_729] : memref<64x64xi32, #tpu.memory_space<vmem>> -> memref<1x64xi32, #tpu.memory_space<vmem>>
        %dma_wait3A_731 = tpu.memref_squeeze %dma_wait3A_730 : memref<1x64xi32, #tpu.memory_space<vmem>> -> memref<64xi32, #tpu.memory_space<vmem>>
        %dma_wait3A_732 = arith.constant 0 : i32
        %dma_wait3A_733 = arith.constant 0 : i32
        %dma_wait3A_734 = tpu.memref_slice %arg9[%dma_wait3A_732, %dma_wait3A_733] : memref<10240x128xf32, #tpu.memory_space<vmem_shared>> -> memref<10240x128xf32, #tpu.memory_space<vmem_shared>>
        tpu.wait_indirect_dma semaphore(%run_scoped3A_714 : memref<!tpu.dma_semaphore, #tpu.memory_space<semaphore_mem>>) src(%dma_wait3A_728 : memref<64x128xf32, #tpu.memory_space<vmem>>) dst(%dma_wait3A_734 : memref<10240x128xf32, #tpu.memory_space<vmem_shared>>)
        tpu.yield
      }) : () -> ()
      %add3A_652 = arith.constant 4 : i32
      %add3A_653 = arith.addi %add3A_635, %add3A_652 : i32
      %lt3A_654 = arith.constant 32 : i32
      %lt3A_655 = arith.cmpi slt, %add3A_653, %lt3A_654 : i32
      %convert_element_type3A_656 = arith.extui %lt3A_655 : i1 to i32
      %cond3A_657 = arith.constant 0 : i32
      %cond3A_658 = arith.cmpi ne, %convert_element_type3A_656, %cond3A_657 : i32
      scf.if %cond3A_658 {
        %add3A_714 = arith.constant 0 : i32
        %add3A_715 = arith.addi %add3A_714, %add3A_653 : i32
        %dma_start3A_716 = arith.constant 1 : i32
        %dma_start3A_717 = arith.constant 0 : i32
        %dma_start3A_718 = arith.constant 0 : i32
        %dma_start3A_719 = tpu.memref_slice %arg8[%dma_start3A_716, %dma_start3A_717, %dma_start3A_718] : memref<4x64x128xf32, #tpu.memory_space<vmem>> -> memref<1x64x128xf32, #tpu.memory_space<vmem>>
        %dma_start3A_720 = tpu.memref_squeeze %dma_start3A_719 : memref<1x64x128xf32, #tpu.memory_space<vmem>> -> memref<64x128xf32, #tpu.memory_space<vmem>>
        %dma_start3A_721 = arith.constant 0 : i32
        %dma_start3A_722 = tpu.memref_slice %arg6[%add3A_715, %dma_start3A_721] : memref<64x64xi32, #tpu.memory_space<vmem>> -> memref<1x64xi32, #tpu.memory_space<vmem>>
        %dma_start3A_723 = tpu.memref_squeeze %dma_start3A_722 : memref<1x64xi32, #tpu.memory_space<vmem>> -> memref<64xi32, #tpu.memory_space<vmem>>
        %dma_start3A_724 = arith.constant 0 : i32
        %dma_start3A_725 = arith.constant 0 : i32
        %dma_start3A_726 = tpu.memref_slice %arg4[%dma_start3A_724, %dma_start3A_725] : memref<20000x128xf32, #tpu.memory_space<hbm>> -> memref<20000x128xf32, #tpu.memory_space<hbm>>
        tpu.enqueue_indirect_dma source(%dma_start3A_726 : memref<20000x128xf32, #tpu.memory_space<hbm>>) target(%dma_start3A_720 : memref<64x128xf32, #tpu.memory_space<vmem>>) offsets(%dma_start3A_723 : memref<64xi32, #tpu.memory_space<vmem>>) semaphore(%arg11 : memref<!tpu.dma_semaphore, #tpu.memory_space<semaphore_mem>>)
      } else {
      }
      %mul3A_659 = arith.constant 4 : i32
      %mul3A_660 = arith.muli %mul3A_659, %scan3A_606 : i32
      %add3A_661 = arith.constant 2 : i32
      %add3A_662 = arith.addi %mul3A_660, %add3A_661 : i32
      %add3A_663 = arith.constant 0 : i32
      %add3A_664 = arith.addi %add3A_663, %add3A_662 : i32
      %dma_wait3A_665 = arith.constant 2 : i32
      %dma_wait3A_666 = arith.constant 0 : i32
      %dma_wait3A_667 = arith.constant 0 : i32
      %dma_wait3A_668 = tpu.memref_slice %arg8[%dma_wait3A_665, %dma_wait3A_666, %dma_wait3A_667] : memref<4x64x128xf32, #tpu.memory_space<vmem>> -> memref<1x64x128xf32, #tpu.memory_space<vmem>>
      %dma_wait3A_669 = tpu.memref_squeeze %dma_wait3A_668 : memref<1x64x128xf32, #tpu.memory_space<vmem>> -> memref<64x128xf32, #tpu.memory_space<vmem>>
      %dma_wait3A_670 = arith.constant 0 : i32
      %dma_wait3A_671 = tpu.memref_slice %arg6[%add3A_664, %dma_wait3A_670] : memref<64x64xi32, #tpu.memory_space<vmem>> -> memref<1x64xi32, #tpu.memory_space<vmem>>
      %dma_wait3A_672 = tpu.memref_squeeze %dma_wait3A_671 : memref<1x64xi32, #tpu.memory_space<vmem>> -> memref<64xi32, #tpu.memory_space<vmem>>
      %dma_wait3A_673 = arith.constant 0 : i32
      %dma_wait3A_674 = arith.constant 0 : i32
      %dma_wait3A_675 = tpu.memref_slice %arg4[%dma_wait3A_673, %dma_wait3A_674] : memref<20000x128xf32, #tpu.memory_space<hbm>> -> memref<20000x128xf32, #tpu.memory_space<hbm>>
      tpu.wait_indirect_dma semaphore(%arg12 : memref<!tpu.dma_semaphore, #tpu.memory_space<semaphore_mem>>) src(%dma_wait3A_675 : memref<20000x128xf32, #tpu.memory_space<hbm>>) dst(%dma_wait3A_669 : memref<64x128xf32, #tpu.memory_space<vmem>>)
      %add3A_676 = arith.constant 0 : i32
      %add3A_677 = arith.addi %add3A_676, %add3A_662 : i32
      %run_scoped3A_678 = arith.constant 2 : i32
      "tpu.region"() ({
        %run_scoped3A_714 = tpu.sem_alloc : memref<!tpu.dma_semaphore, #tpu.memory_space<semaphore_mem>>
        %dma_start3A_715 = arith.constant 0 : i32
        %dma_start3A_716 = arith.constant 0 : i32
        %dma_start3A_717 = tpu.memref_slice %arg8[%run_scoped3A_678, %dma_start3A_715, %dma_start3A_716] : memref<4x64x128xf32, #tpu.memory_space<vmem>> -> memref<1x64x128xf32, #tpu.memory_space<vmem>>
        %dma_start3A_718 = tpu.memref_squeeze %dma_start3A_717 : memref<1x64x128xf32, #tpu.memory_space<vmem>> -> memref<64x128xf32, #tpu.memory_space<vmem>>
        %dma_start3A_719 = arith.constant 0 : i32
        %dma_start3A_720 = tpu.memref_slice %arg7[%add3A_677, %dma_start3A_719] : memref<64x64xi32, #tpu.memory_space<vmem>> -> memref<1x64xi32, #tpu.memory_space<vmem>>
        %dma_start3A_721 = tpu.memref_squeeze %dma_start3A_720 : memref<1x64xi32, #tpu.memory_space<vmem>> -> memref<64xi32, #tpu.memory_space<vmem>>
        %dma_start3A_722 = arith.constant 0 : i32
        %dma_start3A_723 = arith.constant 0 : i32
        %dma_start3A_724 = tpu.memref_slice %arg9[%dma_start3A_722, %dma_start3A_723] : memref<10240x128xf32, #tpu.memory_space<vmem_shared>> -> memref<10240x128xf32, #tpu.memory_space<vmem_shared>>
        tpu.enqueue_indirect_dma source(%dma_start3A_718 : memref<64x128xf32, #tpu.memory_space<vmem>>) target(%dma_start3A_724 : memref<10240x128xf32, #tpu.memory_space<vmem_shared>>) offsets(%dma_start3A_721 : memref<64xi32, #tpu.memory_space<vmem>>) semaphore(%run_scoped3A_714 : memref<!tpu.dma_semaphore, #tpu.memory_space<semaphore_mem>>) {add = true}
        %dma_wait3A_725 = arith.constant 0 : i32
        %dma_wait3A_726 = arith.constant 0 : i32
        %dma_wait3A_727 = tpu.memref_slice %arg8[%run_scoped3A_678, %dma_wait3A_725, %dma_wait3A_726] : memref<4x64x128xf32, #tpu.memory_space<vmem>> -> memref<1x64x128xf32, #tpu.memory_space<vmem>>
        %dma_wait3A_728 = tpu.memref_squeeze %dma_wait3A_727 : memref<1x64x128xf32, #tpu.memory_space<vmem>> -> memref<64x128xf32, #tpu.memory_space<vmem>>
        %dma_wait3A_729 = arith.constant 0 : i32
        %dma_wait3A_730 = tpu.memref_slice %arg7[%add3A_677, %dma_wait3A_729] : memref<64x64xi32, #tpu.memory_space<vmem>> -> memref<1x64xi32, #tpu.memory_space<vmem>>
        %dma_wait3A_731 = tpu.memref_squeeze %dma_wait3A_730 : memref<1x64xi32, #tpu.memory_space<vmem>> -> memref<64xi32, #tpu.memory_space<vmem>>
        %dma_wait3A_732 = arith.constant 0 : i32
        %dma_wait3A_733 = arith.constant 0 : i32
        %dma_wait3A_734 = tpu.memref_slice %arg9[%dma_wait3A_732, %dma_wait3A_733] : memref<10240x128xf32, #tpu.memory_space<vmem_shared>> -> memref<10240x128xf32, #tpu.memory_space<vmem_shared>>
        tpu.wait_indirect_dma semaphore(%run_scoped3A_714 : memref<!tpu.dma_semaphore, #tpu.memory_space<semaphore_mem>>) src(%dma_wait3A_728 : memref<64x128xf32, #tpu.memory_space<vmem>>) dst(%dma_wait3A_734 : memref<10240x128xf32, #tpu.memory_space<vmem_shared>>)
        tpu.yield
      }) : () -> ()
      %add3A_679 = arith.constant 4 : i32
      %add3A_680 = arith.addi %add3A_662, %add3A_679 : i32
      %lt3A_681 = arith.constant 32 : i32
      %lt3A_682 = arith.cmpi slt, %add3A_680, %lt3A_681 : i32
      %convert_element_type3A_683 = arith.extui %lt3A_682 : i1 to i32
      %cond3A_684 = arith.constant 0 : i32
      %cond3A_685 = arith.cmpi ne, %convert_element_type3A_683, %cond3A_684 : i32
      scf.if %cond3A_685 {
        %add3A_714 = arith.constant 0 : i32
        %add3A_715 = arith.addi %add3A_714, %add3A_680 : i32
        %dma_start3A_716 = arith.constant 2 : i32
        %dma_start3A_717 = arith.constant 0 : i32
        %dma_start3A_718 = arith.constant 0 : i32
        %dma_start3A_719 = tpu.memref_slice %arg8[%dma_start3A_716, %dma_start3A_717, %dma_start3A_718] : memref<4x64x128xf32, #tpu.memory_space<vmem>> -> memref<1x64x128xf32, #tpu.memory_space<vmem>>
        %dma_start3A_720 = tpu.memref_squeeze %dma_start3A_719 : memref<1x64x128xf32, #tpu.memory_space<vmem>> -> memref<64x128xf32, #tpu.memory_space<vmem>>
        %dma_start3A_721 = arith.constant 0 : i32
        %dma_start3A_722 = tpu.memref_slice %arg6[%add3A_715, %dma_start3A_721] : memref<64x64xi32, #tpu.memory_space<vmem>> -> memref<1x64xi32, #tpu.memory_space<vmem>>
        %dma_start3A_723 = tpu.memref_squeeze %dma_start3A_722 : memref<1x64xi32, #tpu.memory_space<vmem>> -> memref<64xi32, #tpu.memory_space<vmem>>
        %dma_start3A_724 = arith.constant 0 : i32
        %dma_start3A_725 = arith.constant 0 : i32
        %dma_start3A_726 = tpu.memref_slice %arg4[%dma_start3A_724, %dma_start3A_725] : memref<20000x128xf32, #tpu.memory_space<hbm>> -> memref<20000x128xf32, #tpu.memory_space<hbm>>
        tpu.enqueue_indirect_dma source(%dma_start3A_726 : memref<20000x128xf32, #tpu.memory_space<hbm>>) target(%dma_start3A_720 : memref<64x128xf32, #tpu.memory_space<vmem>>) offsets(%dma_start3A_723 : memref<64xi32, #tpu.memory_space<vmem>>) semaphore(%arg12 : memref<!tpu.dma_semaphore, #tpu.memory_space<semaphore_mem>>)
      } else {
      }
      %mul3A_686 = arith.constant 4 : i32
      %mul3A_687 = arith.muli %mul3A_686, %scan3A_606 : i32
      %add3A_688 = arith.constant 3 : i32
      %add3A_689 = arith.addi %mul3A_687, %add3A_688 : i32
      %add3A_690 = arith.constant 0 : i32
      %add3A_691 = arith.addi %add3A_690, %add3A_689 : i32
      %dma_wait3A_692 = arith.constant 3 : i32
      %dma_wait3A_693 = arith.constant 0 : i32
      %dma_wait3A_694 = arith.constant 0 : i32
      %dma_wait3A_695 = tpu.memref_slice %arg8[%dma_wait3A_692, %dma_wait3A_693, %dma_wait3A_694] : memref<4x64x128xf32, #tpu.memory_space<vmem>> -> memref<1x64x128xf32, #tpu.memory_space<vmem>>
      %dma_wait3A_696 = tpu.memref_squeeze %dma_wait3A_695 : memref<1x64x128xf32, #tpu.memory_space<vmem>> -> memref<64x128xf32, #tpu.memory_space<vmem>>
      %dma_wait3A_697 = arith.constant 0 : i32
      %dma_wait3A_698 = tpu.memref_slice %arg6[%add3A_691, %dma_wait3A_697] : memref<64x64xi32, #tpu.memory_space<vmem>> -> memref<1x64xi32, #tpu.memory_space<vmem>>
      %dma_wait3A_699 = tpu.memref_squeeze %dma_wait3A_698 : memref<1x64xi32, #tpu.memory_space<vmem>> -> memref<64xi32, #tpu.memory_space<vmem>>
      %dma_wait3A_700 = arith.constant 0 : i32
      %dma_wait3A_701 = arith.constant 0 : i32
      %dma_wait3A_702 = tpu.memref_slice %arg4[%dma_wait3A_700, %dma_wait3A_701] : memref<20000x128xf32, #tpu.memory_space<hbm>> -> memref<20000x128xf32, #tpu.memory_space<hbm>>
      tpu.wait_indirect_dma semaphore(%arg13 : memref<!tpu.dma_semaphore, #tpu.memory_space<semaphore_mem>>) src(%dma_wait3A_702 : memref<20000x128xf32, #tpu.memory_space<hbm>>) dst(%dma_wait3A_696 : memref<64x128xf32, #tpu.memory_space<vmem>>)
      %add3A_703 = arith.constant 0 : i32
      %add3A_704 = arith.addi %add3A_703, %add3A_689 : i32
      %run_scoped3A_705 = arith.constant 3 : i32
      "tpu.region"() ({
        %run_scoped3A_714 = tpu.sem_alloc : memref<!tpu.dma_semaphore, #tpu.memory_space<semaphore_mem>>
        %dma_start3A_715 = arith.constant 0 : i32
        %dma_start3A_716 = arith.constant 0 : i32
        %dma_start3A_717 = tpu.memref_slice %arg8[%run_scoped3A_705, %dma_start3A_715, %dma_start3A_716] : memref<4x64x128xf32, #tpu.memory_space<vmem>> -> memref<1x64x128xf32, #tpu.memory_space<vmem>>
        %dma_start3A_718 = tpu.memref_squeeze %dma_start3A_717 : memref<1x64x128xf32, #tpu.memory_space<vmem>> -> memref<64x128xf32, #tpu.memory_space<vmem>>
        %dma_start3A_719 = arith.constant 0 : i32
        %dma_start3A_720 = tpu.memref_slice %arg7[%add3A_704, %dma_start3A_719] : memref<64x64xi32, #tpu.memory_space<vmem>> -> memref<1x64xi32, #tpu.memory_space<vmem>>
        %dma_start3A_721 = tpu.memref_squeeze %dma_start3A_720 : memref<1x64xi32, #tpu.memory_space<vmem>> -> memref<64xi32, #tpu.memory_space<vmem>>
        %dma_start3A_722 = arith.constant 0 : i32
        %dma_start3A_723 = arith.constant 0 : i32
        %dma_start3A_724 = tpu.memref_slice %arg9[%dma_start3A_722, %dma_start3A_723] : memref<10240x128xf32, #tpu.memory_space<vmem_shared>> -> memref<10240x128xf32, #tpu.memory_space<vmem_shared>>
        tpu.enqueue_indirect_dma source(%dma_start3A_718 : memref<64x128xf32, #tpu.memory_space<vmem>>) target(%dma_start3A_724 : memref<10240x128xf32, #tpu.memory_space<vmem_shared>>) offsets(%dma_start3A_721 : memref<64xi32, #tpu.memory_space<vmem>>) semaphore(%run_scoped3A_714 : memref<!tpu.dma_semaphore, #tpu.memory_space<semaphore_mem>>) {add = true}
        %dma_wait3A_725 = arith.constant 0 : i32
        %dma_wait3A_726 = arith.constant 0 : i32
        %dma_wait3A_727 = tpu.memref_slice %arg8[%run_scoped3A_705, %dma_wait3A_725, %dma_wait3A_726] : memref<4x64x128xf32, #tpu.memory_space<vmem>> -> memref<1x64x128xf32, #tpu.memory_space<vmem>>
        %dma_wait3A_728 = tpu.memref_squeeze %dma_wait3A_727 : memref<1x64x128xf32, #tpu.memory_space<vmem>> -> memref<64x128xf32, #tpu.memory_space<vmem>>
        %dma_wait3A_729 = arith.constant 0 : i32
        %dma_wait3A_730 = tpu.memref_slice %arg7[%add3A_704, %dma_wait3A_729] : memref<64x64xi32, #tpu.memory_space<vmem>> -> memref<1x64xi32, #tpu.memory_space<vmem>>
        %dma_wait3A_731 = tpu.memref_squeeze %dma_wait3A_730 : memref<1x64xi32, #tpu.memory_space<vmem>> -> memref<64xi32, #tpu.memory_space<vmem>>
        %dma_wait3A_732 = arith.constant 0 : i32
        %dma_wait3A_733 = arith.constant 0 : i32
        %dma_wait3A_734 = tpu.memref_slice %arg9[%dma_wait3A_732, %dma_wait3A_733] : memref<10240x128xf32, #tpu.memory_space<vmem_shared>> -> memref<10240x128xf32, #tpu.memory_space<vmem_shared>>
        tpu.wait_indirect_dma semaphore(%run_scoped3A_714 : memref<!tpu.dma_semaphore, #tpu.memory_space<semaphore_mem>>) src(%dma_wait3A_728 : memref<64x128xf32, #tpu.memory_space<vmem>>) dst(%dma_wait3A_734 : memref<10240x128xf32, #tpu.memory_space<vmem_shared>>)
        tpu.yield
      }) : () -> ()
      %add3A_706 = arith.constant 4 : i32
      %add3A_707 = arith.addi %add3A_689, %add3A_706 : i32
      %lt3A_708 = arith.constant 32 : i32
      %lt3A_709 = arith.cmpi slt, %add3A_707, %lt3A_708 : i32
      %convert_element_type3A_710 = arith.extui %lt3A_709 : i1 to i32
      %cond3A_711 = arith.constant 0 : i32
      %cond3A_712 = arith.cmpi ne, %convert_element_type3A_710, %cond3A_711 : i32
      scf.if %cond3A_712 {
        %add3A_714 = arith.constant 0 : i32
        %add3A_715 = arith.addi %add3A_714, %add3A_707 : i32
        %dma_start3A_716 = arith.constant 3 : i32
        %dma_start3A_717 = arith.constant 0 : i32
        %dma_start3A_718 = arith.constant 0 : i32
        %dma_start3A_719 = tpu.memref_slice %arg8[%dma_start3A_716, %dma_start3A_717, %dma_start3A_718] : memref<4x64x128xf32, #tpu.memory_space<vmem>> -> memref<1x64x128xf32, #tpu.memory_space<vmem>>
        %dma_start3A_720 = tpu.memref_squeeze %dma_start3A_719 : memref<1x64x128xf32, #tpu.memory_space<vmem>> -> memref<64x128xf32, #tpu.memory_space<vmem>>
        %dma_start3A_721 = arith.constant 0 : i32
        %dma_start3A_722 = tpu.memref_slice %arg6[%add3A_715, %dma_start3A_721] : memref<64x64xi32, #tpu.memory_space<vmem>> -> memref<1x64xi32, #tpu.memory_space<vmem>>
        %dma_start3A_723 = tpu.memref_squeeze %dma_start3A_722 : memref<1x64xi32, #tpu.memory_space<vmem>> -> memref<64xi32, #tpu.memory_space<vmem>>
        %dma_start3A_724 = arith.constant 0 : i32
        %dma_start3A_725 = arith.constant 0 : i32
        %dma_start3A_726 = tpu.memref_slice %arg4[%dma_start3A_724, %dma_start3A_725] : memref<20000x128xf32, #tpu.memory_space<hbm>> -> memref<20000x128xf32, #tpu.memory_space<hbm>>
        tpu.enqueue_indirect_dma source(%dma_start3A_726 : memref<20000x128xf32, #tpu.memory_space<hbm>>) target(%dma_start3A_720 : memref<64x128xf32, #tpu.memory_space<vmem>>) offsets(%dma_start3A_723 : memref<64xi32, #tpu.memory_space<vmem>>) semaphore(%arg13 : memref<!tpu.dma_semaphore, #tpu.memory_space<semaphore_mem>>)
      } else {
      }
      %scan3A_713 = arith.constant 0 : i32
      scf.yield %scan3A_713 : i32
    }
    %scan3A_600 = arith.constant 8 : i32
    %barrier3A_601 = arith.constant 0 : index
    tpu.barrier barrier_id(%barrier3A_601)
    %mul3A_602 = arith.constant 640 : i32
    %mul3A_603 = arith.muli %arg1, %mul3A_602 : i32
    %mul3A_604 = arith.constant 640 : i32
    %mul3A_605 = arith.muli %arg1, %mul3A_604 : i32
    "tpu.region"() ({
      %run_scoped3A_606 = tpu.sem_alloc : memref<!tpu.dma_semaphore, #tpu.memory_space<semaphore_mem>>
      %dma_start3A_607 = arith.constant 0 : i32
      %dma_start3A_608 = tpu.memref_slice %arg5[%arg0, %mul3A_605, %dma_start3A_607] : memref<2x10240x128xf32, #tpu.memory_space<hbm>> -> memref<1x640x128xf32, #tpu.memory_space<hbm>>
      %dma_start3A_609 = tpu.memref_squeeze %dma_start3A_608 : memref<1x640x128xf32, #tpu.memory_space<hbm>> -> memref<640x128xf32, #tpu.memory_space<hbm>>
      %dma_start3A_610 = arith.constant 0 : i32
      %dma_start3A_611 = tpu.memref_slice %arg9[%mul3A_603, %dma_start3A_610] : memref<10240x128xf32, #tpu.memory_space<vmem_shared>> -> memref<640x128xf32, #tpu.memory_space<vmem_shared>>
      tpu.enqueue_dma source(%dma_start3A_611 : memref<640x128xf32, #tpu.memory_space<vmem_shared>>) target(%dma_start3A_609 : memref<640x128xf32, #tpu.memory_space<hbm>>) target_semaphore(%run_scoped3A_606 : memref<!tpu.dma_semaphore, #tpu.memory_space<semaphore_mem>>)
      %dma_wait3A_612 = arith.constant 0 : i32
      %dma_wait3A_613 = tpu.memref_slice %arg5[%arg0, %mul3A_605, %dma_wait3A_612] : memref<2x10240x128xf32, #tpu.memory_space<hbm>> -> memref<1x640x128xf32, #tpu.memory_space<hbm>>
      %dma_wait3A_614 = tpu.memref_squeeze %dma_wait3A_613 : memref<1x640x128xf32, #tpu.memory_space<hbm>> -> memref<640x128xf32, #tpu.memory_space<hbm>>
      %dma_wait3A_615 = arith.constant 0 : i32
      %dma_wait3A_616 = tpu.memref_slice %arg9[%mul3A_603, %dma_wait3A_615] : memref<10240x128xf32, #tpu.memory_space<vmem_shared>> -> memref<640x128xf32, #tpu.memory_space<vmem_shared>>
      tpu.wait_dma2 semaphore(%run_scoped3A_606 : memref<!tpu.dma_semaphore, #tpu.memory_space<semaphore_mem>>) src(%dma_wait3A_616 : memref<640x128xf32, #tpu.memory_space<vmem_shared>>) dst(%dma_wait3A_614 : memref<640x128xf32, #tpu.memory_space<hbm>>)
      tpu.yield
    }) : () -> ()
    return
  }
}

module attributes {stable_mosaic.version = 14 : i64} {
  func.func @_matmul_kernel(%arg0: i32, %arg1: memref<2x2000x128xf32, #tpu.memory_space<vmem>>, %arg2: memref<256x256xf32, #tpu.memory_space<vmem>>, %arg3: memref<1x256xf32, #tpu.memory_space<vmem>>, %arg4: memref<2000x256xf32, #tpu.memory_space<vmem>>) attributes {dimension_semantics = [#tpu.dimension_semantics<arbitrary>], iteration_bounds = array<i64: 5>, scalar_prefetch = 0 : i64, scratch_operands = 0 : i64, tpu.core_type = #tpu.core_type<tc>, window_params = [{transform_indices = @transform_0, window_bounds = array<i64: 2, 2000, 128>}, {pipeline_mode = #tpu.pipeline_mode<synchronous>, transform_indices = @transform_1, window_bounds = array<i64: 256, 256>}, {pipeline_mode = #tpu.pipeline_mode<synchronous>, transform_indices = @transform_2, window_bounds = array<i64: 1, 256>}, {transform_indices = @transform_3, window_bounds = array<i64: 2000, 256>}]} {
    %get3A = arith.constant 0 : index
    %get3A_0 = arith.constant 0 : index
    %get3A_1 = arith.constant 0 : index
    %get3A_2 = vector.load %arg1[%get3A, %get3A_0, %get3A_1] : memref<2x2000x128xf32, #tpu.memory_space<vmem>>, vector<1x2000x128xf32>
    %get3A_3 = vector.shape_cast %get3A_2 : vector<1x2000x128xf32> to vector<2000x128xf32>
    %get3A_4 = arith.constant 1 : index
    %get3A_5 = arith.constant 0 : index
    %get3A_6 = arith.constant 0 : index
    %get3A_7 = vector.load %arg1[%get3A_4, %get3A_5, %get3A_6] : memref<2x2000x128xf32, #tpu.memory_space<vmem>>, vector<1x2000x128xf32>
    %get3A_8 = vector.shape_cast %get3A_7 : vector<1x2000x128xf32> to vector<2000x128xf32>
    %get3A_9 = arith.constant 0 : index
    %get3A_10 = arith.constant 0 : index
    %get3A_11 = vector.load %arg2[%get3A_9, %get3A_10] : memref<256x256xf32, #tpu.memory_space<vmem>>, vector<128x256xf32>
    %dot_general3A = arith.constant dense<0.000000e+00> : vector<2000x256xf32>
    %dot_general3A_12 = tpu.matmul %get3A_3, %get3A_11, %dot_general3A {dimension_numbers = #tpu.dot_dimension_numbers<[1], [0], [0], [1], [0, 0, 1, 1], [], []>, transpose_lhs_hint = false} : vector<2000x128xf32>, vector<128x256xf32>, vector<2000x256xf32> -> vector<2000x256xf32>
    %get3A_13 = arith.constant 128 : index
    %get3A_14 = arith.constant 0 : index
    %get3A_15 = vector.load %arg2[%get3A_13, %get3A_14] : memref<256x256xf32, #tpu.memory_space<vmem>>, vector<128x256xf32>
    %dot_general3A_16 = arith.constant dense<0.000000e+00> : vector<2000x256xf32>
    %dot_general3A_17 = tpu.matmul %get3A_8, %get3A_15, %dot_general3A_16 {dimension_numbers = #tpu.dot_dimension_numbers<[1], [0], [0], [1], [0, 0, 1, 1], [], []>, transpose_lhs_hint = false} : vector<2000x128xf32>, vector<128x256xf32>, vector<2000x256xf32> -> vector<2000x256xf32>
    %add3A = arith.addf %dot_general3A_12, %dot_general3A_17 : vector<2000x256xf32>
    %get3A_18 = arith.constant 0 : index
    %get3A_19 = arith.constant 0 : index
    %get3A_20 = vector.load %arg3[%get3A_18, %get3A_19] : memref<1x256xf32, #tpu.memory_space<vmem>>, vector<1x256xf32>
    %add3A_21 = vector.broadcast %get3A_20 : vector<1x256xf32> to vector<2000x256xf32>
    %add3A_22 = arith.addf %add3A, %add3A_21 : vector<2000x256xf32>
    %swap3A = arith.constant 0 : index
    %swap3A_23 = arith.constant 0 : index
    %swap3A_24 = vector.load %arg4[%swap3A, %swap3A_23] : memref<2000x256xf32, #tpu.memory_space<vmem>>, vector<2000x256xf32>
    tpu.vector_store %arg4[%swap3A, %swap3A_23], %add3A_22 {strides = array<i32>} : memref<2000x256xf32, #tpu.memory_space<vmem>>, vector<2000x256xf32>,
    return
  }
  func.func @transform_0(%arg0: i32) -> (i32, i32, i32) {
    %c0_i32 = arith.constant 0 : i32
    %c0_i32_0 = arith.constant 0 : i32
    %c0_i32_1 = arith.constant 0 : i32
    return %c0_i32, %arg0, %c0_i32_0 : i32, i32, i32
  }
  func.func @transform_1(%arg0: i32) -> (i32, i32) {
    %c0_i32 = arith.constant 0 : i32
    %c0_i32_0 = arith.constant 0 : i32
    %c0_i32_1 = arith.constant 0 : i32
    return %c0_i32, %c0_i32_0 : i32, i32
  }
  func.func @transform_2(%arg0: i32) -> (i32, i32) {
    %c0_i32 = arith.constant 0 : i32
    %c0_i32_0 = arith.constant 0 : i32
    %c0_i32_1 = arith.constant 0 : i32
    return %c0_i32, %c0_i32_0 : i32, i32
  }
  func.func @transform_3(%arg0: i32) -> (i32, i32) {
    %c0_i32 = arith.constant 0 : i32
    %c0_i32_0 = arith.constant 0 : i32
    return %arg0, %c0_i32 : i32, i32
  }
}

</mosaic_0001>

<sc_bundles>
// kernel: kernel.4.cloned.1.call-start
scs
__scs_entry_jumppad:
0x0: {  	(pc) =	sbr.rel $0x88, $3  }
0x1: {  	(tag) =	ssettag $0x0;
	lr =	simm.s32 $0x1  }
0x2: {  	[smem:$0x3F9D] =	sst lr;
	_ =	strace $0xD0000000  }
0x3: {  	_ = 	snop  }
0x4: {  	_ = 	snop  }
0x5: {  	_ = 	snop  }
0x6: {  	_ = 	snop  }
0x7: {  	_ = 	snop  }
__scs_overlays_trampoline_lowered:
0x8: {  	[smem:$0x3FAC] =	sst s0  }
0x9: {  	[smem:$0x3FAD] =	sst s1  }
0xa: {  	[smem:$0x3FAE] =	sst s2  }
0xb: {  	[smem:$0x3FAF] =	sst s3  }
0xc: {  	[smem:$0x3FB0] =	sst s4  }
0xd: {  	[smem:$0x3FB1] =	sst s5  }
0xe: {  	[smem:$0x3FB2] =	sst s6  }
0xf: {  	[smem:$0x3FB3] =	sst s7  }
0x10: {  	[smem:$0x3FB4] =	sst s8  }
0x11: {  	[smem:$0x3FB5] =	sst s9;
	s0 =	simm.s32 @!p0 $0x0  }
0x12: {  	s1 =	sld [smem:$0x3F9B];
	s0 =	simm.s32 @p0 $0x1  }
0x13: {  	[smem:$0x3FB6] =	sst s0;
	s0 =	simm.s32 @!p1 $0x0  }
0x14: {  	s2 =	sld [smem:$0x3F9A];
	s0 =	simm.s32 @p1 $0x1  }
0x15: {  	[smem:$0x3FB7] =	sst s0;
	s0 =	simm.s32 @!p2 $0x0  }
0x16: {  	s3 =	sld [smem:$0x3FDB];
	s0 =	simm.s32 @p2 $0x1  }
0x17: {  	s4 =	simm.s32 $0x1BF5;
	[smem:$0x3FB9] =	sst s0  }
0x18: {  	s0 =	sld [smem:$0x3F9C];
	_ =	swait.ge [sflag:s4], $0x0  }
0x19: {  	s7 =	sld [smem:$0x3F9D]  }
0x1a: {  	s8 =	sadd.s32 $0xFFFFE003, lr  }
0x1b: {  	s9 =	sadd.s32 $0xFFFFFEF7, lr;
	s5 =	simm.s32 $0xFFFFFFFF;
	p2 =	slt.u32 s8, $0xFFFFF086  }
0x1c: {  	p1 =	slt.u32 s9, $0xF7A;
	s5 =	simm.s32 @!p2 $0x0  }
0x1d: {  	s5 =	simm.s32 @p1 $0x1;
	p0 =	seq.s32 s7, s2  }
0x1e: {  	s7 =	smul.u32 @!p0 $0xF7A, s2;
	p2 =	seq.s32 @!p0 s5, $0x0  }
0x1f: {  	s9 =	smul.u32 $0xF7A, s1;
	s8 =	simm.s32 @!p0 $0x1BF5;
	p2 =	por !p2, p0  }
0x20: {  	[sflag:s8] =	ssyncset.s32 @!p0 $0xFFFFF086;
	s6 =	sadd.s32 @!p0 s3, s7;
	s7 =	simm.s32 @!p0 $0x108  }
0x21: {  	s3 =	sadd.s32 s3, s9;
	s6 =	sadd.s32 @!p0 $0x88, s6;
	s7 =	simm.s32 @p2 $0x1082  }
0x22: {  	[simem:s7], [sflag:s8] =	dma.local @!p0 [hbm:s6], $0xF7A  }
0x23: {  	s9 =	sor.u32 $0xD0000000, s2;
	s6 =	simm.s32 $0x108;
	_ =	swait.ge @!p0 [sflag:s8], $0x0  }
0x24: {  	s3 =	sadd.s32 $0x88, s3;
	s6 =	simm.s32 @!p1 $0x1082;
	[sflag:s4] =	ssyncset.s32 $0xFFFFF086  }
0x25: {  	[simem:s6], [sflag:s4] =	dma.local [hbm:s3], $0xF7A  }
0x26: {  	[smem:$0x3F9D] =	sst s1;
	(tag) =	ssettag s2;
	_ =	strace s9  }
0x27: {  	s1 =	sld [smem:$0x3FAD]  }
0x28: {  	s2 =	sld [smem:$0x3FAE]  }
0x29: {  	s4 =	sld [smem:$0x3FB0]  }
0x2a: {  	p0 =	seq.s32 s5, $0x0;
	s5 =	sld [smem:$0x3FB1]  }
0x2b: {  	s6 =	sld [smem:$0x3FB2]  }
0x2c: {  	s7 =	sld [smem:$0x3FB3]  }
0x2d: {  	s3 =	simm.s32 $0x108;
	s8 =	sld [smem:$0x3FB4]  }
0x2e: {  	s3 =	simm.s32 @!p0 $0x1082;
	s9 =	sld [smem:$0x3FB5]  }
0x2f: {  	lr =	sadd.s32 s0, s3;
	s0 =	sld [smem:$0x3FAC]  }
0x30: {  	s3 =	sld [smem:$0x3FAF]  }
0x31: {  	[smem:$0x3FB8] =	sst s10  }
0x32: {  	s10 =	sld [smem:$0x3FB6];
	_ =	sdelay $0x3  }
0x33: {  	p0 =	seq.s32 s10, $0x1;
	s10 =	sld [smem:$0x3FB8];
	_ =	sdelay $0x3  }
0x34: {  	[smem:$0x3FB8] =	sst s10  }
0x35: {  	s10 =	sld [smem:$0x3FB7];
	_ =	sdelay $0x3  }
0x36: {  	p1 =	seq.s32 s10, $0x1;
	s10 =	sld [smem:$0x3FB8];
	_ =	sdelay $0x3  }
0x37: {  	[smem:$0x3FB8] =	sst s10  }
0x38: {  	s10 =	sld [smem:$0x3FB9]  }
0x39: {  	_ = 	snop;
	(pc) =	sbr.ind lr, $3  }
0x3a: {  	_ = 	snop  }
0x3b: {  	_ = 	snop  }
0x3c: {  	p2 =	seq.s32 s10, $0x1;
	s10 =	sld [smem:$0x3FB8]  }
0x3d: {  	_ =	shalt  }
0x3e: {  	_ =	shalt  }
0x3f: {  	_ =	shalt  }
0x40: {  	_ =	shalt  }
0x41: {  	_ =	shalt  }
0x42: {  	_ =	shalt  }
0x43: {  	_ =	shalt  }
0x44: {  	_ =	shalt  }
0x45: {  	_ =	shalt  }
0x46: {  	_ =	shalt  }
0x47: {  	_ =	shalt  }
0x48: {  	_ =	shalt  }
0x49: {  	_ =	shalt  }
0x4a: {  	_ =	shalt  }
0x4b: {  	_ =	shalt  }
0x4c: {  	_ =	shalt  }
0x4d: {  	_ =	shalt  }
0x4e: {  	_ =	shalt  }
0x4f: {  	_ =	shalt  }
0x50: {  	_ =	shalt  }
0x51: {  	_ =	shalt  }
0x52: {  	_ =	shalt  }
0x53: {  	_ =	shalt  }
0x54: {  	_ =	shalt  }
0x55: {  	_ =	shalt  }
0x56: {  	_ =	shalt  }
0x57: {  	_ =	shalt  }
0x58: {  	_ =	shalt  }
0x59: {  	_ =	shalt  }
0x5a: {  	_ =	shalt  }
0x5b: {  	_ =	shalt  }
0x5c: {  	_ =	shalt  }
0x5d: {  	_ =	shalt  }
0x5e: {  	_ =	shalt  }
0x5f: {  	_ =	shalt  }
0x60: {  	_ =	shalt  }
0x61: {  	_ =	shalt  }
0x62: {  	_ =	shalt  }
0x63: {  	_ =	shalt  }
0x64: {  	_ =	shalt  }
0x65: {  	_ =	shalt  }
0x66: {  	_ =	shalt  }
0x67: {  	_ =	shalt  }
0x68: {  	_ =	shalt  }
0x69: {  	_ =	shalt  }
0x6a: {  	_ =	shalt  }
0x6b: {  	_ =	shalt  }
0x6c: {  	_ =	shalt  }
0x6d: {  	_ =	shalt  }
0x6e: {  	_ =	shalt  }
0x6f: {  	_ =	shalt  }
0x70: {  	_ =	shalt  }
0x71: {  	_ =	shalt  }
0x72: {  	_ =	shalt  }
0x73: {  	_ =	shalt  }
0x74: {  	_ =	shalt  }
0x75: {  	_ =	shalt  }
0x76: {  	_ =	shalt  }
0x77: {  	_ =	shalt  }
0x78: {  	_ =	shalt  }
0x79: {  	_ =	shalt  }
0x7a: {  	_ =	shalt  }
0x7b: {  	_ =	shalt  }
0x7c: {  	_ =	shalt  }
0x7d: {  	_ =	shalt  }
0x7e: {  	_ =	shalt  }
0x7f: {  	_ =	shalt  }
0x80: {  	_ =	shalt  }
0x81: {  	_ =	shalt  }
0x82: {  	_ =	shalt  }
0x83: {  	_ =	shalt  }
0x84: {  	_ =	shalt  }
0x85: {  	_ =	shalt  }
0x86: {  	_ =	shalt  }
0x87: {  	_ =	shalt  }
.Lfunc_end0:
.L_simem_size_0:
called_computation_lowered:
.L_overlay_start_0:
0x88: {  	s2 =	sld [smem:$0x3FD9]  }
0x89: {  	s3 =	sld [smem:$0x3FFE];
	_ =	sdelay $0x1  }
0x8a: {  	s1 =	srdreg.scid  }
0x8b: {  	s0 =	sand.u32 $0x1, s1  }
0x8c: {  	s17 =	sshll.u32 s0, $0xA;
	s2 =	sadd.s32 s3, s2  }
0x8d: {  	s2 =	sadd.s32 s2, s17  }
0x8e: {  	[smem:$0x3FC4] =	sst s2  }
0x8f: {  	_ = 	snop  }
0x90: {  	s2 =	sld [smem:$0x3FD0];
	(tm) =	ssettm $0x1  }
0x91: {  	s18 =	sld [smem:$0x3FFB];
	_ =	sdelay $0x3  }
0x92: {  	_ =	strace s18  }
0x93: {  	s3 =	sld [smem:$0x3FFC];
	_ =	sdelay $0x3  }
0x94: {  	_ =	strace s3  }
0x95: {  	s3 =	sld [smem:$0x3FFD];
	_ =	sdelay $0x3  }
0x96: {  	_ =	strace s3  }
0x97: {  	_ =	strace $0x8FFFFFFF  }
0x98: {  	s19 =	sld [smem:$0x3FDB];
	_ =	sdelay $0x1  }
0x99: {  	s4 =	simm.s32 $_scs_section_size  }
0x9a: {  	s5 =	simm.s32 $_size__tile_overlayer_lowered;
	s6 =	simm.s32 $_tile_overlayer_lowered  }
0x9b: {  	s22 =	simm.s32 $0x1BFF;
	s21 =	sshll.u32 s6, $0x1;
	s3 =	sadd.s32 s4, s19  }
0x9c: {  	s7 =	simm.s32 $0x0;
	s20 =	sshll.u32 s5, $0x1;
	s5 =	sadd.s32 s21, s3  }
0x9d: {  	[timem:s7], [sflag:s22] =	dma.local [hbm:s5], s20  }
0x9e: {  	_ =	swait.ge [sflag:s22], s20  }
0x9f: {  	s4 =	ssub.s32 $0x0, s20;
	[sflag:s22] =	ssyncset.done $0x0  }
0xa0: {  	[sflag:s22] =	ssyncadd.s32 s4;
	_ =	sdelay $0x1  }
0xa1: {  	s23 =	simm.s32 $0x1B8B  }
0xa2: {  	_ =	swait.ge [sflag:s23], $0x1  }
0xa3: {  	[sflag:s23] =	ssyncset.done $0x0  }
0xa4: {  	s25 =	simm.s32 $0x1B8E;
	s24 =	sld [smem:$0x3FFE];
	[sflag:s23] =	ssyncadd.s32 $0xFFFFFFFF  }
0xa5: {  	s26 =	simm.s32 $execute0_lowered;
	[smem:$0x3FD2] =	sst s25  }
0xa6: {  	s5 =	sshll.u32 s26, $0x1;
	_ =	strace $0x80000046;
	[dreg:$0x1] =	wrdreg $0xFFFFFFFF  }
0xa7: {  	s28 =	simm.s32 $_size_execute0_lowered;
	s3 =	sadd.s32 s3, s5;
	[dreg:$0x0] =	wrdreg $0x0  }
0xa8: {  	s5 =	sshll.u32 s28, $0x1;
	[dreg:$0x2] =	wrdreg s3  }
0xa9: {  	[dreg:$0x3] =	wrdreg s5  }
0xaa: {  	[dreg:$0x4] =	wrdreg $0xC0  }
0xab: {  	_ =	task [dreg:s7], $0x5FFFF  }
0xac: {  	[dreg:$0x1] =	wrdreg $0xFFFFFFFF  }
0xad: {  	[dreg:$0x0] =	wrdreg $0x60  }
0xae: {  	[dreg:$0x2] =	wrdreg s24  }
0xaf: {  	[dreg:$0x3] =	wrdreg s2  }
0xb0: {  	[dreg:$0x4] =	wrdreg $0xC0000  }
0xb1: {  	[dreg:$0x5] =	wrdreg $0x9  }
0xb2: {  	_ =	task.clear_ibuf [dreg:s7], $0x6FFFF;
	_ =	strace $0x90000046  }
0xb3: {  	s29 =	simm.s32 $0x9;
	_ =	strace $0x80000048  }
0xb4: {  	_ =	swait.ge [sflag:s29], $0x1  }
0xb5: {  	[sflag:s29] =	ssyncadd.s32 $0xFFFFFFFF  }
0xb6: {  	_ =	strace $0x90000048  }
0xb7: {  	_ =	sfence  }
0xb8: {  	s30 =	sld [smem:$0x0];
	_ =	sdelay $0x2  }
0xb9: {  	s31 =	sshll.u32 s1, $0xD;
	s1 =	sshrl.u32 s1, $0x2  }
0xba: {  	s3 =	sand.u32 $0x4000, s31;
	s1 =	sadd.s32 s1, s30  }
0xbb: {  	s0 =	sor.u32 s3, s0;
	s1 =	sshll.u32 s1, $0x11  }
0xbc: {  	s0 =	sor.u32 s1, s0  }
0xbd: {  	s0 =	sadd.s32 $0x8F2B, s0  }
0xbe: {  	[sflag:s0] =	ssyncadd.remote.s32 $0x1  }
0xbf: {  	_ =	sfence.sel $0xFFFF  }
0xc0: {  	[dreg:$0x0] =	wrdreg $0xFFFFFFFF;
	(pc) =	sbr.abs _section_cstart, $3  }
0xc1: {  	[dreg:$0x1] =	wrdreg $0xFFFFFFFF  }
0xc2: {  	_ =	task.clear_ibuf [dreg:s7], $0x2FFFF;
	_ =	strace $0x9FFFFFFF  }
0xc3: {  	(tm) =	ssettm $0x7FFFFFFF  }
tec
execute0_lowered:
.L_overlay_start_1:
0x0: {  	(tag) =	ssettag $0x1  }
0x1: {  	s0 =	rddreg [dreg:$0x0];
	s1 =	srdreg.scid  }
0x2: {  	s2 =	rddreg [dreg:$0x1];
	s8 =	stileid.u32  }
0x3: {  	s3 =	rddreg [dreg:$0x2];
	s7 =	simm.s32 $0x0;
	s5 =	smul.u32 $0x5000, s8  }
0x4: {  	s28 =	simm.s32 $0x2000;
	s29 =	simm.s32 $0x4000;
	s24 =	smul.u32 $0x14000, s8  }
0x5: {  	s30 =	simm.s32 $0x6;
	s1 =	sand.u32 $0x1, s1;
	s25 =	smul.u32 $0x50000, s8  }
0x6: {  	s31 =	simm.s32 $0x5;
	[smem:$0x7FF] =	sst s7;
	s4 =	smul.u32 $0x50000, s1  }
0x7: {  	s6 =	smul.u32 $0x140000, s1;
	_ =	strace $0x80000047;
	s1 =	ssub.s32 $0x2, s1  }
0x8: {  	s26 =	sshrl.u32 s1, $0x1;
	s8 =	sshrl.u32 s25, $0x2;
	s4 =	sadd.s32 s5, s4  }
0x9: {  	s5 =	sshrl.u32 s5, $0x3;
	s6 =	sadd.s32 s24, s6;
	s7 =	sadd.s32 s8, s3  }
0xa: {  	s1 =	ssub.s32 s1, s26;
	s8 =	simm.s32 $0x100;
	s11 =	sadd.s32 $0x4000, s7  }
0xb: {  	s4 =	sshrl.u32 s4, $0x3;
	s12 =	sadd.s32 $0x6000, s7;
	[dreg:$0x7] =	wrdreg s11  }
0xc: {  	s5 =	sadd.s32 s5, s0;
	s13 =	sadd.s32 $0x8000, s7;
	[dreg:$0x8] =	wrdreg s12  }
0xd: {  	s6 =	sshrl.u32 s6, $0x3;
	s14 =	sadd.s32 $0xA000, s7;
	[dreg:$0x9] =	wrdreg s13  }
0xe: {  	s15 =	sadd.s32 $0xC000, s7;
	s16 =	sadd.s32 $0xE000, s7;
	[dreg:$0xa] =	wrdreg s14  }
0xf: {  	s17 =	sadd.s32 $0x10000, s7;
	s25 =	smax.u32 s1, $0x1;
	[dreg:$0xb] =	wrdreg s15  }
0x10: {  	s26 =	sadd.s32 $0x12000, s7;
	s1 =	simm.s32 $0x1000;
	[dreg:$0xc] =	wrdreg s16  }
0x11: {  	s4 =	sadd.s32 s4, s0;
	s0 =	sadd.s32 s6, s0;
	[dreg:$0xd] =	wrdreg s17  }
0x12: {  	s10 =	sadd.s32 $0x400, s5;
	s6 =	sadd.s32 $0x2000, s7;
	[dreg:$0x17] =	wrdreg s25  }
0x13: {  	s19 =	sadd.s32 $0x600, s5;
	s21 =	sadd.s32 $0x800, s5;
	[dreg:$0x18] =	wrdreg s26  }
0x14: {  	s23 =	sadd.s32 $0xA00, s5;
	s24 =	sadd.s32 $0xC00, s5;
	[dreg:$0x5] =	wrdreg s10  }
0x15: {  	s5 =	simm.s32 $0x80;
	s11 =	simm.s32 $0xA000;
	[dreg:$0x6] =	wrdreg s6  }
0x16: {  	s12 =	simm.s32 $0x1;
	s13 =	simm.s32 $0x2;
	[dreg:$0xf] =	wrdreg s19  }
0x17: {  	s14 =	simm.s32 $0x3;
	s15 =	simm.s32 $0x4;
	[dreg:$0x11] =	wrdreg s21  }
0x18: {  	s16 =	simm.s32 $0x2E00;
	s17 =	simm.s32 $0x2E80;
	[dreg:$0x13] =	wrdreg s23  }
0x19: {  	s25 =	simm.s32 $0x3F80;
	s9 =	sadd.s32 $0xA400, s4;
	[dreg:$0x15] =	wrdreg s24  }
0x1a: {  	s26 =	simm.s32 $0x0;
	s18 =	sadd.s32 $0xA600, s4;
	[dreg:$0x4] =	wrdreg s9  }
0x1b: {  	s20 =	sadd.s32 $0xA800, s4;
	s22 =	sadd.s32 $0xAA00, s4;
	[dreg:$0xe] =	wrdreg s18  }
0x1c: {  	s4 =	sadd.s32 $0xAC00, s4;
	s0 =	sadd.s32 $0x1E400, s0;
	[dreg:$0x10] =	wrdreg s20  }
0x1d: {  	s6 =	simm.s32 $0x6000;
	s10 =	simm.s32 $0x180;
	[dreg:$0x12] =	wrdreg s22  }
0x1e: {  	s23 =	simm.s32 $0x3E80;
	s24 =	simm.s32 $0x3F00;
	[dreg:$0x14] =	wrdreg s4  }
0x1f: {  	[dreg:$0x16] =	wrdreg s0;
	s4 =	simm.s32 $0x40;
	s9 =	simm.s32 $0x8000  }
0x20: {  	v0 =	vimm.f32 $0.0e+00;
	s0 =	simm.s32 $0x2F00;
	s18 =	simm.s32 $0x2F80;
	s22 =	simm.s32 $0x3E00  }
.LBB2_1:
0x21: {  	s19 =	simm.s32 $0x0;
	s20 =	rddreg [dreg:$0x4]  }
0x22: {  	[tilespmem:s19], [sflag:$0x5] =	stream.linear.gather [hbm4b:s20+s19], $0x1000, $0x38;
	v63 =	vld [tilespmem:$0x0]  }
0x23: {  	s21 =	rddreg [dreg:$0x5]  }
0x24: {  	[tilespmem:s28], [sflag:$0x5] =	stream.linear.gather [hbm4b:s21+s19], $0x1000, $0x38;
	v63 =	vld [tilespmem:$0x0]  }
0x25: {  	s20 =	simm.s32 $0x200;
	s19 =	simm.s32 $0x0  }
.LBB2_2:
0x26: {  	p0 =	sne.s32 s20, $0x7E00;
	[tilespmem:s19+$0x4070] =	vst v0  }
0x27: {  	[tilespmem:s19+$0x4000] =	vst v0  }
0x28: {  	[tilespmem:s19+$0x4010] =	vst v0  }
.Ltmp0:
0x29: {  	[tilespmem:s19+$0x4020] =	vst v0;
	(pc) =	sbr.rel @p0 .LBB2_2-.Ltmp0, $4  }
0x2a: {  	[tilespmem:s19+$0x4030] =	vst v0  }
0x2b: {  	[tilespmem:s19+$0x4040] =	vst v0  }
0x2c: {  	[tilespmem:s19+$0x4050] =	vst v0  }
0x2d: {  	[tilespmem:s19+$0x4060] =	vst v0;
	s19 =	sshra.s32 s20, $0x2;
	s20 =	sadd.s32 $0x200, s20  }
0x2e: {  	[tilespmem:s19+$0x4070] =	vst v0  }
0x2f: {  	[tilespmem:s19+$0x4000] =	vst v0  }
0x30: {  	[tilespmem:s19+$0x4010] =	vst v0  }
0x31: {  	[tilespmem:s19+$0x4020] =	vst v0  }
0x32: {  	[tilespmem:s19+$0x4030] =	vst v0  }
0x33: {  	[tilespmem:s19+$0x4040] =	vst v0  }
0x34: {  	[tilespmem:s19+$0x4050] =	vst v0  }
0x35: {  	[tilespmem:s19+$0x4060] =	vst v0  }
0x36: {  	[spmem:s7] =	stream.linear.scatter [tilespmem:s29], [sflag:$0x6], $0x2000, $0x38;
	v63 =	vld [tilespmem:$0x0]  }
0x37: {  	_ =	swait.ge [sflag:s30], $0x2000  }
0x38: {  	[sflag:s30] =	ssyncset.done $0x0  }
0x39: {  	s20 =	rddreg [dreg:$0x6];
	[sflag:s30] =	ssyncadd.s32 $0xFFFFE000  }
0x3a: {  	[spmem:s20] =	stream.linear.scatter [tilespmem:s29], [sflag:$0x6], $0x2000, $0x38;
	v63 =	vld [tilespmem:$0x0]  }
0x3b: {  	_ =	swait.ge [sflag:s30], $0x2000  }
0x3c: {  	[sflag:s30] =	ssyncset.done $0x0  }
0x3d: {  	s21 =	rddreg [dreg:$0x7];
	[sflag:s30] =	ssyncadd.s32 $0xFFFFE000  }
0x3e: {  	[spmem:s21] =	stream.linear.scatter [tilespmem:s29], [sflag:$0x6], $0x2000, $0x38;
	v63 =	vld [tilespmem:$0x0]  }
0x3f: {  	_ =	swait.ge [sflag:s30], $0x2000  }
0x40: {  	[sflag:s30] =	ssyncset.done $0x0  }
0x41: {  	s20 =	rddreg [dreg:$0x8];
	[sflag:s30] =	ssyncadd.s32 $0xFFFFE000  }
0x42: {  	[spmem:s20] =	stream.linear.scatter [tilespmem:s29], [sflag:$0x6], $0x2000, $0x38;
	v63 =	vld [tilespmem:$0x0]  }
0x43: {  	_ =	swait.ge [sflag:s30], $0x2000  }
0x44: {  	[sflag:s30] =	ssyncset.done $0x0  }
0x45: {  	s21 =	rddreg [dreg:$0x9];
	[sflag:s30] =	ssyncadd.s32 $0xFFFFE000  }
0x46: {  	[spmem:s21] =	stream.linear.scatter [tilespmem:s29], [sflag:$0x6], $0x2000, $0x38;
	v63 =	vld [tilespmem:$0x0]  }
0x47: {  	_ =	swait.ge [sflag:s30], $0x2000  }
0x48: {  	[sflag:s30] =	ssyncset.done $0x0  }
0x49: {  	s20 =	rddreg [dreg:$0xa];
	[sflag:s30] =	ssyncadd.s32 $0xFFFFE000  }
0x4a: {  	[spmem:s20] =	stream.linear.scatter [tilespmem:s29], [sflag:$0x6], $0x2000, $0x38;
	v63 =	vld [tilespmem:$0x0]  }
0x4b: {  	_ =	swait.ge [sflag:s30], $0x2000  }
0x4c: {  	[sflag:s30] =	ssyncset.done $0x0  }
0x4d: {  	s21 =	rddreg [dreg:$0xb];
	[sflag:s30] =	ssyncadd.s32 $0xFFFFE000  }
0x4e: {  	[spmem:s21] =	stream.linear.scatter [tilespmem:s29], [sflag:$0x6], $0x2000, $0x38;
	v63 =	vld [tilespmem:$0x0]  }
0x4f: {  	_ =	swait.ge [sflag:s30], $0x2000  }
0x50: {  	[sflag:s30] =	ssyncset.done $0x0  }
0x51: {  	s20 =	rddreg [dreg:$0xc];
	[sflag:s30] =	ssyncadd.s32 $0xFFFFE000  }
0x52: {  	[spmem:s20] =	stream.linear.scatter [tilespmem:s29], [sflag:$0x6], $0x2000, $0x38;
	v63 =	vld [tilespmem:$0x0]  }
0x53: {  	_ =	swait.ge [sflag:s30], $0x2000  }
0x54: {  	[sflag:s30] =	ssyncset.done $0x0  }
0x55: {  	s21 =	rddreg [dreg:$0xd];
	[sflag:s30] =	ssyncadd.s32 $0xFFFFE000  }
0x56: {  	[spmem:s21] =	stream.linear.scatter [tilespmem:s29], [sflag:$0x6], $0x2000, $0x38;
	v63 =	vld [tilespmem:$0x0]  }
0x57: {  	_ =	swait.ge [sflag:s30], $0x2000  }
0x58: {  	[sflag:s30] =	ssyncset.done $0x0  }
0x59: {  	s20 =	rddreg [dreg:$0x18];
	[sflag:s30] =	ssyncadd.s32 $0xFFFFE000  }
0x5a: {  	[spmem:s20] =	stream.linear.scatter [tilespmem:s29], [sflag:$0x6], $0x2000, $0x38;
	v63 =	vld [tilespmem:$0x0]  }
0x5b: {  	_ =	swait.ge [sflag:s30], $0x2000  }
0x5c: {  	[sflag:s30] =	ssyncset.done $0x0  }
0x5d: {  	[sflag:s30] =	ssyncadd.s32 $0xFFFFE000  }
0x5e: {  	[bflag:$0x0] =	sbarrier.arrive $0xFFFF  }
0x5f: {  	_ =	swait.ge [sflag:s31], $0x1000  }
0x60: {  	[sflag:s31] =	ssyncset.done $0x0  }
0x61: {  	[sflag:s31] =	ssyncadd.s32 $0xFFFFF000  }
0x62: {  	_ =	swait.ge [sflag:s31], $0x1000  }
0x63: {  	[sflag:s31] =	ssyncset.done $0x0  }
0x64: {  	s19 =	simm.s32 $0x0;
	s20 =	rddreg [dreg:$0xe];
	[sflag:s31] =	ssyncadd.s32 $0xFFFFF000  }
0x65: {  	[tilespmem:s1], [sflag:$0x5] =	stream.linear.gather [hbm4b:s20+s19], $0x1000, $0x38;
	v63 =	vld [tilespmem:$0x0]  }
0x66: {  	s21 =	simm.s32 $0x3000;
	s20 =	rddreg [dreg:$0xf]  }
0x67: {  	[tilespmem:s21], [sflag:$0x5] =	stream.linear.gather [hbm4b:s20+s19], $0x1000, $0x38;
	v63 =	vld [tilespmem:$0x0]  }
0x68: {  	_ = 	snop  }
0x69: {  	[tilespmem:s29], [sflag:$0x1] =	stream.indirect.gather [hbm4b:s2+s4], $0x80, s19, s4, $0xb8;
	v63 =	vld [tilespmem:$0x0]  }
0x6a: {  	_ = 	snop  }
0x6b: {  	[tilespmem:s6], [sflag:$0x2] =	stream.indirect.gather [hbm4b:s2+s4], $0x80, s5, s4, $0xb8;
	v63 =	vld [tilespmem:$0x0]  }
0x6c: {  	_ = 	snop  }
0x6d: {  	[tilespmem:s9], [sflag:$0x3] =	stream.indirect.gather [hbm4b:s2+s4], $0x80, s8, s4, $0xb8;
	v63 =	vld [tilespmem:$0x0]  }
0x6e: {  	_ = 	snop  }
0x6f: {  	[tilespmem:s11], [sflag:$0x4] =	stream.indirect.gather [hbm4b:s2+s4], $0x80, s10, s4, $0xb8;
	v63 =	vld [tilespmem:$0x0]  }
0x70: {  	_ =	swait.ge [sflag:s12], $0x2000  }
0x71: {  	[sflag:s12] =	ssyncset.done $0x0  }
0x72: {  	s21 =	simm.s32 $0x2000;
	[sflag:s12] =	ssyncadd.s32 $0xFFFFE000  }
0x73: {  	[spmem:s3] =	stream.indirect.scatter.add.f32 [tilespmem:s29], [sflag:$0x6], $0x80, s21, s4, $0xb8;
	v63 =	vld [tilespmem:$0x0]  }
0x74: {  	_ =	swait.ge [sflag:s30], $0x2000  }
0x75: {  	[sflag:s30] =	ssyncset.done $0x0  }
0x76: {  	s20 =	simm.s32 $0x200;
	[sflag:s30] =	ssyncadd.s32 $0xFFFFE000  }
0x77: {  	[tilespmem:s29], [sflag:$0x1] =	stream.indirect.gather [hbm4b:s2+s4], $0x80, s20, s4, $0xb8;
	v63 =	vld [tilespmem:$0x0]  }
0x78: {  	_ =	swait.ge [sflag:s13], $0x2000  }
0x79: {  	[sflag:s13] =	ssyncset.done $0x0  }
0x7a: {  	s21 =	simm.s32 $0x2080;
	[sflag:s13] =	ssyncadd.s32 $0xFFFFE000  }
0x7b: {  	[spmem:s3] =	stream.indirect.scatter.add.f32 [tilespmem:s6], [sflag:$0x6], $0x80, s21, s4, $0xb8;
	v63 =	vld [tilespmem:$0x0]  }
0x7c: {  	_ =	swait.ge [sflag:s30], $0x2000  }
0x7d: {  	[sflag:s30] =	ssyncset.done $0x0  }
0x7e: {  	s20 =	simm.s32 $0x280;
	[sflag:s30] =	ssyncadd.s32 $0xFFFFE000  }
0x7f: {  	[tilespmem:s6], [sflag:$0x2] =	stream.indirect.gather [hbm4b:s2+s4], $0x80, s20, s4, $0xb8;
	v63 =	vld [tilespmem:$0x0]  }
0x80: {  	_ =	swait.ge [sflag:s14], $0x2000  }
0x81: {  	[sflag:s14] =	ssyncset.done $0x0  }
0x82: {  	s21 =	simm.s32 $0x2100;
	[sflag:s14] =	ssyncadd.s32 $0xFFFFE000  }
0x83: {  	[spmem:s3] =	stream.indirect.scatter.add.f32 [tilespmem:s9], [sflag:$0x6], $0x80, s21, s4, $0xb8;
	v63 =	vld [tilespmem:$0x0]  }
0x84: {  	_ =	swait.ge [sflag:s30], $0x2000  }
0x85: {  	[sflag:s30] =	ssyncset.done $0x0  }
0x86: {  	s20 =	simm.s32 $0x300;
	[sflag:s30] =	ssyncadd.s32 $0xFFFFE000  }
0x87: {  	[tilespmem:s9], [sflag:$0x3] =	stream.indirect.gather [hbm4b:s2+s4], $0x80, s20, s4, $0xb8;
	v63 =	vld [tilespmem:$0x0]  }
0x88: {  	_ =	swait.ge [sflag:s15], $0x2000  }
0x89: {  	[sflag:s15] =	ssyncset.done $0x0  }
0x8a: {  	s21 =	simm.s32 $0x2180;
	[sflag:s15] =	ssyncadd.s32 $0xFFFFE000  }
0x8b: {  	[spmem:s3] =	stream.indirect.scatter.add.f32 [tilespmem:s11], [sflag:$0x6], $0x80, s21, s4, $0xb8;
	v63 =	vld [tilespmem:$0x0]  }
0x8c: {  	_ =	swait.ge [sflag:s30], $0x2000  }
0x8d: {  	[sflag:s30] =	ssyncset.done $0x0  }
0x8e: {  	s19 =	simm.s32 $0x800;
	s20 =	simm.s32 $0x380;
	[sflag:s30] =	ssyncadd.s32 $0xFFFFE000  }
.LBB2_4:
0x8f: {  	[tilespmem:s11], [sflag:$0x4] =	stream.indirect.gather [hbm4b:s2+s4], $0x80, s20, s4, $0xb8;
	v63 =	vld [tilespmem:$0x0]  }
0x90: {  	s20 =	smov.u32 s19  }
0x91: {  	p0 =	sne.s32 s19, $0x3000;
	s19 =	sadd.s32 $0x800, s19;
	_ =	swait.ge [sflag:s12], $0x2000  }
0x92: {  	s20 =	sshra.s32 s20, $0x2;
	[sflag:s12] =	ssyncset.done $0x0  }
0x93: {  	s21 =	sadd.s32 $0x2000, s20;
	[sflag:s12] =	ssyncadd.s32 $0xFFFFE000  }
0x94: {  	[spmem:s3] =	stream.indirect.scatter.add.f32 [tilespmem:s29], [sflag:$0x6], $0x80, s21, s4, $0xb8;
	v63 =	vld [tilespmem:$0x0]  }
0x95: {  	_ =	swait.ge [sflag:s30], $0x2000  }
0x96: {  	[sflag:s30] =	ssyncset.done $0x0  }
0x97: {  	s21 =	sadd.s32 $0x200, s20;
	[sflag:s30] =	ssyncadd.s32 $0xFFFFE000  }
0x98: {  	[tilespmem:s29], [sflag:$0x1] =	stream.indirect.gather [hbm4b:s2+s4], $0x80, s21, s4, $0xb8;
	v63 =	vld [tilespmem:$0x0]  }
0x99: {  	_ =	swait.ge [sflag:s13], $0x2000  }
0x9a: {  	[sflag:s13] =	ssyncset.done $0x0  }
0x9b: {  	s21 =	sadd.s32 $0x2080, s20;
	[sflag:s13] =	ssyncadd.s32 $0xFFFFE000  }
0x9c: {  	[spmem:s3] =	stream.indirect.scatter.add.f32 [tilespmem:s6], [sflag:$0x6], $0x80, s21, s4, $0xb8;
	v63 =	vld [tilespmem:$0x0]  }
0x9d: {  	_ =	swait.ge [sflag:s30], $0x2000  }
0x9e: {  	[sflag:s30] =	ssyncset.done $0x0  }
0x9f: {  	s21 =	sadd.s32 $0x280, s20;
	[sflag:s30] =	ssyncadd.s32 $0xFFFFE000  }
0xa0: {  	[tilespmem:s6], [sflag:$0x2] =	stream.indirect.gather [hbm4b:s2+s4], $0x80, s21, s4, $0xb8;
	v63 =	vld [tilespmem:$0x0]  }
0xa1: {  	_ =	swait.ge [sflag:s14], $0x2000  }
0xa2: {  	[sflag:s14] =	ssyncset.done $0x0  }
0xa3: {  	s21 =	sadd.s32 $0x2100, s20;
	[sflag:s14] =	ssyncadd.s32 $0xFFFFE000  }
0xa4: {  	[spmem:s3] =	stream.indirect.scatter.add.f32 [tilespmem:s9], [sflag:$0x6], $0x80, s21, s4, $0xb8;
	v63 =	vld [tilespmem:$0x0]  }
0xa5: {  	_ =	swait.ge [sflag:s30], $0x2000  }
0xa6: {  	[sflag:s30] =	ssyncset.done $0x0  }
0xa7: {  	s21 =	sadd.s32 $0x300, s20;
	[sflag:s30] =	ssyncadd.s32 $0xFFFFE000  }
0xa8: {  	[tilespmem:s9], [sflag:$0x3] =	stream.indirect.gather [hbm4b:s2+s4], $0x80, s21, s4, $0xb8;
	v63 =	vld [tilespmem:$0x0]  }
0xa9: {  	_ =	swait.ge [sflag:s15], $0x2000  }
0xaa: {  	[sflag:s15] =	ssyncset.done $0x0  }
.Ltmp1:
0xab: {  	s21 =	sadd.s32 $0x2180, s20;
	[sflag:s15] =	ssyncadd.s32 $0xFFFFE000;
	(pc) =	sbr.rel @p0 .LBB2_4-.Ltmp1, $4  }
0xac: {  	[spmem:s3] =	stream.indirect.scatter.add.f32 [tilespmem:s11], [sflag:$0x6], $0x80, s21, s4, $0xb8;
	v63 =	vld [tilespmem:$0x0]  }
0xad: {  	_ =	swait.ge [sflag:s30], $0x2000  }
0xae: {  	[sflag:s30] =	ssyncset.done $0x0  }
0xaf: {  	s20 =	sadd.s32 $0x380, s20;
	[sflag:s30] =	ssyncadd.s32 $0xFFFFE000  }
0xb0: {  	[tilespmem:s11], [sflag:$0x4] =	stream.indirect.gather [hbm4b:s2+s4], $0x80, s20, s4, $0xb8;
	v63 =	vld [tilespmem:$0x0]  }
0xb1: {  	_ =	swait.ge [sflag:s12], $0x2000  }
0xb2: {  	[sflag:s12] =	ssyncset.done $0x0  }
0xb3: {  	[sflag:s12] =	ssyncadd.s32 $0xFFFFE000  }
0xb4: {  	[spmem:s3] =	stream.indirect.scatter.add.f32 [tilespmem:s29], [sflag:$0x6], $0x80, s16, s4, $0xb8;
	v63 =	vld [tilespmem:$0x0]  }
0xb5: {  	_ =	swait.ge [sflag:s30], $0x2000  }
0xb6: {  	[sflag:s30] =	ssyncset.done $0x0  }
0xb7: {  	[sflag:s30] =	ssyncadd.s32 $0xFFFFE000  }
0xb8: {  	_ =	swait.ge [sflag:s13], $0x2000  }
0xb9: {  	[sflag:s13] =	ssyncset.done $0x0  }
0xba: {  	[sflag:s13] =	ssyncadd.s32 $0xFFFFE000  }
0xbb: {  	[spmem:s3] =	stream.indirect.scatter.add.f32 [tilespmem:s6], [sflag:$0x6], $0x80, s17, s4, $0xb8;
	v63 =	vld [tilespmem:$0x0]  }
0xbc: {  	_ =	swait.ge [sflag:s30], $0x2000  }
0xbd: {  	[sflag:s30] =	ssyncset.done $0x0  }
0xbe: {  	[sflag:s30] =	ssyncadd.s32 $0xFFFFE000  }
0xbf: {  	_ =	swait.ge [sflag:s14], $0x2000  }
0xc0: {  	[sflag:s14] =	ssyncset.done $0x0  }
0xc1: {  	[sflag:s14] =	ssyncadd.s32 $0xFFFFE000  }
0xc2: {  	[spmem:s3] =	stream.indirect.scatter.add.f32 [tilespmem:s9], [sflag:$0x6], $0x80, s0, s4, $0xb8;
	v63 =	vld [tilespmem:$0x0]  }
0xc3: {  	_ =	swait.ge [sflag:s30], $0x2000  }
0xc4: {  	[sflag:s30] =	ssyncset.done $0x0  }
0xc5: {  	[sflag:s30] =	ssyncadd.s32 $0xFFFFE000  }
0xc6: {  	_ =	swait.ge [sflag:s15], $0x2000  }
0xc7: {  	[sflag:s15] =	ssyncset.done $0x0  }
0xc8: {  	[sflag:s15] =	ssyncadd.s32 $0xFFFFE000  }
0xc9: {  	[spmem:s3] =	stream.indirect.scatter.add.f32 [tilespmem:s11], [sflag:$0x6], $0x80, s18, s4, $0xb8;
	v63 =	vld [tilespmem:$0x0]  }
0xca: {  	_ =	swait.ge [sflag:s30], $0x2000  }
0xcb: {  	[sflag:s30] =	ssyncset.done $0x0  }
0xcc: {  	[sflag:s30] =	ssyncadd.s32 $0xFFFFE000  }
0xcd: {  	_ =	swait.ge [sflag:s31], $0x1000  }
0xce: {  	[sflag:s31] =	ssyncset.done $0x0  }
0xcf: {  	[sflag:s31] =	ssyncadd.s32 $0xFFFFF000  }
0xd0: {  	_ =	swait.ge [sflag:s31], $0x1000  }
0xd1: {  	[sflag:s31] =	ssyncset.done $0x0  }
0xd2: {  	s19 =	simm.s32 $0x0;
	s21 =	rddreg [dreg:$0x10];
	[sflag:s31] =	ssyncadd.s32 $0xFFFFF000  }
0xd3: {  	[tilespmem:s19], [sflag:$0x5] =	stream.linear.gather [hbm4b:s21+s19], $0x1000, $0x38;
	v63 =	vld [tilespmem:$0x0]  }
0xd4: {  	s21 =	rddreg [dreg:$0x11]  }
0xd5: {  	[tilespmem:s28], [sflag:$0x5] =	stream.linear.gather [hbm4b:s21+s19], $0x1000, $0x38;
	v63 =	vld [tilespmem:$0x0]  }
0xd6: {  	_ = 	snop  }
0xd7: {  	[tilespmem:s29], [sflag:$0x1] =	stream.indirect.gather [hbm4b:s2+s4], $0x80, s1, s4, $0xb8;
	v63 =	vld [tilespmem:$0x0]  }
0xd8: {  	s20 =	simm.s32 $0x1080  }
0xd9: {  	[tilespmem:s6], [sflag:$0x2] =	stream.indirect.gather [hbm4b:s2+s4], $0x80, s20, s4, $0xb8;
	v63 =	vld [tilespmem:$0x0]  }
0xda: {  	s21 =	simm.s32 $0x1100  }
0xdb: {  	[tilespmem:s9], [sflag:$0x3] =	stream.indirect.gather [hbm4b:s2+s4], $0x80, s21, s4, $0xb8;
	v63 =	vld [tilespmem:$0x0]  }
0xdc: {  	s20 =	simm.s32 $0x1180  }
0xdd: {  	[tilespmem:s11], [sflag:$0x4] =	stream.indirect.gather [hbm4b:s2+s4], $0x80, s20, s4, $0xb8;
	v63 =	vld [tilespmem:$0x0]  }
0xde: {  	_ =	swait.ge [sflag:s12], $0x2000  }
0xdf: {  	[sflag:s12] =	ssyncset.done $0x0  }
0xe0: {  	s21 =	simm.s32 $0x3000;
	[sflag:s12] =	ssyncadd.s32 $0xFFFFE000  }
0xe1: {  	[spmem:s3] =	stream.indirect.scatter.add.f32 [tilespmem:s29], [sflag:$0x6], $0x80, s21, s4, $0xb8;
	v63 =	vld [tilespmem:$0x0]  }
0xe2: {  	_ =	swait.ge [sflag:s30], $0x2000  }
0xe3: {  	[sflag:s30] =	ssyncset.done $0x0  }
0xe4: {  	s20 =	simm.s32 $0x1200;
	[sflag:s30] =	ssyncadd.s32 $0xFFFFE000  }
0xe5: {  	[tilespmem:s29], [sflag:$0x1] =	stream.indirect.gather [hbm4b:s2+s4], $0x80, s20, s4, $0xb8;
	v63 =	vld [tilespmem:$0x0]  }
0xe6: {  	_ =	swait.ge [sflag:s13], $0x2000  }
0xe7: {  	[sflag:s13] =	ssyncset.done $0x0  }
0xe8: {  	s21 =	simm.s32 $0x3080;
	[sflag:s13] =	ssyncadd.s32 $0xFFFFE000  }
0xe9: {  	[spmem:s3] =	stream.indirect.scatter.add.f32 [tilespmem:s6], [sflag:$0x6], $0x80, s21, s4, $0xb8;
	v63 =	vld [tilespmem:$0x0]  }
0xea: {  	_ =	swait.ge [sflag:s30], $0x2000  }
0xeb: {  	[sflag:s30] =	ssyncset.done $0x0  }
0xec: {  	s20 =	simm.s32 $0x1280;
	[sflag:s30] =	ssyncadd.s32 $0xFFFFE000  }
0xed: {  	[tilespmem:s6], [sflag:$0x2] =	stream.indirect.gather [hbm4b:s2+s4], $0x80, s20, s4, $0xb8;
	v63 =	vld [tilespmem:$0x0]  }
0xee: {  	_ =	swait.ge [sflag:s14], $0x2000  }
0xef: {  	[sflag:s14] =	ssyncset.done $0x0  }
0xf0: {  	s21 =	simm.s32 $0x3100;
	[sflag:s14] =	ssyncadd.s32 $0xFFFFE000  }
0xf1: {  	[spmem:s3] =	stream.indirect.scatter.add.f32 [tilespmem:s9], [sflag:$0x6], $0x80, s21, s4, $0xb8;
	v63 =	vld [tilespmem:$0x0]  }
0xf2: {  	_ =	swait.ge [sflag:s30], $0x2000  }
0xf3: {  	[sflag:s30] =	ssyncset.done $0x0  }
0xf4: {  	s20 =	simm.s32 $0x1300;
	[sflag:s30] =	ssyncadd.s32 $0xFFFFE000  }
0xf5: {  	[tilespmem:s9], [sflag:$0x3] =	stream.indirect.gather [hbm4b:s2+s4], $0x80, s20, s4, $0xb8;
	v63 =	vld [tilespmem:$0x0]  }
0xf6: {  	_ =	swait.ge [sflag:s15], $0x2000  }
0xf7: {  	[sflag:s15] =	ssyncset.done $0x0  }
0xf8: {  	s21 =	simm.s32 $0x3180;
	[sflag:s15] =	ssyncadd.s32 $0xFFFFE000  }
0xf9: {  	[spmem:s3] =	stream.indirect.scatter.add.f32 [tilespmem:s11], [sflag:$0x6], $0x80, s21, s4, $0xb8;
	v63 =	vld [tilespmem:$0x0]  }
0xfa: {  	_ =	swait.ge [sflag:s30], $0x2000  }
0xfb: {  	[sflag:s30] =	ssyncset.done $0x0  }
0xfc: {  	s19 =	simm.s32 $0x800;
	s20 =	simm.s32 $0x1380;
	[sflag:s30] =	ssyncadd.s32 $0xFFFFE000  }
.LBB2_6:
0xfd: {  	[tilespmem:s11], [sflag:$0x4] =	stream.indirect.gather [hbm4b:s2+s4], $0x80, s20, s4, $0xb8;
	v63 =	vld [tilespmem:$0x0]  }
0xfe: {  	s20 =	smov.u32 s19  }
0xff: {  	p0 =	sne.s32 s19, $0x3000;
	s19 =	sadd.s32 $0x800, s19;
	_ =	swait.ge [sflag:s12], $0x2000  }
0x100: {  	s20 =	sshra.s32 s20, $0x2;
	[sflag:s12] =	ssyncset.done $0x0  }
0x101: {  	s21 =	sadd.s32 $0x3000, s20;
	[sflag:s12] =	ssyncadd.s32 $0xFFFFE000  }
0x102: {  	[spmem:s3] =	stream.indirect.scatter.add.f32 [tilespmem:s29], [sflag:$0x6], $0x80, s21, s4, $0xb8;
	v63 =	vld [tilespmem:$0x0]  }
0x103: {  	_ =	swait.ge [sflag:s30], $0x2000  }
0x104: {  	[sflag:s30] =	ssyncset.done $0x0  }
0x105: {  	s21 =	sadd.s32 $0x1200, s20;
	[sflag:s30] =	ssyncadd.s32 $0xFFFFE000  }
0x106: {  	[tilespmem:s29], [sflag:$0x1] =	stream.indirect.gather [hbm4b:s2+s4], $0x80, s21, s4, $0xb8;
	v63 =	vld [tilespmem:$0x0]  }
0x107: {  	_ =	swait.ge [sflag:s13], $0x2000  }
0x108: {  	[sflag:s13] =	ssyncset.done $0x0  }
0x109: {  	s21 =	sadd.s32 $0x3080, s20;
	[sflag:s13] =	ssyncadd.s32 $0xFFFFE000  }
0x10a: {  	[spmem:s3] =	stream.indirect.scatter.add.f32 [tilespmem:s6], [sflag:$0x6], $0x80, s21, s4, $0xb8;
	v63 =	vld [tilespmem:$0x0]  }
0x10b: {  	_ =	swait.ge [sflag:s30], $0x2000  }
0x10c: {  	[sflag:s30] =	ssyncset.done $0x0  }
0x10d: {  	s21 =	sadd.s32 $0x1280, s20;
	[sflag:s30] =	ssyncadd.s32 $0xFFFFE000  }
0x10e: {  	[tilespmem:s6], [sflag:$0x2] =	stream.indirect.gather [hbm4b:s2+s4], $0x80, s21, s4, $0xb8;
	v63 =	vld [tilespmem:$0x0]  }
0x10f: {  	_ =	swait.ge [sflag:s14], $0x2000  }
0x110: {  	[sflag:s14] =	ssyncset.done $0x0  }
0x111: {  	s21 =	sadd.s32 $0x3100, s20;
	[sflag:s14] =	ssyncadd.s32 $0xFFFFE000  }
0x112: {  	[spmem:s3] =	stream.indirect.scatter.add.f32 [tilespmem:s9], [sflag:$0x6], $0x80, s21, s4, $0xb8;
	v63 =	vld [tilespmem:$0x0]  }
0x113: {  	_ =	swait.ge [sflag:s30], $0x2000  }
0x114: {  	[sflag:s30] =	ssyncset.done $0x0  }
0x115: {  	s21 =	sadd.s32 $0x1300, s20;
	[sflag:s30] =	ssyncadd.s32 $0xFFFFE000  }
0x116: {  	[tilespmem:s9], [sflag:$0x3] =	stream.indirect.gather [hbm4b:s2+s4], $0x80, s21, s4, $0xb8;
	v63 =	vld [tilespmem:$0x0]  }
0x117: {  	_ =	swait.ge [sflag:s15], $0x2000  }
0x118: {  	[sflag:s15] =	ssyncset.done $0x0  }
.Ltmp2:
0x119: {  	s21 =	sadd.s32 $0x3180, s20;
	[sflag:s15] =	ssyncadd.s32 $0xFFFFE000;
	(pc) =	sbr.rel @p0 .LBB2_6-.Ltmp2, $4  }
0x11a: {  	[spmem:s3] =	stream.indirect.scatter.add.f32 [tilespmem:s11], [sflag:$0x6], $0x80, s21, s4, $0xb8;
	v63 =	vld [tilespmem:$0x0]  }
0x11b: {  	_ =	swait.ge [sflag:s30], $0x2000  }
0x11c: {  	[sflag:s30] =	ssyncset.done $0x0  }
0x11d: {  	s20 =	sadd.s32 $0x1380, s20;
	[sflag:s30] =	ssyncadd.s32 $0xFFFFE000  }
0x11e: {  	[tilespmem:s11], [sflag:$0x4] =	stream.indirect.gather [hbm4b:s2+s4], $0x80, s20, s4, $0xb8;
	v63 =	vld [tilespmem:$0x0]  }
0x11f: {  	_ =	swait.ge [sflag:s12], $0x2000  }
0x120: {  	[sflag:s12] =	ssyncset.done $0x0  }
0x121: {  	[sflag:s12] =	ssyncadd.s32 $0xFFFFE000  }
0x122: {  	[spmem:s3] =	stream.indirect.scatter.add.f32 [tilespmem:s29], [sflag:$0x6], $0x80, s22, s4, $0xb8;
	v63 =	vld [tilespmem:$0x0]  }
0x123: {  	_ =	swait.ge [sflag:s30], $0x2000  }
0x124: {  	[sflag:s30] =	ssyncset.done $0x0  }
0x125: {  	[sflag:s30] =	ssyncadd.s32 $0xFFFFE000  }
0x126: {  	_ =	swait.ge [sflag:s13], $0x2000  }
0x127: {  	[sflag:s13] =	ssyncset.done $0x0  }
0x128: {  	[sflag:s13] =	ssyncadd.s32 $0xFFFFE000  }
0x129: {  	[spmem:s3] =	stream.indirect.scatter.add.f32 [tilespmem:s6], [sflag:$0x6], $0x80, s23, s4, $0xb8;
	v63 =	vld [tilespmem:$0x0]  }
0x12a: {  	_ =	swait.ge [sflag:s30], $0x2000  }
0x12b: {  	[sflag:s30] =	ssyncset.done $0x0  }
0x12c: {  	[sflag:s30] =	ssyncadd.s32 $0xFFFFE000  }
0x12d: {  	_ =	swait.ge [sflag:s14], $0x2000  }
0x12e: {  	[sflag:s14] =	ssyncset.done $0x0  }
0x12f: {  	[sflag:s14] =	ssyncadd.s32 $0xFFFFE000  }
0x130: {  	[spmem:s3] =	stream.indirect.scatter.add.f32 [tilespmem:s9], [sflag:$0x6], $0x80, s24, s4, $0xb8;
	v63 =	vld [tilespmem:$0x0]  }
0x131: {  	_ =	swait.ge [sflag:s30], $0x2000  }
0x132: {  	[sflag:s30] =	ssyncset.done $0x0  }
0x133: {  	[sflag:s30] =	ssyncadd.s32 $0xFFFFE000  }
0x134: {  	_ =	swait.ge [sflag:s15], $0x2000  }
0x135: {  	[sflag:s15] =	ssyncset.done $0x0  }
0x136: {  	[sflag:s15] =	ssyncadd.s32 $0xFFFFE000  }
0x137: {  	[spmem:s3] =	stream.indirect.scatter.add.f32 [tilespmem:s11], [sflag:$0x6], $0x80, s25, s4, $0xb8;
	v63 =	vld [tilespmem:$0x0]  }
0x138: {  	_ =	swait.ge [sflag:s30], $0x2000  }
0x139: {  	[sflag:s30] =	ssyncset.done $0x0  }
0x13a: {  	[sflag:s30] =	ssyncadd.s32 $0xFFFFE000  }
0x13b: {  	_ =	swait.ge [sflag:s31], $0x1000  }
0x13c: {  	[sflag:s31] =	ssyncset.done $0x0  }
0x13d: {  	[sflag:s31] =	ssyncadd.s32 $0xFFFFF000  }
0x13e: {  	_ =	swait.ge [sflag:s31], $0x1000  }
0x13f: {  	[sflag:s31] =	ssyncset.done $0x0  }
0x140: {  	s19 =	simm.s32 $0x0;
	s21 =	rddreg [dreg:$0x12];
	[sflag:s31] =	ssyncadd.s32 $0xFFFFF000  }
0x141: {  	[tilespmem:s1], [sflag:$0x5] =	stream.linear.gather [hbm4b:s21+s19], $0x1000, $0x38;
	v63 =	vld [tilespmem:$0x0]  }
0x142: {  	s20 =	rddreg [dreg:$0x13];
	s21 =	simm.s32 $0x3000  }
0x143: {  	[tilespmem:s21], [sflag:$0x5] =	stream.linear.gather [hbm4b:s20+s19], $0x1000, $0x38;
	v63 =	vld [tilespmem:$0x0]  }
0x144: {  	_ = 	snop  }
0x145: {  	[tilespmem:s29], [sflag:$0x1] =	stream.indirect.gather [hbm4b:s2+s4], $0x80, s19, s4, $0xb8;
	v63 =	vld [tilespmem:$0x0]  }
0x146: {  	_ = 	snop  }
0x147: {  	[tilespmem:s6], [sflag:$0x2] =	stream.indirect.gather [hbm4b:s2+s4], $0x80, s5, s4, $0xb8;
	v63 =	vld [tilespmem:$0x0]  }
0x148: {  	_ = 	snop  }
0x149: {  	[tilespmem:s9], [sflag:$0x3] =	stream.indirect.gather [hbm4b:s2+s4], $0x80, s8, s4, $0xb8;
	v63 =	vld [tilespmem:$0x0]  }
0x14a: {  	_ = 	snop  }
0x14b: {  	[tilespmem:s11], [sflag:$0x4] =	stream.indirect.gather [hbm4b:s2+s4], $0x80, s10, s4, $0xb8;
	v63 =	vld [tilespmem:$0x0]  }
0x14c: {  	_ =	swait.ge [sflag:s12], $0x2000  }
0x14d: {  	[sflag:s12] =	ssyncset.done $0x0  }
0x14e: {  	s21 =	simm.s32 $0x2000;
	[sflag:s12] =	ssyncadd.s32 $0xFFFFE000  }
0x14f: {  	[spmem:s3] =	stream.indirect.scatter.add.f32 [tilespmem:s29], [sflag:$0x6], $0x80, s21, s4, $0xb8;
	v63 =	vld [tilespmem:$0x0]  }
0x150: {  	_ =	swait.ge [sflag:s30], $0x2000  }
0x151: {  	[sflag:s30] =	ssyncset.done $0x0  }
0x152: {  	s20 =	simm.s32 $0x200;
	[sflag:s30] =	ssyncadd.s32 $0xFFFFE000  }
0x153: {  	[tilespmem:s29], [sflag:$0x1] =	stream.indirect.gather [hbm4b:s2+s4], $0x80, s20, s4, $0xb8;
	v63 =	vld [tilespmem:$0x0]  }
0x154: {  	_ =	swait.ge [sflag:s13], $0x2000  }
0x155: {  	[sflag:s13] =	ssyncset.done $0x0  }
0x156: {  	s21 =	simm.s32 $0x2080;
	[sflag:s13] =	ssyncadd.s32 $0xFFFFE000  }
0x157: {  	[spmem:s3] =	stream.indirect.scatter.add.f32 [tilespmem:s6], [sflag:$0x6], $0x80, s21, s4, $0xb8;
	v63 =	vld [tilespmem:$0x0]  }
0x158: {  	_ =	swait.ge [sflag:s30], $0x2000  }
0x159: {  	[sflag:s30] =	ssyncset.done $0x0  }
0x15a: {  	s20 =	simm.s32 $0x280;
	[sflag:s30] =	ssyncadd.s32 $0xFFFFE000  }
0x15b: {  	[tilespmem:s6], [sflag:$0x2] =	stream.indirect.gather [hbm4b:s2+s4], $0x80, s20, s4, $0xb8;
	v63 =	vld [tilespmem:$0x0]  }
0x15c: {  	_ =	swait.ge [sflag:s14], $0x2000  }
0x15d: {  	[sflag:s14] =	ssyncset.done $0x0  }
0x15e: {  	s21 =	simm.s32 $0x2100;
	[sflag:s14] =	ssyncadd.s32 $0xFFFFE000  }
0x15f: {  	[spmem:s3] =	stream.indirect.scatter.add.f32 [tilespmem:s9], [sflag:$0x6], $0x80, s21, s4, $0xb8;
	v63 =	vld [tilespmem:$0x0]  }
0x160: {  	_ =	swait.ge [sflag:s30], $0x2000  }
0x161: {  	[sflag:s30] =	ssyncset.done $0x0  }
0x162: {  	s20 =	simm.s32 $0x300;
	[sflag:s30] =	ssyncadd.s32 $0xFFFFE000  }
0x163: {  	[tilespmem:s9], [sflag:$0x3] =	stream.indirect.gather [hbm4b:s2+s4], $0x80, s20, s4, $0xb8;
	v63 =	vld [tilespmem:$0x0]  }
0x164: {  	_ =	swait.ge [sflag:s15], $0x2000  }
0x165: {  	[sflag:s15] =	ssyncset.done $0x0  }
0x166: {  	s21 =	simm.s32 $0x2180;
	[sflag:s15] =	ssyncadd.s32 $0xFFFFE000  }
0x167: {  	[spmem:s3] =	stream.indirect.scatter.add.f32 [tilespmem:s11], [sflag:$0x6], $0x80, s21, s4, $0xb8;
	v63 =	vld [tilespmem:$0x0]  }
0x168: {  	_ =	swait.ge [sflag:s30], $0x2000  }
0x169: {  	[sflag:s30] =	ssyncset.done $0x0  }
0x16a: {  	s19 =	simm.s32 $0x800;
	s20 =	simm.s32 $0x380;
	[sflag:s30] =	ssyncadd.s32 $0xFFFFE000  }
.LBB2_8:
0x16b: {  	[tilespmem:s11], [sflag:$0x4] =	stream.indirect.gather [hbm4b:s2+s4], $0x80, s20, s4, $0xb8;
	v63 =	vld [tilespmem:$0x0]  }
0x16c: {  	s20 =	smov.u32 s19  }
0x16d: {  	p0 =	sne.s32 s19, $0x3000;
	s19 =	sadd.s32 $0x800, s19;
	_ =	swait.ge [sflag:s12], $0x2000  }
0x16e: {  	s20 =	sshra.s32 s20, $0x2;
	[sflag:s12] =	ssyncset.done $0x0  }
0x16f: {  	s21 =	sadd.s32 $0x2000, s20;
	[sflag:s12] =	ssyncadd.s32 $0xFFFFE000  }
0x170: {  	[spmem:s3] =	stream.indirect.scatter.add.f32 [tilespmem:s29], [sflag:$0x6], $0x80, s21, s4, $0xb8;
	v63 =	vld [tilespmem:$0x0]  }
0x171: {  	_ =	swait.ge [sflag:s30], $0x2000  }
0x172: {  	[sflag:s30] =	ssyncset.done $0x0  }
0x173: {  	s21 =	sadd.s32 $0x200, s20;
	[sflag:s30] =	ssyncadd.s32 $0xFFFFE000  }
0x174: {  	[tilespmem:s29], [sflag:$0x1] =	stream.indirect.gather [hbm4b:s2+s4], $0x80, s21, s4, $0xb8;
	v63 =	vld [tilespmem:$0x0]  }
0x175: {  	_ =	swait.ge [sflag:s13], $0x2000  }
0x176: {  	[sflag:s13] =	ssyncset.done $0x0  }
0x177: {  	s21 =	sadd.s32 $0x2080, s20;
	[sflag:s13] =	ssyncadd.s32 $0xFFFFE000  }
0x178: {  	[spmem:s3] =	stream.indirect.scatter.add.f32 [tilespmem:s6], [sflag:$0x6], $0x80, s21, s4, $0xb8;
	v63 =	vld [tilespmem:$0x0]  }
0x179: {  	_ =	swait.ge [sflag:s30], $0x2000  }
0x17a: {  	[sflag:s30] =	ssyncset.done $0x0  }
0x17b: {  	s21 =	sadd.s32 $0x280, s20;
	[sflag:s30] =	ssyncadd.s32 $0xFFFFE000  }
0x17c: {  	[tilespmem:s6], [sflag:$0x2] =	stream.indirect.gather [hbm4b:s2+s4], $0x80, s21, s4, $0xb8;
	v63 =	vld [tilespmem:$0x0]  }
0x17d: {  	_ =	swait.ge [sflag:s14], $0x2000  }
0x17e: {  	[sflag:s14] =	ssyncset.done $0x0  }
0x17f: {  	s21 =	sadd.s32 $0x2100, s20;
	[sflag:s14] =	ssyncadd.s32 $0xFFFFE000  }
0x180: {  	[spmem:s3] =	stream.indirect.scatter.add.f32 [tilespmem:s9], [sflag:$0x6], $0x80, s21, s4, $0xb8;
	v63 =	vld [tilespmem:$0x0]  }
0x181: {  	_ =	swait.ge [sflag:s30], $0x2000  }
0x182: {  	[sflag:s30] =	ssyncset.done $0x0  }
0x183: {  	s21 =	sadd.s32 $0x300, s20;
	[sflag:s30] =	ssyncadd.s32 $0xFFFFE000  }
0x184: {  	[tilespmem:s9], [sflag:$0x3] =	stream.indirect.gather [hbm4b:s2+s4], $0x80, s21, s4, $0xb8;
	v63 =	vld [tilespmem:$0x0]  }
0x185: {  	_ =	swait.ge [sflag:s15], $0x2000  }
0x186: {  	[sflag:s15] =	ssyncset.done $0x0  }
.Ltmp3:
0x187: {  	s21 =	sadd.s32 $0x2180, s20;
	[sflag:s15] =	ssyncadd.s32 $0xFFFFE000;
	(pc) =	sbr.rel @p0 .LBB2_8-.Ltmp3, $4  }
0x188: {  	[spmem:s3] =	stream.indirect.scatter.add.f32 [tilespmem:s11], [sflag:$0x6], $0x80, s21, s4, $0xb8;
	v63 =	vld [tilespmem:$0x0]  }
0x189: {  	_ =	swait.ge [sflag:s30], $0x2000  }
0x18a: {  	[sflag:s30] =	ssyncset.done $0x0  }
0x18b: {  	s20 =	sadd.s32 $0x380, s20;
	[sflag:s30] =	ssyncadd.s32 $0xFFFFE000  }
0x18c: {  	[tilespmem:s11], [sflag:$0x4] =	stream.indirect.gather [hbm4b:s2+s4], $0x80, s20, s4, $0xb8;
	v63 =	vld [tilespmem:$0x0]  }
0x18d: {  	_ =	swait.ge [sflag:s12], $0x2000  }
0x18e: {  	[sflag:s12] =	ssyncset.done $0x0  }
0x18f: {  	[sflag:s12] =	ssyncadd.s32 $0xFFFFE000  }
0x190: {  	[spmem:s3] =	stream.indirect.scatter.add.f32 [tilespmem:s29], [sflag:$0x6], $0x80, s16, s4, $0xb8;
	v63 =	vld [tilespmem:$0x0]  }
0x191: {  	_ =	swait.ge [sflag:s30], $0x2000  }
0x192: {  	[sflag:s30] =	ssyncset.done $0x0  }
0x193: {  	[sflag:s30] =	ssyncadd.s32 $0xFFFFE000  }
0x194: {  	_ =	swait.ge [sflag:s13], $0x2000  }
0x195: {  	[sflag:s13] =	ssyncset.done $0x0  }
0x196: {  	[sflag:s13] =	ssyncadd.s32 $0xFFFFE000  }
0x197: {  	[spmem:s3] =	stream.indirect.scatter.add.f32 [tilespmem:s6], [sflag:$0x6], $0x80, s17, s4, $0xb8;
	v63 =	vld [tilespmem:$0x0]  }
0x198: {  	_ =	swait.ge [sflag:s30], $0x2000  }
0x199: {  	[sflag:s30] =	ssyncset.done $0x0  }
0x19a: {  	[sflag:s30] =	ssyncadd.s32 $0xFFFFE000  }
0x19b: {  	_ =	swait.ge [sflag:s14], $0x2000  }
0x19c: {  	[sflag:s14] =	ssyncset.done $0x0  }
0x19d: {  	[sflag:s14] =	ssyncadd.s32 $0xFFFFE000  }
0x19e: {  	[spmem:s3] =	stream.indirect.scatter.add.f32 [tilespmem:s9], [sflag:$0x6], $0x80, s0, s4, $0xb8;
	v63 =	vld [tilespmem:$0x0]  }
0x19f: {  	_ =	swait.ge [sflag:s30], $0x2000  }
0x1a0: {  	[sflag:s30] =	ssyncset.done $0x0  }
0x1a1: {  	[sflag:s30] =	ssyncadd.s32 $0xFFFFE000  }
0x1a2: {  	_ =	swait.ge [sflag:s15], $0x2000  }
0x1a3: {  	[sflag:s15] =	ssyncset.done $0x0  }
0x1a4: {  	[sflag:s15] =	ssyncadd.s32 $0xFFFFE000  }
0x1a5: {  	[spmem:s3] =	stream.indirect.scatter.add.f32 [tilespmem:s11], [sflag:$0x6], $0x80, s18, s4, $0xb8;
	v63 =	vld [tilespmem:$0x0]  }
0x1a6: {  	_ =	swait.ge [sflag:s30], $0x2000  }
0x1a7: {  	[sflag:s30] =	ssyncset.done $0x0  }
0x1a8: {  	[sflag:s30] =	ssyncadd.s32 $0xFFFFE000  }
0x1a9: {  	_ =	swait.ge [sflag:s31], $0x1000  }
0x1aa: {  	[sflag:s31] =	ssyncset.done $0x0  }
0x1ab: {  	[sflag:s31] =	ssyncadd.s32 $0xFFFFF000  }
0x1ac: {  	_ =	swait.ge [sflag:s31], $0x1000  }
0x1ad: {  	[sflag:s31] =	ssyncset.done $0x0  }
0x1ae: {  	s19 =	simm.s32 $0x0;
	s21 =	rddreg [dreg:$0x14];
	[sflag:s31] =	ssyncadd.s32 $0xFFFFF000  }
0x1af: {  	[tilespmem:s19], [sflag:$0x5] =	stream.linear.gather [hbm4b:s21+s19], $0x1000, $0x38;
	v63 =	vld [tilespmem:$0x0]  }
0x1b0: {  	s21 =	rddreg [dreg:$0x15]  }
0x1b1: {  	[tilespmem:s28], [sflag:$0x5] =	stream.linear.gather [hbm4b:s21+s19], $0x1000, $0x38;
	v63 =	vld [tilespmem:$0x0]  }
0x1b2: {  	_ = 	snop  }
0x1b3: {  	[tilespmem:s29], [sflag:$0x1] =	stream.indirect.gather [hbm4b:s2+s4], $0x80, s1, s4, $0xb8;
	v63 =	vld [tilespmem:$0x0]  }
0x1b4: {  	s20 =	simm.s32 $0x1080  }
0x1b5: {  	[tilespmem:s6], [sflag:$0x2] =	stream.indirect.gather [hbm4b:s2+s4], $0x80, s20, s4, $0xb8;
	v63 =	vld [tilespmem:$0x0]  }
0x1b6: {  	s21 =	simm.s32 $0x1100  }
0x1b7: {  	[tilespmem:s9], [sflag:$0x3] =	stream.indirect.gather [hbm4b:s2+s4], $0x80, s21, s4, $0xb8;
	v63 =	vld [tilespmem:$0x0]  }
0x1b8: {  	s20 =	simm.s32 $0x1180  }
0x1b9: {  	[tilespmem:s11], [sflag:$0x4] =	stream.indirect.gather [hbm4b:s2+s4], $0x80, s20, s4, $0xb8;
	v63 =	vld [tilespmem:$0x0]  }
0x1ba: {  	_ =	swait.ge [sflag:s12], $0x2000  }
0x1bb: {  	[sflag:s12] =	ssyncset.done $0x0  }
0x1bc: {  	s21 =	simm.s32 $0x3000;
	[sflag:s12] =	ssyncadd.s32 $0xFFFFE000  }
0x1bd: {  	[spmem:s3] =	stream.indirect.scatter.add.f32 [tilespmem:s29], [sflag:$0x6], $0x80, s21, s4, $0xb8;
	v63 =	vld [tilespmem:$0x0]  }
0x1be: {  	_ =	swait.ge [sflag:s30], $0x2000  }
0x1bf: {  	[sflag:s30] =	ssyncset.done $0x0  }
0x1c0: {  	s20 =	simm.s32 $0x1200;
	[sflag:s30] =	ssyncadd.s32 $0xFFFFE000  }
0x1c1: {  	[tilespmem:s29], [sflag:$0x1] =	stream.indirect.gather [hbm4b:s2+s4], $0x80, s20, s4, $0xb8;
	v63 =	vld [tilespmem:$0x0]  }
0x1c2: {  	_ =	swait.ge [sflag:s13], $0x2000  }
0x1c3: {  	[sflag:s13] =	ssyncset.done $0x0  }
0x1c4: {  	s21 =	simm.s32 $0x3080;
	[sflag:s13] =	ssyncadd.s32 $0xFFFFE000  }
0x1c5: {  	[spmem:s3] =	stream.indirect.scatter.add.f32 [tilespmem:s6], [sflag:$0x6], $0x80, s21, s4, $0xb8;
	v63 =	vld [tilespmem:$0x0]  }
0x1c6: {  	_ =	swait.ge [sflag:s30], $0x2000  }
0x1c7: {  	[sflag:s30] =	ssyncset.done $0x0  }
0x1c8: {  	s20 =	simm.s32 $0x1280;
	[sflag:s30] =	ssyncadd.s32 $0xFFFFE000  }
0x1c9: {  	[tilespmem:s6], [sflag:$0x2] =	stream.indirect.gather [hbm4b:s2+s4], $0x80, s20, s4, $0xb8;
	v63 =	vld [tilespmem:$0x0]  }
0x1ca: {  	_ =	swait.ge [sflag:s14], $0x2000  }
0x1cb: {  	[sflag:s14] =	ssyncset.done $0x0  }
0x1cc: {  	s21 =	simm.s32 $0x3100;
	[sflag:s14] =	ssyncadd.s32 $0xFFFFE000  }
0x1cd: {  	[spmem:s3] =	stream.indirect.scatter.add.f32 [tilespmem:s9], [sflag:$0x6], $0x80, s21, s4, $0xb8;
	v63 =	vld [tilespmem:$0x0]  }
0x1ce: {  	_ =	swait.ge [sflag:s30], $0x2000  }
0x1cf: {  	[sflag:s30] =	ssyncset.done $0x0  }
0x1d0: {  	s20 =	simm.s32 $0x1300;
	[sflag:s30] =	ssyncadd.s32 $0xFFFFE000  }
0x1d1: {  	[tilespmem:s9], [sflag:$0x3] =	stream.indirect.gather [hbm4b:s2+s4], $0x80, s20, s4, $0xb8;
	v63 =	vld [tilespmem:$0x0]  }
0x1d2: {  	_ =	swait.ge [sflag:s15], $0x2000  }
0x1d3: {  	[sflag:s15] =	ssyncset.done $0x0  }
0x1d4: {  	s21 =	simm.s32 $0x3180;
	[sflag:s15] =	ssyncadd.s32 $0xFFFFE000  }
0x1d5: {  	[spmem:s3] =	stream.indirect.scatter.add.f32 [tilespmem:s11], [sflag:$0x6], $0x80, s21, s4, $0xb8;
	v63 =	vld [tilespmem:$0x0]  }
0x1d6: {  	_ =	swait.ge [sflag:s30], $0x2000  }
0x1d7: {  	[sflag:s30] =	ssyncset.done $0x0  }
0x1d8: {  	s19 =	simm.s32 $0x800;
	s20 =	simm.s32 $0x1380;
	[sflag:s30] =	ssyncadd.s32 $0xFFFFE000  }
.LBB2_10:
0x1d9: {  	[tilespmem:s11], [sflag:$0x4] =	stream.indirect.gather [hbm4b:s2+s4], $0x80, s20, s4, $0xb8;
	v63 =	vld [tilespmem:$0x0]  }
0x1da: {  	s20 =	smov.u32 s19  }
0x1db: {  	p0 =	sne.s32 s19, $0x3000;
	s19 =	sadd.s32 $0x800, s19;
	_ =	swait.ge [sflag:s12], $0x2000  }
0x1dc: {  	s20 =	sshra.s32 s20, $0x2;
	[sflag:s12] =	ssyncset.done $0x0  }
0x1dd: {  	s21 =	sadd.s32 $0x3000, s20;
	[sflag:s12] =	ssyncadd.s32 $0xFFFFE000  }
0x1de: {  	[spmem:s3] =	stream.indirect.scatter.add.f32 [tilespmem:s29], [sflag:$0x6], $0x80, s21, s4, $0xb8;
	v63 =	vld [tilespmem:$0x0]  }
0x1df: {  	_ =	swait.ge [sflag:s30], $0x2000  }
0x1e0: {  	[sflag:s30] =	ssyncset.done $0x0  }
0x1e1: {  	s21 =	sadd.s32 $0x1200, s20;
	[sflag:s30] =	ssyncadd.s32 $0xFFFFE000  }
0x1e2: {  	[tilespmem:s29], [sflag:$0x1] =	stream.indirect.gather [hbm4b:s2+s4], $0x80, s21, s4, $0xb8;
	v63 =	vld [tilespmem:$0x0]  }
0x1e3: {  	_ =	swait.ge [sflag:s13], $0x2000  }
0x1e4: {  	[sflag:s13] =	ssyncset.done $0x0  }
0x1e5: {  	s21 =	sadd.s32 $0x3080, s20;
	[sflag:s13] =	ssyncadd.s32 $0xFFFFE000  }
0x1e6: {  	[spmem:s3] =	stream.indirect.scatter.add.f32 [tilespmem:s6], [sflag:$0x6], $0x80, s21, s4, $0xb8;
	v63 =	vld [tilespmem:$0x0]  }
0x1e7: {  	_ =	swait.ge [sflag:s30], $0x2000  }
0x1e8: {  	[sflag:s30] =	ssyncset.done $0x0  }
0x1e9: {  	s21 =	sadd.s32 $0x1280, s20;
	[sflag:s30] =	ssyncadd.s32 $0xFFFFE000  }
0x1ea: {  	[tilespmem:s6], [sflag:$0x2] =	stream.indirect.gather [hbm4b:s2+s4], $0x80, s21, s4, $0xb8;
	v63 =	vld [tilespmem:$0x0]  }
0x1eb: {  	_ =	swait.ge [sflag:s14], $0x2000  }
0x1ec: {  	[sflag:s14] =	ssyncset.done $0x0  }
0x1ed: {  	s21 =	sadd.s32 $0x3100, s20;
	[sflag:s14] =	ssyncadd.s32 $0xFFFFE000  }
0x1ee: {  	[spmem:s3] =	stream.indirect.scatter.add.f32 [tilespmem:s9], [sflag:$0x6], $0x80, s21, s4, $0xb8;
	v63 =	vld [tilespmem:$0x0]  }
0x1ef: {  	_ =	swait.ge [sflag:s30], $0x2000  }
0x1f0: {  	[sflag:s30] =	ssyncset.done $0x0  }
0x1f1: {  	s21 =	sadd.s32 $0x1300, s20;
	[sflag:s30] =	ssyncadd.s32 $0xFFFFE000  }
0x1f2: {  	[tilespmem:s9], [sflag:$0x3] =	stream.indirect.gather [hbm4b:s2+s4], $0x80, s21, s4, $0xb8;
	v63 =	vld [tilespmem:$0x0]  }
0x1f3: {  	_ =	swait.ge [sflag:s15], $0x2000  }
0x1f4: {  	[sflag:s15] =	ssyncset.done $0x0  }
.Ltmp4:
0x1f5: {  	s21 =	sadd.s32 $0x3180, s20;
	[sflag:s15] =	ssyncadd.s32 $0xFFFFE000;
	(pc) =	sbr.rel @p0 .LBB2_10-.Ltmp4, $4  }
0x1f6: {  	[spmem:s3] =	stream.indirect.scatter.add.f32 [tilespmem:s11], [sflag:$0x6], $0x80, s21, s4, $0xb8;
	v63 =	vld [tilespmem:$0x0]  }
0x1f7: {  	_ =	swait.ge [sflag:s30], $0x2000  }
0x1f8: {  	[sflag:s30] =	ssyncset.done $0x0  }
0x1f9: {  	s20 =	sadd.s32 $0x1380, s20;
	[sflag:s30] =	ssyncadd.s32 $0xFFFFE000  }
0x1fa: {  	[tilespmem:s11], [sflag:$0x4] =	stream.indirect.gather [hbm4b:s2+s4], $0x80, s20, s4, $0xb8;
	v63 =	vld [tilespmem:$0x0]  }
0x1fb: {  	_ =	swait.ge [sflag:s12], $0x2000  }
0x1fc: {  	[sflag:s12] =	ssyncset.done $0x0  }
0x1fd: {  	[sflag:s12] =	ssyncadd.s32 $0xFFFFE000  }
0x1fe: {  	[spmem:s3] =	stream.indirect.scatter.add.f32 [tilespmem:s29], [sflag:$0x6], $0x80, s22, s4, $0xb8;
	v63 =	vld [tilespmem:$0x0]  }
0x1ff: {  	_ =	swait.ge [sflag:s30], $0x2000  }
0x200: {  	[sflag:s30] =	ssyncset.done $0x0  }
0x201: {  	[sflag:s30] =	ssyncadd.s32 $0xFFFFE000  }
0x202: {  	_ =	swait.ge [sflag:s13], $0x2000  }
0x203: {  	[sflag:s13] =	ssyncset.done $0x0  }
0x204: {  	[sflag:s13] =	ssyncadd.s32 $0xFFFFE000  }
0x205: {  	[spmem:s3] =	stream.indirect.scatter.add.f32 [tilespmem:s6], [sflag:$0x6], $0x80, s23, s4, $0xb8;
	v63 =	vld [tilespmem:$0x0]  }
0x206: {  	_ =	swait.ge [sflag:s30], $0x2000  }
0x207: {  	[sflag:s30] =	ssyncset.done $0x0  }
0x208: {  	[sflag:s30] =	ssyncadd.s32 $0xFFFFE000  }
0x209: {  	_ =	swait.ge [sflag:s14], $0x2000  }
0x20a: {  	[sflag:s14] =	ssyncset.done $0x0  }
0x20b: {  	[sflag:s14] =	ssyncadd.s32 $0xFFFFE000  }
0x20c: {  	[spmem:s3] =	stream.indirect.scatter.add.f32 [tilespmem:s9], [sflag:$0x6], $0x80, s24, s4, $0xb8;
	v63 =	vld [tilespmem:$0x0]  }
0x20d: {  	_ =	swait.ge [sflag:s30], $0x2000  }
0x20e: {  	[sflag:s30] =	ssyncset.done $0x0  }
0x20f: {  	[sflag:s30] =	ssyncadd.s32 $0xFFFFE000  }
0x210: {  	_ =	swait.ge [sflag:s15], $0x2000  }
0x211: {  	[sflag:s15] =	ssyncset.done $0x0  }
0x212: {  	[sflag:s15] =	ssyncadd.s32 $0xFFFFE000  }
0x213: {  	[spmem:s3] =	stream.indirect.scatter.add.f32 [tilespmem:s11], [sflag:$0x6], $0x80, s25, s4, $0xb8;
	v63 =	vld [tilespmem:$0x0]  }
0x214: {  	_ =	swait.ge [sflag:s30], $0x2000  }
0x215: {  	[sflag:s30] =	ssyncset.done $0x0  }
0x216: {  	[sflag:s30] =	ssyncadd.s32 $0xFFFFE000  }
0x217: {  	_ =	swait.ge [sflag:s31], $0x1000  }
0x218: {  	[sflag:s31] =	ssyncset.done $0x0  }
0x219: {  	[sflag:s31] =	ssyncadd.s32 $0xFFFFF000  }
0x21a: {  	_ =	swait.ge [sflag:s31], $0x1000  }
0x21b: {  	[sflag:s31] =	ssyncset.done $0x0  }
0x21c: {  	s19 =	simm.s32 $0x0;
	[sflag:s31] =	ssyncadd.s32 $0xFFFFF000  }
0x21d: {  	[tilespmem:s29], [sflag:$0x1] =	stream.indirect.gather [hbm4b:s2+s4], $0x80, s19, s4, $0xb8;
	v63 =	vld [tilespmem:$0x0]  }
0x21e: {  	_ = 	snop  }
0x21f: {  	[tilespmem:s6], [sflag:$0x2] =	stream.indirect.gather [hbm4b:s2+s4], $0x80, s5, s4, $0xb8;
	v63 =	vld [tilespmem:$0x0]  }
0x220: {  	_ = 	snop  }
0x221: {  	[tilespmem:s9], [sflag:$0x3] =	stream.indirect.gather [hbm4b:s2+s4], $0x80, s8, s4, $0xb8;
	v63 =	vld [tilespmem:$0x0]  }
0x222: {  	_ = 	snop  }
0x223: {  	[tilespmem:s11], [sflag:$0x4] =	stream.indirect.gather [hbm4b:s2+s4], $0x80, s10, s4, $0xb8;
	v63 =	vld [tilespmem:$0x0]  }
0x224: {  	_ =	swait.ge [sflag:s12], $0x2000  }
0x225: {  	[sflag:s12] =	ssyncset.done $0x0  }
0x226: {  	s21 =	simm.s32 $0x2000;
	[sflag:s12] =	ssyncadd.s32 $0xFFFFE000  }
0x227: {  	[spmem:s3] =	stream.indirect.scatter.add.f32 [tilespmem:s29], [sflag:$0x6], $0x80, s21, s4, $0xb8;
	v63 =	vld [tilespmem:$0x0]  }
0x228: {  	_ =	swait.ge [sflag:s30], $0x2000  }
0x229: {  	[sflag:s30] =	ssyncset.done $0x0  }
0x22a: {  	s20 =	simm.s32 $0x200;
	[sflag:s30] =	ssyncadd.s32 $0xFFFFE000  }
0x22b: {  	[tilespmem:s29], [sflag:$0x1] =	stream.indirect.gather [hbm4b:s2+s4], $0x80, s20, s4, $0xb8;
	v63 =	vld [tilespmem:$0x0]  }
0x22c: {  	_ =	swait.ge [sflag:s13], $0x2000  }
0x22d: {  	[sflag:s13] =	ssyncset.done $0x0  }
0x22e: {  	s21 =	simm.s32 $0x2080;
	[sflag:s13] =	ssyncadd.s32 $0xFFFFE000  }
0x22f: {  	[spmem:s3] =	stream.indirect.scatter.add.f32 [tilespmem:s6], [sflag:$0x6], $0x80, s21, s4, $0xb8;
	v63 =	vld [tilespmem:$0x0]  }
0x230: {  	_ =	swait.ge [sflag:s30], $0x2000  }
0x231: {  	[sflag:s30] =	ssyncset.done $0x0  }
0x232: {  	s20 =	simm.s32 $0x280;
	[sflag:s30] =	ssyncadd.s32 $0xFFFFE000  }
0x233: {  	[tilespmem:s6], [sflag:$0x2] =	stream.indirect.gather [hbm4b:s2+s4], $0x80, s20, s4, $0xb8;
	v63 =	vld [tilespmem:$0x0]  }
0x234: {  	_ =	swait.ge [sflag:s14], $0x2000  }
0x235: {  	[sflag:s14] =	ssyncset.done $0x0  }
0x236: {  	s21 =	simm.s32 $0x2100;
	[sflag:s14] =	ssyncadd.s32 $0xFFFFE000  }
0x237: {  	[spmem:s3] =	stream.indirect.scatter.add.f32 [tilespmem:s9], [sflag:$0x6], $0x80, s21, s4, $0xb8;
	v63 =	vld [tilespmem:$0x0]  }
0x238: {  	_ =	swait.ge [sflag:s30], $0x2000  }
0x239: {  	[sflag:s30] =	ssyncset.done $0x0  }
0x23a: {  	s20 =	simm.s32 $0x300;
	[sflag:s30] =	ssyncadd.s32 $0xFFFFE000  }
0x23b: {  	[tilespmem:s9], [sflag:$0x3] =	stream.indirect.gather [hbm4b:s2+s4], $0x80, s20, s4, $0xb8;
	v63 =	vld [tilespmem:$0x0]  }
0x23c: {  	_ =	swait.ge [sflag:s15], $0x2000  }
0x23d: {  	[sflag:s15] =	ssyncset.done $0x0  }
0x23e: {  	s21 =	simm.s32 $0x2180;
	[sflag:s15] =	ssyncadd.s32 $0xFFFFE000  }
0x23f: {  	[spmem:s3] =	stream.indirect.scatter.add.f32 [tilespmem:s11], [sflag:$0x6], $0x80, s21, s4, $0xb8;
	v63 =	vld [tilespmem:$0x0]  }
0x240: {  	_ =	swait.ge [sflag:s30], $0x2000  }
0x241: {  	[sflag:s30] =	ssyncset.done $0x0  }
0x242: {  	s19 =	simm.s32 $0x800;
	s20 =	simm.s32 $0x380;
	[sflag:s30] =	ssyncadd.s32 $0xFFFFE000  }
.LBB2_12:
0x243: {  	[tilespmem:s11], [sflag:$0x4] =	stream.indirect.gather [hbm4b:s2+s4], $0x80, s20, s4, $0xb8;
	v63 =	vld [tilespmem:$0x0]  }
0x244: {  	s20 =	smov.u32 s19  }
0x245: {  	p0 =	sne.s32 s19, $0x3000;
	s19 =	sadd.s32 $0x800, s19;
	_ =	swait.ge [sflag:s12], $0x2000  }
0x246: {  	s20 =	sshra.s32 s20, $0x2;
	[sflag:s12] =	ssyncset.done $0x0  }
0x247: {  	s21 =	sadd.s32 $0x2000, s20;
	[sflag:s12] =	ssyncadd.s32 $0xFFFFE000  }
0x248: {  	[spmem:s3] =	stream.indirect.scatter.add.f32 [tilespmem:s29], [sflag:$0x6], $0x80, s21, s4, $0xb8;
	v63 =	vld [tilespmem:$0x0]  }
0x249: {  	_ =	swait.ge [sflag:s30], $0x2000  }
0x24a: {  	[sflag:s30] =	ssyncset.done $0x0  }
0x24b: {  	s21 =	sadd.s32 $0x200, s20;
	[sflag:s30] =	ssyncadd.s32 $0xFFFFE000  }
0x24c: {  	[tilespmem:s29], [sflag:$0x1] =	stream.indirect.gather [hbm4b:s2+s4], $0x80, s21, s4, $0xb8;
	v63 =	vld [tilespmem:$0x0]  }
0x24d: {  	_ =	swait.ge [sflag:s13], $0x2000  }
0x24e: {  	[sflag:s13] =	ssyncset.done $0x0  }
0x24f: {  	s21 =	sadd.s32 $0x2080, s20;
	[sflag:s13] =	ssyncadd.s32 $0xFFFFE000  }
0x250: {  	[spmem:s3] =	stream.indirect.scatter.add.f32 [tilespmem:s6], [sflag:$0x6], $0x80, s21, s4, $0xb8;
	v63 =	vld [tilespmem:$0x0]  }
0x251: {  	_ =	swait.ge [sflag:s30], $0x2000  }
0x252: {  	[sflag:s30] =	ssyncset.done $0x0  }
0x253: {  	s21 =	sadd.s32 $0x280, s20;
	[sflag:s30] =	ssyncadd.s32 $0xFFFFE000  }
0x254: {  	[tilespmem:s6], [sflag:$0x2] =	stream.indirect.gather [hbm4b:s2+s4], $0x80, s21, s4, $0xb8;
	v63 =	vld [tilespmem:$0x0]  }
0x255: {  	_ =	swait.ge [sflag:s14], $0x2000  }
0x256: {  	[sflag:s14] =	ssyncset.done $0x0  }
0x257: {  	s21 =	sadd.s32 $0x2100, s20;
	[sflag:s14] =	ssyncadd.s32 $0xFFFFE000  }
0x258: {  	[spmem:s3] =	stream.indirect.scatter.add.f32 [tilespmem:s9], [sflag:$0x6], $0x80, s21, s4, $0xb8;
	v63 =	vld [tilespmem:$0x0]  }
0x259: {  	_ =	swait.ge [sflag:s30], $0x2000  }
0x25a: {  	[sflag:s30] =	ssyncset.done $0x0  }
0x25b: {  	s21 =	sadd.s32 $0x300, s20;
	[sflag:s30] =	ssyncadd.s32 $0xFFFFE000  }
0x25c: {  	[tilespmem:s9], [sflag:$0x3] =	stream.indirect.gather [hbm4b:s2+s4], $0x80, s21, s4, $0xb8;
	v63 =	vld [tilespmem:$0x0]  }
0x25d: {  	_ =	swait.ge [sflag:s15], $0x2000  }
0x25e: {  	[sflag:s15] =	ssyncset.done $0x0  }
.Ltmp5:
0x25f: {  	s21 =	sadd.s32 $0x2180, s20;
	[sflag:s15] =	ssyncadd.s32 $0xFFFFE000;
	(pc) =	sbr.rel @p0 .LBB2_12-.Ltmp5, $4  }
0x260: {  	[spmem:s3] =	stream.indirect.scatter.add.f32 [tilespmem:s11], [sflag:$0x6], $0x80, s21, s4, $0xb8;
	v63 =	vld [tilespmem:$0x0]  }
0x261: {  	_ =	swait.ge [sflag:s30], $0x2000  }
0x262: {  	[sflag:s30] =	ssyncset.done $0x0  }
0x263: {  	s20 =	sadd.s32 $0x380, s20;
	[sflag:s30] =	ssyncadd.s32 $0xFFFFE000  }
0x264: {  	[tilespmem:s11], [sflag:$0x4] =	stream.indirect.gather [hbm4b:s2+s4], $0x80, s20, s4, $0xb8;
	v63 =	vld [tilespmem:$0x0]  }
0x265: {  	_ =	swait.ge [sflag:s12], $0x2000  }
0x266: {  	[sflag:s12] =	ssyncset.done $0x0  }
0x267: {  	[sflag:s12] =	ssyncadd.s32 $0xFFFFE000  }
0x268: {  	[spmem:s3] =	stream.indirect.scatter.add.f32 [tilespmem:s29], [sflag:$0x6], $0x80, s16, s4, $0xb8;
	v63 =	vld [tilespmem:$0x0]  }
0x269: {  	_ =	swait.ge [sflag:s30], $0x2000  }
0x26a: {  	[sflag:s30] =	ssyncset.done $0x0  }
0x26b: {  	[sflag:s30] =	ssyncadd.s32 $0xFFFFE000  }
0x26c: {  	_ =	swait.ge [sflag:s13], $0x2000  }
0x26d: {  	[sflag:s13] =	ssyncset.done $0x0  }
0x26e: {  	[sflag:s13] =	ssyncadd.s32 $0xFFFFE000  }
0x26f: {  	[spmem:s3] =	stream.indirect.scatter.add.f32 [tilespmem:s6], [sflag:$0x6], $0x80, s17, s4, $0xb8;
	v63 =	vld [tilespmem:$0x0]  }
0x270: {  	_ =	swait.ge [sflag:s30], $0x2000  }
0x271: {  	[sflag:s30] =	ssyncset.done $0x0  }
0x272: {  	[sflag:s30] =	ssyncadd.s32 $0xFFFFE000  }
0x273: {  	_ =	swait.ge [sflag:s14], $0x2000  }
0x274: {  	[sflag:s14] =	ssyncset.done $0x0  }
0x275: {  	[sflag:s14] =	ssyncadd.s32 $0xFFFFE000  }
0x276: {  	[spmem:s3] =	stream.indirect.scatter.add.f32 [tilespmem:s9], [sflag:$0x6], $0x80, s0, s4, $0xb8;
	v63 =	vld [tilespmem:$0x0]  }
0x277: {  	_ =	swait.ge [sflag:s30], $0x2000  }
0x278: {  	[sflag:s30] =	ssyncset.done $0x0  }
0x279: {  	[sflag:s30] =	ssyncadd.s32 $0xFFFFE000  }
0x27a: {  	_ =	swait.ge [sflag:s15], $0x2000  }
0x27b: {  	[sflag:s15] =	ssyncset.done $0x0  }
0x27c: {  	[sflag:s15] =	ssyncadd.s32 $0xFFFFE000  }
0x27d: {  	[spmem:s3] =	stream.indirect.scatter.add.f32 [tilespmem:s11], [sflag:$0x6], $0x80, s18, s4, $0xb8;
	v63 =	vld [tilespmem:$0x0]  }
0x27e: {  	_ =	swait.ge [sflag:s30], $0x2000  }
0x27f: {  	[sflag:s30] =	ssyncset.done $0x0  }
0x280: {  	s19 =	stileid.u32;
	[sflag:s30] =	ssyncadd.s32 $0xFFFFE000  }
0x281: {  	s19 =	sshll.u32 s19, $0x6;
	[bflag:$0x0] =	sbarrier.arrive $0xFFFF  }
0x282: {  	s20 =	sshrl.u32 s7, $0x3;
	s19 =	sor.u32 $0x1C06, s19;
	s21 =	rddreg [dreg:$0x16]  }
0x283: {  	[hbm:s21], [sflag:s19] =	dma.local [spmem:s20], $0x2800  }
0x284: {  	_ =	swait.ge [sflag:s30], $0x2800  }
0x285: {  	s26 =	sadd.s32 $0x1, s26;
	s21 =	rddreg [dreg:$0x17]  }
0x286: {  	p0 =	sne.s32 s26, s21  }
.Ltmp6:
0x287: {  	_ = 	snop;
	(pc) =	sbr.rel @p0 .LBB2_1-.Ltmp6, $3  }
0x288: {  	_ =	sdelay $0x1  }
0x289: {  	[sflag:s30] =	ssyncset.done $0x0  }
0x28a: {  	[sflag:s30] =	ssyncadd.s32 $0xFFFFD800  }
0x28b: {  	_ =	sfence.sel $0x180000  }
0x28c: {  	[bflag:$0x0] =	sbarrier.arrive $0xFFFF  }
0x28d: {  	_ =	strace $0x90000047  }
0x28e: {  	s0 =	stileid.u32;
	[bflag:$0x2] =	sbarrier.arrive $0xFFFF  }
0x28f: {  	p0 =	sne.s32 s0, $0x0;
	s0 =	rddreg [dreg:$0x3]  }
0x290: {  	s0 =	sadd.s32 @!p0 $0x100000, s0  }
0x291: {  	[sflag:s0] =	ssyncadd.tile.s32 @!p0 $0x1;
	_ =	shalt  }
.Lfunc_end2:
_tile_overlayer_lowered:
.L_overlay_start_2:
0x292: {  	(tag) =	ssettag $0x2  }
0x293: {  	s0 =	rddreg [dreg:$0x0];
	s2 =	stileid.u32  }
0x294: {  	s1 =	rddreg [dreg:$0x1];
	p0 =	sne.s32 s2, $0x0  }
0x295: {  	s3 =	rddreg [dreg:$0x2];
	[bflag:$0x3] =	sbarrier.arrive $0xFFFF;
	s2 =	simm.s32 @!p0 $0x1C06  }
0x296: {  	[timem:s3], [sflag:s2] =	dma.local @!p0 [hbm:s0], s1  }
0x297: {  	s0 =	simm.s32 @!p0 $0x6  }
0x298: {  	_ =	swait.ge @!p0 [sflag:s0], s1  }
0x299: {  	s1 =	ssub.s32 @!p0 $0x0, s1;
	[sflag:s0] =	ssyncset.done @!p0 $0x0  }
0x29a: {  	[sflag:s0] =	ssyncadd.s32 @!p0 s1  }
0x29b: {  	[bflag:$0x3] =	sbarrier.arrive $0xFFFF  }
0x29c: {  	_ =	shalt  }

</sc_bundles>
